<compile_context>
chip_gen: v7x
topology: tpu7x:2x2x1
jax: 0.10.2.dev20260603
libtpu: 0.0.44.dev20260713+nightly
codegen_flags: <defaults>
</compile_context>

<pallas_src>
import functools

import jax
import jax.numpy as jnp
from jax import lax
from jax.experimental import pallas as pl
from jax.experimental.pallas import tpu as pltpu
from jax.experimental.pallas import tpu_sc as plsc

N, D, B = 32768, 1024, 16
NC, NS = 2, 16
NW = NC * NS
RB = 32
LANES = 16
N_SC = 12288
CHUNK = N_SC // NW
NBLK = CHUNK // RB
RTC = 2048


def _sc_partials(x, run_lo, run_n):
    mesh = plsc.VectorSubcoreMesh(core_axis_name="c", subcore_axis_name="s")

    @functools.partial(
        pl.kernel,
        out_type=jax.ShapeDtypeStruct((NW * B, D), jnp.float32),
        mesh=mesh,
        scratch_types=[
            pltpu.VMEM((2, RB, D), jnp.float32),
            pltpu.VMEM((B, D), jnp.float32),
            pltpu.VMEM((LANES,), jnp.int32),
            pltpu.VMEM((LANES,), jnp.int32),
            pltpu.SMEM((B,), jnp.int32),
            pltpu.SMEM((B,), jnp.int32),
            pltpu.SemaphoreType.DMA,
        ],
        compiler_params=pltpu.CompilerParams(needs_layout_passes=False),
    )
    def k(x_hbm, lo_hbm, n_hbm, out_hbm, buf, acc, lo_v, n_v, lo_s, n_s, sem):
        c = lax.axis_index("c")
        s = lax.axis_index("s")
        w = s * NC + c
        base = w * CHUNK

        pltpu.sync_copy(lo_hbm.at[pl.ds(w * B, B)], lo_v)
        pltpu.sync_copy(n_hbm.at[pl.ds(w * B, B)], n_v)

        lanes = lax.iota(jnp.int32, LANES)
        lo_all = lo_v[...]
        n_all = n_v[...]

        def extract(j, _):
            lo_s[j] = jnp.sum(jnp.where(lanes == j, lo_all, 0)) - base
            n_s[j] = jnp.sum(jnp.where(lanes == j, n_all, 0))
            return 0

        lax.fori_loop(0, B, extract, 0)

        zeros = jnp.zeros((LANES,), jnp.float32)

        def block_copy(blk, slot):
            return pltpu.make_async_copy(
                x_hbm.at[pl.ds(base + blk * RB, RB), :],
                buf.at[slot],
                sem,
            )

        UNROLL = 16

        def run_j(j, _):
            lo_j = lo_s[j]
            n_j = n_s[j]

            @pl.when(n_j > 0)
            def _():
                blo = lax.div(lo_j, RB)
                bhi = lax.div(lo_j + n_j - 1, RB)
                block_copy(blo, 0).start()

                def blk_body(blk, slot):
                    block_copy(blk, slot).wait()

                    @pl.when(blk < bhi)
                    def _():
                        block_copy(blk + 1, 1 - slot).start()

                    wlo = blk * RB
                    lo_w = jnp.maximum(lo_j, wlo)
                    hi_w = jnp.minimum(lo_j + n_j, wlo + RB)
                    n_w = hi_w - lo_w
                    r0 = lo_w - wlo
                    nu = n_w - lax.rem(n_w, UNROLL)

                    def make_cs_body(first):
                        def cs_body(cs, __):
                            c0 = cs * (2 * LANES)

                            def body_u(kk, carry):
                                a0, a1 = carry
                                r = r0 + kk * UNROLL
                                for t in range(UNROLL):
                                    a0 = a0 + buf[
                                        slot, r + t, pl.ds(c0, LANES)
                                    ]
                                    a1 = a1 + buf[
                                        slot, r + t, pl.ds(c0 + LANES, LANES)
                                    ]
                                return (a0, a1)

                            a0, a1 = lax.fori_loop(
                                0, nu // UNROLL, body_u, (zeros, zeros)
                            )

                            def body_rem(i, carry):
                                a0, a1 = carry
                                a0 = a0 + buf[slot, r0 + i, pl.ds(c0, LANES)]
                                a1 = a1 + buf[
                                    slot, r0 + i, pl.ds(c0 + LANES, LANES)
                                ]
                                return (a0, a1)

                            a0, a1 = lax.fori_loop(nu, n_w, body_rem, (a0, a1))
                            if first:
                                acc[j, pl.ds(c0, LANES)] = a0
                                acc[j, pl.ds(c0 + LANES, LANES)] = a1
                            else:
                                plsc.addupdate(acc.at[j, pl.ds(c0, LANES)], a0)
                                plsc.addupdate(
                                    acc.at[j, pl.ds(c0 + LANES, LANES)], a1
                                )
                            return 0

                        return cs_body

                    def make_cs_full(first):
                        def cs_full(cs, __):
                            c0 = cs * (2 * LANES)
                            a0 = buf[slot, 0, pl.ds(c0, LANES)]
                            a1 = buf[slot, 0, pl.ds(c0 + LANES, LANES)]
                            b0 = buf[slot, 1, pl.ds(c0, LANES)]
                            b1 = buf[slot, 1, pl.ds(c0 + LANES, LANES)]
                            for t in range(2, RB, 2):
                                a0 = a0 + buf[slot, t, pl.ds(c0, LANES)]
                                a1 = a1 + buf[slot, t, pl.ds(c0 + LANES, LANES)]
                                b0 = b0 + buf[slot, t + 1, pl.ds(c0, LANES)]
                                b1 = b1 + buf[
                                    slot, t + 1, pl.ds(c0 + LANES, LANES)
                                ]
                            a0 = a0 + b0
                            a1 = a1 + b1
                            if first:
                                acc[j, pl.ds(c0, LANES)] = a0
                                acc[j, pl.ds(c0 + LANES, LANES)] = a1
                            else:
                                plsc.addupdate(acc.at[j, pl.ds(c0, LANES)], a0)
                                plsc.addupdate(
                                    acc.at[j, pl.ds(c0 + LANES, LANES)], a1
                                )
                            return 0

                        return cs_full

                    ncs = D // (2 * LANES)
                    full = n_w == RB
                    first = blk == blo

                    @pl.when(full & first)
                    def _():
                        lax.fori_loop(0, ncs, make_cs_full(True), 0)

                    @pl.when(full & jnp.logical_not(first))
                    def _():
                        lax.fori_loop(0, ncs, make_cs_full(False), 0)

                    @pl.when(jnp.logical_not(full) & first)
                    def _():
                        lax.fori_loop(0, ncs, make_cs_body(True), 0)

                    @pl.when(jnp.logical_not(full) & jnp.logical_not(first))
                    def _():
                        lax.fori_loop(0, ncs, make_cs_body(False), 0)

                    return 1 - slot

                lax.fori_loop(blo, bhi + 1, blk_body, 0)

            return 0

        lax.fori_loop(0, B, run_j, 0)

        def zero_absent(j, _):
            @pl.when(n_s[j] == 0)
            def _():
                def zc(cs, __):
                    acc[j, pl.ds(cs * LANES, LANES)] = zeros
                    return 0

                lax.fori_loop(0, D // LANES, zc, 0)

            return 0

        lax.fori_loop(0, B, zero_absent, 0)

        pltpu.sync_copy(acc, out_hbm.at[pl.ds(w * B, B), :])

    return k(x, run_lo, run_n)


def _tc_partial(x, starts_col, ends_col):

    def body(s_ref, e_ref, x_ref, o_ref):
        i = pl.program_id(0)
        rows = N_SC + i * RTC + lax.broadcasted_iota(jnp.int32, (B, RTC), 1)
        m = ((s_ref[...] <= rows) & (rows < e_ref[...])).astype(jnp.float32)
        part = jnp.dot(m, x_ref[...], preferred_element_type=jnp.float32)

        @pl.when(i == 0)
        def _():
            o_ref[...] = jnp.zeros_like(o_ref)

        o_ref[...] += part

    return pl.pallas_call(
        body,
        grid=((N - N_SC) // RTC,),
        in_specs=[
            pl.BlockSpec((B, 1), lambda i: (0, 0)),
            pl.BlockSpec((B, 1), lambda i: (0, 0)),
            pl.BlockSpec((RTC, D), lambda i: (N_SC // RTC + i, 0)),
        ],
        out_specs=pl.BlockSpec((B, D), lambda i: (0, 0)),
        out_shape=jax.ShapeDtypeStruct((B, D), jnp.float32),
    )(starts_col, ends_col, x)


def _combine(partials, tc_part, inv_len):

    def body(p_ref, t_ref, inv_ref, o_ref):
        o_ref[...] = (
            jnp.sum(p_ref[...].reshape(NW, B, D), axis=0) + t_ref[...]
        ) * inv_ref[...]

    return pl.pallas_call(
        body,
        out_shape=jax.ShapeDtypeStruct((B, D), jnp.float32),
    )(partials, tc_part, inv_len)


def kernel(x, batch_lengths):
    ends = jnp.cumsum(batch_lengths, dtype=jnp.int32)
    starts = ends - batch_lengths

    wlo = jnp.arange(NW, dtype=jnp.int32)[:, None] * CHUNK
    whi = wlo + CHUNK
    lo = jnp.maximum(starts[None, :], wlo)
    hi = jnp.minimum(ends[None, :], whi)
    n = jnp.maximum(hi - lo, 0)

    partials = _sc_partials(x, lo.reshape(-1), n.reshape(-1))
    tc_part = _tc_partial(x, starts[:, None], ends[:, None])
    inv_len = (1.0 / batch_lengths.astype(jnp.float32))[:, None]
    return _combine(partials, tc_part, inv_len)

# --- scband reference (transcript-rebuilt; emitter-appended) ---
"""Pipeline reference for scband-global-average-block-5669356831478 (READ-ONLY COPY).

The authoritative reference and input builder live on the scoring server;
editing this copy changes nothing except your own understanding.
"""

import jax, jax.numpy as jnp
import numpy as np


def setup_inputs(seed: int = 0) -> dict:
    key = jax.random.key(seed)
    B, N, D = 16, 32768, 1024
    kx, _ = jax.random.split(key)
    x = jax.random.normal(kx, (N, D), dtype=jnp.float32)
    # batch_lengths must be positive and sum to exactly N so every token belongs
    # to a segment (matches the torch loop which consumes x contiguously).
    batch_lengths = jnp.full((B,), N // B, dtype=jnp.int32)
    return {"x": x, "batch_lengths": batch_lengths}


def reference(x, batch_lengths):
    # Faithful translation of global_average: contiguous ragged segments of x
    # (segment b has batch_lengths[b] rows), mean-pooled per segment.
    B = batch_lengths.shape[0]
    N = x.shape[0]
    seg_ids = jnp.repeat(jnp.arange(B, dtype=jnp.int32), batch_lengths, total_repeat_length=N)
    seg_sums = jax.ops.segment_sum(x, seg_ids, num_segments=B)
    means = seg_sums / batch_lengths[:, None].astype(x.dtype)
    return means

if __name__ == "__main__":
    import jax
    _d = setup_inputs()
    print(jax.jit(kernel)(*tuple(_d.values())))

</pallas_src>

<mosaic_0001>
#map = affine_map<(d0, d1) -> (0, 0)>
#map1 = affine_map<(d0, d1) -> (0)>
module attributes {stable_mosaic.version = 14 : i64} {
  func.func @k(%arg0: i32, %arg1: i32, %arg2: memref<32768x1024xf32, #tpu.memory_space<hbm>>, %arg3: memref<512xi32, #tpu.memory_space<hbm>>, %arg4: memref<512xi32, #tpu.memory_space<hbm>>, %arg5: memref<512x1024xf32, #tpu.memory_space<hbm>>, %arg6: memref<2x32x1024xf32, #tpu.memory_space<vmem>>, %arg7: memref<16x1024xf32, #tpu.memory_space<vmem>>, %arg8: memref<16xi32, #tpu.memory_space<vmem>>, %arg9: memref<16xi32, #tpu.memory_space<vmem>>, %arg10: memref<16xi32, #tpu.memory_space<smem>>, %arg11: memref<16xi32, #tpu.memory_space<smem>>, %arg12: memref<!tpu.dma_semaphore, #tpu.memory_space<semaphore_mem>>) attributes {dimension_semantics = [#tpu.dimension_semantics<core_parallel>, #tpu.dimension_semantics<subcore_parallel>], iteration_bounds = array<i64: 2, 16>, scalar_prefetch = 0 : i64, scratch_operands = 7 : i64, tpu.core_type = #tpu.core_type<sc_vector_subcore>, window_params = [{transform_indices = #map}, {transform_indices = #map1}, {transform_indices = #map1}, {transform_indices = #map}]} {
    %mul3A = arith.constant 2 : i32
    %mul3A_0 = arith.muli %arg1, %mul3A : i32
    %add3A = arith.addi %mul3A_0, %arg0 : i32
    %mul3A_1 = arith.constant 384 : i32
    %mul3A_2 = arith.muli %add3A, %mul3A_1 : i32
    %mul3A_3 = arith.constant 16 : i32
    %mul3A_4 = arith.muli %add3A, %mul3A_3 : i32
    "tpu.region"() ({
      %run_scoped3A = tpu.sem_alloc : memref<!tpu.dma_semaphore, #tpu.memory_space<semaphore_mem>>
      %dma_start3A = tpu.memref_slice %arg3[%mul3A_4] : memref<512xi32, #tpu.memory_space<hbm>> -> memref<16xi32, #tpu.memory_space<hbm>>
      %dma_start3A_33 = tpu.memref_slice %arg3[%mul3A_4] : memref<512xi32, #tpu.memory_space<hbm>> -> memref<16xi32, #tpu.memory_space<hbm>>
      tpu.enqueue_dma source(%dma_start3A_33 : memref<16xi32, #tpu.memory_space<hbm>>) target(%arg8 : memref<16xi32, #tpu.memory_space<vmem>>) target_semaphore(%run_scoped3A : memref<!tpu.dma_semaphore, #tpu.memory_space<semaphore_mem>>)
      %dma_wait3A = tpu.memref_slice %arg3[%mul3A_4] : memref<512xi32, #tpu.memory_space<hbm>> -> memref<16xi32, #tpu.memory_space<hbm>>
      %dma_wait3A_34 = tpu.memref_slice %arg3[%mul3A_4] : memref<512xi32, #tpu.memory_space<hbm>> -> memref<16xi32, #tpu.memory_space<hbm>>
      tpu.wait_dma2 semaphore(%run_scoped3A : memref<!tpu.dma_semaphore, #tpu.memory_space<semaphore_mem>>) src(%dma_wait3A_34 : memref<16xi32, #tpu.memory_space<hbm>>) dst(%arg8 : memref<16xi32, #tpu.memory_space<vmem>>)
      tpu.yield
    }) : () -> ()
    %mul3A_5 = arith.constant 16 : i32
    %mul3A_6 = arith.muli %add3A, %mul3A_5 : i32
    "tpu.region"() ({
      %run_scoped3A = tpu.sem_alloc : memref<!tpu.dma_semaphore, #tpu.memory_space<semaphore_mem>>
      %dma_start3A = tpu.memref_slice %arg4[%mul3A_6] : memref<512xi32, #tpu.memory_space<hbm>> -> memref<16xi32, #tpu.memory_space<hbm>>
      %dma_start3A_33 = tpu.memref_slice %arg4[%mul3A_6] : memref<512xi32, #tpu.memory_space<hbm>> -> memref<16xi32, #tpu.memory_space<hbm>>
      tpu.enqueue_dma source(%dma_start3A_33 : memref<16xi32, #tpu.memory_space<hbm>>) target(%arg9 : memref<16xi32, #tpu.memory_space<vmem>>) target_semaphore(%run_scoped3A : memref<!tpu.dma_semaphore, #tpu.memory_space<semaphore_mem>>)
      %dma_wait3A = tpu.memref_slice %arg4[%mul3A_6] : memref<512xi32, #tpu.memory_space<hbm>> -> memref<16xi32, #tpu.memory_space<hbm>>
      %dma_wait3A_34 = tpu.memref_slice %arg4[%mul3A_6] : memref<512xi32, #tpu.memory_space<hbm>> -> memref<16xi32, #tpu.memory_space<hbm>>
      tpu.wait_dma2 semaphore(%run_scoped3A : memref<!tpu.dma_semaphore, #tpu.memory_space<semaphore_mem>>) src(%dma_wait3A_34 : memref<16xi32, #tpu.memory_space<hbm>>) dst(%arg9 : memref<16xi32, #tpu.memory_space<vmem>>)
      tpu.yield
    }) : () -> ()
    %iota3A = tpu.iota {dimensions = array<i32: 0>} : vector<16xi32>
    %get3A = arith.constant 0 : index
    %get3A_7 = tpu.vector_load %arg8[%get3A] {strides = array<i32>} : memref<16xi32, #tpu.memory_space<vmem>>, vector<16xi32>,
    %get3A_8 = arith.constant 0 : index
    %get3A_9 = tpu.vector_load %arg9[%get3A_8] {strides = array<i32>} : memref<16xi32, #tpu.memory_space<vmem>>, vector<16xi32>,
    %scan3A = arith.constant 0 : i32
    %scan3A_10 = arith.constant 0 : i32
    %scan3A_11 = arith.constant 16 : i32
    %scan3A_12 = arith.addi %scan3A_10, %scan3A_11 : i32
    %scan3A_13 = arith.constant 1 : i32
    %scan3A_14 = scf.for %scan3A_33 = %scan3A_10 to %scan3A_12 step %scan3A_13 iter_args(%scan3A_34 = %scan3A) -> (i32)  : i32 {
      %eq3A = vector.broadcast %scan3A_33 : i32 to vector<16xi32>
      %eq3A_35 = arith.cmpi eq, %iota3A, %eq3A : vector<16xi32>
      %jit3A = arith.constant 0 : i32
      %broadcast_in_dim3A_36 = vector.broadcast %jit3A : i32 to vector<16xi32>
      %select_n3A = arith.select %eq3A_35, %get3A_7, %broadcast_in_dim3A_36 : vector<16xi1>, vector<16xi32>
      %reduce_sum3A = arith.constant true
      %reduce_sum3A_37 = vector.broadcast %reduce_sum3A : i1 to vector<16xi1>
      %reduce_sum3A_38 = tpu.scan <sum>, %select_n3A masked %reduce_sum3A_37 : vector<16xi32>, vector<16xi1> -> vector<16xi32>
      %reduce_sum3A_39 = vector.extract %reduce_sum3A_38[15] : i32 from vector<16xi32>
      %sub3A = arith.subi %reduce_sum3A_39, %mul3A_2 : i32
      %swap3A = arith.index_cast %scan3A_33 : i32 to index
      %swap3A_40 = memref.load %arg10[%swap3A] : memref<16xi32, #tpu.memory_space<smem>>
      memref.store %sub3A, %arg10[%swap3A] : memref<16xi32, #tpu.memory_space<smem>>
      %eq3A_41 = vector.broadcast %scan3A_33 : i32 to vector<16xi32>
      %eq3A_42 = arith.cmpi eq, %iota3A, %eq3A_41 : vector<16xi32>
      %jit3A_43 = arith.constant 0 : i32
      %broadcast_in_dim3A_44 = vector.broadcast %jit3A_43 : i32 to vector<16xi32>
      %select_n3A_45 = arith.select %eq3A_42, %get3A_9, %broadcast_in_dim3A_44 : vector<16xi1>, vector<16xi32>
      %reduce_sum3A_46 = arith.constant true
      %reduce_sum3A_47 = vector.broadcast %reduce_sum3A_46 : i1 to vector<16xi1>
      %reduce_sum3A_48 = tpu.scan <sum>, %select_n3A_45 masked %reduce_sum3A_47 : vector<16xi32>, vector<16xi1> -> vector<16xi32>
      %reduce_sum3A_49 = vector.extract %reduce_sum3A_48[15] : i32 from vector<16xi32>
      %swap3A_50 = arith.index_cast %scan3A_33 : i32 to index
      %swap3A_51 = memref.load %arg11[%swap3A_50] : memref<16xi32, #tpu.memory_space<smem>>
      memref.store %reduce_sum3A_49, %arg11[%swap3A_50] : memref<16xi32, #tpu.memory_space<smem>>
      %scan3A_52 = arith.constant 0 : i32
      scf.yield %scan3A_52 : i32
    }
    %scan3A_15 = arith.constant 16 : i32
    %broadcast_in_dim3A = arith.constant 0.000000e+00 : f32
    %broadcast_in_dim3A_16 = vector.broadcast %broadcast_in_dim3A : f32 to vector<16xf32>
    %scan3A_17 = arith.constant 0 : i32
    %scan3A_18 = arith.constant 0 : i32
    %scan3A_19 = arith.constant 16 : i32
    %scan3A_20 = arith.addi %scan3A_18, %scan3A_19 : i32
    %scan3A_21 = arith.constant 1 : i32
    %scan3A_22 = scf.for %scan3A_33 = %scan3A_18 to %scan3A_20 step %scan3A_21 iter_args(%scan3A_34 = %scan3A_17) -> (i32)  : i32 {
      %get3A_35 = arith.index_cast %scan3A_33 : i32 to index
      %get3A_36 = memref.load %arg10[%get3A_35] : memref<16xi32, #tpu.memory_space<smem>>
      %get3A_37 = arith.index_cast %scan3A_33 : i32 to index
      %get3A_38 = memref.load %arg11[%get3A_37] : memref<16xi32, #tpu.memory_space<smem>>
      %gt3A = arith.constant 0 : i32
      %gt3A_39 = arith.cmpi sgt, %get3A_38, %gt3A : i32
      %convert_element_type3A = arith.extui %gt3A_39 : i1 to i32
      %cond3A = arith.constant 0 : i32
      %cond3A_40 = arith.cmpi ne, %convert_element_type3A, %cond3A : i32
      scf.if %cond3A_40 {
        %div3A = arith.constant 32 : i32
        %div3A_42 = arith.divsi %get3A_36, %div3A : i32
        %add3A_43 = arith.addi %get3A_36, %get3A_38 : i32
        %sub3A = arith.constant 1 : i32
        %sub3A_44 = arith.subi %add3A_43, %sub3A : i32
        %div3A_45 = arith.constant 32 : i32
        %div3A_46 = arith.divsi %sub3A_44, %div3A_45 : i32
        %mul3A_47 = arith.constant 32 : i32
        %mul3A_48 = arith.muli %div3A_42, %mul3A_47 : i32
        %add3A_49 = arith.addi %mul3A_2, %mul3A_48 : i32
        %dma_start3A = arith.constant 0 : i32
        %dma_start3A_50 = arith.constant 0 : i32
        %dma_start3A_51 = arith.constant 0 : i32
        %dma_start3A_52 = tpu.memref_slice %arg6[%dma_start3A, %dma_start3A_50, %dma_start3A_51] : memref<2x32x1024xf32, #tpu.memory_space<vmem>> -> memref<1x32x1024xf32, #tpu.memory_space<vmem>>
        %dma_start3A_53 = tpu.memref_squeeze %dma_start3A_52 : memref<1x32x1024xf32, #tpu.memory_space<vmem>> -> memref<32x1024xf32, #tpu.memory_space<vmem>>
        %dma_start3A_54 = arith.constant 0 : i32
        %dma_start3A_55 = tpu.memref_slice %arg2[%add3A_49, %dma_start3A_54] : memref<32768x1024xf32, #tpu.memory_space<hbm>> -> memref<32x1024xf32, #tpu.memory_space<hbm>>
        %dma_start3A_56 = arith.constant 0 : i32
        %dma_start3A_57 = arith.constant 0 : i32
        %dma_start3A_58 = tpu.memref_slice %arg6[%dma_start3A, %dma_start3A_56, %dma_start3A_57] : memref<2x32x1024xf32, #tpu.memory_space<vmem>> -> memref<1x32x1024xf32, #tpu.memory_space<vmem>>
        %dma_start3A_59 = tpu.memref_squeeze %dma_start3A_58 : memref<1x32x1024xf32, #tpu.memory_space<vmem>> -> memref<32x1024xf32, #tpu.memory_space<vmem>>
        %dma_start3A_60 = arith.constant 0 : i32
        %dma_start3A_61 = tpu.memref_slice %arg2[%add3A_49, %dma_start3A_60] : memref<32768x1024xf32, #tpu.memory_space<hbm>> -> memref<32x1024xf32, #tpu.memory_space<hbm>>
        tpu.enqueue_dma source(%dma_start3A_61 : memref<32x1024xf32, #tpu.memory_space<hbm>>) target(%dma_start3A_59 : memref<32x1024xf32, #tpu.memory_space<vmem>>) target_semaphore(%arg12 : memref<!tpu.dma_semaphore, #tpu.memory_space<semaphore_mem>>)
        %add3A_62 = arith.constant 1 : i32
        %add3A_63 = arith.addi %div3A_46, %add3A_62 : i32
        %while3A = arith.constant 0 : i32
        %while3A_64 = arith.subi %add3A_63, %div3A_42 : i32
        %while3A_65 = arith.addi %div3A_42, %while3A_64 : i32
        %while3A_66 = arith.constant 1 : i32
        %while3A_67 = arith.divsi %while3A_64, %while3A_66 : i32
        %while3A_68 = arith.muli %while3A_67, %while3A_66 : i32
        %while3A_69 = arith.addi %div3A_42, %while3A_68 : i32
        %while3A_70 = arith.constant 1 : i32
        %while3A_71 = scf.for %while3A_74 = %div3A_42 to %while3A_69 step %while3A_70 iter_args(%while3A_75 = %while3A) -> (i32)  : i32 {
          %mul3A_76 = arith.constant 32 : i32
          %mul3A_77 = arith.muli %while3A_74, %mul3A_76 : i32
          %add3A_78 = arith.addi %mul3A_2, %mul3A_77 : i32
          %dma_wait3A = arith.constant 0 : i32
          %dma_wait3A_79 = arith.constant 0 : i32
          %dma_wait3A_80 = tpu.memref_slice %arg6[%while3A_75, %dma_wait3A, %dma_wait3A_79] : memref<2x32x1024xf32, #tpu.memory_space<vmem>> -> memref<1x32x1024xf32, #tpu.memory_space<vmem>>
          %dma_wait3A_81 = tpu.memref_squeeze %dma_wait3A_80 : memref<1x32x1024xf32, #tpu.memory_space<vmem>> -> memref<32x1024xf32, #tpu.memory_space<vmem>>
          %dma_wait3A_82 = arith.constant 0 : i32
          %dma_wait3A_83 = tpu.memref_slice %arg2[%add3A_78, %dma_wait3A_82] : memref<32768x1024xf32, #tpu.memory_space<hbm>> -> memref<32x1024xf32, #tpu.memory_space<hbm>>
          %dma_wait3A_84 = arith.constant 0 : i32
          %dma_wait3A_85 = arith.constant 0 : i32
          %dma_wait3A_86 = tpu.memref_slice %arg6[%while3A_75, %dma_wait3A_84, %dma_wait3A_85] : memref<2x32x1024xf32, #tpu.memory_space<vmem>> -> memref<1x32x1024xf32, #tpu.memory_space<vmem>>
          %dma_wait3A_87 = tpu.memref_squeeze %dma_wait3A_86 : memref<1x32x1024xf32, #tpu.memory_space<vmem>> -> memref<32x1024xf32, #tpu.memory_space<vmem>>
          %dma_wait3A_88 = arith.constant 0 : i32
          %dma_wait3A_89 = tpu.memref_slice %arg2[%add3A_78, %dma_wait3A_88] : memref<32768x1024xf32, #tpu.memory_space<hbm>> -> memref<32x1024xf32, #tpu.memory_space<hbm>>
          tpu.wait_dma2 semaphore(%arg12 : memref<!tpu.dma_semaphore, #tpu.memory_space<semaphore_mem>>) src(%dma_wait3A_89 : memref<32x1024xf32, #tpu.memory_space<hbm>>) dst(%dma_wait3A_87 : memref<32x1024xf32, #tpu.memory_space<vmem>>)
          %lt3A = arith.cmpi slt, %while3A_74, %div3A_46 : i32
          %convert_element_type3A_90 = arith.extui %lt3A : i1 to i32
          %cond3A_91 = arith.constant 0 : i32
          %cond3A_92 = arith.cmpi ne, %convert_element_type3A_90, %cond3A_91 : i32
          scf.if %cond3A_92 {
            %add3A_128 = arith.constant 1 : i32
            %add3A_129 = arith.addi %while3A_74, %add3A_128 : i32
            %sub3A_130 = arith.constant 1 : i32
            %sub3A_131 = arith.subi %sub3A_130, %while3A_75 : i32
            %mul3A_132 = arith.constant 32 : i32
            %mul3A_133 = arith.muli %add3A_129, %mul3A_132 : i32
            %add3A_134 = arith.addi %mul3A_2, %mul3A_133 : i32
            %dma_start3A_135 = arith.constant 0 : i32
            %dma_start3A_136 = arith.constant 0 : i32
            %dma_start3A_137 = tpu.memref_slice %arg6[%sub3A_131, %dma_start3A_135, %dma_start3A_136] : memref<2x32x1024xf32, #tpu.memory_space<vmem>> -> memref<1x32x1024xf32, #tpu.memory_space<vmem>>
            %dma_start3A_138 = tpu.memref_squeeze %dma_start3A_137 : memref<1x32x1024xf32, #tpu.memory_space<vmem>> -> memref<32x1024xf32, #tpu.memory_space<vmem>>
            %dma_start3A_139 = arith.constant 0 : i32
            %dma_start3A_140 = tpu.memref_slice %arg2[%add3A_134, %dma_start3A_139] : memref<32768x1024xf32, #tpu.memory_space<hbm>> -> memref<32x1024xf32, #tpu.memory_space<hbm>>
            %dma_start3A_141 = arith.constant 0 : i32
            %dma_start3A_142 = arith.constant 0 : i32
            %dma_start3A_143 = tpu.memref_slice %arg6[%sub3A_131, %dma_start3A_141, %dma_start3A_142] : memref<2x32x1024xf32, #tpu.memory_space<vmem>> -> memref<1x32x1024xf32, #tpu.memory_space<vmem>>
            %dma_start3A_144 = tpu.memref_squeeze %dma_start3A_143 : memref<1x32x1024xf32, #tpu.memory_space<vmem>> -> memref<32x1024xf32, #tpu.memory_space<vmem>>
            %dma_start3A_145 = arith.constant 0 : i32
            %dma_start3A_146 = tpu.memref_slice %arg2[%add3A_134, %dma_start3A_145] : memref<32768x1024xf32, #tpu.memory_space<hbm>> -> memref<32x1024xf32, #tpu.memory_space<hbm>>
            tpu.enqueue_dma source(%dma_start3A_146 : memref<32x1024xf32, #tpu.memory_space<hbm>>) target(%dma_start3A_144 : memref<32x1024xf32, #tpu.memory_space<vmem>>) target_semaphore(%arg12 : memref<!tpu.dma_semaphore, #tpu.memory_space<semaphore_mem>>)
          } else {
          }
          %mul3A_93 = arith.constant 32 : i32
          %mul3A_94 = arith.muli %while3A_74, %mul3A_93 : i32
          %max3A = arith.maxsi %get3A_36, %mul3A_94 : i32
          %add3A_95 = arith.addi %get3A_36, %get3A_38 : i32
          %add3A_96 = arith.constant 32 : i32
          %add3A_97 = arith.addi %mul3A_94, %add3A_96 : i32
          %min3A = arith.minsi %add3A_95, %add3A_97 : i32
          %sub3A_98 = arith.subi %min3A, %max3A : i32
          %sub3A_99 = arith.subi %max3A, %mul3A_94 : i32
          %rem3A = arith.constant 16 : i32
          %rem3A_100 = arith.remsi %sub3A_98, %rem3A : i32
          %sub3A_101 = arith.subi %sub3A_98, %rem3A_100 : i32
          %eq3A = arith.constant 32 : i32
          %eq3A_102 = arith.cmpi eq, %sub3A_98, %eq3A : i32
          %eq3A_103 = arith.cmpi eq, %while3A_74, %div3A_42 : i32
          %and3A = arith.andi %eq3A_102, %eq3A_103 : i1
          %convert_element_type3A_104 = arith.extui %and3A : i1 to i32
          %cond3A_105 = arith.constant 0 : i32
          %cond3A_106 = arith.cmpi ne, %convert_element_type3A_104, %cond3A_105 : i32
          scf.if %cond3A_106 {
            %scan3A_128 = arith.constant 0 : i32
            %scan3A_129 = arith.constant 0 : i32
            %scan3A_130 = arith.constant 32 : i32
            %scan3A_131 = arith.addi %scan3A_129, %scan3A_130 : i32
            %scan3A_132 = arith.constant 1 : i32
            %scan3A_133 = scf.for %scan3A_135 = %scan3A_129 to %scan3A_131 step %scan3A_132 iter_args(%scan3A_136 = %scan3A_128) -> (i32)  : i32 {
              %mul3A_137 = arith.constant 32 : i32
              %mul3A_138 = arith.muli %scan3A_135, %mul3A_137 : i32
              %get3A_139 = arith.constant 0 : i32
              %get3A_140 = arith.index_cast %while3A_75 : i32 to index
              %get3A_141 = arith.index_cast %get3A_139 : i32 to index
              %get3A_142 = arith.index_cast %mul3A_138 : i32 to index
              %get3A_143 = tpu.vector_load %arg6[%get3A_140, %get3A_141, %get3A_142] {strides = array<i32>} : memref<2x32x1024xf32, #tpu.memory_space<vmem>>, vector<16xf32>,
              %add3A_144 = arith.constant 16 : i32
              %add3A_145 = arith.addi %mul3A_138, %add3A_144 : i32
              %get3A_146 = arith.constant 0 : i32
              %get3A_147 = arith.index_cast %while3A_75 : i32 to index
              %get3A_148 = arith.index_cast %get3A_146 : i32 to index
              %get3A_149 = arith.index_cast %add3A_145 : i32 to index
              %get3A_150 = tpu.vector_load %arg6[%get3A_147, %get3A_148, %get3A_149] {strides = array<i32>} : memref<2x32x1024xf32, #tpu.memory_space<vmem>>, vector<16xf32>,
              %get3A_151 = arith.constant 1 : i32
              %get3A_152 = arith.index_cast %while3A_75 : i32 to index
              %get3A_153 = arith.index_cast %get3A_151 : i32 to index
              %get3A_154 = arith.index_cast %mul3A_138 : i32 to index
              %get3A_155 = tpu.vector_load %arg6[%get3A_152, %get3A_153, %get3A_154] {strides = array<i32>} : memref<2x32x1024xf32, #tpu.memory_space<vmem>>, vector<16xf32>,
              %add3A_156 = arith.constant 16 : i32
              %add3A_157 = arith.addi %mul3A_138, %add3A_156 : i32
              %get3A_158 = arith.constant 1 : i32
              %get3A_159 = arith.index_cast %while3A_75 : i32 to index
              %get3A_160 = arith.index_cast %get3A_158 : i32 to index
              %get3A_161 = arith.index_cast %add3A_157 : i32 to index
              %get3A_162 = tpu.vector_load %arg6[%get3A_159, %get3A_160, %get3A_161] {strides = array<i32>} : memref<2x32x1024xf32, #tpu.memory_space<vmem>>, vector<16xf32>,
              %get3A_163 = arith.constant 2 : i32
              %get3A_164 = arith.index_cast %while3A_75 : i32 to index
              %get3A_165 = arith.index_cast %get3A_163 : i32 to index
              %get3A_166 = arith.index_cast %mul3A_138 : i32 to index
              %get3A_167 = tpu.vector_load %arg6[%get3A_164, %get3A_165, %get3A_166] {strides = array<i32>} : memref<2x32x1024xf32, #tpu.memory_space<vmem>>, vector<16xf32>,
              %add3A_168 = arith.addf %get3A_143, %get3A_167 : vector<16xf32>
              %add3A_169 = arith.constant 16 : i32
              %add3A_170 = arith.addi %mul3A_138, %add3A_169 : i32
              %get3A_171 = arith.constant 2 : i32
              %get3A_172 = arith.index_cast %while3A_75 : i32 to index
              %get3A_173 = arith.index_cast %get3A_171 : i32 to index
              %get3A_174 = arith.index_cast %add3A_170 : i32 to index
              %get3A_175 = tpu.vector_load %arg6[%get3A_172, %get3A_173, %get3A_174] {strides = array<i32>} : memref<2x32x1024xf32, #tpu.memory_space<vmem>>, vector<16xf32>,
              %add3A_176 = arith.addf %get3A_150, %get3A_175 : vector<16xf32>
              %get3A_177 = arith.constant 3 : i32
              %get3A_178 = arith.index_cast %while3A_75 : i32 to index
              %get3A_179 = arith.index_cast %get3A_177 : i32 to index
              %get3A_180 = arith.index_cast %mul3A_138 : i32 to index
              %get3A_181 = tpu.vector_load %arg6[%get3A_178, %get3A_179, %get3A_180] {strides = array<i32>} : memref<2x32x1024xf32, #tpu.memory_space<vmem>>, vector<16xf32>,
              %add3A_182 = arith.addf %get3A_155, %get3A_181 : vector<16xf32>
              %add3A_183 = arith.constant 16 : i32
              %add3A_184 = arith.addi %mul3A_138, %add3A_183 : i32
              %get3A_185 = arith.constant 3 : i32
              %get3A_186 = arith.index_cast %while3A_75 : i32 to index
              %get3A_187 = arith.index_cast %get3A_185 : i32 to index
              %get3A_188 = arith.index_cast %add3A_184 : i32 to index
              %get3A_189 = tpu.vector_load %arg6[%get3A_186, %get3A_187, %get3A_188] {strides = array<i32>} : memref<2x32x1024xf32, #tpu.memory_space<vmem>>, vector<16xf32>,
              %add3A_190 = arith.addf %get3A_162, %get3A_189 : vector<16xf32>
              %get3A_191 = arith.constant 4 : i32
              %get3A_192 = arith.index_cast %while3A_75 : i32 to index
              %get3A_193 = arith.index_cast %get3A_191 : i32 to index
              %get3A_194 = arith.index_cast %mul3A_138 : i32 to index
              %get3A_195 = tpu.vector_load %arg6[%get3A_192, %get3A_193, %get3A_194] {strides = array<i32>} : memref<2x32x1024xf32, #tpu.memory_space<vmem>>, vector<16xf32>,
              %add3A_196 = arith.addf %add3A_168, %get3A_195 : vector<16xf32>
              %add3A_197 = arith.constant 16 : i32
              %add3A_198 = arith.addi %mul3A_138, %add3A_197 : i32
              %get3A_199 = arith.constant 4 : i32
              %get3A_200 = arith.index_cast %while3A_75 : i32 to index
              %get3A_201 = arith.index_cast %get3A_199 : i32 to index
              %get3A_202 = arith.index_cast %add3A_198 : i32 to index
              %get3A_203 = tpu.vector_load %arg6[%get3A_200, %get3A_201, %get3A_202] {strides = array<i32>} : memref<2x32x1024xf32, #tpu.memory_space<vmem>>, vector<16xf32>,
              %add3A_204 = arith.addf %add3A_176, %get3A_203 : vector<16xf32>
              %get3A_205 = arith.constant 5 : i32
              %get3A_206 = arith.index_cast %while3A_75 : i32 to index
              %get3A_207 = arith.index_cast %get3A_205 : i32 to index
              %get3A_208 = arith.index_cast %mul3A_138 : i32 to index
              %get3A_209 = tpu.vector_load %arg6[%get3A_206, %get3A_207, %get3A_208] {strides = array<i32>} : memref<2x32x1024xf32, #tpu.memory_space<vmem>>, vector<16xf32>,
              %add3A_210 = arith.addf %add3A_182, %get3A_209 : vector<16xf32>
              %add3A_211 = arith.constant 16 : i32
              %add3A_212 = arith.addi %mul3A_138, %add3A_211 : i32
              %get3A_213 = arith.constant 5 : i32
              %get3A_214 = arith.index_cast %while3A_75 : i32 to index
              %get3A_215 = arith.index_cast %get3A_213 : i32 to index
              %get3A_216 = arith.index_cast %add3A_212 : i32 to index
              %get3A_217 = tpu.vector_load %arg6[%get3A_214, %get3A_215, %get3A_216] {strides = array<i32>} : memref<2x32x1024xf32, #tpu.memory_space<vmem>>, vector<16xf32>,
              %add3A_218 = arith.addf %add3A_190, %get3A_217 : vector<16xf32>
              %get3A_219 = arith.constant 6 : i32
              %get3A_220 = arith.index_cast %while3A_75 : i32 to index
              %get3A_221 = arith.index_cast %get3A_219 : i32 to index
              %get3A_222 = arith.index_cast %mul3A_138 : i32 to index
              %get3A_223 = tpu.vector_load %arg6[%get3A_220, %get3A_221, %get3A_222] {strides = array<i32>} : memref<2x32x1024xf32, #tpu.memory_space<vmem>>, vector<16xf32>,
              %add3A_224 = arith.addf %add3A_196, %get3A_223 : vector<16xf32>
              %add3A_225 = arith.constant 16 : i32
              %add3A_226 = arith.addi %mul3A_138, %add3A_225 : i32
              %get3A_227 = arith.constant 6 : i32
              %get3A_228 = arith.index_cast %while3A_75 : i32 to index
              %get3A_229 = arith.index_cast %get3A_227 : i32 to index
              %get3A_230 = arith.index_cast %add3A_226 : i32 to index
              %get3A_231 = tpu.vector_load %arg6[%get3A_228, %get3A_229, %get3A_230] {strides = array<i32>} : memref<2x32x1024xf32, #tpu.memory_space<vmem>>, vector<16xf32>,
              %add3A_232 = arith.addf %add3A_204, %get3A_231 : vector<16xf32>
              %get3A_233 = arith.constant 7 : i32
              %get3A_234 = arith.index_cast %while3A_75 : i32 to index
              %get3A_235 = arith.index_cast %get3A_233 : i32 to index
              %get3A_236 = arith.index_cast %mul3A_138 : i32 to index
              %get3A_237 = tpu.vector_load %arg6[%get3A_234, %get3A_235, %get3A_236] {strides = array<i32>} : memref<2x32x1024xf32, #tpu.memory_space<vmem>>, vector<16xf32>,
              %add3A_238 = arith.addf %add3A_210, %get3A_237 : vector<16xf32>
              %add3A_239 = arith.constant 16 : i32
              %add3A_240 = arith.addi %mul3A_138, %add3A_239 : i32
              %get3A_241 = arith.constant 7 : i32
              %get3A_242 = arith.index_cast %while3A_75 : i32 to index
              %get3A_243 = arith.index_cast %get3A_241 : i32 to index
              %get3A_244 = arith.index_cast %add3A_240 : i32 to index
              %get3A_245 = tpu.vector_load %arg6[%get3A_242, %get3A_243, %get3A_244] {strides = array<i32>} : memref<2x32x1024xf32, #tpu.memory_space<vmem>>, vector<16xf32>,
              %add3A_246 = arith.addf %add3A_218, %get3A_245 : vector<16xf32>
              %get3A_247 = arith.constant 8 : i32
              %get3A_248 = arith.index_cast %while3A_75 : i32 to index
              %get3A_249 = arith.index_cast %get3A_247 : i32 to index
              %get3A_250 = arith.index_cast %mul3A_138 : i32 to index
              %get3A_251 = tpu.vector_load %arg6[%get3A_248, %get3A_249, %get3A_250] {strides = array<i32>} : memref<2x32x1024xf32, #tpu.memory_space<vmem>>, vector<16xf32>,
              %add3A_252 = arith.addf %add3A_224, %get3A_251 : vector<16xf32>
              %add3A_253 = arith.constant 16 : i32
              %add3A_254 = arith.addi %mul3A_138, %add3A_253 : i32
              %get3A_255 = arith.constant 8 : i32
              %get3A_256 = arith.index_cast %while3A_75 : i32 to index
              %get3A_257 = arith.index_cast %get3A_255 : i32 to index
              %get3A_258 = arith.index_cast %add3A_254 : i32 to index
              %get3A_259 = tpu.vector_load %arg6[%get3A_256, %get3A_257, %get3A_258] {strides = array<i32>} : memref<2x32x1024xf32, #tpu.memory_space<vmem>>, vector<16xf32>,
              %add3A_260 = arith.addf %add3A_232, %get3A_259 : vector<16xf32>
              %get3A_261 = arith.constant 9 : i32
              %get3A_262 = arith.index_cast %while3A_75 : i32 to index
              %get3A_263 = arith.index_cast %get3A_261 : i32 to index
              %get3A_264 = arith.index_cast %mul3A_138 : i32 to index
              %get3A_265 = tpu.vector_load %arg6[%get3A_262, %get3A_263, %get3A_264] {strides = array<i32>} : memref<2x32x1024xf32, #tpu.memory_space<vmem>>, vector<16xf32>,
              %add3A_266 = arith.addf %add3A_238, %get3A_265 : vector<16xf32>
              %add3A_267 = arith.constant 16 : i32
              %add3A_268 = arith.addi %mul3A_138, %add3A_267 : i32
              %get3A_269 = arith.constant 9 : i32
              %get3A_270 = arith.index_cast %while3A_75 : i32 to index
              %get3A_271 = arith.index_cast %get3A_269 : i32 to index
              %get3A_272 = arith.index_cast %add3A_268 : i32 to index
              %get3A_273 = tpu.vector_load %arg6[%get3A_270, %get3A_271, %get3A_272] {strides = array<i32>} : memref<2x32x1024xf32, #tpu.memory_space<vmem>>, vector<16xf32>,
              %add3A_274 = arith.addf %add3A_246, %get3A_273 : vector<16xf32>
              %get3A_275 = arith.constant 10 : i32
              %get3A_276 = arith.index_cast %while3A_75 : i32 to index
              %get3A_277 = arith.index_cast %get3A_275 : i32 to index
              %get3A_278 = arith.index_cast %mul3A_138 : i32 to index
              %get3A_279 = tpu.vector_load %arg6[%get3A_276, %get3A_277, %get3A_278] {strides = array<i32>} : memref<2x32x1024xf32, #tpu.memory_space<vmem>>, vector<16xf32>,
              %add3A_280 = arith.addf %add3A_252, %get3A_279 : vector<16xf32>
              %add3A_281 = arith.constant 16 : i32
              %add3A_282 = arith.addi %mul3A_138, %add3A_281 : i32
              %get3A_283 = arith.constant 10 : i32
              %get3A_284 = arith.index_cast %while3A_75 : i32 to index
              %get3A_285 = arith.index_cast %get3A_283 : i32 to index
              %get3A_286 = arith.index_cast %add3A_282 : i32 to index
              %get3A_287 = tpu.vector_load %arg6[%get3A_284, %get3A_285, %get3A_286] {strides = array<i32>} : memref<2x32x1024xf32, #tpu.memory_space<vmem>>, vector<16xf32>,
              %add3A_288 = arith.addf %add3A_260, %get3A_287 : vector<16xf32>
              %get3A_289 = arith.constant 11 : i32
              %get3A_290 = arith.index_cast %while3A_75 : i32 to index
              %get3A_291 = arith.index_cast %get3A_289 : i32 to index
              %get3A_292 = arith.index_cast %mul3A_138 : i32 to index
              %get3A_293 = tpu.vector_load %arg6[%get3A_290, %get3A_291, %get3A_292] {strides = array<i32>} : memref<2x32x1024xf32, #tpu.memory_space<vmem>>, vector<16xf32>,
              %add3A_294 = arith.addf %add3A_266, %get3A_293 : vector<16xf32>
              %add3A_295 = arith.constant 16 : i32
              %add3A_296 = arith.addi %mul3A_138, %add3A_295 : i32
              %get3A_297 = arith.constant 11 : i32
              %get3A_298 = arith.index_cast %while3A_75 : i32 to index
              %get3A_299 = arith.index_cast %get3A_297 : i32 to index
              %get3A_300 = arith.index_cast %add3A_296 : i32 to index
              %get3A_301 = tpu.vector_load %arg6[%get3A_298, %get3A_299, %get3A_300] {strides = array<i32>} : memref<2x32x1024xf32, #tpu.memory_space<vmem>>, vector<16xf32>,
              %add3A_302 = arith.addf %add3A_274, %get3A_301 : vector<16xf32>
              %get3A_303 = arith.constant 12 : i32
              %get3A_304 = arith.index_cast %while3A_75 : i32 to index
              %get3A_305 = arith.index_cast %get3A_303 : i32 to index
              %get3A_306 = arith.index_cast %mul3A_138 : i32 to index
              %get3A_307 = tpu.vector_load %arg6[%get3A_304, %get3A_305, %get3A_306] {strides = array<i32>} : memref<2x32x1024xf32, #tpu.memory_space<vmem>>, vector<16xf32>,
              %add3A_308 = arith.addf %add3A_280, %get3A_307 : vector<16xf32>
              %add3A_309 = arith.constant 16 : i32
              %add3A_310 = arith.addi %mul3A_138, %add3A_309 : i32
              %get3A_311 = arith.constant 12 : i32
              %get3A_312 = arith.index_cast %while3A_75 : i32 to index
              %get3A_313 = arith.index_cast %get3A_311 : i32 to index
              %get3A_314 = arith.index_cast %add3A_310 : i32 to index
              %get3A_315 = tpu.vector_load %arg6[%get3A_312, %get3A_313, %get3A_314] {strides = array<i32>} : memref<2x32x1024xf32, #tpu.memory_space<vmem>>, vector<16xf32>,
              %add3A_316 = arith.addf %add3A_288, %get3A_315 : vector<16xf32>
              %get3A_317 = arith.constant 13 : i32
              %get3A_318 = arith.index_cast %while3A_75 : i32 to index
              %get3A_319 = arith.index_cast %get3A_317 : i32 to index
              %get3A_320 = arith.index_cast %mul3A_138 : i32 to index
              %get3A_321 = tpu.vector_load %arg6[%get3A_318, %get3A_319, %get3A_320] {strides = array<i32>} : memref<2x32x1024xf32, #tpu.memory_space<vmem>>, vector<16xf32>,
              %add3A_322 = arith.addf %add3A_294, %get3A_321 : vector<16xf32>
              %add3A_323 = arith.constant 16 : i32
              %add3A_324 = arith.addi %mul3A_138, %add3A_323 : i32
              %get3A_325 = arith.constant 13 : i32
              %get3A_326 = arith.index_cast %while3A_75 : i32 to index
              %get3A_327 = arith.index_cast %get3A_325 : i32 to index
              %get3A_328 = arith.index_cast %add3A_324 : i32 to index
              %get3A_329 = tpu.vector_load %arg6[%get3A_326, %get3A_327, %get3A_328] {strides = array<i32>} : memref<2x32x1024xf32, #tpu.memory_space<vmem>>, vector<16xf32>,
              %add3A_330 = arith.addf %add3A_302, %get3A_329 : vector<16xf32>
              %get3A_331 = arith.constant 14 : i32
              %get3A_332 = arith.index_cast %while3A_75 : i32 to index
              %get3A_333 = arith.index_cast %get3A_331 : i32 to index
              %get3A_334 = arith.index_cast %mul3A_138 : i32 to index
              %get3A_335 = tpu.vector_load %arg6[%get3A_332, %get3A_333, %get3A_334] {strides = array<i32>} : memref<2x32x1024xf32, #tpu.memory_space<vmem>>, vector<16xf32>,
              %add3A_336 = arith.addf %add3A_308, %get3A_335 : vector<16xf32>
              %add3A_337 = arith.constant 16 : i32
              %add3A_338 = arith.addi %mul3A_138, %add3A_337 : i32
              %get3A_339 = arith.constant 14 : i32
              %get3A_340 = arith.index_cast %while3A_75 : i32 to index
              %get3A_341 = arith.index_cast %get3A_339 : i32 to index
              %get3A_342 = arith.index_cast %add3A_338 : i32 to index
              %get3A_343 = tpu.vector_load %arg6[%get3A_340, %get3A_341, %get3A_342] {strides = array<i32>} : memref<2x32x1024xf32, #tpu.memory_space<vmem>>, vector<16xf32>,
              %add3A_344 = arith.addf %add3A_316, %get3A_343 : vector<16xf32>
              %get3A_345 = arith.constant 15 : i32
              %get3A_346 = arith.index_cast %while3A_75 : i32 to index
              %get3A_347 = arith.index_cast %get3A_345 : i32 to index
              %get3A_348 = arith.index_cast %mul3A_138 : i32 to index
              %get3A_349 = tpu.vector_load %arg6[%get3A_346, %get3A_347, %get3A_348] {strides = array<i32>} : memref<2x32x1024xf32, #tpu.memory_space<vmem>>, vector<16xf32>,
              %add3A_350 = arith.addf %add3A_322, %get3A_349 : vector<16xf32>
              %add3A_351 = arith.constant 16 : i32
              %add3A_352 = arith.addi %mul3A_138, %add3A_351 : i32
              %get3A_353 = arith.constant 15 : i32
              %get3A_354 = arith.index_cast %while3A_75 : i32 to index
              %get3A_355 = arith.index_cast %get3A_353 : i32 to index
              %get3A_356 = arith.index_cast %add3A_352 : i32 to index
              %get3A_357 = tpu.vector_load %arg6[%get3A_354, %get3A_355, %get3A_356] {strides = array<i32>} : memref<2x32x1024xf32, #tpu.memory_space<vmem>>, vector<16xf32>,
              %add3A_358 = arith.addf %add3A_330, %get3A_357 : vector<16xf32>
              %get3A_359 = arith.constant 16 : i32
              %get3A_360 = arith.index_cast %while3A_75 : i32 to index
              %get3A_361 = arith.index_cast %get3A_359 : i32 to index
              %get3A_362 = arith.index_cast %mul3A_138 : i32 to index
              %get3A_363 = tpu.vector_load %arg6[%get3A_360, %get3A_361, %get3A_362] {strides = array<i32>} : memref<2x32x1024xf32, #tpu.memory_space<vmem>>, vector<16xf32>,
              %add3A_364 = arith.addf %add3A_336, %get3A_363 : vector<16xf32>
              %add3A_365 = arith.constant 16 : i32
              %add3A_366 = arith.addi %mul3A_138, %add3A_365 : i32
              %get3A_367 = arith.constant 16 : i32
              %get3A_368 = arith.index_cast %while3A_75 : i32 to index
              %get3A_369 = arith.index_cast %get3A_367 : i32 to index
              %get3A_370 = arith.index_cast %add3A_366 : i32 to index
              %get3A_371 = tpu.vector_load %arg6[%get3A_368, %get3A_369, %get3A_370] {strides = array<i32>} : memref<2x32x1024xf32, #tpu.memory_space<vmem>>, vector<16xf32>,
              %add3A_372 = arith.addf %add3A_344, %get3A_371 : vector<16xf32>
              %get3A_373 = arith.constant 17 : i32
              %get3A_374 = arith.index_cast %while3A_75 : i32 to index
              %get3A_375 = arith.index_cast %get3A_373 : i32 to index
              %get3A_376 = arith.index_cast %mul3A_138 : i32 to index
              %get3A_377 = tpu.vector_load %arg6[%get3A_374, %get3A_375, %get3A_376] {strides = array<i32>} : memref<2x32x1024xf32, #tpu.memory_space<vmem>>, vector<16xf32>,
              %add3A_378 = arith.addf %add3A_350, %get3A_377 : vector<16xf32>
              %add3A_379 = arith.constant 16 : i32
              %add3A_380 = arith.addi %mul3A_138, %add3A_379 : i32
              %get3A_381 = arith.constant 17 : i32
              %get3A_382 = arith.index_cast %while3A_75 : i32 to index
              %get3A_383 = arith.index_cast %get3A_381 : i32 to index
              %get3A_384 = arith.index_cast %add3A_380 : i32 to index
              %get3A_385 = tpu.vector_load %arg6[%get3A_382, %get3A_383, %get3A_384] {strides = array<i32>} : memref<2x32x1024xf32, #tpu.memory_space<vmem>>, vector<16xf32>,
              %add3A_386 = arith.addf %add3A_358, %get3A_385 : vector<16xf32>
              %get3A_387 = arith.constant 18 : i32
              %get3A_388 = arith.index_cast %while3A_75 : i32 to index
              %get3A_389 = arith.index_cast %get3A_387 : i32 to index
              %get3A_390 = arith.index_cast %mul3A_138 : i32 to index
              %get3A_391 = tpu.vector_load %arg6[%get3A_388, %get3A_389, %get3A_390] {strides = array<i32>} : memref<2x32x1024xf32, #tpu.memory_space<vmem>>, vector<16xf32>,
              %add3A_392 = arith.addf %add3A_364, %get3A_391 : vector<16xf32>
              %add3A_393 = arith.constant 16 : i32
              %add3A_394 = arith.addi %mul3A_138, %add3A_393 : i32
              %get3A_395 = arith.constant 18 : i32
              %get3A_396 = arith.index_cast %while3A_75 : i32 to index
              %get3A_397 = arith.index_cast %get3A_395 : i32 to index
              %get3A_398 = arith.index_cast %add3A_394 : i32 to index
              %get3A_399 = tpu.vector_load %arg6[%get3A_396, %get3A_397, %get3A_398] {strides = array<i32>} : memref<2x32x1024xf32, #tpu.memory_space<vmem>>, vector<16xf32>,
              %add3A_400 = arith.addf %add3A_372, %get3A_399 : vector<16xf32>
              %get3A_401 = arith.constant 19 : i32
              %get3A_402 = arith.index_cast %while3A_75 : i32 to index
              %get3A_403 = arith.index_cast %get3A_401 : i32 to index
              %get3A_404 = arith.index_cast %mul3A_138 : i32 to index
              %get3A_405 = tpu.vector_load %arg6[%get3A_402, %get3A_403, %get3A_404] {strides = array<i32>} : memref<2x32x1024xf32, #tpu.memory_space<vmem>>, vector<16xf32>,
              %add3A_406 = arith.addf %add3A_378, %get3A_405 : vector<16xf32>
              %add3A_407 = arith.constant 16 : i32
              %add3A_408 = arith.addi %mul3A_138, %add3A_407 : i32
              %get3A_409 = arith.constant 19 : i32
              %get3A_410 = arith.index_cast %while3A_75 : i32 to index
              %get3A_411 = arith.index_cast %get3A_409 : i32 to index
              %get3A_412 = arith.index_cast %add3A_408 : i32 to index
              %get3A_413 = tpu.vector_load %arg6[%get3A_410, %get3A_411, %get3A_412] {strides = array<i32>} : memref<2x32x1024xf32, #tpu.memory_space<vmem>>, vector<16xf32>,
              %add3A_414 = arith.addf %add3A_386, %get3A_413 : vector<16xf32>
              %get3A_415 = arith.constant 20 : i32
              %get3A_416 = arith.index_cast %while3A_75 : i32 to index
              %get3A_417 = arith.index_cast %get3A_415 : i32 to index
              %get3A_418 = arith.index_cast %mul3A_138 : i32 to index
              %get3A_419 = tpu.vector_load %arg6[%get3A_416, %get3A_417, %get3A_418] {strides = array<i32>} : memref<2x32x1024xf32, #tpu.memory_space<vmem>>, vector<16xf32>,
              %add3A_420 = arith.addf %add3A_392, %get3A_419 : vector<16xf32>
              %add3A_421 = arith.constant 16 : i32
              %add3A_422 = arith.addi %mul3A_138, %add3A_421 : i32
              %get3A_423 = arith.constant 20 : i32
              %get3A_424 = arith.index_cast %while3A_75 : i32 to index
              %get3A_425 = arith.index_cast %get3A_423 : i32 to index
              %get3A_426 = arith.index_cast %add3A_422 : i32 to index
              %get3A_427 = tpu.vector_load %arg6[%get3A_424, %get3A_425, %get3A_426] {strides = array<i32>} : memref<2x32x1024xf32, #tpu.memory_space<vmem>>, vector<16xf32>,
              %add3A_428 = arith.addf %add3A_400, %get3A_427 : vector<16xf32>
              %get3A_429 = arith.constant 21 : i32
              %get3A_430 = arith.index_cast %while3A_75 : i32 to index
              %get3A_431 = arith.index_cast %get3A_429 : i32 to index
              %get3A_432 = arith.index_cast %mul3A_138 : i32 to index
              %get3A_433 = tpu.vector_load %arg6[%get3A_430, %get3A_431, %get3A_432] {strides = array<i32>} : memref<2x32x1024xf32, #tpu.memory_space<vmem>>, vector<16xf32>,
              %add3A_434 = arith.addf %add3A_406, %get3A_433 : vector<16xf32>
              %add3A_435 = arith.constant 16 : i32
              %add3A_436 = arith.addi %mul3A_138, %add3A_435 : i32
              %get3A_437 = arith.constant 21 : i32
              %get3A_438 = arith.index_cast %while3A_75 : i32 to index
              %get3A_439 = arith.index_cast %get3A_437 : i32 to index
              %get3A_440 = arith.index_cast %add3A_436 : i32 to index
              %get3A_441 = tpu.vector_load %arg6[%get3A_438, %get3A_439, %get3A_440] {strides = array<i32>} : memref<2x32x1024xf32, #tpu.memory_space<vmem>>, vector<16xf32>,
              %add3A_442 = arith.addf %add3A_414, %get3A_441 : vector<16xf32>
              %get3A_443 = arith.constant 22 : i32
              %get3A_444 = arith.index_cast %while3A_75 : i32 to index
              %get3A_445 = arith.index_cast %get3A_443 : i32 to index
              %get3A_446 = arith.index_cast %mul3A_138 : i32 to index
              %get3A_447 = tpu.vector_load %arg6[%get3A_444, %get3A_445, %get3A_446] {strides = array<i32>} : memref<2x32x1024xf32, #tpu.memory_space<vmem>>, vector<16xf32>,
              %add3A_448 = arith.addf %add3A_420, %get3A_447 : vector<16xf32>
              %add3A_449 = arith.constant 16 : i32
              %add3A_450 = arith.addi %mul3A_138, %add3A_449 : i32
              %get3A_451 = arith.constant 22 : i32
              %get3A_452 = arith.index_cast %while3A_75 : i32 to index
              %get3A_453 = arith.index_cast %get3A_451 : i32 to index
              %get3A_454 = arith.index_cast %add3A_450 : i32 to index
              %get3A_455 = tpu.vector_load %arg6[%get3A_452, %get3A_453, %get3A_454] {strides = array<i32>} : memref<2x32x1024xf32, #tpu.memory_space<vmem>>, vector<16xf32>,
              %add3A_456 = arith.addf %add3A_428, %get3A_455 : vector<16xf32>
              %get3A_457 = arith.constant 23 : i32
              %get3A_458 = arith.index_cast %while3A_75 : i32 to index
              %get3A_459 = arith.index_cast %get3A_457 : i32 to index
              %get3A_460 = arith.index_cast %mul3A_138 : i32 to index
              %get3A_461 = tpu.vector_load %arg6[%get3A_458, %get3A_459, %get3A_460] {strides = array<i32>} : memref<2x32x1024xf32, #tpu.memory_space<vmem>>, vector<16xf32>,
              %add3A_462 = arith.addf %add3A_434, %get3A_461 : vector<16xf32>
              %add3A_463 = arith.constant 16 : i32
              %add3A_464 = arith.addi %mul3A_138, %add3A_463 : i32
              %get3A_465 = arith.constant 23 : i32
              %get3A_466 = arith.index_cast %while3A_75 : i32 to index
              %get3A_467 = arith.index_cast %get3A_465 : i32 to index
              %get3A_468 = arith.index_cast %add3A_464 : i32 to index
              %get3A_469 = tpu.vector_load %arg6[%get3A_466, %get3A_467, %get3A_468] {strides = array<i32>} : memref<2x32x1024xf32, #tpu.memory_space<vmem>>, vector<16xf32>,
              %add3A_470 = arith.addf %add3A_442, %get3A_469 : vector<16xf32>
              %get3A_471 = arith.constant 24 : i32
              %get3A_472 = arith.index_cast %while3A_75 : i32 to index
              %get3A_473 = arith.index_cast %get3A_471 : i32 to index
              %get3A_474 = arith.index_cast %mul3A_138 : i32 to index
              %get3A_475 = tpu.vector_load %arg6[%get3A_472, %get3A_473, %get3A_474] {strides = array<i32>} : memref<2x32x1024xf32, #tpu.memory_space<vmem>>, vector<16xf32>,
              %add3A_476 = arith.addf %add3A_448, %get3A_475 : vector<16xf32>
              %add3A_477 = arith.constant 16 : i32
              %add3A_478 = arith.addi %mul3A_138, %add3A_477 : i32
              %get3A_479 = arith.constant 24 : i32
              %get3A_480 = arith.index_cast %while3A_75 : i32 to index
              %get3A_481 = arith.index_cast %get3A_479 : i32 to index
              %get3A_482 = arith.index_cast %add3A_478 : i32 to index
              %get3A_483 = tpu.vector_load %arg6[%get3A_480, %get3A_481, %get3A_482] {strides = array<i32>} : memref<2x32x1024xf32, #tpu.memory_space<vmem>>, vector<16xf32>,
              %add3A_484 = arith.addf %add3A_456, %get3A_483 : vector<16xf32>
              %get3A_485 = arith.constant 25 : i32
              %get3A_486 = arith.index_cast %while3A_75 : i32 to index
              %get3A_487 = arith.index_cast %get3A_485 : i32 to index
              %get3A_488 = arith.index_cast %mul3A_138 : i32 to index
              %get3A_489 = tpu.vector_load %arg6[%get3A_486, %get3A_487, %get3A_488] {strides = array<i32>} : memref<2x32x1024xf32, #tpu.memory_space<vmem>>, vector<16xf32>,
              %add3A_490 = arith.addf %add3A_462, %get3A_489 : vector<16xf32>
              %add3A_491 = arith.constant 16 : i32
              %add3A_492 = arith.addi %mul3A_138, %add3A_491 : i32
              %get3A_493 = arith.constant 25 : i32
              %get3A_494 = arith.index_cast %while3A_75 : i32 to index
              %get3A_495 = arith.index_cast %get3A_493 : i32 to index
              %get3A_496 = arith.index_cast %add3A_492 : i32 to index
              %get3A_497 = tpu.vector_load %arg6[%get3A_494, %get3A_495, %get3A_496] {strides = array<i32>} : memref<2x32x1024xf32, #tpu.memory_space<vmem>>, vector<16xf32>,
              %add3A_498 = arith.addf %add3A_470, %get3A_497 : vector<16xf32>
              %get3A_499 = arith.constant 26 : i32
              %get3A_500 = arith.index_cast %while3A_75 : i32 to index
              %get3A_501 = arith.index_cast %get3A_499 : i32 to index
              %get3A_502 = arith.index_cast %mul3A_138 : i32 to index
              %get3A_503 = tpu.vector_load %arg6[%get3A_500, %get3A_501, %get3A_502] {strides = array<i32>} : memref<2x32x1024xf32, #tpu.memory_space<vmem>>, vector<16xf32>,
              %add3A_504 = arith.addf %add3A_476, %get3A_503 : vector<16xf32>
              %add3A_505 = arith.constant 16 : i32
              %add3A_506 = arith.addi %mul3A_138, %add3A_505 : i32
              %get3A_507 = arith.constant 26 : i32
              %get3A_508 = arith.index_cast %while3A_75 : i32 to index
              %get3A_509 = arith.index_cast %get3A_507 : i32 to index
              %get3A_510 = arith.index_cast %add3A_506 : i32 to index
              %get3A_511 = tpu.vector_load %arg6[%get3A_508, %get3A_509, %get3A_510] {strides = array<i32>} : memref<2x32x1024xf32, #tpu.memory_space<vmem>>, vector<16xf32>,
              %add3A_512 = arith.addf %add3A_484, %get3A_511 : vector<16xf32>
              %get3A_513 = arith.constant 27 : i32
              %get3A_514 = arith.index_cast %while3A_75 : i32 to index
              %get3A_515 = arith.index_cast %get3A_513 : i32 to index
              %get3A_516 = arith.index_cast %mul3A_138 : i32 to index
              %get3A_517 = tpu.vector_load %arg6[%get3A_514, %get3A_515, %get3A_516] {strides = array<i32>} : memref<2x32x1024xf32, #tpu.memory_space<vmem>>, vector<16xf32>,
              %add3A_518 = arith.addf %add3A_490, %get3A_517 : vector<16xf32>
              %add3A_519 = arith.constant 16 : i32
              %add3A_520 = arith.addi %mul3A_138, %add3A_519 : i32
              %get3A_521 = arith.constant 27 : i32
              %get3A_522 = arith.index_cast %while3A_75 : i32 to index
              %get3A_523 = arith.index_cast %get3A_521 : i32 to index
              %get3A_524 = arith.index_cast %add3A_520 : i32 to index
              %get3A_525 = tpu.vector_load %arg6[%get3A_522, %get3A_523, %get3A_524] {strides = array<i32>} : memref<2x32x1024xf32, #tpu.memory_space<vmem>>, vector<16xf32>,
              %add3A_526 = arith.addf %add3A_498, %get3A_525 : vector<16xf32>
              %get3A_527 = arith.constant 28 : i32
              %get3A_528 = arith.index_cast %while3A_75 : i32 to index
              %get3A_529 = arith.index_cast %get3A_527 : i32 to index
              %get3A_530 = arith.index_cast %mul3A_138 : i32 to index
              %get3A_531 = tpu.vector_load %arg6[%get3A_528, %get3A_529, %get3A_530] {strides = array<i32>} : memref<2x32x1024xf32, #tpu.memory_space<vmem>>, vector<16xf32>,
              %add3A_532 = arith.addf %add3A_504, %get3A_531 : vector<16xf32>
              %add3A_533 = arith.constant 16 : i32
              %add3A_534 = arith.addi %mul3A_138, %add3A_533 : i32
              %get3A_535 = arith.constant 28 : i32
              %get3A_536 = arith.index_cast %while3A_75 : i32 to index
              %get3A_537 = arith.index_cast %get3A_535 : i32 to index
              %get3A_538 = arith.index_cast %add3A_534 : i32 to index
              %get3A_539 = tpu.vector_load %arg6[%get3A_536, %get3A_537, %get3A_538] {strides = array<i32>} : memref<2x32x1024xf32, #tpu.memory_space<vmem>>, vector<16xf32>,
              %add3A_540 = arith.addf %add3A_512, %get3A_539 : vector<16xf32>
              %get3A_541 = arith.constant 29 : i32
              %get3A_542 = arith.index_cast %while3A_75 : i32 to index
              %get3A_543 = arith.index_cast %get3A_541 : i32 to index
              %get3A_544 = arith.index_cast %mul3A_138 : i32 to index
              %get3A_545 = tpu.vector_load %arg6[%get3A_542, %get3A_543, %get3A_544] {strides = array<i32>} : memref<2x32x1024xf32, #tpu.memory_space<vmem>>, vector<16xf32>,
              %add3A_546 = arith.addf %add3A_518, %get3A_545 : vector<16xf32>
              %add3A_547 = arith.constant 16 : i32
              %add3A_548 = arith.addi %mul3A_138, %add3A_547 : i32
              %get3A_549 = arith.constant 29 : i32
              %get3A_550 = arith.index_cast %while3A_75 : i32 to index
              %get3A_551 = arith.index_cast %get3A_549 : i32 to index
              %get3A_552 = arith.index_cast %add3A_548 : i32 to index
              %get3A_553 = tpu.vector_load %arg6[%get3A_550, %get3A_551, %get3A_552] {strides = array<i32>} : memref<2x32x1024xf32, #tpu.memory_space<vmem>>, vector<16xf32>,
              %add3A_554 = arith.addf %add3A_526, %get3A_553 : vector<16xf32>
              %get3A_555 = arith.constant 30 : i32
              %get3A_556 = arith.index_cast %while3A_75 : i32 to index
              %get3A_557 = arith.index_cast %get3A_555 : i32 to index
              %get3A_558 = arith.index_cast %mul3A_138 : i32 to index
              %get3A_559 = tpu.vector_load %arg6[%get3A_556, %get3A_557, %get3A_558] {strides = array<i32>} : memref<2x32x1024xf32, #tpu.memory_space<vmem>>, vector<16xf32>,
              %add3A_560 = arith.addf %add3A_532, %get3A_559 : vector<16xf32>
              %add3A_561 = arith.constant 16 : i32
              %add3A_562 = arith.addi %mul3A_138, %add3A_561 : i32
              %get3A_563 = arith.constant 30 : i32
              %get3A_564 = arith.index_cast %while3A_75 : i32 to index
              %get3A_565 = arith.index_cast %get3A_563 : i32 to index
              %get3A_566 = arith.index_cast %add3A_562 : i32 to index
              %get3A_567 = tpu.vector_load %arg6[%get3A_564, %get3A_565, %get3A_566] {strides = array<i32>} : memref<2x32x1024xf32, #tpu.memory_space<vmem>>, vector<16xf32>,
              %add3A_568 = arith.addf %add3A_540, %get3A_567 : vector<16xf32>
              %get3A_569 = arith.constant 31 : i32
              %get3A_570 = arith.index_cast %while3A_75 : i32 to index
              %get3A_571 = arith.index_cast %get3A_569 : i32 to index
              %get3A_572 = arith.index_cast %mul3A_138 : i32 to index
              %get3A_573 = tpu.vector_load %arg6[%get3A_570, %get3A_571, %get3A_572] {strides = array<i32>} : memref<2x32x1024xf32, #tpu.memory_space<vmem>>, vector<16xf32>,
              %add3A_574 = arith.addf %add3A_546, %get3A_573 : vector<16xf32>
              %add3A_575 = arith.constant 16 : i32
              %add3A_576 = arith.addi %mul3A_138, %add3A_575 : i32
              %get3A_577 = arith.constant 31 : i32
              %get3A_578 = arith.index_cast %while3A_75 : i32 to index
              %get3A_579 = arith.index_cast %get3A_577 : i32 to index
              %get3A_580 = arith.index_cast %add3A_576 : i32 to index
              %get3A_581 = tpu.vector_load %arg6[%get3A_578, %get3A_579, %get3A_580] {strides = array<i32>} : memref<2x32x1024xf32, #tpu.memory_space<vmem>>, vector<16xf32>,
              %add3A_582 = arith.addf %add3A_554, %get3A_581 : vector<16xf32>
              %add3A_583 = arith.addf %add3A_560, %add3A_574 : vector<16xf32>
              %add3A_584 = arith.addf %add3A_568, %add3A_582 : vector<16xf32>
              %swap3A = arith.index_cast %scan3A_33 : i32 to index
              %swap3A_585 = arith.index_cast %mul3A_138 : i32 to index
              %swap3A_586 = tpu.vector_load %arg7[%swap3A, %swap3A_585] {strides = array<i32>} : memref<16x1024xf32, #tpu.memory_space<vmem>>, vector<16xf32>,
              tpu.vector_store %arg7[%swap3A, %swap3A_585], %add3A_583 {strides = array<i32>} : memref<16x1024xf32, #tpu.memory_space<vmem>>, vector<16xf32>,
              %add3A_587 = arith.constant 16 : i32
              %add3A_588 = arith.addi %mul3A_138, %add3A_587 : i32
              %swap3A_589 = arith.index_cast %scan3A_33 : i32 to index
              %swap3A_590 = arith.index_cast %add3A_588 : i32 to index
              %swap3A_591 = tpu.vector_load %arg7[%swap3A_589, %swap3A_590] {strides = array<i32>} : memref<16x1024xf32, #tpu.memory_space<vmem>>, vector<16xf32>,
              tpu.vector_store %arg7[%swap3A_589, %swap3A_590], %add3A_584 {strides = array<i32>} : memref<16x1024xf32, #tpu.memory_space<vmem>>, vector<16xf32>,
              %scan3A_592 = arith.constant 0 : i32
              scf.yield %scan3A_592 : i32
            }
            %scan3A_134 = arith.constant 32 : i32
          } else {
          }
          %not3A = arith.constant true
          %not3A_107 = arith.xori %eq3A_103, %not3A : i1
          %and3A_108 = arith.andi %eq3A_102, %not3A_107 : i1
          %convert_element_type3A_109 = arith.extui %and3A_108 : i1 to i32
          %cond3A_110 = arith.constant 0 : i32
          %cond3A_111 = arith.cmpi ne, %convert_element_type3A_109, %cond3A_110 : i32
          scf.if %cond3A_111 {
            %scan3A_128 = arith.constant 0 : i32
            %scan3A_129 = arith.constant 0 : i32
            %scan3A_130 = arith.constant 32 : i32
            %scan3A_131 = arith.addi %scan3A_129, %scan3A_130 : i32
            %scan3A_132 = arith.constant 1 : i32
            %scan3A_133 = scf.for %scan3A_135 = %scan3A_129 to %scan3A_131 step %scan3A_132 iter_args(%scan3A_136 = %scan3A_128) -> (i32)  : i32 {
              %mul3A_137 = arith.constant 32 : i32
              %mul3A_138 = arith.muli %scan3A_135, %mul3A_137 : i32
              %get3A_139 = arith.constant 0 : i32
              %get3A_140 = arith.index_cast %while3A_75 : i32 to index
              %get3A_141 = arith.index_cast %get3A_139 : i32 to index
              %get3A_142 = arith.index_cast %mul3A_138 : i32 to index
              %get3A_143 = tpu.vector_load %arg6[%get3A_140, %get3A_141, %get3A_142] {strides = array<i32>} : memref<2x32x1024xf32, #tpu.memory_space<vmem>>, vector<16xf32>,
              %add3A_144 = arith.constant 16 : i32
              %add3A_145 = arith.addi %mul3A_138, %add3A_144 : i32
              %get3A_146 = arith.constant 0 : i32
              %get3A_147 = arith.index_cast %while3A_75 : i32 to index
              %get3A_148 = arith.index_cast %get3A_146 : i32 to index
              %get3A_149 = arith.index_cast %add3A_145 : i32 to index
              %get3A_150 = tpu.vector_load %arg6[%get3A_147, %get3A_148, %get3A_149] {strides = array<i32>} : memref<2x32x1024xf32, #tpu.memory_space<vmem>>, vector<16xf32>,
              %get3A_151 = arith.constant 1 : i32
              %get3A_152 = arith.index_cast %while3A_75 : i32 to index
              %get3A_153 = arith.index_cast %get3A_151 : i32 to index
              %get3A_154 = arith.index_cast %mul3A_138 : i32 to index
              %get3A_155 = tpu.vector_load %arg6[%get3A_152, %get3A_153, %get3A_154] {strides = array<i32>} : memref<2x32x1024xf32, #tpu.memory_space<vmem>>, vector<16xf32>,
              %add3A_156 = arith.constant 16 : i32
              %add3A_157 = arith.addi %mul3A_138, %add3A_156 : i32
              %get3A_158 = arith.constant 1 : i32
              %get3A_159 = arith.index_cast %while3A_75 : i32 to index
              %get3A_160 = arith.index_cast %get3A_158 : i32 to index
              %get3A_161 = arith.index_cast %add3A_157 : i32 to index
              %get3A_162 = tpu.vector_load %arg6[%get3A_159, %get3A_160, %get3A_161] {strides = array<i32>} : memref<2x32x1024xf32, #tpu.memory_space<vmem>>, vector<16xf32>,
              %get3A_163 = arith.constant 2 : i32
              %get3A_164 = arith.index_cast %while3A_75 : i32 to index
              %get3A_165 = arith.index_cast %get3A_163 : i32 to index
              %get3A_166 = arith.index_cast %mul3A_138 : i32 to index
              %get3A_167 = tpu.vector_load %arg6[%get3A_164, %get3A_165, %get3A_166] {strides = array<i32>} : memref<2x32x1024xf32, #tpu.memory_space<vmem>>, vector<16xf32>,
              %add3A_168 = arith.addf %get3A_143, %get3A_167 : vector<16xf32>
              %add3A_169 = arith.constant 16 : i32
              %add3A_170 = arith.addi %mul3A_138, %add3A_169 : i32
              %get3A_171 = arith.constant 2 : i32
              %get3A_172 = arith.index_cast %while3A_75 : i32 to index
              %get3A_173 = arith.index_cast %get3A_171 : i32 to index
              %get3A_174 = arith.index_cast %add3A_170 : i32 to index
              %get3A_175 = tpu.vector_load %arg6[%get3A_172, %get3A_173, %get3A_174] {strides = array<i32>} : memref<2x32x1024xf32, #tpu.memory_space<vmem>>, vector<16xf32>,
              %add3A_176 = arith.addf %get3A_150, %get3A_175 : vector<16xf32>
              %get3A_177 = arith.constant 3 : i32
              %get3A_178 = arith.index_cast %while3A_75 : i32 to index
              %get3A_179 = arith.index_cast %get3A_177 : i32 to index
              %get3A_180 = arith.index_cast %mul3A_138 : i32 to index
              %get3A_181 = tpu.vector_load %arg6[%get3A_178, %get3A_179, %get3A_180] {strides = array<i32>} : memref<2x32x1024xf32, #tpu.memory_space<vmem>>, vector<16xf32>,
              %add3A_182 = arith.addf %get3A_155, %get3A_181 : vector<16xf32>
              %add3A_183 = arith.constant 16 : i32
              %add3A_184 = arith.addi %mul3A_138, %add3A_183 : i32
              %get3A_185 = arith.constant 3 : i32
              %get3A_186 = arith.index_cast %while3A_75 : i32 to index
              %get3A_187 = arith.index_cast %get3A_185 : i32 to index
              %get3A_188 = arith.index_cast %add3A_184 : i32 to index
              %get3A_189 = tpu.vector_load %arg6[%get3A_186, %get3A_187, %get3A_188] {strides = array<i32>} : memref<2x32x1024xf32, #tpu.memory_space<vmem>>, vector<16xf32>,
              %add3A_190 = arith.addf %get3A_162, %get3A_189 : vector<16xf32>
              %get3A_191 = arith.constant 4 : i32
              %get3A_192 = arith.index_cast %while3A_75 : i32 to index
              %get3A_193 = arith.index_cast %get3A_191 : i32 to index
              %get3A_194 = arith.index_cast %mul3A_138 : i32 to index
              %get3A_195 = tpu.vector_load %arg6[%get3A_192, %get3A_193, %get3A_194] {strides = array<i32>} : memref<2x32x1024xf32, #tpu.memory_space<vmem>>, vector<16xf32>,
              %add3A_196 = arith.addf %add3A_168, %get3A_195 : vector<16xf32>
              %add3A_197 = arith.constant 16 : i32
              %add3A_198 = arith.addi %mul3A_138, %add3A_197 : i32
              %get3A_199 = arith.constant 4 : i32
              %get3A_200 = arith.index_cast %while3A_75 : i32 to index
              %get3A_201 = arith.index_cast %get3A_199 : i32 to index
              %get3A_202 = arith.index_cast %add3A_198 : i32 to index
              %get3A_203 = tpu.vector_load %arg6[%get3A_200, %get3A_201, %get3A_202] {strides = array<i32>} : memref<2x32x1024xf32, #tpu.memory_space<vmem>>, vector<16xf32>,
              %add3A_204 = arith.addf %add3A_176, %get3A_203 : vector<16xf32>
              %get3A_205 = arith.constant 5 : i32
              %get3A_206 = arith.index_cast %while3A_75 : i32 to index
              %get3A_207 = arith.index_cast %get3A_205 : i32 to index
              %get3A_208 = arith.index_cast %mul3A_138 : i32 to index
              %get3A_209 = tpu.vector_load %arg6[%get3A_206, %get3A_207, %get3A_208] {strides = array<i32>} : memref<2x32x1024xf32, #tpu.memory_space<vmem>>, vector<16xf32>,
              %add3A_210 = arith.addf %add3A_182, %get3A_209 : vector<16xf32>
              %add3A_211 = arith.constant 16 : i32
              %add3A_212 = arith.addi %mul3A_138, %add3A_211 : i32
              %get3A_213 = arith.constant 5 : i32
              %get3A_214 = arith.index_cast %while3A_75 : i32 to index
              %get3A_215 = arith.index_cast %get3A_213 : i32 to index
              %get3A_216 = arith.index_cast %add3A_212 : i32 to index
              %get3A_217 = tpu.vector_load %arg6[%get3A_214, %get3A_215, %get3A_216] {strides = array<i32>} : memref<2x32x1024xf32, #tpu.memory_space<vmem>>, vector<16xf32>,
              %add3A_218 = arith.addf %add3A_190, %get3A_217 : vector<16xf32>
              %get3A_219 = arith.constant 6 : i32
              %get3A_220 = arith.index_cast %while3A_75 : i32 to index
              %get3A_221 = arith.index_cast %get3A_219 : i32 to index
              %get3A_222 = arith.index_cast %mul3A_138 : i32 to index
              %get3A_223 = tpu.vector_load %arg6[%get3A_220, %get3A_221, %get3A_222] {strides = array<i32>} : memref<2x32x1024xf32, #tpu.memory_space<vmem>>, vector<16xf32>,
              %add3A_224 = arith.addf %add3A_196, %get3A_223 : vector<16xf32>
              %add3A_225 = arith.constant 16 : i32
              %add3A_226 = arith.addi %mul3A_138, %add3A_225 : i32
              %get3A_227 = arith.constant 6 : i32
              %get3A_228 = arith.index_cast %while3A_75 : i32 to index
              %get3A_229 = arith.index_cast %get3A_227 : i32 to index
              %get3A_230 = arith.index_cast %add3A_226 : i32 to index
              %get3A_231 = tpu.vector_load %arg6[%get3A_228, %get3A_229, %get3A_230] {strides = array<i32>} : memref<2x32x1024xf32, #tpu.memory_space<vmem>>, vector<16xf32>,
              %add3A_232 = arith.addf %add3A_204, %get3A_231 : vector<16xf32>
              %get3A_233 = arith.constant 7 : i32
              %get3A_234 = arith.index_cast %while3A_75 : i32 to index
              %get3A_235 = arith.index_cast %get3A_233 : i32 to index
              %get3A_236 = arith.index_cast %mul3A_138 : i32 to index
              %get3A_237 = tpu.vector_load %arg6[%get3A_234, %get3A_235, %get3A_236] {strides = array<i32>} : memref<2x32x1024xf32, #tpu.memory_space<vmem>>, vector<16xf32>,
              %add3A_238 = arith.addf %add3A_210, %get3A_237 : vector<16xf32>
              %add3A_239 = arith.constant 16 : i32
              %add3A_240 = arith.addi %mul3A_138, %add3A_239 : i32
              %get3A_241 = arith.constant 7 : i32
              %get3A_242 = arith.index_cast %while3A_75 : i32 to index
              %get3A_243 = arith.index_cast %get3A_241 : i32 to index
              %get3A_244 = arith.index_cast %add3A_240 : i32 to index
              %get3A_245 = tpu.vector_load %arg6[%get3A_242, %get3A_243, %get3A_244] {strides = array<i32>} : memref<2x32x1024xf32, #tpu.memory_space<vmem>>, vector<16xf32>,
              %add3A_246 = arith.addf %add3A_218, %get3A_245 : vector<16xf32>
              %get3A_247 = arith.constant 8 : i32
              %get3A_248 = arith.index_cast %while3A_75 : i32 to index
              %get3A_249 = arith.index_cast %get3A_247 : i32 to index
              %get3A_250 = arith.index_cast %mul3A_138 : i32 to index
              %get3A_251 = tpu.vector_load %arg6[%get3A_248, %get3A_249, %get3A_250] {strides = array<i32>} : memref<2x32x1024xf32, #tpu.memory_space<vmem>>, vector<16xf32>,
              %add3A_252 = arith.addf %add3A_224, %get3A_251 : vector<16xf32>
              %add3A_253 = arith.constant 16 : i32
              %add3A_254 = arith.addi %mul3A_138, %add3A_253 : i32
              %get3A_255 = arith.constant 8 : i32
              %get3A_256 = arith.index_cast %while3A_75 : i32 to index
              %get3A_257 = arith.index_cast %get3A_255 : i32 to index
              %get3A_258 = arith.index_cast %add3A_254 : i32 to index
              %get3A_259 = tpu.vector_load %arg6[%get3A_256, %get3A_257, %get3A_258] {strides = array<i32>} : memref<2x32x1024xf32, #tpu.memory_space<vmem>>, vector<16xf32>,
              %add3A_260 = arith.addf %add3A_232, %get3A_259 : vector<16xf32>
              %get3A_261 = arith.constant 9 : i32
              %get3A_262 = arith.index_cast %while3A_75 : i32 to index
              %get3A_263 = arith.index_cast %get3A_261 : i32 to index
              %get3A_264 = arith.index_cast %mul3A_138 : i32 to index
              %get3A_265 = tpu.vector_load %arg6[%get3A_262, %get3A_263, %get3A_264] {strides = array<i32>} : memref<2x32x1024xf32, #tpu.memory_space<vmem>>, vector<16xf32>,
              %add3A_266 = arith.addf %add3A_238, %get3A_265 : vector<16xf32>
              %add3A_267 = arith.constant 16 : i32
              %add3A_268 = arith.addi %mul3A_138, %add3A_267 : i32
              %get3A_269 = arith.constant 9 : i32
              %get3A_270 = arith.index_cast %while3A_75 : i32 to index
              %get3A_271 = arith.index_cast %get3A_269 : i32 to index
              %get3A_272 = arith.index_cast %add3A_268 : i32 to index
              %get3A_273 = tpu.vector_load %arg6[%get3A_270, %get3A_271, %get3A_272] {strides = array<i32>} : memref<2x32x1024xf32, #tpu.memory_space<vmem>>, vector<16xf32>,
              %add3A_274 = arith.addf %add3A_246, %get3A_273 : vector<16xf32>
              %get3A_275 = arith.constant 10 : i32
              %get3A_276 = arith.index_cast %while3A_75 : i32 to index
              %get3A_277 = arith.index_cast %get3A_275 : i32 to index
              %get3A_278 = arith.index_cast %mul3A_138 : i32 to index
              %get3A_279 = tpu.vector_load %arg6[%get3A_276, %get3A_277, %get3A_278] {strides = array<i32>} : memref<2x32x1024xf32, #tpu.memory_space<vmem>>, vector<16xf32>,
              %add3A_280 = arith.addf %add3A_252, %get3A_279 : vector<16xf32>
              %add3A_281 = arith.constant 16 : i32
              %add3A_282 = arith.addi %mul3A_138, %add3A_281 : i32
              %get3A_283 = arith.constant 10 : i32
              %get3A_284 = arith.index_cast %while3A_75 : i32 to index
              %get3A_285 = arith.index_cast %get3A_283 : i32 to index
              %get3A_286 = arith.index_cast %add3A_282 : i32 to index
              %get3A_287 = tpu.vector_load %arg6[%get3A_284, %get3A_285, %get3A_286] {strides = array<i32>} : memref<2x32x1024xf32, #tpu.memory_space<vmem>>, vector<16xf32>,
              %add3A_288 = arith.addf %add3A_260, %get3A_287 : vector<16xf32>
              %get3A_289 = arith.constant 11 : i32
              %get3A_290 = arith.index_cast %while3A_75 : i32 to index
              %get3A_291 = arith.index_cast %get3A_289 : i32 to index
              %get3A_292 = arith.index_cast %mul3A_138 : i32 to index
              %get3A_293 = tpu.vector_load %arg6[%get3A_290, %get3A_291, %get3A_292] {strides = array<i32>} : memref<2x32x1024xf32, #tpu.memory_space<vmem>>, vector<16xf32>,
              %add3A_294 = arith.addf %add3A_266, %get3A_293 : vector<16xf32>
              %add3A_295 = arith.constant 16 : i32
              %add3A_296 = arith.addi %mul3A_138, %add3A_295 : i32
              %get3A_297 = arith.constant 11 : i32
              %get3A_298 = arith.index_cast %while3A_75 : i32 to index
              %get3A_299 = arith.index_cast %get3A_297 : i32 to index
              %get3A_300 = arith.index_cast %add3A_296 : i32 to index
              %get3A_301 = tpu.vector_load %arg6[%get3A_298, %get3A_299, %get3A_300] {strides = array<i32>} : memref<2x32x1024xf32, #tpu.memory_space<vmem>>, vector<16xf32>,
              %add3A_302 = arith.addf %add3A_274, %get3A_301 : vector<16xf32>
              %get3A_303 = arith.constant 12 : i32
              %get3A_304 = arith.index_cast %while3A_75 : i32 to index
              %get3A_305 = arith.index_cast %get3A_303 : i32 to index
              %get3A_306 = arith.index_cast %mul3A_138 : i32 to index
              %get3A_307 = tpu.vector_load %arg6[%get3A_304, %get3A_305, %get3A_306] {strides = array<i32>} : memref<2x32x1024xf32, #tpu.memory_space<vmem>>, vector<16xf32>,
              %add3A_308 = arith.addf %add3A_280, %get3A_307 : vector<16xf32>
              %add3A_309 = arith.constant 16 : i32
              %add3A_310 = arith.addi %mul3A_138, %add3A_309 : i32
              %get3A_311 = arith.constant 12 : i32
              %get3A_312 = arith.index_cast %while3A_75 : i32 to index
              %get3A_313 = arith.index_cast %get3A_311 : i32 to index
              %get3A_314 = arith.index_cast %add3A_310 : i32 to index
              %get3A_315 = tpu.vector_load %arg6[%get3A_312, %get3A_313, %get3A_314] {strides = array<i32>} : memref<2x32x1024xf32, #tpu.memory_space<vmem>>, vector<16xf32>,
              %add3A_316 = arith.addf %add3A_288, %get3A_315 : vector<16xf32>
              %get3A_317 = arith.constant 13 : i32
              %get3A_318 = arith.index_cast %while3A_75 : i32 to index
              %get3A_319 = arith.index_cast %get3A_317 : i32 to index
              %get3A_320 = arith.index_cast %mul3A_138 : i32 to index
              %get3A_321 = tpu.vector_load %arg6[%get3A_318, %get3A_319, %get3A_320] {strides = array<i32>} : memref<2x32x1024xf32, #tpu.memory_space<vmem>>, vector<16xf32>,
              %add3A_322 = arith.addf %add3A_294, %get3A_321 : vector<16xf32>
              %add3A_323 = arith.constant 16 : i32
              %add3A_324 = arith.addi %mul3A_138, %add3A_323 : i32
              %get3A_325 = arith.constant 13 : i32
              %get3A_326 = arith.index_cast %while3A_75 : i32 to index
              %get3A_327 = arith.index_cast %get3A_325 : i32 to index
              %get3A_328 = arith.index_cast %add3A_324 : i32 to index
              %get3A_329 = tpu.vector_load %arg6[%get3A_326, %get3A_327, %get3A_328] {strides = array<i32>} : memref<2x32x1024xf32, #tpu.memory_space<vmem>>, vector<16xf32>,
              %add3A_330 = arith.addf %add3A_302, %get3A_329 : vector<16xf32>
              %get3A_331 = arith.constant 14 : i32
              %get3A_332 = arith.index_cast %while3A_75 : i32 to index
              %get3A_333 = arith.index_cast %get3A_331 : i32 to index
              %get3A_334 = arith.index_cast %mul3A_138 : i32 to index
              %get3A_335 = tpu.vector_load %arg6[%get3A_332, %get3A_333, %get3A_334] {strides = array<i32>} : memref<2x32x1024xf32, #tpu.memory_space<vmem>>, vector<16xf32>,
              %add3A_336 = arith.addf %add3A_308, %get3A_335 : vector<16xf32>
              %add3A_337 = arith.constant 16 : i32
              %add3A_338 = arith.addi %mul3A_138, %add3A_337 : i32
              %get3A_339 = arith.constant 14 : i32
              %get3A_340 = arith.index_cast %while3A_75 : i32 to index
              %get3A_341 = arith.index_cast %get3A_339 : i32 to index
              %get3A_342 = arith.index_cast %add3A_338 : i32 to index
              %get3A_343 = tpu.vector_load %arg6[%get3A_340, %get3A_341, %get3A_342] {strides = array<i32>} : memref<2x32x1024xf32, #tpu.memory_space<vmem>>, vector<16xf32>,
              %add3A_344 = arith.addf %add3A_316, %get3A_343 : vector<16xf32>
              %get3A_345 = arith.constant 15 : i32
              %get3A_346 = arith.index_cast %while3A_75 : i32 to index
              %get3A_347 = arith.index_cast %get3A_345 : i32 to index
              %get3A_348 = arith.index_cast %mul3A_138 : i32 to index
              %get3A_349 = tpu.vector_load %arg6[%get3A_346, %get3A_347, %get3A_348] {strides = array<i32>} : memref<2x32x1024xf32, #tpu.memory_space<vmem>>, vector<16xf32>,
              %add3A_350 = arith.addf %add3A_322, %get3A_349 : vector<16xf32>
              %add3A_351 = arith.constant 16 : i32
              %add3A_352 = arith.addi %mul3A_138, %add3A_351 : i32
              %get3A_353 = arith.constant 15 : i32
              %get3A_354 = arith.index_cast %while3A_75 : i32 to index
              %get3A_355 = arith.index_cast %get3A_353 : i32 to index
              %get3A_356 = arith.index_cast %add3A_352 : i32 to index
              %get3A_357 = tpu.vector_load %arg6[%get3A_354, %get3A_355, %get3A_356] {strides = array<i32>} : memref<2x32x1024xf32, #tpu.memory_space<vmem>>, vector<16xf32>,
              %add3A_358 = arith.addf %add3A_330, %get3A_357 : vector<16xf32>
              %get3A_359 = arith.constant 16 : i32
              %get3A_360 = arith.index_cast %while3A_75 : i32 to index
              %get3A_361 = arith.index_cast %get3A_359 : i32 to index
              %get3A_362 = arith.index_cast %mul3A_138 : i32 to index
              %get3A_363 = tpu.vector_load %arg6[%get3A_360, %get3A_361, %get3A_362] {strides = array<i32>} : memref<2x32x1024xf32, #tpu.memory_space<vmem>>, vector<16xf32>,
              %add3A_364 = arith.addf %add3A_336, %get3A_363 : vector<16xf32>
              %add3A_365 = arith.constant 16 : i32
              %add3A_366 = arith.addi %mul3A_138, %add3A_365 : i32
              %get3A_367 = arith.constant 16 : i32
              %get3A_368 = arith.index_cast %while3A_75 : i32 to index
              %get3A_369 = arith.index_cast %get3A_367 : i32 to index
              %get3A_370 = arith.index_cast %add3A_366 : i32 to index
              %get3A_371 = tpu.vector_load %arg6[%get3A_368, %get3A_369, %get3A_370] {strides = array<i32>} : memref<2x32x1024xf32, #tpu.memory_space<vmem>>, vector<16xf32>,
              %add3A_372 = arith.addf %add3A_344, %get3A_371 : vector<16xf32>
              %get3A_373 = arith.constant 17 : i32
              %get3A_374 = arith.index_cast %while3A_75 : i32 to index
              %get3A_375 = arith.index_cast %get3A_373 : i32 to index
              %get3A_376 = arith.index_cast %mul3A_138 : i32 to index
              %get3A_377 = tpu.vector_load %arg6[%get3A_374, %get3A_375, %get3A_376] {strides = array<i32>} : memref<2x32x1024xf32, #tpu.memory_space<vmem>>, vector<16xf32>,
              %add3A_378 = arith.addf %add3A_350, %get3A_377 : vector<16xf32>
              %add3A_379 = arith.constant 16 : i32
              %add3A_380 = arith.addi %mul3A_138, %add3A_379 : i32
              %get3A_381 = arith.constant 17 : i32
              %get3A_382 = arith.index_cast %while3A_75 : i32 to index
              %get3A_383 = arith.index_cast %get3A_381 : i32 to index
              %get3A_384 = arith.index_cast %add3A_380 : i32 to index
              %get3A_385 = tpu.vector_load %arg6[%get3A_382, %get3A_383, %get3A_384] {strides = array<i32>} : memref<2x32x1024xf32, #tpu.memory_space<vmem>>, vector<16xf32>,
              %add3A_386 = arith.addf %add3A_358, %get3A_385 : vector<16xf32>
              %get3A_387 = arith.constant 18 : i32
              %get3A_388 = arith.index_cast %while3A_75 : i32 to index
              %get3A_389 = arith.index_cast %get3A_387 : i32 to index
              %get3A_390 = arith.index_cast %mul3A_138 : i32 to index
              %get3A_391 = tpu.vector_load %arg6[%get3A_388, %get3A_389, %get3A_390] {strides = array<i32>} : memref<2x32x1024xf32, #tpu.memory_space<vmem>>, vector<16xf32>,
              %add3A_392 = arith.addf %add3A_364, %get3A_391 : vector<16xf32>
              %add3A_393 = arith.constant 16 : i32
              %add3A_394 = arith.addi %mul3A_138, %add3A_393 : i32
              %get3A_395 = arith.constant 18 : i32
              %get3A_396 = arith.index_cast %while3A_75 : i32 to index
              %get3A_397 = arith.index_cast %get3A_395 : i32 to index
              %get3A_398 = arith.index_cast %add3A_394 : i32 to index
              %get3A_399 = tpu.vector_load %arg6[%get3A_396, %get3A_397, %get3A_398] {strides = array<i32>} : memref<2x32x1024xf32, #tpu.memory_space<vmem>>, vector<16xf32>,
              %add3A_400 = arith.addf %add3A_372, %get3A_399 : vector<16xf32>
              %get3A_401 = arith.constant 19 : i32
              %get3A_402 = arith.index_cast %while3A_75 : i32 to index
              %get3A_403 = arith.index_cast %get3A_401 : i32 to index
              %get3A_404 = arith.index_cast %mul3A_138 : i32 to index
              %get3A_405 = tpu.vector_load %arg6[%get3A_402, %get3A_403, %get3A_404] {strides = array<i32>} : memref<2x32x1024xf32, #tpu.memory_space<vmem>>, vector<16xf32>,
              %add3A_406 = arith.addf %add3A_378, %get3A_405 : vector<16xf32>
              %add3A_407 = arith.constant 16 : i32
              %add3A_408 = arith.addi %mul3A_138, %add3A_407 : i32
              %get3A_409 = arith.constant 19 : i32
              %get3A_410 = arith.index_cast %while3A_75 : i32 to index
              %get3A_411 = arith.index_cast %get3A_409 : i32 to index
              %get3A_412 = arith.index_cast %add3A_408 : i32 to index
              %get3A_413 = tpu.vector_load %arg6[%get3A_410, %get3A_411, %get3A_412] {strides = array<i32>} : memref<2x32x1024xf32, #tpu.memory_space<vmem>>, vector<16xf32>,
              %add3A_414 = arith.addf %add3A_386, %get3A_413 : vector<16xf32>
              %get3A_415 = arith.constant 20 : i32
              %get3A_416 = arith.index_cast %while3A_75 : i32 to index
              %get3A_417 = arith.index_cast %get3A_415 : i32 to index
              %get3A_418 = arith.index_cast %mul3A_138 : i32 to index
              %get3A_419 = tpu.vector_load %arg6[%get3A_416, %get3A_417, %get3A_418] {strides = array<i32>} : memref<2x32x1024xf32, #tpu.memory_space<vmem>>, vector<16xf32>,
              %add3A_420 = arith.addf %add3A_392, %get3A_419 : vector<16xf32>
              %add3A_421 = arith.constant 16 : i32
              %add3A_422 = arith.addi %mul3A_138, %add3A_421 : i32
              %get3A_423 = arith.constant 20 : i32
              %get3A_424 = arith.index_cast %while3A_75 : i32 to index
              %get3A_425 = arith.index_cast %get3A_423 : i32 to index
              %get3A_426 = arith.index_cast %add3A_422 : i32 to index
              %get3A_427 = tpu.vector_load %arg6[%get3A_424, %get3A_425, %get3A_426] {strides = array<i32>} : memref<2x32x1024xf32, #tpu.memory_space<vmem>>, vector<16xf32>,
              %add3A_428 = arith.addf %add3A_400, %get3A_427 : vector<16xf32>
              %get3A_429 = arith.constant 21 : i32
              %get3A_430 = arith.index_cast %while3A_75 : i32 to index
              %get3A_431 = arith.index_cast %get3A_429 : i32 to index
              %get3A_432 = arith.index_cast %mul3A_138 : i32 to index
              %get3A_433 = tpu.vector_load %arg6[%get3A_430, %get3A_431, %get3A_432] {strides = array<i32>} : memref<2x32x1024xf32, #tpu.memory_space<vmem>>, vector<16xf32>,
              %add3A_434 = arith.addf %add3A_406, %get3A_433 : vector<16xf32>
              %add3A_435 = arith.constant 16 : i32
              %add3A_436 = arith.addi %mul3A_138, %add3A_435 : i32
              %get3A_437 = arith.constant 21 : i32
              %get3A_438 = arith.index_cast %while3A_75 : i32 to index
              %get3A_439 = arith.index_cast %get3A_437 : i32 to index
              %get3A_440 = arith.index_cast %add3A_436 : i32 to index
              %get3A_441 = tpu.vector_load %arg6[%get3A_438, %get3A_439, %get3A_440] {strides = array<i32>} : memref<2x32x1024xf32, #tpu.memory_space<vmem>>, vector<16xf32>,
              %add3A_442 = arith.addf %add3A_414, %get3A_441 : vector<16xf32>
              %get3A_443 = arith.constant 22 : i32
              %get3A_444 = arith.index_cast %while3A_75 : i32 to index
              %get3A_445 = arith.index_cast %get3A_443 : i32 to index
              %get3A_446 = arith.index_cast %mul3A_138 : i32 to index
              %get3A_447 = tpu.vector_load %arg6[%get3A_444, %get3A_445, %get3A_446] {strides = array<i32>} : memref<2x32x1024xf32, #tpu.memory_space<vmem>>, vector<16xf32>,
              %add3A_448 = arith.addf %add3A_420, %get3A_447 : vector<16xf32>
              %add3A_449 = arith.constant 16 : i32
              %add3A_450 = arith.addi %mul3A_138, %add3A_449 : i32
              %get3A_451 = arith.constant 22 : i32
              %get3A_452 = arith.index_cast %while3A_75 : i32 to index
              %get3A_453 = arith.index_cast %get3A_451 : i32 to index
              %get3A_454 = arith.index_cast %add3A_450 : i32 to index
              %get3A_455 = tpu.vector_load %arg6[%get3A_452, %get3A_453, %get3A_454] {strides = array<i32>} : memref<2x32x1024xf32, #tpu.memory_space<vmem>>, vector<16xf32>,
              %add3A_456 = arith.addf %add3A_428, %get3A_455 : vector<16xf32>
              %get3A_457 = arith.constant 23 : i32
              %get3A_458 = arith.index_cast %while3A_75 : i32 to index
              %get3A_459 = arith.index_cast %get3A_457 : i32 to index
              %get3A_460 = arith.index_cast %mul3A_138 : i32 to index
              %get3A_461 = tpu.vector_load %arg6[%get3A_458, %get3A_459, %get3A_460] {strides = array<i32>} : memref<2x32x1024xf32, #tpu.memory_space<vmem>>, vector<16xf32>,
              %add3A_462 = arith.addf %add3A_434, %get3A_461 : vector<16xf32>
              %add3A_463 = arith.constant 16 : i32
              %add3A_464 = arith.addi %mul3A_138, %add3A_463 : i32
              %get3A_465 = arith.constant 23 : i32
              %get3A_466 = arith.index_cast %while3A_75 : i32 to index
              %get3A_467 = arith.index_cast %get3A_465 : i32 to index
              %get3A_468 = arith.index_cast %add3A_464 : i32 to index
              %get3A_469 = tpu.vector_load %arg6[%get3A_466, %get3A_467, %get3A_468] {strides = array<i32>} : memref<2x32x1024xf32, #tpu.memory_space<vmem>>, vector<16xf32>,
              %add3A_470 = arith.addf %add3A_442, %get3A_469 : vector<16xf32>
              %get3A_471 = arith.constant 24 : i32
              %get3A_472 = arith.index_cast %while3A_75 : i32 to index
              %get3A_473 = arith.index_cast %get3A_471 : i32 to index
              %get3A_474 = arith.index_cast %mul3A_138 : i32 to index
              %get3A_475 = tpu.vector_load %arg6[%get3A_472, %get3A_473, %get3A_474] {strides = array<i32>} : memref<2x32x1024xf32, #tpu.memory_space<vmem>>, vector<16xf32>,
              %add3A_476 = arith.addf %add3A_448, %get3A_475 : vector<16xf32>
              %add3A_477 = arith.constant 16 : i32
              %add3A_478 = arith.addi %mul3A_138, %add3A_477 : i32
              %get3A_479 = arith.constant 24 : i32
              %get3A_480 = arith.index_cast %while3A_75 : i32 to index
              %get3A_481 = arith.index_cast %get3A_479 : i32 to index
              %get3A_482 = arith.index_cast %add3A_478 : i32 to index
              %get3A_483 = tpu.vector_load %arg6[%get3A_480, %get3A_481, %get3A_482] {strides = array<i32>} : memref<2x32x1024xf32, #tpu.memory_space<vmem>>, vector<16xf32>,
              %add3A_484 = arith.addf %add3A_456, %get3A_483 : vector<16xf32>
              %get3A_485 = arith.constant 25 : i32
              %get3A_486 = arith.index_cast %while3A_75 : i32 to index
              %get3A_487 = arith.index_cast %get3A_485 : i32 to index
              %get3A_488 = arith.index_cast %mul3A_138 : i32 to index
              %get3A_489 = tpu.vector_load %arg6[%get3A_486, %get3A_487, %get3A_488] {strides = array<i32>} : memref<2x32x1024xf32, #tpu.memory_space<vmem>>, vector<16xf32>,
              %add3A_490 = arith.addf %add3A_462, %get3A_489 : vector<16xf32>
              %add3A_491 = arith.constant 16 : i32
              %add3A_492 = arith.addi %mul3A_138, %add3A_491 : i32
              %get3A_493 = arith.constant 25 : i32
              %get3A_494 = arith.index_cast %while3A_75 : i32 to index
              %get3A_495 = arith.index_cast %get3A_493 : i32 to index
              %get3A_496 = arith.index_cast %add3A_492 : i32 to index
              %get3A_497 = tpu.vector_load %arg6[%get3A_494, %get3A_495, %get3A_496] {strides = array<i32>} : memref<2x32x1024xf32, #tpu.memory_space<vmem>>, vector<16xf32>,
              %add3A_498 = arith.addf %add3A_470, %get3A_497 : vector<16xf32>
              %get3A_499 = arith.constant 26 : i32
              %get3A_500 = arith.index_cast %while3A_75 : i32 to index
              %get3A_501 = arith.index_cast %get3A_499 : i32 to index
              %get3A_502 = arith.index_cast %mul3A_138 : i32 to index
              %get3A_503 = tpu.vector_load %arg6[%get3A_500, %get3A_501, %get3A_502] {strides = array<i32>} : memref<2x32x1024xf32, #tpu.memory_space<vmem>>, vector<16xf32>,
              %add3A_504 = arith.addf %add3A_476, %get3A_503 : vector<16xf32>
              %add3A_505 = arith.constant 16 : i32
              %add3A_506 = arith.addi %mul3A_138, %add3A_505 : i32
              %get3A_507 = arith.constant 26 : i32
              %get3A_508 = arith.index_cast %while3A_75 : i32 to index
              %get3A_509 = arith.index_cast %get3A_507 : i32 to index
              %get3A_510 = arith.index_cast %add3A_506 : i32 to index
              %get3A_511 = tpu.vector_load %arg6[%get3A_508, %get3A_509, %get3A_510] {strides = array<i32>} : memref<2x32x1024xf32, #tpu.memory_space<vmem>>, vector<16xf32>,
              %add3A_512 = arith.addf %add3A_484, %get3A_511 : vector<16xf32>
              %get3A_513 = arith.constant 27 : i32
              %get3A_514 = arith.index_cast %while3A_75 : i32 to index
              %get3A_515 = arith.index_cast %get3A_513 : i32 to index
              %get3A_516 = arith.index_cast %mul3A_138 : i32 to index
              %get3A_517 = tpu.vector_load %arg6[%get3A_514, %get3A_515, %get3A_516] {strides = array<i32>} : memref<2x32x1024xf32, #tpu.memory_space<vmem>>, vector<16xf32>,
              %add3A_518 = arith.addf %add3A_490, %get3A_517 : vector<16xf32>
              %add3A_519 = arith.constant 16 : i32
              %add3A_520 = arith.addi %mul3A_138, %add3A_519 : i32
              %get3A_521 = arith.constant 27 : i32
              %get3A_522 = arith.index_cast %while3A_75 : i32 to index
              %get3A_523 = arith.index_cast %get3A_521 : i32 to index
              %get3A_524 = arith.index_cast %add3A_520 : i32 to index
              %get3A_525 = tpu.vector_load %arg6[%get3A_522, %get3A_523, %get3A_524] {strides = array<i32>} : memref<2x32x1024xf32, #tpu.memory_space<vmem>>, vector<16xf32>,
              %add3A_526 = arith.addf %add3A_498, %get3A_525 : vector<16xf32>
              %get3A_527 = arith.constant 28 : i32
              %get3A_528 = arith.index_cast %while3A_75 : i32 to index
              %get3A_529 = arith.index_cast %get3A_527 : i32 to index
              %get3A_530 = arith.index_cast %mul3A_138 : i32 to index
              %get3A_531 = tpu.vector_load %arg6[%get3A_528, %get3A_529, %get3A_530] {strides = array<i32>} : memref<2x32x1024xf32, #tpu.memory_space<vmem>>, vector<16xf32>,
              %add3A_532 = arith.addf %add3A_504, %get3A_531 : vector<16xf32>
              %add3A_533 = arith.constant 16 : i32
              %add3A_534 = arith.addi %mul3A_138, %add3A_533 : i32
              %get3A_535 = arith.constant 28 : i32
              %get3A_536 = arith.index_cast %while3A_75 : i32 to index
              %get3A_537 = arith.index_cast %get3A_535 : i32 to index
              %get3A_538 = arith.index_cast %add3A_534 : i32 to index
              %get3A_539 = tpu.vector_load %arg6[%get3A_536, %get3A_537, %get3A_538] {strides = array<i32>} : memref<2x32x1024xf32, #tpu.memory_space<vmem>>, vector<16xf32>,
              %add3A_540 = arith.addf %add3A_512, %get3A_539 : vector<16xf32>
              %get3A_541 = arith.constant 29 : i32
              %get3A_542 = arith.index_cast %while3A_75 : i32 to index
              %get3A_543 = arith.index_cast %get3A_541 : i32 to index
              %get3A_544 = arith.index_cast %mul3A_138 : i32 to index
              %get3A_545 = tpu.vector_load %arg6[%get3A_542, %get3A_543, %get3A_544] {strides = array<i32>} : memref<2x32x1024xf32, #tpu.memory_space<vmem>>, vector<16xf32>,
              %add3A_546 = arith.addf %add3A_518, %get3A_545 : vector<16xf32>
              %add3A_547 = arith.constant 16 : i32
              %add3A_548 = arith.addi %mul3A_138, %add3A_547 : i32
              %get3A_549 = arith.constant 29 : i32
              %get3A_550 = arith.index_cast %while3A_75 : i32 to index
              %get3A_551 = arith.index_cast %get3A_549 : i32 to index
              %get3A_552 = arith.index_cast %add3A_548 : i32 to index
              %get3A_553 = tpu.vector_load %arg6[%get3A_550, %get3A_551, %get3A_552] {strides = array<i32>} : memref<2x32x1024xf32, #tpu.memory_space<vmem>>, vector<16xf32>,
              %add3A_554 = arith.addf %add3A_526, %get3A_553 : vector<16xf32>
              %get3A_555 = arith.constant 30 : i32
              %get3A_556 = arith.index_cast %while3A_75 : i32 to index
              %get3A_557 = arith.index_cast %get3A_555 : i32 to index
              %get3A_558 = arith.index_cast %mul3A_138 : i32 to index
              %get3A_559 = tpu.vector_load %arg6[%get3A_556, %get3A_557, %get3A_558] {strides = array<i32>} : memref<2x32x1024xf32, #tpu.memory_space<vmem>>, vector<16xf32>,
              %add3A_560 = arith.addf %add3A_532, %get3A_559 : vector<16xf32>
              %add3A_561 = arith.constant 16 : i32
              %add3A_562 = arith.addi %mul3A_138, %add3A_561 : i32
              %get3A_563 = arith.constant 30 : i32
              %get3A_564 = arith.index_cast %while3A_75 : i32 to index
              %get3A_565 = arith.index_cast %get3A_563 : i32 to index
              %get3A_566 = arith.index_cast %add3A_562 : i32 to index
              %get3A_567 = tpu.vector_load %arg6[%get3A_564, %get3A_565, %get3A_566] {strides = array<i32>} : memref<2x32x1024xf32, #tpu.memory_space<vmem>>, vector<16xf32>,
              %add3A_568 = arith.addf %add3A_540, %get3A_567 : vector<16xf32>
              %get3A_569 = arith.constant 31 : i32
              %get3A_570 = arith.index_cast %while3A_75 : i32 to index
              %get3A_571 = arith.index_cast %get3A_569 : i32 to index
              %get3A_572 = arith.index_cast %mul3A_138 : i32 to index
              %get3A_573 = tpu.vector_load %arg6[%get3A_570, %get3A_571, %get3A_572] {strides = array<i32>} : memref<2x32x1024xf32, #tpu.memory_space<vmem>>, vector<16xf32>,
              %add3A_574 = arith.addf %add3A_546, %get3A_573 : vector<16xf32>
              %add3A_575 = arith.constant 16 : i32
              %add3A_576 = arith.addi %mul3A_138, %add3A_575 : i32
              %get3A_577 = arith.constant 31 : i32
              %get3A_578 = arith.index_cast %while3A_75 : i32 to index
              %get3A_579 = arith.index_cast %get3A_577 : i32 to index
              %get3A_580 = arith.index_cast %add3A_576 : i32 to index
              %get3A_581 = tpu.vector_load %arg6[%get3A_578, %get3A_579, %get3A_580] {strides = array<i32>} : memref<2x32x1024xf32, #tpu.memory_space<vmem>>, vector<16xf32>,
              %add3A_582 = arith.addf %add3A_554, %get3A_581 : vector<16xf32>
              %add3A_583 = arith.addf %add3A_560, %add3A_574 : vector<16xf32>
              %add3A_584 = arith.addf %add3A_568, %add3A_582 : vector<16xf32>
              %swap3A = arith.index_cast %scan3A_33 : i32 to index
              %swap3A_585 = arith.index_cast %mul3A_138 : i32 to index
              %swap3A_586 = tpu.vector_load %arg7[%swap3A, %swap3A_585] {strides = array<i32>} : memref<16x1024xf32, #tpu.memory_space<vmem>>, vector<16xf32>,
              tpu.vector_store %arg7[%swap3A, %swap3A_585], %add3A_583 {add = true, strides = array<i32>} : memref<16x1024xf32, #tpu.memory_space<vmem>>, vector<16xf32>,
              %add3A_587 = arith.constant 16 : i32
              %add3A_588 = arith.addi %mul3A_138, %add3A_587 : i32
              %swap3A_589 = arith.index_cast %scan3A_33 : i32 to index
              %swap3A_590 = arith.index_cast %add3A_588 : i32 to index
              %swap3A_591 = tpu.vector_load %arg7[%swap3A_589, %swap3A_590] {strides = array<i32>} : memref<16x1024xf32, #tpu.memory_space<vmem>>, vector<16xf32>,
              tpu.vector_store %arg7[%swap3A_589, %swap3A_590], %add3A_584 {add = true, strides = array<i32>} : memref<16x1024xf32, #tpu.memory_space<vmem>>, vector<16xf32>,
              %scan3A_592 = arith.constant 0 : i32
              scf.yield %scan3A_592 : i32
            }
            %scan3A_134 = arith.constant 32 : i32
          } else {
          }
          %not3A_112 = arith.constant true
          %not3A_113 = arith.xori %eq3A_102, %not3A_112 : i1
          %and3A_114 = arith.andi %not3A_113, %eq3A_103 : i1
          %convert_element_type3A_115 = arith.extui %and3A_114 : i1 to i32
          %cond3A_116 = arith.constant 0 : i32
          %cond3A_117 = arith.cmpi ne, %convert_element_type3A_115, %cond3A_116 : i32
          scf.if %cond3A_117 {
            %scan3A_128 = arith.constant 0 : i32
            %scan3A_129 = arith.constant 0 : i32
            %scan3A_130 = arith.constant 32 : i32
            %scan3A_131 = arith.addi %scan3A_129, %scan3A_130 : i32
            %scan3A_132 = arith.constant 1 : i32
            %scan3A_133 = scf.for %scan3A_135 = %scan3A_129 to %scan3A_131 step %scan3A_132 iter_args(%scan3A_136 = %scan3A_128) -> (i32)  : i32 {
              %mul3A_137 = arith.constant 32 : i32
              %mul3A_138 = arith.muli %scan3A_135, %mul3A_137 : i32
              %jit3A = arith.constant 16 : i32
              %div3A_139 = arith.divsi %sub3A_101, %jit3A : i32
              %sign3A = arith.constant 0 : i32
              %sign3A_140 = arith.cmpi sgt, %sub3A_101, %sign3A : i32
              %sign3A_141 = arith.extui %sign3A_140 : i1 to i32
              %sign3A_142 = arith.constant 0 : i32
              %sign3A_143 = arith.cmpi slt, %sub3A_101, %sign3A_142 : i32
              %sign3A_144 = arith.extui %sign3A_143 : i1 to i32
              %sign3A_145 = arith.subi %sign3A_141, %sign3A_144 : i32
              %sign3A_146 = arith.constant 0 : i32
              %sign3A_147 = arith.cmpi sgt, %jit3A, %sign3A_146 : i32
              %sign3A_148 = arith.extui %sign3A_147 : i1 to i32
              %sign3A_149 = arith.constant 0 : i32
              %sign3A_150 = arith.cmpi slt, %jit3A, %sign3A_149 : i32
              %sign3A_151 = arith.extui %sign3A_150 : i1 to i32
              %sign3A_152 = arith.subi %sign3A_148, %sign3A_151 : i32
              %ne3A = arith.cmpi ne, %sign3A_145, %sign3A_152 : i32
              %rem3A_153 = arith.remsi %sub3A_101, %jit3A : i32
              %ne3A_154 = arith.constant 0 : i32
              %ne3A_155 = arith.cmpi ne, %rem3A_153, %ne3A_154 : i32
              %and3A_156 = arith.andi %ne3A, %ne3A_155 : i1
              %sub3A_157 = arith.constant 1 : i32
              %sub3A_158 = arith.subi %div3A_139, %sub3A_157 : i32
              %select_n3A = arith.select %and3A_156, %sub3A_158, %div3A_139 : i32
              %while3A_159 = arith.constant 0 : i32
              %while3A_160 = arith.subi %select_n3A, %while3A_159 : i32
              %while3A_161 = arith.addi %while3A_159, %while3A_160 : i32
              %while3A_162 = arith.constant 1 : i32
              %while3A_163 = arith.divsi %while3A_160, %while3A_162 : i32
              %while3A_164 = arith.muli %while3A_163, %while3A_162 : i32
              %while3A_165 = arith.addi %while3A_159, %while3A_164 : i32
              %while3A_166 = arith.constant 1 : i32
              %while3A_167:2 = scf.for %while3A_188 = %while3A_159 to %while3A_165 step %while3A_166 iter_args(%while3A_189 = %broadcast_in_dim3A_16, %while3A_190 = %broadcast_in_dim3A_16) -> (vector<16xf32>, vector<16xf32>)  : i32 {
                %mul3A_191 = arith.constant 16 : i32
                %mul3A_192 = arith.muli %while3A_188, %mul3A_191 : i32
                %add3A_193 = arith.addi %sub3A_99, %mul3A_192 : i32
                %add3A_194 = arith.constant 0 : i32
                %add3A_195 = arith.addi %add3A_193, %add3A_194 : i32
                %get3A_196 = arith.index_cast %while3A_75 : i32 to index
                %get3A_197 = arith.index_cast %add3A_195 : i32 to index
                %get3A_198 = arith.index_cast %mul3A_138 : i32 to index
                %get3A_199 = tpu.vector_load %arg6[%get3A_196, %get3A_197, %get3A_198] {strides = array<i32>} : memref<2x32x1024xf32, #tpu.memory_space<vmem>>, vector<16xf32>,
                %add3A_200 = arith.addf %while3A_189, %get3A_199 : vector<16xf32>
                %add3A_201 = arith.constant 0 : i32
                %add3A_202 = arith.addi %add3A_193, %add3A_201 : i32
                %add3A_203 = arith.constant 16 : i32
                %add3A_204 = arith.addi %mul3A_138, %add3A_203 : i32
                %get3A_205 = arith.index_cast %while3A_75 : i32 to index
                %get3A_206 = arith.index_cast %add3A_202 : i32 to index
                %get3A_207 = arith.index_cast %add3A_204 : i32 to index
                %get3A_208 = tpu.vector_load %arg6[%get3A_205, %get3A_206, %get3A_207] {strides = array<i32>} : memref<2x32x1024xf32, #tpu.memory_space<vmem>>, vector<16xf32>,
                %add3A_209 = arith.addf %while3A_190, %get3A_208 : vector<16xf32>
                %add3A_210 = arith.constant 1 : i32
                %add3A_211 = arith.addi %add3A_193, %add3A_210 : i32
                %get3A_212 = arith.index_cast %while3A_75 : i32 to index
                %get3A_213 = arith.index_cast %add3A_211 : i32 to index
                %get3A_214 = arith.index_cast %mul3A_138 : i32 to index
                %get3A_215 = tpu.vector_load %arg6[%get3A_212, %get3A_213, %get3A_214] {strides = array<i32>} : memref<2x32x1024xf32, #tpu.memory_space<vmem>>, vector<16xf32>,
                %add3A_216 = arith.addf %add3A_200, %get3A_215 : vector<16xf32>
                %add3A_217 = arith.constant 1 : i32
                %add3A_218 = arith.addi %add3A_193, %add3A_217 : i32
                %add3A_219 = arith.constant 16 : i32
                %add3A_220 = arith.addi %mul3A_138, %add3A_219 : i32
                %get3A_221 = arith.index_cast %while3A_75 : i32 to index
                %get3A_222 = arith.index_cast %add3A_218 : i32 to index
                %get3A_223 = arith.index_cast %add3A_220 : i32 to index
                %get3A_224 = tpu.vector_load %arg6[%get3A_221, %get3A_222, %get3A_223] {strides = array<i32>} : memref<2x32x1024xf32, #tpu.memory_space<vmem>>, vector<16xf32>,
                %add3A_225 = arith.addf %add3A_209, %get3A_224 : vector<16xf32>
                %add3A_226 = arith.constant 2 : i32
                %add3A_227 = arith.addi %add3A_193, %add3A_226 : i32
                %get3A_228 = arith.index_cast %while3A_75 : i32 to index
                %get3A_229 = arith.index_cast %add3A_227 : i32 to index
                %get3A_230 = arith.index_cast %mul3A_138 : i32 to index
                %get3A_231 = tpu.vector_load %arg6[%get3A_228, %get3A_229, %get3A_230] {strides = array<i32>} : memref<2x32x1024xf32, #tpu.memory_space<vmem>>, vector<16xf32>,
                %add3A_232 = arith.addf %add3A_216, %get3A_231 : vector<16xf32>
                %add3A_233 = arith.constant 2 : i32
                %add3A_234 = arith.addi %add3A_193, %add3A_233 : i32
                %add3A_235 = arith.constant 16 : i32
                %add3A_236 = arith.addi %mul3A_138, %add3A_235 : i32
                %get3A_237 = arith.index_cast %while3A_75 : i32 to index
                %get3A_238 = arith.index_cast %add3A_234 : i32 to index
                %get3A_239 = arith.index_cast %add3A_236 : i32 to index
                %get3A_240 = tpu.vector_load %arg6[%get3A_237, %get3A_238, %get3A_239] {strides = array<i32>} : memref<2x32x1024xf32, #tpu.memory_space<vmem>>, vector<16xf32>,
                %add3A_241 = arith.addf %add3A_225, %get3A_240 : vector<16xf32>
                %add3A_242 = arith.constant 3 : i32
                %add3A_243 = arith.addi %add3A_193, %add3A_242 : i32
                %get3A_244 = arith.index_cast %while3A_75 : i32 to index
                %get3A_245 = arith.index_cast %add3A_243 : i32 to index
                %get3A_246 = arith.index_cast %mul3A_138 : i32 to index
                %get3A_247 = tpu.vector_load %arg6[%get3A_244, %get3A_245, %get3A_246] {strides = array<i32>} : memref<2x32x1024xf32, #tpu.memory_space<vmem>>, vector<16xf32>,
                %add3A_248 = arith.addf %add3A_232, %get3A_247 : vector<16xf32>
                %add3A_249 = arith.constant 3 : i32
                %add3A_250 = arith.addi %add3A_193, %add3A_249 : i32
                %add3A_251 = arith.constant 16 : i32
                %add3A_252 = arith.addi %mul3A_138, %add3A_251 : i32
                %get3A_253 = arith.index_cast %while3A_75 : i32 to index
                %get3A_254 = arith.index_cast %add3A_250 : i32 to index
                %get3A_255 = arith.index_cast %add3A_252 : i32 to index
                %get3A_256 = tpu.vector_load %arg6[%get3A_253, %get3A_254, %get3A_255] {strides = array<i32>} : memref<2x32x1024xf32, #tpu.memory_space<vmem>>, vector<16xf32>,
                %add3A_257 = arith.addf %add3A_241, %get3A_256 : vector<16xf32>
                %add3A_258 = arith.constant 4 : i32
                %add3A_259 = arith.addi %add3A_193, %add3A_258 : i32
                %get3A_260 = arith.index_cast %while3A_75 : i32 to index
                %get3A_261 = arith.index_cast %add3A_259 : i32 to index
                %get3A_262 = arith.index_cast %mul3A_138 : i32 to index
                %get3A_263 = tpu.vector_load %arg6[%get3A_260, %get3A_261, %get3A_262] {strides = array<i32>} : memref<2x32x1024xf32, #tpu.memory_space<vmem>>, vector<16xf32>,
                %add3A_264 = arith.addf %add3A_248, %get3A_263 : vector<16xf32>
                %add3A_265 = arith.constant 4 : i32
                %add3A_266 = arith.addi %add3A_193, %add3A_265 : i32
                %add3A_267 = arith.constant 16 : i32
                %add3A_268 = arith.addi %mul3A_138, %add3A_267 : i32
                %get3A_269 = arith.index_cast %while3A_75 : i32 to index
                %get3A_270 = arith.index_cast %add3A_266 : i32 to index
                %get3A_271 = arith.index_cast %add3A_268 : i32 to index
                %get3A_272 = tpu.vector_load %arg6[%get3A_269, %get3A_270, %get3A_271] {strides = array<i32>} : memref<2x32x1024xf32, #tpu.memory_space<vmem>>, vector<16xf32>,
                %add3A_273 = arith.addf %add3A_257, %get3A_272 : vector<16xf32>
                %add3A_274 = arith.constant 5 : i32
                %add3A_275 = arith.addi %add3A_193, %add3A_274 : i32
                %get3A_276 = arith.index_cast %while3A_75 : i32 to index
                %get3A_277 = arith.index_cast %add3A_275 : i32 to index
                %get3A_278 = arith.index_cast %mul3A_138 : i32 to index
                %get3A_279 = tpu.vector_load %arg6[%get3A_276, %get3A_277, %get3A_278] {strides = array<i32>} : memref<2x32x1024xf32, #tpu.memory_space<vmem>>, vector<16xf32>,
                %add3A_280 = arith.addf %add3A_264, %get3A_279 : vector<16xf32>
                %add3A_281 = arith.constant 5 : i32
                %add3A_282 = arith.addi %add3A_193, %add3A_281 : i32
                %add3A_283 = arith.constant 16 : i32
                %add3A_284 = arith.addi %mul3A_138, %add3A_283 : i32
                %get3A_285 = arith.index_cast %while3A_75 : i32 to index
                %get3A_286 = arith.index_cast %add3A_282 : i32 to index
                %get3A_287 = arith.index_cast %add3A_284 : i32 to index
                %get3A_288 = tpu.vector_load %arg6[%get3A_285, %get3A_286, %get3A_287] {strides = array<i32>} : memref<2x32x1024xf32, #tpu.memory_space<vmem>>, vector<16xf32>,
                %add3A_289 = arith.addf %add3A_273, %get3A_288 : vector<16xf32>
                %add3A_290 = arith.constant 6 : i32
                %add3A_291 = arith.addi %add3A_193, %add3A_290 : i32
                %get3A_292 = arith.index_cast %while3A_75 : i32 to index
                %get3A_293 = arith.index_cast %add3A_291 : i32 to index
                %get3A_294 = arith.index_cast %mul3A_138 : i32 to index
                %get3A_295 = tpu.vector_load %arg6[%get3A_292, %get3A_293, %get3A_294] {strides = array<i32>} : memref<2x32x1024xf32, #tpu.memory_space<vmem>>, vector<16xf32>,
                %add3A_296 = arith.addf %add3A_280, %get3A_295 : vector<16xf32>
                %add3A_297 = arith.constant 6 : i32
                %add3A_298 = arith.addi %add3A_193, %add3A_297 : i32
                %add3A_299 = arith.constant 16 : i32
                %add3A_300 = arith.addi %mul3A_138, %add3A_299 : i32
                %get3A_301 = arith.index_cast %while3A_75 : i32 to index
                %get3A_302 = arith.index_cast %add3A_298 : i32 to index
                %get3A_303 = arith.index_cast %add3A_300 : i32 to index
                %get3A_304 = tpu.vector_load %arg6[%get3A_301, %get3A_302, %get3A_303] {strides = array<i32>} : memref<2x32x1024xf32, #tpu.memory_space<vmem>>, vector<16xf32>,
                %add3A_305 = arith.addf %add3A_289, %get3A_304 : vector<16xf32>
                %add3A_306 = arith.constant 7 : i32
                %add3A_307 = arith.addi %add3A_193, %add3A_306 : i32
                %get3A_308 = arith.index_cast %while3A_75 : i32 to index
                %get3A_309 = arith.index_cast %add3A_307 : i32 to index
                %get3A_310 = arith.index_cast %mul3A_138 : i32 to index
                %get3A_311 = tpu.vector_load %arg6[%get3A_308, %get3A_309, %get3A_310] {strides = array<i32>} : memref<2x32x1024xf32, #tpu.memory_space<vmem>>, vector<16xf32>,
                %add3A_312 = arith.addf %add3A_296, %get3A_311 : vector<16xf32>
                %add3A_313 = arith.constant 7 : i32
                %add3A_314 = arith.addi %add3A_193, %add3A_313 : i32
                %add3A_315 = arith.constant 16 : i32
                %add3A_316 = arith.addi %mul3A_138, %add3A_315 : i32
                %get3A_317 = arith.index_cast %while3A_75 : i32 to index
                %get3A_318 = arith.index_cast %add3A_314 : i32 to index
                %get3A_319 = arith.index_cast %add3A_316 : i32 to index
                %get3A_320 = tpu.vector_load %arg6[%get3A_317, %get3A_318, %get3A_319] {strides = array<i32>} : memref<2x32x1024xf32, #tpu.memory_space<vmem>>, vector<16xf32>,
                %add3A_321 = arith.addf %add3A_305, %get3A_320 : vector<16xf32>
                %add3A_322 = arith.constant 8 : i32
                %add3A_323 = arith.addi %add3A_193, %add3A_322 : i32
                %get3A_324 = arith.index_cast %while3A_75 : i32 to index
                %get3A_325 = arith.index_cast %add3A_323 : i32 to index
                %get3A_326 = arith.index_cast %mul3A_138 : i32 to index
                %get3A_327 = tpu.vector_load %arg6[%get3A_324, %get3A_325, %get3A_326] {strides = array<i32>} : memref<2x32x1024xf32, #tpu.memory_space<vmem>>, vector<16xf32>,
                %add3A_328 = arith.addf %add3A_312, %get3A_327 : vector<16xf32>
                %add3A_329 = arith.constant 8 : i32
                %add3A_330 = arith.addi %add3A_193, %add3A_329 : i32
                %add3A_331 = arith.constant 16 : i32
                %add3A_332 = arith.addi %mul3A_138, %add3A_331 : i32
                %get3A_333 = arith.index_cast %while3A_75 : i32 to index
                %get3A_334 = arith.index_cast %add3A_330 : i32 to index
                %get3A_335 = arith.index_cast %add3A_332 : i32 to index
                %get3A_336 = tpu.vector_load %arg6[%get3A_333, %get3A_334, %get3A_335] {strides = array<i32>} : memref<2x32x1024xf32, #tpu.memory_space<vmem>>, vector<16xf32>,
                %add3A_337 = arith.addf %add3A_321, %get3A_336 : vector<16xf32>
                %add3A_338 = arith.constant 9 : i32
                %add3A_339 = arith.addi %add3A_193, %add3A_338 : i32
                %get3A_340 = arith.index_cast %while3A_75 : i32 to index
                %get3A_341 = arith.index_cast %add3A_339 : i32 to index
                %get3A_342 = arith.index_cast %mul3A_138 : i32 to index
                %get3A_343 = tpu.vector_load %arg6[%get3A_340, %get3A_341, %get3A_342] {strides = array<i32>} : memref<2x32x1024xf32, #tpu.memory_space<vmem>>, vector<16xf32>,
                %add3A_344 = arith.addf %add3A_328, %get3A_343 : vector<16xf32>
                %add3A_345 = arith.constant 9 : i32
                %add3A_346 = arith.addi %add3A_193, %add3A_345 : i32
                %add3A_347 = arith.constant 16 : i32
                %add3A_348 = arith.addi %mul3A_138, %add3A_347 : i32
                %get3A_349 = arith.index_cast %while3A_75 : i32 to index
                %get3A_350 = arith.index_cast %add3A_346 : i32 to index
                %get3A_351 = arith.index_cast %add3A_348 : i32 to index
                %get3A_352 = tpu.vector_load %arg6[%get3A_349, %get3A_350, %get3A_351] {strides = array<i32>} : memref<2x32x1024xf32, #tpu.memory_space<vmem>>, vector<16xf32>,
                %add3A_353 = arith.addf %add3A_337, %get3A_352 : vector<16xf32>
                %add3A_354 = arith.constant 10 : i32
                %add3A_355 = arith.addi %add3A_193, %add3A_354 : i32
                %get3A_356 = arith.index_cast %while3A_75 : i32 to index
                %get3A_357 = arith.index_cast %add3A_355 : i32 to index
                %get3A_358 = arith.index_cast %mul3A_138 : i32 to index
                %get3A_359 = tpu.vector_load %arg6[%get3A_356, %get3A_357, %get3A_358] {strides = array<i32>} : memref<2x32x1024xf32, #tpu.memory_space<vmem>>, vector<16xf32>,
                %add3A_360 = arith.addf %add3A_344, %get3A_359 : vector<16xf32>
                %add3A_361 = arith.constant 10 : i32
                %add3A_362 = arith.addi %add3A_193, %add3A_361 : i32
                %add3A_363 = arith.constant 16 : i32
                %add3A_364 = arith.addi %mul3A_138, %add3A_363 : i32
                %get3A_365 = arith.index_cast %while3A_75 : i32 to index
                %get3A_366 = arith.index_cast %add3A_362 : i32 to index
                %get3A_367 = arith.index_cast %add3A_364 : i32 to index
                %get3A_368 = tpu.vector_load %arg6[%get3A_365, %get3A_366, %get3A_367] {strides = array<i32>} : memref<2x32x1024xf32, #tpu.memory_space<vmem>>, vector<16xf32>,
                %add3A_369 = arith.addf %add3A_353, %get3A_368 : vector<16xf32>
                %add3A_370 = arith.constant 11 : i32
                %add3A_371 = arith.addi %add3A_193, %add3A_370 : i32
                %get3A_372 = arith.index_cast %while3A_75 : i32 to index
                %get3A_373 = arith.index_cast %add3A_371 : i32 to index
                %get3A_374 = arith.index_cast %mul3A_138 : i32 to index
                %get3A_375 = tpu.vector_load %arg6[%get3A_372, %get3A_373, %get3A_374] {strides = array<i32>} : memref<2x32x1024xf32, #tpu.memory_space<vmem>>, vector<16xf32>,
                %add3A_376 = arith.addf %add3A_360, %get3A_375 : vector<16xf32>
                %add3A_377 = arith.constant 11 : i32
                %add3A_378 = arith.addi %add3A_193, %add3A_377 : i32
                %add3A_379 = arith.constant 16 : i32
                %add3A_380 = arith.addi %mul3A_138, %add3A_379 : i32
                %get3A_381 = arith.index_cast %while3A_75 : i32 to index
                %get3A_382 = arith.index_cast %add3A_378 : i32 to index
                %get3A_383 = arith.index_cast %add3A_380 : i32 to index
                %get3A_384 = tpu.vector_load %arg6[%get3A_381, %get3A_382, %get3A_383] {strides = array<i32>} : memref<2x32x1024xf32, #tpu.memory_space<vmem>>, vector<16xf32>,
                %add3A_385 = arith.addf %add3A_369, %get3A_384 : vector<16xf32>
                %add3A_386 = arith.constant 12 : i32
                %add3A_387 = arith.addi %add3A_193, %add3A_386 : i32
                %get3A_388 = arith.index_cast %while3A_75 : i32 to index
                %get3A_389 = arith.index_cast %add3A_387 : i32 to index
                %get3A_390 = arith.index_cast %mul3A_138 : i32 to index
                %get3A_391 = tpu.vector_load %arg6[%get3A_388, %get3A_389, %get3A_390] {strides = array<i32>} : memref<2x32x1024xf32, #tpu.memory_space<vmem>>, vector<16xf32>,
                %add3A_392 = arith.addf %add3A_376, %get3A_391 : vector<16xf32>
                %add3A_393 = arith.constant 12 : i32
                %add3A_394 = arith.addi %add3A_193, %add3A_393 : i32
                %add3A_395 = arith.constant 16 : i32
                %add3A_396 = arith.addi %mul3A_138, %add3A_395 : i32
                %get3A_397 = arith.index_cast %while3A_75 : i32 to index
                %get3A_398 = arith.index_cast %add3A_394 : i32 to index
                %get3A_399 = arith.index_cast %add3A_396 : i32 to index
                %get3A_400 = tpu.vector_load %arg6[%get3A_397, %get3A_398, %get3A_399] {strides = array<i32>} : memref<2x32x1024xf32, #tpu.memory_space<vmem>>, vector<16xf32>,
                %add3A_401 = arith.addf %add3A_385, %get3A_400 : vector<16xf32>
                %add3A_402 = arith.constant 13 : i32
                %add3A_403 = arith.addi %add3A_193, %add3A_402 : i32
                %get3A_404 = arith.index_cast %while3A_75 : i32 to index
                %get3A_405 = arith.index_cast %add3A_403 : i32 to index
                %get3A_406 = arith.index_cast %mul3A_138 : i32 to index
                %get3A_407 = tpu.vector_load %arg6[%get3A_404, %get3A_405, %get3A_406] {strides = array<i32>} : memref<2x32x1024xf32, #tpu.memory_space<vmem>>, vector<16xf32>,
                %add3A_408 = arith.addf %add3A_392, %get3A_407 : vector<16xf32>
                %add3A_409 = arith.constant 13 : i32
                %add3A_410 = arith.addi %add3A_193, %add3A_409 : i32
                %add3A_411 = arith.constant 16 : i32
                %add3A_412 = arith.addi %mul3A_138, %add3A_411 : i32
                %get3A_413 = arith.index_cast %while3A_75 : i32 to index
                %get3A_414 = arith.index_cast %add3A_410 : i32 to index
                %get3A_415 = arith.index_cast %add3A_412 : i32 to index
                %get3A_416 = tpu.vector_load %arg6[%get3A_413, %get3A_414, %get3A_415] {strides = array<i32>} : memref<2x32x1024xf32, #tpu.memory_space<vmem>>, vector<16xf32>,
                %add3A_417 = arith.addf %add3A_401, %get3A_416 : vector<16xf32>
                %add3A_418 = arith.constant 14 : i32
                %add3A_419 = arith.addi %add3A_193, %add3A_418 : i32
                %get3A_420 = arith.index_cast %while3A_75 : i32 to index
                %get3A_421 = arith.index_cast %add3A_419 : i32 to index
                %get3A_422 = arith.index_cast %mul3A_138 : i32 to index
                %get3A_423 = tpu.vector_load %arg6[%get3A_420, %get3A_421, %get3A_422] {strides = array<i32>} : memref<2x32x1024xf32, #tpu.memory_space<vmem>>, vector<16xf32>,
                %add3A_424 = arith.addf %add3A_408, %get3A_423 : vector<16xf32>
                %add3A_425 = arith.constant 14 : i32
                %add3A_426 = arith.addi %add3A_193, %add3A_425 : i32
                %add3A_427 = arith.constant 16 : i32
                %add3A_428 = arith.addi %mul3A_138, %add3A_427 : i32
                %get3A_429 = arith.index_cast %while3A_75 : i32 to index
                %get3A_430 = arith.index_cast %add3A_426 : i32 to index
                %get3A_431 = arith.index_cast %add3A_428 : i32 to index
                %get3A_432 = tpu.vector_load %arg6[%get3A_429, %get3A_430, %get3A_431] {strides = array<i32>} : memref<2x32x1024xf32, #tpu.memory_space<vmem>>, vector<16xf32>,
                %add3A_433 = arith.addf %add3A_417, %get3A_432 : vector<16xf32>
                %add3A_434 = arith.constant 15 : i32
                %add3A_435 = arith.addi %add3A_193, %add3A_434 : i32
                %get3A_436 = arith.index_cast %while3A_75 : i32 to index
                %get3A_437 = arith.index_cast %add3A_435 : i32 to index
                %get3A_438 = arith.index_cast %mul3A_138 : i32 to index
                %get3A_439 = tpu.vector_load %arg6[%get3A_436, %get3A_437, %get3A_438] {strides = array<i32>} : memref<2x32x1024xf32, #tpu.memory_space<vmem>>, vector<16xf32>,
                %add3A_440 = arith.addf %add3A_424, %get3A_439 : vector<16xf32>
                %add3A_441 = arith.constant 15 : i32
                %add3A_442 = arith.addi %add3A_193, %add3A_441 : i32
                %add3A_443 = arith.constant 16 : i32
                %add3A_444 = arith.addi %mul3A_138, %add3A_443 : i32
                %get3A_445 = arith.index_cast %while3A_75 : i32 to index
                %get3A_446 = arith.index_cast %add3A_442 : i32 to index
                %get3A_447 = arith.index_cast %add3A_444 : i32 to index
                %get3A_448 = tpu.vector_load %arg6[%get3A_445, %get3A_446, %get3A_447] {strides = array<i32>} : memref<2x32x1024xf32, #tpu.memory_space<vmem>>, vector<16xf32>,
                %add3A_449 = arith.addf %add3A_433, %get3A_448 : vector<16xf32>
                scf.yield %add3A_440, %add3A_449 : vector<16xf32>, vector<16xf32>
              }
              %while3A_168 = arith.constant 1 : i32
              %while3A_169:2 = scf.for %while3A_188 = %while3A_165 to %while3A_161 step %while3A_168 iter_args(%while3A_189 = %while3A_167#0, %while3A_190 = %while3A_167#1) -> (vector<16xf32>, vector<16xf32>)  : i32 {
                %mul3A_191 = arith.constant 16 : i32
                %mul3A_192 = arith.muli %while3A_188, %mul3A_191 : i32
                %add3A_193 = arith.addi %sub3A_99, %mul3A_192 : i32
                %add3A_194 = arith.constant 0 : i32
                %add3A_195 = arith.addi %add3A_193, %add3A_194 : i32
                %get3A_196 = arith.index_cast %while3A_75 : i32 to index
                %get3A_197 = arith.index_cast %add3A_195 : i32 to index
                %get3A_198 = arith.index_cast %mul3A_138 : i32 to index
                %get3A_199 = tpu.vector_load %arg6[%get3A_196, %get3A_197, %get3A_198] {strides = array<i32>} : memref<2x32x1024xf32, #tpu.memory_space<vmem>>, vector<16xf32>,
                %add3A_200 = arith.addf %while3A_189, %get3A_199 : vector<16xf32>
                %add3A_201 = arith.constant 0 : i32
                %add3A_202 = arith.addi %add3A_193, %add3A_201 : i32
                %add3A_203 = arith.constant 16 : i32
                %add3A_204 = arith.addi %mul3A_138, %add3A_203 : i32
                %get3A_205 = arith.index_cast %while3A_75 : i32 to index
                %get3A_206 = arith.index_cast %add3A_202 : i32 to index
                %get3A_207 = arith.index_cast %add3A_204 : i32 to index
                %get3A_208 = tpu.vector_load %arg6[%get3A_205, %get3A_206, %get3A_207] {strides = array<i32>} : memref<2x32x1024xf32, #tpu.memory_space<vmem>>, vector<16xf32>,
                %add3A_209 = arith.addf %while3A_190, %get3A_208 : vector<16xf32>
                %add3A_210 = arith.constant 1 : i32
                %add3A_211 = arith.addi %add3A_193, %add3A_210 : i32
                %get3A_212 = arith.index_cast %while3A_75 : i32 to index
                %get3A_213 = arith.index_cast %add3A_211 : i32 to index
                %get3A_214 = arith.index_cast %mul3A_138 : i32 to index
                %get3A_215 = tpu.vector_load %arg6[%get3A_212, %get3A_213, %get3A_214] {strides = array<i32>} : memref<2x32x1024xf32, #tpu.memory_space<vmem>>, vector<16xf32>,
                %add3A_216 = arith.addf %add3A_200, %get3A_215 : vector<16xf32>
                %add3A_217 = arith.constant 1 : i32
                %add3A_218 = arith.addi %add3A_193, %add3A_217 : i32
                %add3A_219 = arith.constant 16 : i32
                %add3A_220 = arith.addi %mul3A_138, %add3A_219 : i32
                %get3A_221 = arith.index_cast %while3A_75 : i32 to index
                %get3A_222 = arith.index_cast %add3A_218 : i32 to index
                %get3A_223 = arith.index_cast %add3A_220 : i32 to index
                %get3A_224 = tpu.vector_load %arg6[%get3A_221, %get3A_222, %get3A_223] {strides = array<i32>} : memref<2x32x1024xf32, #tpu.memory_space<vmem>>, vector<16xf32>,
                %add3A_225 = arith.addf %add3A_209, %get3A_224 : vector<16xf32>
                %add3A_226 = arith.constant 2 : i32
                %add3A_227 = arith.addi %add3A_193, %add3A_226 : i32
                %get3A_228 = arith.index_cast %while3A_75 : i32 to index
                %get3A_229 = arith.index_cast %add3A_227 : i32 to index
                %get3A_230 = arith.index_cast %mul3A_138 : i32 to index
                %get3A_231 = tpu.vector_load %arg6[%get3A_228, %get3A_229, %get3A_230] {strides = array<i32>} : memref<2x32x1024xf32, #tpu.memory_space<vmem>>, vector<16xf32>,
                %add3A_232 = arith.addf %add3A_216, %get3A_231 : vector<16xf32>
                %add3A_233 = arith.constant 2 : i32
                %add3A_234 = arith.addi %add3A_193, %add3A_233 : i32
                %add3A_235 = arith.constant 16 : i32
                %add3A_236 = arith.addi %mul3A_138, %add3A_235 : i32
                %get3A_237 = arith.index_cast %while3A_75 : i32 to index
                %get3A_238 = arith.index_cast %add3A_234 : i32 to index
                %get3A_239 = arith.index_cast %add3A_236 : i32 to index
                %get3A_240 = tpu.vector_load %arg6[%get3A_237, %get3A_238, %get3A_239] {strides = array<i32>} : memref<2x32x1024xf32, #tpu.memory_space<vmem>>, vector<16xf32>,
                %add3A_241 = arith.addf %add3A_225, %get3A_240 : vector<16xf32>
                %add3A_242 = arith.constant 3 : i32
                %add3A_243 = arith.addi %add3A_193, %add3A_242 : i32
                %get3A_244 = arith.index_cast %while3A_75 : i32 to index
                %get3A_245 = arith.index_cast %add3A_243 : i32 to index
                %get3A_246 = arith.index_cast %mul3A_138 : i32 to index
                %get3A_247 = tpu.vector_load %arg6[%get3A_244, %get3A_245, %get3A_246] {strides = array<i32>} : memref<2x32x1024xf32, #tpu.memory_space<vmem>>, vector<16xf32>,
                %add3A_248 = arith.addf %add3A_232, %get3A_247 : vector<16xf32>
                %add3A_249 = arith.constant 3 : i32
                %add3A_250 = arith.addi %add3A_193, %add3A_249 : i32
                %add3A_251 = arith.constant 16 : i32
                %add3A_252 = arith.addi %mul3A_138, %add3A_251 : i32
                %get3A_253 = arith.index_cast %while3A_75 : i32 to index
                %get3A_254 = arith.index_cast %add3A_250 : i32 to index
                %get3A_255 = arith.index_cast %add3A_252 : i32 to index
                %get3A_256 = tpu.vector_load %arg6[%get3A_253, %get3A_254, %get3A_255] {strides = array<i32>} : memref<2x32x1024xf32, #tpu.memory_space<vmem>>, vector<16xf32>,
                %add3A_257 = arith.addf %add3A_241, %get3A_256 : vector<16xf32>
                %add3A_258 = arith.constant 4 : i32
                %add3A_259 = arith.addi %add3A_193, %add3A_258 : i32
                %get3A_260 = arith.index_cast %while3A_75 : i32 to index
                %get3A_261 = arith.index_cast %add3A_259 : i32 to index
                %get3A_262 = arith.index_cast %mul3A_138 : i32 to index
                %get3A_263 = tpu.vector_load %arg6[%get3A_260, %get3A_261, %get3A_262] {strides = array<i32>} : memref<2x32x1024xf32, #tpu.memory_space<vmem>>, vector<16xf32>,
                %add3A_264 = arith.addf %add3A_248, %get3A_263 : vector<16xf32>
                %add3A_265 = arith.constant 4 : i32
                %add3A_266 = arith.addi %add3A_193, %add3A_265 : i32
                %add3A_267 = arith.constant 16 : i32
                %add3A_268 = arith.addi %mul3A_138, %add3A_267 : i32
                %get3A_269 = arith.index_cast %while3A_75 : i32 to index
                %get3A_270 = arith.index_cast %add3A_266 : i32 to index
                %get3A_271 = arith.index_cast %add3A_268 : i32 to index
                %get3A_272 = tpu.vector_load %arg6[%get3A_269, %get3A_270, %get3A_271] {strides = array<i32>} : memref<2x32x1024xf32, #tpu.memory_space<vmem>>, vector<16xf32>,
                %add3A_273 = arith.addf %add3A_257, %get3A_272 : vector<16xf32>
                %add3A_274 = arith.constant 5 : i32
                %add3A_275 = arith.addi %add3A_193, %add3A_274 : i32
                %get3A_276 = arith.index_cast %while3A_75 : i32 to index
                %get3A_277 = arith.index_cast %add3A_275 : i32 to index
                %get3A_278 = arith.index_cast %mul3A_138 : i32 to index
                %get3A_279 = tpu.vector_load %arg6[%get3A_276, %get3A_277, %get3A_278] {strides = array<i32>} : memref<2x32x1024xf32, #tpu.memory_space<vmem>>, vector<16xf32>,
                %add3A_280 = arith.addf %add3A_264, %get3A_279 : vector<16xf32>
                %add3A_281 = arith.constant 5 : i32
                %add3A_282 = arith.addi %add3A_193, %add3A_281 : i32
                %add3A_283 = arith.constant 16 : i32
                %add3A_284 = arith.addi %mul3A_138, %add3A_283 : i32
                %get3A_285 = arith.index_cast %while3A_75 : i32 to index
                %get3A_286 = arith.index_cast %add3A_282 : i32 to index
                %get3A_287 = arith.index_cast %add3A_284 : i32 to index
                %get3A_288 = tpu.vector_load %arg6[%get3A_285, %get3A_286, %get3A_287] {strides = array<i32>} : memref<2x32x1024xf32, #tpu.memory_space<vmem>>, vector<16xf32>,
                %add3A_289 = arith.addf %add3A_273, %get3A_288 : vector<16xf32>
                %add3A_290 = arith.constant 6 : i32
                %add3A_291 = arith.addi %add3A_193, %add3A_290 : i32
                %get3A_292 = arith.index_cast %while3A_75 : i32 to index
                %get3A_293 = arith.index_cast %add3A_291 : i32 to index
                %get3A_294 = arith.index_cast %mul3A_138 : i32 to index
                %get3A_295 = tpu.vector_load %arg6[%get3A_292, %get3A_293, %get3A_294] {strides = array<i32>} : memref<2x32x1024xf32, #tpu.memory_space<vmem>>, vector<16xf32>,
                %add3A_296 = arith.addf %add3A_280, %get3A_295 : vector<16xf32>
                %add3A_297 = arith.constant 6 : i32
                %add3A_298 = arith.addi %add3A_193, %add3A_297 : i32
                %add3A_299 = arith.constant 16 : i32
                %add3A_300 = arith.addi %mul3A_138, %add3A_299 : i32
                %get3A_301 = arith.index_cast %while3A_75 : i32 to index
                %get3A_302 = arith.index_cast %add3A_298 : i32 to index
                %get3A_303 = arith.index_cast %add3A_300 : i32 to index
                %get3A_304 = tpu.vector_load %arg6[%get3A_301, %get3A_302, %get3A_303] {strides = array<i32>} : memref<2x32x1024xf32, #tpu.memory_space<vmem>>, vector<16xf32>,
                %add3A_305 = arith.addf %add3A_289, %get3A_304 : vector<16xf32>
                %add3A_306 = arith.constant 7 : i32
                %add3A_307 = arith.addi %add3A_193, %add3A_306 : i32
                %get3A_308 = arith.index_cast %while3A_75 : i32 to index
                %get3A_309 = arith.index_cast %add3A_307 : i32 to index
                %get3A_310 = arith.index_cast %mul3A_138 : i32 to index
                %get3A_311 = tpu.vector_load %arg6[%get3A_308, %get3A_309, %get3A_310] {strides = array<i32>} : memref<2x32x1024xf32, #tpu.memory_space<vmem>>, vector<16xf32>,
                %add3A_312 = arith.addf %add3A_296, %get3A_311 : vector<16xf32>
                %add3A_313 = arith.constant 7 : i32
                %add3A_314 = arith.addi %add3A_193, %add3A_313 : i32
                %add3A_315 = arith.constant 16 : i32
                %add3A_316 = arith.addi %mul3A_138, %add3A_315 : i32
                %get3A_317 = arith.index_cast %while3A_75 : i32 to index
                %get3A_318 = arith.index_cast %add3A_314 : i32 to index
                %get3A_319 = arith.index_cast %add3A_316 : i32 to index
                %get3A_320 = tpu.vector_load %arg6[%get3A_317, %get3A_318, %get3A_319] {strides = array<i32>} : memref<2x32x1024xf32, #tpu.memory_space<vmem>>, vector<16xf32>,
                %add3A_321 = arith.addf %add3A_305, %get3A_320 : vector<16xf32>
                %add3A_322 = arith.constant 8 : i32
                %add3A_323 = arith.addi %add3A_193, %add3A_322 : i32
                %get3A_324 = arith.index_cast %while3A_75 : i32 to index
                %get3A_325 = arith.index_cast %add3A_323 : i32 to index
                %get3A_326 = arith.index_cast %mul3A_138 : i32 to index
                %get3A_327 = tpu.vector_load %arg6[%get3A_324, %get3A_325, %get3A_326] {strides = array<i32>} : memref<2x32x1024xf32, #tpu.memory_space<vmem>>, vector<16xf32>,
                %add3A_328 = arith.addf %add3A_312, %get3A_327 : vector<16xf32>
                %add3A_329 = arith.constant 8 : i32
                %add3A_330 = arith.addi %add3A_193, %add3A_329 : i32
                %add3A_331 = arith.constant 16 : i32
                %add3A_332 = arith.addi %mul3A_138, %add3A_331 : i32
                %get3A_333 = arith.index_cast %while3A_75 : i32 to index
                %get3A_334 = arith.index_cast %add3A_330 : i32 to index
                %get3A_335 = arith.index_cast %add3A_332 : i32 to index
                %get3A_336 = tpu.vector_load %arg6[%get3A_333, %get3A_334, %get3A_335] {strides = array<i32>} : memref<2x32x1024xf32, #tpu.memory_space<vmem>>, vector<16xf32>,
                %add3A_337 = arith.addf %add3A_321, %get3A_336 : vector<16xf32>
                %add3A_338 = arith.constant 9 : i32
                %add3A_339 = arith.addi %add3A_193, %add3A_338 : i32
                %get3A_340 = arith.index_cast %while3A_75 : i32 to index
                %get3A_341 = arith.index_cast %add3A_339 : i32 to index
                %get3A_342 = arith.index_cast %mul3A_138 : i32 to index
                %get3A_343 = tpu.vector_load %arg6[%get3A_340, %get3A_341, %get3A_342] {strides = array<i32>} : memref<2x32x1024xf32, #tpu.memory_space<vmem>>, vector<16xf32>,
                %add3A_344 = arith.addf %add3A_328, %get3A_343 : vector<16xf32>
                %add3A_345 = arith.constant 9 : i32
                %add3A_346 = arith.addi %add3A_193, %add3A_345 : i32
                %add3A_347 = arith.constant 16 : i32
                %add3A_348 = arith.addi %mul3A_138, %add3A_347 : i32
                %get3A_349 = arith.index_cast %while3A_75 : i32 to index
                %get3A_350 = arith.index_cast %add3A_346 : i32 to index
                %get3A_351 = arith.index_cast %add3A_348 : i32 to index
                %get3A_352 = tpu.vector_load %arg6[%get3A_349, %get3A_350, %get3A_351] {strides = array<i32>} : memref<2x32x1024xf32, #tpu.memory_space<vmem>>, vector<16xf32>,
                %add3A_353 = arith.addf %add3A_337, %get3A_352 : vector<16xf32>
                %add3A_354 = arith.constant 10 : i32
                %add3A_355 = arith.addi %add3A_193, %add3A_354 : i32
                %get3A_356 = arith.index_cast %while3A_75 : i32 to index
                %get3A_357 = arith.index_cast %add3A_355 : i32 to index
                %get3A_358 = arith.index_cast %mul3A_138 : i32 to index
                %get3A_359 = tpu.vector_load %arg6[%get3A_356, %get3A_357, %get3A_358] {strides = array<i32>} : memref<2x32x1024xf32, #tpu.memory_space<vmem>>, vector<16xf32>,
                %add3A_360 = arith.addf %add3A_344, %get3A_359 : vector<16xf32>
                %add3A_361 = arith.constant 10 : i32
                %add3A_362 = arith.addi %add3A_193, %add3A_361 : i32
                %add3A_363 = arith.constant 16 : i32
                %add3A_364 = arith.addi %mul3A_138, %add3A_363 : i32
                %get3A_365 = arith.index_cast %while3A_75 : i32 to index
                %get3A_366 = arith.index_cast %add3A_362 : i32 to index
                %get3A_367 = arith.index_cast %add3A_364 : i32 to index
                %get3A_368 = tpu.vector_load %arg6[%get3A_365, %get3A_366, %get3A_367] {strides = array<i32>} : memref<2x32x1024xf32, #tpu.memory_space<vmem>>, vector<16xf32>,
                %add3A_369 = arith.addf %add3A_353, %get3A_368 : vector<16xf32>
                %add3A_370 = arith.constant 11 : i32
                %add3A_371 = arith.addi %add3A_193, %add3A_370 : i32
                %get3A_372 = arith.index_cast %while3A_75 : i32 to index
                %get3A_373 = arith.index_cast %add3A_371 : i32 to index
                %get3A_374 = arith.index_cast %mul3A_138 : i32 to index
                %get3A_375 = tpu.vector_load %arg6[%get3A_372, %get3A_373, %get3A_374] {strides = array<i32>} : memref<2x32x1024xf32, #tpu.memory_space<vmem>>, vector<16xf32>,
                %add3A_376 = arith.addf %add3A_360, %get3A_375 : vector<16xf32>
                %add3A_377 = arith.constant 11 : i32
                %add3A_378 = arith.addi %add3A_193, %add3A_377 : i32
                %add3A_379 = arith.constant 16 : i32
                %add3A_380 = arith.addi %mul3A_138, %add3A_379 : i32
                %get3A_381 = arith.index_cast %while3A_75 : i32 to index
                %get3A_382 = arith.index_cast %add3A_378 : i32 to index
                %get3A_383 = arith.index_cast %add3A_380 : i32 to index
                %get3A_384 = tpu.vector_load %arg6[%get3A_381, %get3A_382, %get3A_383] {strides = array<i32>} : memref<2x32x1024xf32, #tpu.memory_space<vmem>>, vector<16xf32>,
                %add3A_385 = arith.addf %add3A_369, %get3A_384 : vector<16xf32>
                %add3A_386 = arith.constant 12 : i32
                %add3A_387 = arith.addi %add3A_193, %add3A_386 : i32
                %get3A_388 = arith.index_cast %while3A_75 : i32 to index
                %get3A_389 = arith.index_cast %add3A_387 : i32 to index
                %get3A_390 = arith.index_cast %mul3A_138 : i32 to index
                %get3A_391 = tpu.vector_load %arg6[%get3A_388, %get3A_389, %get3A_390] {strides = array<i32>} : memref<2x32x1024xf32, #tpu.memory_space<vmem>>, vector<16xf32>,
                %add3A_392 = arith.addf %add3A_376, %get3A_391 : vector<16xf32>
                %add3A_393 = arith.constant 12 : i32
                %add3A_394 = arith.addi %add3A_193, %add3A_393 : i32
                %add3A_395 = arith.constant 16 : i32
                %add3A_396 = arith.addi %mul3A_138, %add3A_395 : i32
                %get3A_397 = arith.index_cast %while3A_75 : i32 to index
                %get3A_398 = arith.index_cast %add3A_394 : i32 to index
                %get3A_399 = arith.index_cast %add3A_396 : i32 to index
                %get3A_400 = tpu.vector_load %arg6[%get3A_397, %get3A_398, %get3A_399] {strides = array<i32>} : memref<2x32x1024xf32, #tpu.memory_space<vmem>>, vector<16xf32>,
                %add3A_401 = arith.addf %add3A_385, %get3A_400 : vector<16xf32>
                %add3A_402 = arith.constant 13 : i32
                %add3A_403 = arith.addi %add3A_193, %add3A_402 : i32
                %get3A_404 = arith.index_cast %while3A_75 : i32 to index
                %get3A_405 = arith.index_cast %add3A_403 : i32 to index
                %get3A_406 = arith.index_cast %mul3A_138 : i32 to index
                %get3A_407 = tpu.vector_load %arg6[%get3A_404, %get3A_405, %get3A_406] {strides = array<i32>} : memref<2x32x1024xf32, #tpu.memory_space<vmem>>, vector<16xf32>,
                %add3A_408 = arith.addf %add3A_392, %get3A_407 : vector<16xf32>
                %add3A_409 = arith.constant 13 : i32
                %add3A_410 = arith.addi %add3A_193, %add3A_409 : i32
                %add3A_411 = arith.constant 16 : i32
                %add3A_412 = arith.addi %mul3A_138, %add3A_411 : i32
                %get3A_413 = arith.index_cast %while3A_75 : i32 to index
                %get3A_414 = arith.index_cast %add3A_410 : i32 to index
                %get3A_415 = arith.index_cast %add3A_412 : i32 to index
                %get3A_416 = tpu.vector_load %arg6[%get3A_413, %get3A_414, %get3A_415] {strides = array<i32>} : memref<2x32x1024xf32, #tpu.memory_space<vmem>>, vector<16xf32>,
                %add3A_417 = arith.addf %add3A_401, %get3A_416 : vector<16xf32>
                %add3A_418 = arith.constant 14 : i32
                %add3A_419 = arith.addi %add3A_193, %add3A_418 : i32
                %get3A_420 = arith.index_cast %while3A_75 : i32 to index
                %get3A_421 = arith.index_cast %add3A_419 : i32 to index
                %get3A_422 = arith.index_cast %mul3A_138 : i32 to index
                %get3A_423 = tpu.vector_load %arg6[%get3A_420, %get3A_421, %get3A_422] {strides = array<i32>} : memref<2x32x1024xf32, #tpu.memory_space<vmem>>, vector<16xf32>,
                %add3A_424 = arith.addf %add3A_408, %get3A_423 : vector<16xf32>
                %add3A_425 = arith.constant 14 : i32
                %add3A_426 = arith.addi %add3A_193, %add3A_425 : i32
                %add3A_427 = arith.constant 16 : i32
                %add3A_428 = arith.addi %mul3A_138, %add3A_427 : i32
                %get3A_429 = arith.index_cast %while3A_75 : i32 to index
                %get3A_430 = arith.index_cast %add3A_426 : i32 to index
                %get3A_431 = arith.index_cast %add3A_428 : i32 to index
                %get3A_432 = tpu.vector_load %arg6[%get3A_429, %get3A_430, %get3A_431] {strides = array<i32>} : memref<2x32x1024xf32, #tpu.memory_space<vmem>>, vector<16xf32>,
                %add3A_433 = arith.addf %add3A_417, %get3A_432 : vector<16xf32>
                %add3A_434 = arith.constant 15 : i32
                %add3A_435 = arith.addi %add3A_193, %add3A_434 : i32
                %get3A_436 = arith.index_cast %while3A_75 : i32 to index
                %get3A_437 = arith.index_cast %add3A_435 : i32 to index
                %get3A_438 = arith.index_cast %mul3A_138 : i32 to index
                %get3A_439 = tpu.vector_load %arg6[%get3A_436, %get3A_437, %get3A_438] {strides = array<i32>} : memref<2x32x1024xf32, #tpu.memory_space<vmem>>, vector<16xf32>,
                %add3A_440 = arith.addf %add3A_424, %get3A_439 : vector<16xf32>
                %add3A_441 = arith.constant 15 : i32
                %add3A_442 = arith.addi %add3A_193, %add3A_441 : i32
                %add3A_443 = arith.constant 16 : i32
                %add3A_444 = arith.addi %mul3A_138, %add3A_443 : i32
                %get3A_445 = arith.index_cast %while3A_75 : i32 to index
                %get3A_446 = arith.index_cast %add3A_442 : i32 to index
                %get3A_447 = arith.index_cast %add3A_444 : i32 to index
                %get3A_448 = tpu.vector_load %arg6[%get3A_445, %get3A_446, %get3A_447] {strides = array<i32>} : memref<2x32x1024xf32, #tpu.memory_space<vmem>>, vector<16xf32>,
                %add3A_449 = arith.addf %add3A_433, %get3A_448 : vector<16xf32>
                scf.yield %add3A_440, %add3A_449 : vector<16xf32>, vector<16xf32>
              }
              %while3A_170 = arith.subi %sub3A_98, %sub3A_101 : i32
              %while3A_171 = arith.addi %sub3A_101, %while3A_170 : i32
              %while3A_172 = arith.constant 1 : i32
              %while3A_173 = arith.divsi %while3A_170, %while3A_172 : i32
              %while3A_174 = arith.muli %while3A_173, %while3A_172 : i32
              %while3A_175 = arith.addi %sub3A_101, %while3A_174 : i32
              %while3A_176 = arith.constant 1 : i32
              %while3A_177:2 = scf.for %while3A_188 = %sub3A_101 to %while3A_175 step %while3A_176 iter_args(%while3A_189 = %while3A_169#0, %while3A_190 = %while3A_169#1) -> (vector<16xf32>, vector<16xf32>)  : i32 {
                %add3A_191 = arith.addi %sub3A_99, %while3A_188 : i32
                %get3A_192 = arith.index_cast %while3A_75 : i32 to index
                %get3A_193 = arith.index_cast %add3A_191 : i32 to index
                %get3A_194 = arith.index_cast %mul3A_138 : i32 to index
                %get3A_195 = tpu.vector_load %arg6[%get3A_192, %get3A_193, %get3A_194] {strides = array<i32>} : memref<2x32x1024xf32, #tpu.memory_space<vmem>>, vector<16xf32>,
                %add3A_196 = arith.addf %while3A_189, %get3A_195 : vector<16xf32>
                %add3A_197 = arith.addi %sub3A_99, %while3A_188 : i32
                %add3A_198 = arith.constant 16 : i32
                %add3A_199 = arith.addi %mul3A_138, %add3A_198 : i32
                %get3A_200 = arith.index_cast %while3A_75 : i32 to index
                %get3A_201 = arith.index_cast %add3A_197 : i32 to index
                %get3A_202 = arith.index_cast %add3A_199 : i32 to index
                %get3A_203 = tpu.vector_load %arg6[%get3A_200, %get3A_201, %get3A_202] {strides = array<i32>} : memref<2x32x1024xf32, #tpu.memory_space<vmem>>, vector<16xf32>,
                %add3A_204 = arith.addf %while3A_190, %get3A_203 : vector<16xf32>
                scf.yield %add3A_196, %add3A_204 : vector<16xf32>, vector<16xf32>
              }
              %while3A_178 = arith.constant 1 : i32
              %while3A_179:2 = scf.for %while3A_188 = %while3A_175 to %while3A_171 step %while3A_178 iter_args(%while3A_189 = %while3A_177#0, %while3A_190 = %while3A_177#1) -> (vector<16xf32>, vector<16xf32>)  : i32 {
                %add3A_191 = arith.addi %sub3A_99, %while3A_188 : i32
                %get3A_192 = arith.index_cast %while3A_75 : i32 to index
                %get3A_193 = arith.index_cast %add3A_191 : i32 to index
                %get3A_194 = arith.index_cast %mul3A_138 : i32 to index
                %get3A_195 = tpu.vector_load %arg6[%get3A_192, %get3A_193, %get3A_194] {strides = array<i32>} : memref<2x32x1024xf32, #tpu.memory_space<vmem>>, vector<16xf32>,
                %add3A_196 = arith.addf %while3A_189, %get3A_195 : vector<16xf32>
                %add3A_197 = arith.addi %sub3A_99, %while3A_188 : i32
                %add3A_198 = arith.constant 16 : i32
                %add3A_199 = arith.addi %mul3A_138, %add3A_198 : i32
                %get3A_200 = arith.index_cast %while3A_75 : i32 to index
                %get3A_201 = arith.index_cast %add3A_197 : i32 to index
                %get3A_202 = arith.index_cast %add3A_199 : i32 to index
                %get3A_203 = tpu.vector_load %arg6[%get3A_200, %get3A_201, %get3A_202] {strides = array<i32>} : memref<2x32x1024xf32, #tpu.memory_space<vmem>>, vector<16xf32>,
                %add3A_204 = arith.addf %while3A_190, %get3A_203 : vector<16xf32>
                scf.yield %add3A_196, %add3A_204 : vector<16xf32>, vector<16xf32>
              }
              %swap3A = arith.index_cast %scan3A_33 : i32 to index
              %swap3A_180 = arith.index_cast %mul3A_138 : i32 to index
              %swap3A_181 = tpu.vector_load %arg7[%swap3A, %swap3A_180] {strides = array<i32>} : memref<16x1024xf32, #tpu.memory_space<vmem>>, vector<16xf32>,
              tpu.vector_store %arg7[%swap3A, %swap3A_180], %while3A_179#0 {strides = array<i32>} : memref<16x1024xf32, #tpu.memory_space<vmem>>, vector<16xf32>,
              %add3A_182 = arith.constant 16 : i32
              %add3A_183 = arith.addi %mul3A_138, %add3A_182 : i32
              %swap3A_184 = arith.index_cast %scan3A_33 : i32 to index
              %swap3A_185 = arith.index_cast %add3A_183 : i32 to index
              %swap3A_186 = tpu.vector_load %arg7[%swap3A_184, %swap3A_185] {strides = array<i32>} : memref<16x1024xf32, #tpu.memory_space<vmem>>, vector<16xf32>,
              tpu.vector_store %arg7[%swap3A_184, %swap3A_185], %while3A_179#1 {strides = array<i32>} : memref<16x1024xf32, #tpu.memory_space<vmem>>, vector<16xf32>,
              %scan3A_187 = arith.constant 0 : i32
              scf.yield %scan3A_187 : i32
            }
            %scan3A_134 = arith.constant 32 : i32
          } else {
          }
          %not3A_118 = arith.constant true
          %not3A_119 = arith.xori %eq3A_102, %not3A_118 : i1
          %not3A_120 = arith.constant true
          %not3A_121 = arith.xori %eq3A_103, %not3A_120 : i1
          %and3A_122 = arith.andi %not3A_119, %not3A_121 : i1
          %convert_element_type3A_123 = arith.extui %and3A_122 : i1 to i32
          %cond3A_124 = arith.constant 0 : i32
          %cond3A_125 = arith.cmpi ne, %convert_element_type3A_123, %cond3A_124 : i32
          scf.if %cond3A_125 {
            %scan3A_128 = arith.constant 0 : i32
            %scan3A_129 = arith.constant 0 : i32
            %scan3A_130 = arith.constant 32 : i32
            %scan3A_131 = arith.addi %scan3A_129, %scan3A_130 : i32
            %scan3A_132 = arith.constant 1 : i32
            %scan3A_133 = scf.for %scan3A_135 = %scan3A_129 to %scan3A_131 step %scan3A_132 iter_args(%scan3A_136 = %scan3A_128) -> (i32)  : i32 {
              %mul3A_137 = arith.constant 32 : i32
              %mul3A_138 = arith.muli %scan3A_135, %mul3A_137 : i32
              %jit3A = arith.constant 16 : i32
              %div3A_139 = arith.divsi %sub3A_101, %jit3A : i32
              %sign3A = arith.constant 0 : i32
              %sign3A_140 = arith.cmpi sgt, %sub3A_101, %sign3A : i32
              %sign3A_141 = arith.extui %sign3A_140 : i1 to i32
              %sign3A_142 = arith.constant 0 : i32
              %sign3A_143 = arith.cmpi slt, %sub3A_101, %sign3A_142 : i32
              %sign3A_144 = arith.extui %sign3A_143 : i1 to i32
              %sign3A_145 = arith.subi %sign3A_141, %sign3A_144 : i32
              %sign3A_146 = arith.constant 0 : i32
              %sign3A_147 = arith.cmpi sgt, %jit3A, %sign3A_146 : i32
              %sign3A_148 = arith.extui %sign3A_147 : i1 to i32
              %sign3A_149 = arith.constant 0 : i32
              %sign3A_150 = arith.cmpi slt, %jit3A, %sign3A_149 : i32
              %sign3A_151 = arith.extui %sign3A_150 : i1 to i32
              %sign3A_152 = arith.subi %sign3A_148, %sign3A_151 : i32
              %ne3A = arith.cmpi ne, %sign3A_145, %sign3A_152 : i32
              %rem3A_153 = arith.remsi %sub3A_101, %jit3A : i32
              %ne3A_154 = arith.constant 0 : i32
              %ne3A_155 = arith.cmpi ne, %rem3A_153, %ne3A_154 : i32
              %and3A_156 = arith.andi %ne3A, %ne3A_155 : i1
              %sub3A_157 = arith.constant 1 : i32
              %sub3A_158 = arith.subi %div3A_139, %sub3A_157 : i32
              %select_n3A = arith.select %and3A_156, %sub3A_158, %div3A_139 : i32
              %while3A_159 = arith.constant 0 : i32
              %while3A_160 = arith.subi %select_n3A, %while3A_159 : i32
              %while3A_161 = arith.addi %while3A_159, %while3A_160 : i32
              %while3A_162 = arith.constant 1 : i32
              %while3A_163 = arith.divsi %while3A_160, %while3A_162 : i32
              %while3A_164 = arith.muli %while3A_163, %while3A_162 : i32
              %while3A_165 = arith.addi %while3A_159, %while3A_164 : i32
              %while3A_166 = arith.constant 1 : i32
              %while3A_167:2 = scf.for %while3A_188 = %while3A_159 to %while3A_165 step %while3A_166 iter_args(%while3A_189 = %broadcast_in_dim3A_16, %while3A_190 = %broadcast_in_dim3A_16) -> (vector<16xf32>, vector<16xf32>)  : i32 {
                %mul3A_191 = arith.constant 16 : i32
                %mul3A_192 = arith.muli %while3A_188, %mul3A_191 : i32
                %add3A_193 = arith.addi %sub3A_99, %mul3A_192 : i32
                %add3A_194 = arith.constant 0 : i32
                %add3A_195 = arith.addi %add3A_193, %add3A_194 : i32
                %get3A_196 = arith.index_cast %while3A_75 : i32 to index
                %get3A_197 = arith.index_cast %add3A_195 : i32 to index
                %get3A_198 = arith.index_cast %mul3A_138 : i32 to index
                %get3A_199 = tpu.vector_load %arg6[%get3A_196, %get3A_197, %get3A_198] {strides = array<i32>} : memref<2x32x1024xf32, #tpu.memory_space<vmem>>, vector<16xf32>,
                %add3A_200 = arith.addf %while3A_189, %get3A_199 : vector<16xf32>
                %add3A_201 = arith.constant 0 : i32
                %add3A_202 = arith.addi %add3A_193, %add3A_201 : i32
                %add3A_203 = arith.constant 16 : i32
                %add3A_204 = arith.addi %mul3A_138, %add3A_203 : i32
                %get3A_205 = arith.index_cast %while3A_75 : i32 to index
                %get3A_206 = arith.index_cast %add3A_202 : i32 to index
                %get3A_207 = arith.index_cast %add3A_204 : i32 to index
                %get3A_208 = tpu.vector_load %arg6[%get3A_205, %get3A_206, %get3A_207] {strides = array<i32>} : memref<2x32x1024xf32, #tpu.memory_space<vmem>>, vector<16xf32>,
                %add3A_209 = arith.addf %while3A_190, %get3A_208 : vector<16xf32>
                %add3A_210 = arith.constant 1 : i32
                %add3A_211 = arith.addi %add3A_193, %add3A_210 : i32
                %get3A_212 = arith.index_cast %while3A_75 : i32 to index
                %get3A_213 = arith.index_cast %add3A_211 : i32 to index
                %get3A_214 = arith.index_cast %mul3A_138 : i32 to index
                %get3A_215 = tpu.vector_load %arg6[%get3A_212, %get3A_213, %get3A_214] {strides = array<i32>} : memref<2x32x1024xf32, #tpu.memory_space<vmem>>, vector<16xf32>,
                %add3A_216 = arith.addf %add3A_200, %get3A_215 : vector<16xf32>
                %add3A_217 = arith.constant 1 : i32
                %add3A_218 = arith.addi %add3A_193, %add3A_217 : i32
                %add3A_219 = arith.constant 16 : i32
                %add3A_220 = arith.addi %mul3A_138, %add3A_219 : i32
                %get3A_221 = arith.index_cast %while3A_75 : i32 to index
                %get3A_222 = arith.index_cast %add3A_218 : i32 to index
                %get3A_223 = arith.index_cast %add3A_220 : i32 to index
                %get3A_224 = tpu.vector_load %arg6[%get3A_221, %get3A_222, %get3A_223] {strides = array<i32>} : memref<2x32x1024xf32, #tpu.memory_space<vmem>>, vector<16xf32>,
                %add3A_225 = arith.addf %add3A_209, %get3A_224 : vector<16xf32>
                %add3A_226 = arith.constant 2 : i32
                %add3A_227 = arith.addi %add3A_193, %add3A_226 : i32
                %get3A_228 = arith.index_cast %while3A_75 : i32 to index
                %get3A_229 = arith.index_cast %add3A_227 : i32 to index
                %get3A_230 = arith.index_cast %mul3A_138 : i32 to index
                %get3A_231 = tpu.vector_load %arg6[%get3A_228, %get3A_229, %get3A_230] {strides = array<i32>} : memref<2x32x1024xf32, #tpu.memory_space<vmem>>, vector<16xf32>,
                %add3A_232 = arith.addf %add3A_216, %get3A_231 : vector<16xf32>
                %add3A_233 = arith.constant 2 : i32
                %add3A_234 = arith.addi %add3A_193, %add3A_233 : i32
                %add3A_235 = arith.constant 16 : i32
                %add3A_236 = arith.addi %mul3A_138, %add3A_235 : i32
                %get3A_237 = arith.index_cast %while3A_75 : i32 to index
                %get3A_238 = arith.index_cast %add3A_234 : i32 to index
                %get3A_239 = arith.index_cast %add3A_236 : i32 to index
                %get3A_240 = tpu.vector_load %arg6[%get3A_237, %get3A_238, %get3A_239] {strides = array<i32>} : memref<2x32x1024xf32, #tpu.memory_space<vmem>>, vector<16xf32>,
                %add3A_241 = arith.addf %add3A_225, %get3A_240 : vector<16xf32>
                %add3A_242 = arith.constant 3 : i32
                %add3A_243 = arith.addi %add3A_193, %add3A_242 : i32
                %get3A_244 = arith.index_cast %while3A_75 : i32 to index
                %get3A_245 = arith.index_cast %add3A_243 : i32 to index
                %get3A_246 = arith.index_cast %mul3A_138 : i32 to index
                %get3A_247 = tpu.vector_load %arg6[%get3A_244, %get3A_245, %get3A_246] {strides = array<i32>} : memref<2x32x1024xf32, #tpu.memory_space<vmem>>, vector<16xf32>,
                %add3A_248 = arith.addf %add3A_232, %get3A_247 : vector<16xf32>
                %add3A_249 = arith.constant 3 : i32
                %add3A_250 = arith.addi %add3A_193, %add3A_249 : i32
                %add3A_251 = arith.constant 16 : i32
                %add3A_252 = arith.addi %mul3A_138, %add3A_251 : i32
                %get3A_253 = arith.index_cast %while3A_75 : i32 to index
                %get3A_254 = arith.index_cast %add3A_250 : i32 to index
                %get3A_255 = arith.index_cast %add3A_252 : i32 to index
                %get3A_256 = tpu.vector_load %arg6[%get3A_253, %get3A_254, %get3A_255] {strides = array<i32>} : memref<2x32x1024xf32, #tpu.memory_space<vmem>>, vector<16xf32>,
                %add3A_257 = arith.addf %add3A_241, %get3A_256 : vector<16xf32>
                %add3A_258 = arith.constant 4 : i32
                %add3A_259 = arith.addi %add3A_193, %add3A_258 : i32
                %get3A_260 = arith.index_cast %while3A_75 : i32 to index
                %get3A_261 = arith.index_cast %add3A_259 : i32 to index
                %get3A_262 = arith.index_cast %mul3A_138 : i32 to index
                %get3A_263 = tpu.vector_load %arg6[%get3A_260, %get3A_261, %get3A_262] {strides = array<i32>} : memref<2x32x1024xf32, #tpu.memory_space<vmem>>, vector<16xf32>,
                %add3A_264 = arith.addf %add3A_248, %get3A_263 : vector<16xf32>
                %add3A_265 = arith.constant 4 : i32
                %add3A_266 = arith.addi %add3A_193, %add3A_265 : i32
                %add3A_267 = arith.constant 16 : i32
                %add3A_268 = arith.addi %mul3A_138, %add3A_267 : i32
                %get3A_269 = arith.index_cast %while3A_75 : i32 to index
                %get3A_270 = arith.index_cast %add3A_266 : i32 to index
                %get3A_271 = arith.index_cast %add3A_268 : i32 to index
                %get3A_272 = tpu.vector_load %arg6[%get3A_269, %get3A_270, %get3A_271] {strides = array<i32>} : memref<2x32x1024xf32, #tpu.memory_space<vmem>>, vector<16xf32>,
                %add3A_273 = arith.addf %add3A_257, %get3A_272 : vector<16xf32>
                %add3A_274 = arith.constant 5 : i32
                %add3A_275 = arith.addi %add3A_193, %add3A_274 : i32
                %get3A_276 = arith.index_cast %while3A_75 : i32 to index
                %get3A_277 = arith.index_cast %add3A_275 : i32 to index
                %get3A_278 = arith.index_cast %mul3A_138 : i32 to index
                %get3A_279 = tpu.vector_load %arg6[%get3A_276, %get3A_277, %get3A_278] {strides = array<i32>} : memref<2x32x1024xf32, #tpu.memory_space<vmem>>, vector<16xf32>,
                %add3A_280 = arith.addf %add3A_264, %get3A_279 : vector<16xf32>
                %add3A_281 = arith.constant 5 : i32
                %add3A_282 = arith.addi %add3A_193, %add3A_281 : i32
                %add3A_283 = arith.constant 16 : i32
                %add3A_284 = arith.addi %mul3A_138, %add3A_283 : i32
                %get3A_285 = arith.index_cast %while3A_75 : i32 to index
                %get3A_286 = arith.index_cast %add3A_282 : i32 to index
                %get3A_287 = arith.index_cast %add3A_284 : i32 to index
                %get3A_288 = tpu.vector_load %arg6[%get3A_285, %get3A_286, %get3A_287] {strides = array<i32>} : memref<2x32x1024xf32, #tpu.memory_space<vmem>>, vector<16xf32>,
                %add3A_289 = arith.addf %add3A_273, %get3A_288 : vector<16xf32>
                %add3A_290 = arith.constant 6 : i32
                %add3A_291 = arith.addi %add3A_193, %add3A_290 : i32
                %get3A_292 = arith.index_cast %while3A_75 : i32 to index
                %get3A_293 = arith.index_cast %add3A_291 : i32 to index
                %get3A_294 = arith.index_cast %mul3A_138 : i32 to index
                %get3A_295 = tpu.vector_load %arg6[%get3A_292, %get3A_293, %get3A_294] {strides = array<i32>} : memref<2x32x1024xf32, #tpu.memory_space<vmem>>, vector<16xf32>,
                %add3A_296 = arith.addf %add3A_280, %get3A_295 : vector<16xf32>
                %add3A_297 = arith.constant 6 : i32
                %add3A_298 = arith.addi %add3A_193, %add3A_297 : i32
                %add3A_299 = arith.constant 16 : i32
                %add3A_300 = arith.addi %mul3A_138, %add3A_299 : i32
                %get3A_301 = arith.index_cast %while3A_75 : i32 to index
                %get3A_302 = arith.index_cast %add3A_298 : i32 to index
                %get3A_303 = arith.index_cast %add3A_300 : i32 to index
                %get3A_304 = tpu.vector_load %arg6[%get3A_301, %get3A_302, %get3A_303] {strides = array<i32>} : memref<2x32x1024xf32, #tpu.memory_space<vmem>>, vector<16xf32>,
                %add3A_305 = arith.addf %add3A_289, %get3A_304 : vector<16xf32>
                %add3A_306 = arith.constant 7 : i32
                %add3A_307 = arith.addi %add3A_193, %add3A_306 : i32
                %get3A_308 = arith.index_cast %while3A_75 : i32 to index
                %get3A_309 = arith.index_cast %add3A_307 : i32 to index
                %get3A_310 = arith.index_cast %mul3A_138 : i32 to index
                %get3A_311 = tpu.vector_load %arg6[%get3A_308, %get3A_309, %get3A_310] {strides = array<i32>} : memref<2x32x1024xf32, #tpu.memory_space<vmem>>, vector<16xf32>,
                %add3A_312 = arith.addf %add3A_296, %get3A_311 : vector<16xf32>
                %add3A_313 = arith.constant 7 : i32
                %add3A_314 = arith.addi %add3A_193, %add3A_313 : i32
                %add3A_315 = arith.constant 16 : i32
                %add3A_316 = arith.addi %mul3A_138, %add3A_315 : i32
                %get3A_317 = arith.index_cast %while3A_75 : i32 to index
                %get3A_318 = arith.index_cast %add3A_314 : i32 to index
                %get3A_319 = arith.index_cast %add3A_316 : i32 to index
                %get3A_320 = tpu.vector_load %arg6[%get3A_317, %get3A_318, %get3A_319] {strides = array<i32>} : memref<2x32x1024xf32, #tpu.memory_space<vmem>>, vector<16xf32>,
                %add3A_321 = arith.addf %add3A_305, %get3A_320 : vector<16xf32>
                %add3A_322 = arith.constant 8 : i32
                %add3A_323 = arith.addi %add3A_193, %add3A_322 : i32
                %get3A_324 = arith.index_cast %while3A_75 : i32 to index
                %get3A_325 = arith.index_cast %add3A_323 : i32 to index
                %get3A_326 = arith.index_cast %mul3A_138 : i32 to index
                %get3A_327 = tpu.vector_load %arg6[%get3A_324, %get3A_325, %get3A_326] {strides = array<i32>} : memref<2x32x1024xf32, #tpu.memory_space<vmem>>, vector<16xf32>,
                %add3A_328 = arith.addf %add3A_312, %get3A_327 : vector<16xf32>
                %add3A_329 = arith.constant 8 : i32
                %add3A_330 = arith.addi %add3A_193, %add3A_329 : i32
                %add3A_331 = arith.constant 16 : i32
                %add3A_332 = arith.addi %mul3A_138, %add3A_331 : i32
                %get3A_333 = arith.index_cast %while3A_75 : i32 to index
                %get3A_334 = arith.index_cast %add3A_330 : i32 to index
                %get3A_335 = arith.index_cast %add3A_332 : i32 to index
                %get3A_336 = tpu.vector_load %arg6[%get3A_333, %get3A_334, %get3A_335] {strides = array<i32>} : memref<2x32x1024xf32, #tpu.memory_space<vmem>>, vector<16xf32>,
                %add3A_337 = arith.addf %add3A_321, %get3A_336 : vector<16xf32>
                %add3A_338 = arith.constant 9 : i32
                %add3A_339 = arith.addi %add3A_193, %add3A_338 : i32
                %get3A_340 = arith.index_cast %while3A_75 : i32 to index
                %get3A_341 = arith.index_cast %add3A_339 : i32 to index
                %get3A_342 = arith.index_cast %mul3A_138 : i32 to index
                %get3A_343 = tpu.vector_load %arg6[%get3A_340, %get3A_341, %get3A_342] {strides = array<i32>} : memref<2x32x1024xf32, #tpu.memory_space<vmem>>, vector<16xf32>,
                %add3A_344 = arith.addf %add3A_328, %get3A_343 : vector<16xf32>
                %add3A_345 = arith.constant 9 : i32
                %add3A_346 = arith.addi %add3A_193, %add3A_345 : i32
                %add3A_347 = arith.constant 16 : i32
                %add3A_348 = arith.addi %mul3A_138, %add3A_347 : i32
                %get3A_349 = arith.index_cast %while3A_75 : i32 to index
                %get3A_350 = arith.index_cast %add3A_346 : i32 to index
                %get3A_351 = arith.index_cast %add3A_348 : i32 to index
                %get3A_352 = tpu.vector_load %arg6[%get3A_349, %get3A_350, %get3A_351] {strides = array<i32>} : memref<2x32x1024xf32, #tpu.memory_space<vmem>>, vector<16xf32>,
                %add3A_353 = arith.addf %add3A_337, %get3A_352 : vector<16xf32>
                %add3A_354 = arith.constant 10 : i32
                %add3A_355 = arith.addi %add3A_193, %add3A_354 : i32
                %get3A_356 = arith.index_cast %while3A_75 : i32 to index
                %get3A_357 = arith.index_cast %add3A_355 : i32 to index
                %get3A_358 = arith.index_cast %mul3A_138 : i32 to index
                %get3A_359 = tpu.vector_load %arg6[%get3A_356, %get3A_357, %get3A_358] {strides = array<i32>} : memref<2x32x1024xf32, #tpu.memory_space<vmem>>, vector<16xf32>,
                %add3A_360 = arith.addf %add3A_344, %get3A_359 : vector<16xf32>
                %add3A_361 = arith.constant 10 : i32
                %add3A_362 = arith.addi %add3A_193, %add3A_361 : i32
                %add3A_363 = arith.constant 16 : i32
                %add3A_364 = arith.addi %mul3A_138, %add3A_363 : i32
                %get3A_365 = arith.index_cast %while3A_75 : i32 to index
                %get3A_366 = arith.index_cast %add3A_362 : i32 to index
                %get3A_367 = arith.index_cast %add3A_364 : i32 to index
                %get3A_368 = tpu.vector_load %arg6[%get3A_365, %get3A_366, %get3A_367] {strides = array<i32>} : memref<2x32x1024xf32, #tpu.memory_space<vmem>>, vector<16xf32>,
                %add3A_369 = arith.addf %add3A_353, %get3A_368 : vector<16xf32>
                %add3A_370 = arith.constant 11 : i32
                %add3A_371 = arith.addi %add3A_193, %add3A_370 : i32
                %get3A_372 = arith.index_cast %while3A_75 : i32 to index
                %get3A_373 = arith.index_cast %add3A_371 : i32 to index
                %get3A_374 = arith.index_cast %mul3A_138 : i32 to index
                %get3A_375 = tpu.vector_load %arg6[%get3A_372, %get3A_373, %get3A_374] {strides = array<i32>} : memref<2x32x1024xf32, #tpu.memory_space<vmem>>, vector<16xf32>,
                %add3A_376 = arith.addf %add3A_360, %get3A_375 : vector<16xf32>
                %add3A_377 = arith.constant 11 : i32
                %add3A_378 = arith.addi %add3A_193, %add3A_377 : i32
                %add3A_379 = arith.constant 16 : i32
                %add3A_380 = arith.addi %mul3A_138, %add3A_379 : i32
                %get3A_381 = arith.index_cast %while3A_75 : i32 to index
                %get3A_382 = arith.index_cast %add3A_378 : i32 to index
                %get3A_383 = arith.index_cast %add3A_380 : i32 to index
                %get3A_384 = tpu.vector_load %arg6[%get3A_381, %get3A_382, %get3A_383] {strides = array<i32>} : memref<2x32x1024xf32, #tpu.memory_space<vmem>>, vector<16xf32>,
                %add3A_385 = arith.addf %add3A_369, %get3A_384 : vector<16xf32>
                %add3A_386 = arith.constant 12 : i32
                %add3A_387 = arith.addi %add3A_193, %add3A_386 : i32
                %get3A_388 = arith.index_cast %while3A_75 : i32 to index
                %get3A_389 = arith.index_cast %add3A_387 : i32 to index
                %get3A_390 = arith.index_cast %mul3A_138 : i32 to index
                %get3A_391 = tpu.vector_load %arg6[%get3A_388, %get3A_389, %get3A_390] {strides = array<i32>} : memref<2x32x1024xf32, #tpu.memory_space<vmem>>, vector<16xf32>,
                %add3A_392 = arith.addf %add3A_376, %get3A_391 : vector<16xf32>
                %add3A_393 = arith.constant 12 : i32
                %add3A_394 = arith.addi %add3A_193, %add3A_393 : i32
                %add3A_395 = arith.constant 16 : i32
                %add3A_396 = arith.addi %mul3A_138, %add3A_395 : i32
                %get3A_397 = arith.index_cast %while3A_75 : i32 to index
                %get3A_398 = arith.index_cast %add3A_394 : i32 to index
                %get3A_399 = arith.index_cast %add3A_396 : i32 to index
                %get3A_400 = tpu.vector_load %arg6[%get3A_397, %get3A_398, %get3A_399] {strides = array<i32>} : memref<2x32x1024xf32, #tpu.memory_space<vmem>>, vector<16xf32>,
                %add3A_401 = arith.addf %add3A_385, %get3A_400 : vector<16xf32>
                %add3A_402 = arith.constant 13 : i32
                %add3A_403 = arith.addi %add3A_193, %add3A_402 : i32
                %get3A_404 = arith.index_cast %while3A_75 : i32 to index
                %get3A_405 = arith.index_cast %add3A_403 : i32 to index
                %get3A_406 = arith.index_cast %mul3A_138 : i32 to index
                %get3A_407 = tpu.vector_load %arg6[%get3A_404, %get3A_405, %get3A_406] {strides = array<i32>} : memref<2x32x1024xf32, #tpu.memory_space<vmem>>, vector<16xf32>,
                %add3A_408 = arith.addf %add3A_392, %get3A_407 : vector<16xf32>
                %add3A_409 = arith.constant 13 : i32
                %add3A_410 = arith.addi %add3A_193, %add3A_409 : i32
                %add3A_411 = arith.constant 16 : i32
                %add3A_412 = arith.addi %mul3A_138, %add3A_411 : i32
                %get3A_413 = arith.index_cast %while3A_75 : i32 to index
                %get3A_414 = arith.index_cast %add3A_410 : i32 to index
                %get3A_415 = arith.index_cast %add3A_412 : i32 to index
                %get3A_416 = tpu.vector_load %arg6[%get3A_413, %get3A_414, %get3A_415] {strides = array<i32>} : memref<2x32x1024xf32, #tpu.memory_space<vmem>>, vector<16xf32>,
                %add3A_417 = arith.addf %add3A_401, %get3A_416 : vector<16xf32>
                %add3A_418 = arith.constant 14 : i32
                %add3A_419 = arith.addi %add3A_193, %add3A_418 : i32
                %get3A_420 = arith.index_cast %while3A_75 : i32 to index
                %get3A_421 = arith.index_cast %add3A_419 : i32 to index
                %get3A_422 = arith.index_cast %mul3A_138 : i32 to index
                %get3A_423 = tpu.vector_load %arg6[%get3A_420, %get3A_421, %get3A_422] {strides = array<i32>} : memref<2x32x1024xf32, #tpu.memory_space<vmem>>, vector<16xf32>,
                %add3A_424 = arith.addf %add3A_408, %get3A_423 : vector<16xf32>
                %add3A_425 = arith.constant 14 : i32
                %add3A_426 = arith.addi %add3A_193, %add3A_425 : i32
                %add3A_427 = arith.constant 16 : i32
                %add3A_428 = arith.addi %mul3A_138, %add3A_427 : i32
                %get3A_429 = arith.index_cast %while3A_75 : i32 to index
                %get3A_430 = arith.index_cast %add3A_426 : i32 to index
                %get3A_431 = arith.index_cast %add3A_428 : i32 to index
                %get3A_432 = tpu.vector_load %arg6[%get3A_429, %get3A_430, %get3A_431] {strides = array<i32>} : memref<2x32x1024xf32, #tpu.memory_space<vmem>>, vector<16xf32>,
                %add3A_433 = arith.addf %add3A_417, %get3A_432 : vector<16xf32>
                %add3A_434 = arith.constant 15 : i32
                %add3A_435 = arith.addi %add3A_193, %add3A_434 : i32
                %get3A_436 = arith.index_cast %while3A_75 : i32 to index
                %get3A_437 = arith.index_cast %add3A_435 : i32 to index
                %get3A_438 = arith.index_cast %mul3A_138 : i32 to index
                %get3A_439 = tpu.vector_load %arg6[%get3A_436, %get3A_437, %get3A_438] {strides = array<i32>} : memref<2x32x1024xf32, #tpu.memory_space<vmem>>, vector<16xf32>,
                %add3A_440 = arith.addf %add3A_424, %get3A_439 : vector<16xf32>
                %add3A_441 = arith.constant 15 : i32
                %add3A_442 = arith.addi %add3A_193, %add3A_441 : i32
                %add3A_443 = arith.constant 16 : i32
                %add3A_444 = arith.addi %mul3A_138, %add3A_443 : i32
                %get3A_445 = arith.index_cast %while3A_75 : i32 to index
                %get3A_446 = arith.index_cast %add3A_442 : i32 to index
                %get3A_447 = arith.index_cast %add3A_444 : i32 to index
                %get3A_448 = tpu.vector_load %arg6[%get3A_445, %get3A_446, %get3A_447] {strides = array<i32>} : memref<2x32x1024xf32, #tpu.memory_space<vmem>>, vector<16xf32>,
                %add3A_449 = arith.addf %add3A_433, %get3A_448 : vector<16xf32>
                scf.yield %add3A_440, %add3A_449 : vector<16xf32>, vector<16xf32>
              }
              %while3A_168 = arith.constant 1 : i32
              %while3A_169:2 = scf.for %while3A_188 = %while3A_165 to %while3A_161 step %while3A_168 iter_args(%while3A_189 = %while3A_167#0, %while3A_190 = %while3A_167#1) -> (vector<16xf32>, vector<16xf32>)  : i32 {
                %mul3A_191 = arith.constant 16 : i32
                %mul3A_192 = arith.muli %while3A_188, %mul3A_191 : i32
                %add3A_193 = arith.addi %sub3A_99, %mul3A_192 : i32
                %add3A_194 = arith.constant 0 : i32
                %add3A_195 = arith.addi %add3A_193, %add3A_194 : i32
                %get3A_196 = arith.index_cast %while3A_75 : i32 to index
                %get3A_197 = arith.index_cast %add3A_195 : i32 to index
                %get3A_198 = arith.index_cast %mul3A_138 : i32 to index
                %get3A_199 = tpu.vector_load %arg6[%get3A_196, %get3A_197, %get3A_198] {strides = array<i32>} : memref<2x32x1024xf32, #tpu.memory_space<vmem>>, vector<16xf32>,
                %add3A_200 = arith.addf %while3A_189, %get3A_199 : vector<16xf32>
                %add3A_201 = arith.constant 0 : i32
                %add3A_202 = arith.addi %add3A_193, %add3A_201 : i32
                %add3A_203 = arith.constant 16 : i32
                %add3A_204 = arith.addi %mul3A_138, %add3A_203 : i32
                %get3A_205 = arith.index_cast %while3A_75 : i32 to index
                %get3A_206 = arith.index_cast %add3A_202 : i32 to index
                %get3A_207 = arith.index_cast %add3A_204 : i32 to index
                %get3A_208 = tpu.vector_load %arg6[%get3A_205, %get3A_206, %get3A_207] {strides = array<i32>} : memref<2x32x1024xf32, #tpu.memory_space<vmem>>, vector<16xf32>,
                %add3A_209 = arith.addf %while3A_190, %get3A_208 : vector<16xf32>
                %add3A_210 = arith.constant 1 : i32
                %add3A_211 = arith.addi %add3A_193, %add3A_210 : i32
                %get3A_212 = arith.index_cast %while3A_75 : i32 to index
                %get3A_213 = arith.index_cast %add3A_211 : i32 to index
                %get3A_214 = arith.index_cast %mul3A_138 : i32 to index
                %get3A_215 = tpu.vector_load %arg6[%get3A_212, %get3A_213, %get3A_214] {strides = array<i32>} : memref<2x32x1024xf32, #tpu.memory_space<vmem>>, vector<16xf32>,
                %add3A_216 = arith.addf %add3A_200, %get3A_215 : vector<16xf32>
                %add3A_217 = arith.constant 1 : i32
                %add3A_218 = arith.addi %add3A_193, %add3A_217 : i32
                %add3A_219 = arith.constant 16 : i32
                %add3A_220 = arith.addi %mul3A_138, %add3A_219 : i32
                %get3A_221 = arith.index_cast %while3A_75 : i32 to index
                %get3A_222 = arith.index_cast %add3A_218 : i32 to index
                %get3A_223 = arith.index_cast %add3A_220 : i32 to index
                %get3A_224 = tpu.vector_load %arg6[%get3A_221, %get3A_222, %get3A_223] {strides = array<i32>} : memref<2x32x1024xf32, #tpu.memory_space<vmem>>, vector<16xf32>,
                %add3A_225 = arith.addf %add3A_209, %get3A_224 : vector<16xf32>
                %add3A_226 = arith.constant 2 : i32
                %add3A_227 = arith.addi %add3A_193, %add3A_226 : i32
                %get3A_228 = arith.index_cast %while3A_75 : i32 to index
                %get3A_229 = arith.index_cast %add3A_227 : i32 to index
                %get3A_230 = arith.index_cast %mul3A_138 : i32 to index
                %get3A_231 = tpu.vector_load %arg6[%get3A_228, %get3A_229, %get3A_230] {strides = array<i32>} : memref<2x32x1024xf32, #tpu.memory_space<vmem>>, vector<16xf32>,
                %add3A_232 = arith.addf %add3A_216, %get3A_231 : vector<16xf32>
                %add3A_233 = arith.constant 2 : i32
                %add3A_234 = arith.addi %add3A_193, %add3A_233 : i32
                %add3A_235 = arith.constant 16 : i32
                %add3A_236 = arith.addi %mul3A_138, %add3A_235 : i32
                %get3A_237 = arith.index_cast %while3A_75 : i32 to index
                %get3A_238 = arith.index_cast %add3A_234 : i32 to index
                %get3A_239 = arith.index_cast %add3A_236 : i32 to index
                %get3A_240 = tpu.vector_load %arg6[%get3A_237, %get3A_238, %get3A_239] {strides = array<i32>} : memref<2x32x1024xf32, #tpu.memory_space<vmem>>, vector<16xf32>,
                %add3A_241 = arith.addf %add3A_225, %get3A_240 : vector<16xf32>
                %add3A_242 = arith.constant 3 : i32
                %add3A_243 = arith.addi %add3A_193, %add3A_242 : i32
                %get3A_244 = arith.index_cast %while3A_75 : i32 to index
                %get3A_245 = arith.index_cast %add3A_243 : i32 to index
                %get3A_246 = arith.index_cast %mul3A_138 : i32 to index
                %get3A_247 = tpu.vector_load %arg6[%get3A_244, %get3A_245, %get3A_246] {strides = array<i32>} : memref<2x32x1024xf32, #tpu.memory_space<vmem>>, vector<16xf32>,
                %add3A_248 = arith.addf %add3A_232, %get3A_247 : vector<16xf32>
                %add3A_249 = arith.constant 3 : i32
                %add3A_250 = arith.addi %add3A_193, %add3A_249 : i32
                %add3A_251 = arith.constant 16 : i32
                %add3A_252 = arith.addi %mul3A_138, %add3A_251 : i32
                %get3A_253 = arith.index_cast %while3A_75 : i32 to index
                %get3A_254 = arith.index_cast %add3A_250 : i32 to index
                %get3A_255 = arith.index_cast %add3A_252 : i32 to index
                %get3A_256 = tpu.vector_load %arg6[%get3A_253, %get3A_254, %get3A_255] {strides = array<i32>} : memref<2x32x1024xf32, #tpu.memory_space<vmem>>, vector<16xf32>,
                %add3A_257 = arith.addf %add3A_241, %get3A_256 : vector<16xf32>
                %add3A_258 = arith.constant 4 : i32
                %add3A_259 = arith.addi %add3A_193, %add3A_258 : i32
                %get3A_260 = arith.index_cast %while3A_75 : i32 to index
                %get3A_261 = arith.index_cast %add3A_259 : i32 to index
                %get3A_262 = arith.index_cast %mul3A_138 : i32 to index
                %get3A_263 = tpu.vector_load %arg6[%get3A_260, %get3A_261, %get3A_262] {strides = array<i32>} : memref<2x32x1024xf32, #tpu.memory_space<vmem>>, vector<16xf32>,
                %add3A_264 = arith.addf %add3A_248, %get3A_263 : vector<16xf32>
                %add3A_265 = arith.constant 4 : i32
                %add3A_266 = arith.addi %add3A_193, %add3A_265 : i32
                %add3A_267 = arith.constant 16 : i32
                %add3A_268 = arith.addi %mul3A_138, %add3A_267 : i32
                %get3A_269 = arith.index_cast %while3A_75 : i32 to index
                %get3A_270 = arith.index_cast %add3A_266 : i32 to index
                %get3A_271 = arith.index_cast %add3A_268 : i32 to index
                %get3A_272 = tpu.vector_load %arg6[%get3A_269, %get3A_270, %get3A_271] {strides = array<i32>} : memref<2x32x1024xf32, #tpu.memory_space<vmem>>, vector<16xf32>,
                %add3A_273 = arith.addf %add3A_257, %get3A_272 : vector<16xf32>
                %add3A_274 = arith.constant 5 : i32
                %add3A_275 = arith.addi %add3A_193, %add3A_274 : i32
                %get3A_276 = arith.index_cast %while3A_75 : i32 to index
                %get3A_277 = arith.index_cast %add3A_275 : i32 to index
                %get3A_278 = arith.index_cast %mul3A_138 : i32 to index
                %get3A_279 = tpu.vector_load %arg6[%get3A_276, %get3A_277, %get3A_278] {strides = array<i32>} : memref<2x32x1024xf32, #tpu.memory_space<vmem>>, vector<16xf32>,
                %add3A_280 = arith.addf %add3A_264, %get3A_279 : vector<16xf32>
                %add3A_281 = arith.constant 5 : i32
                %add3A_282 = arith.addi %add3A_193, %add3A_281 : i32
                %add3A_283 = arith.constant 16 : i32
                %add3A_284 = arith.addi %mul3A_138, %add3A_283 : i32
                %get3A_285 = arith.index_cast %while3A_75 : i32 to index
                %get3A_286 = arith.index_cast %add3A_282 : i32 to index
                %get3A_287 = arith.index_cast %add3A_284 : i32 to index
                %get3A_288 = tpu.vector_load %arg6[%get3A_285, %get3A_286, %get3A_287] {strides = array<i32>} : memref<2x32x1024xf32, #tpu.memory_space<vmem>>, vector<16xf32>,
                %add3A_289 = arith.addf %add3A_273, %get3A_288 : vector<16xf32>
                %add3A_290 = arith.constant 6 : i32
                %add3A_291 = arith.addi %add3A_193, %add3A_290 : i32
                %get3A_292 = arith.index_cast %while3A_75 : i32 to index
                %get3A_293 = arith.index_cast %add3A_291 : i32 to index
                %get3A_294 = arith.index_cast %mul3A_138 : i32 to index
                %get3A_295 = tpu.vector_load %arg6[%get3A_292, %get3A_293, %get3A_294] {strides = array<i32>} : memref<2x32x1024xf32, #tpu.memory_space<vmem>>, vector<16xf32>,
                %add3A_296 = arith.addf %add3A_280, %get3A_295 : vector<16xf32>
                %add3A_297 = arith.constant 6 : i32
                %add3A_298 = arith.addi %add3A_193, %add3A_297 : i32
                %add3A_299 = arith.constant 16 : i32
                %add3A_300 = arith.addi %mul3A_138, %add3A_299 : i32
                %get3A_301 = arith.index_cast %while3A_75 : i32 to index
                %get3A_302 = arith.index_cast %add3A_298 : i32 to index
                %get3A_303 = arith.index_cast %add3A_300 : i32 to index
                %get3A_304 = tpu.vector_load %arg6[%get3A_301, %get3A_302, %get3A_303] {strides = array<i32>} : memref<2x32x1024xf32, #tpu.memory_space<vmem>>, vector<16xf32>,
                %add3A_305 = arith.addf %add3A_289, %get3A_304 : vector<16xf32>
                %add3A_306 = arith.constant 7 : i32
                %add3A_307 = arith.addi %add3A_193, %add3A_306 : i32
                %get3A_308 = arith.index_cast %while3A_75 : i32 to index
                %get3A_309 = arith.index_cast %add3A_307 : i32 to index
                %get3A_310 = arith.index_cast %mul3A_138 : i32 to index
                %get3A_311 = tpu.vector_load %arg6[%get3A_308, %get3A_309, %get3A_310] {strides = array<i32>} : memref<2x32x1024xf32, #tpu.memory_space<vmem>>, vector<16xf32>,
                %add3A_312 = arith.addf %add3A_296, %get3A_311 : vector<16xf32>
                %add3A_313 = arith.constant 7 : i32
                %add3A_314 = arith.addi %add3A_193, %add3A_313 : i32
                %add3A_315 = arith.constant 16 : i32
                %add3A_316 = arith.addi %mul3A_138, %add3A_315 : i32
                %get3A_317 = arith.index_cast %while3A_75 : i32 to index
                %get3A_318 = arith.index_cast %add3A_314 : i32 to index
                %get3A_319 = arith.index_cast %add3A_316 : i32 to index
                %get3A_320 = tpu.vector_load %arg6[%get3A_317, %get3A_318, %get3A_319] {strides = array<i32>} : memref<2x32x1024xf32, #tpu.memory_space<vmem>>, vector<16xf32>,
                %add3A_321 = arith.addf %add3A_305, %get3A_320 : vector<16xf32>
                %add3A_322 = arith.constant 8 : i32
                %add3A_323 = arith.addi %add3A_193, %add3A_322 : i32
                %get3A_324 = arith.index_cast %while3A_75 : i32 to index
                %get3A_325 = arith.index_cast %add3A_323 : i32 to index
                %get3A_326 = arith.index_cast %mul3A_138 : i32 to index
                %get3A_327 = tpu.vector_load %arg6[%get3A_324, %get3A_325, %get3A_326] {strides = array<i32>} : memref<2x32x1024xf32, #tpu.memory_space<vmem>>, vector<16xf32>,
                %add3A_328 = arith.addf %add3A_312, %get3A_327 : vector<16xf32>
                %add3A_329 = arith.constant 8 : i32
                %add3A_330 = arith.addi %add3A_193, %add3A_329 : i32
                %add3A_331 = arith.constant 16 : i32
                %add3A_332 = arith.addi %mul3A_138, %add3A_331 : i32
                %get3A_333 = arith.index_cast %while3A_75 : i32 to index
                %get3A_334 = arith.index_cast %add3A_330 : i32 to index
                %get3A_335 = arith.index_cast %add3A_332 : i32 to index
                %get3A_336 = tpu.vector_load %arg6[%get3A_333, %get3A_334, %get3A_335] {strides = array<i32>} : memref<2x32x1024xf32, #tpu.memory_space<vmem>>, vector<16xf32>,
                %add3A_337 = arith.addf %add3A_321, %get3A_336 : vector<16xf32>
                %add3A_338 = arith.constant 9 : i32
                %add3A_339 = arith.addi %add3A_193, %add3A_338 : i32
                %get3A_340 = arith.index_cast %while3A_75 : i32 to index
                %get3A_341 = arith.index_cast %add3A_339 : i32 to index
                %get3A_342 = arith.index_cast %mul3A_138 : i32 to index
                %get3A_343 = tpu.vector_load %arg6[%get3A_340, %get3A_341, %get3A_342] {strides = array<i32>} : memref<2x32x1024xf32, #tpu.memory_space<vmem>>, vector<16xf32>,
                %add3A_344 = arith.addf %add3A_328, %get3A_343 : vector<16xf32>
                %add3A_345 = arith.constant 9 : i32
                %add3A_346 = arith.addi %add3A_193, %add3A_345 : i32
                %add3A_347 = arith.constant 16 : i32
                %add3A_348 = arith.addi %mul3A_138, %add3A_347 : i32
                %get3A_349 = arith.index_cast %while3A_75 : i32 to index
                %get3A_350 = arith.index_cast %add3A_346 : i32 to index
                %get3A_351 = arith.index_cast %add3A_348 : i32 to index
                %get3A_352 = tpu.vector_load %arg6[%get3A_349, %get3A_350, %get3A_351] {strides = array<i32>} : memref<2x32x1024xf32, #tpu.memory_space<vmem>>, vector<16xf32>,
                %add3A_353 = arith.addf %add3A_337, %get3A_352 : vector<16xf32>
                %add3A_354 = arith.constant 10 : i32
                %add3A_355 = arith.addi %add3A_193, %add3A_354 : i32
                %get3A_356 = arith.index_cast %while3A_75 : i32 to index
                %get3A_357 = arith.index_cast %add3A_355 : i32 to index
                %get3A_358 = arith.index_cast %mul3A_138 : i32 to index
                %get3A_359 = tpu.vector_load %arg6[%get3A_356, %get3A_357, %get3A_358] {strides = array<i32>} : memref<2x32x1024xf32, #tpu.memory_space<vmem>>, vector<16xf32>,
                %add3A_360 = arith.addf %add3A_344, %get3A_359 : vector<16xf32>
                %add3A_361 = arith.constant 10 : i32
                %add3A_362 = arith.addi %add3A_193, %add3A_361 : i32
                %add3A_363 = arith.constant 16 : i32
                %add3A_364 = arith.addi %mul3A_138, %add3A_363 : i32
                %get3A_365 = arith.index_cast %while3A_75 : i32 to index
                %get3A_366 = arith.index_cast %add3A_362 : i32 to index
                %get3A_367 = arith.index_cast %add3A_364 : i32 to index
                %get3A_368 = tpu.vector_load %arg6[%get3A_365, %get3A_366, %get3A_367] {strides = array<i32>} : memref<2x32x1024xf32, #tpu.memory_space<vmem>>, vector<16xf32>,
                %add3A_369 = arith.addf %add3A_353, %get3A_368 : vector<16xf32>
                %add3A_370 = arith.constant 11 : i32
                %add3A_371 = arith.addi %add3A_193, %add3A_370 : i32
                %get3A_372 = arith.index_cast %while3A_75 : i32 to index
                %get3A_373 = arith.index_cast %add3A_371 : i32 to index
                %get3A_374 = arith.index_cast %mul3A_138 : i32 to index
                %get3A_375 = tpu.vector_load %arg6[%get3A_372, %get3A_373, %get3A_374] {strides = array<i32>} : memref<2x32x1024xf32, #tpu.memory_space<vmem>>, vector<16xf32>,
                %add3A_376 = arith.addf %add3A_360, %get3A_375 : vector<16xf32>
                %add3A_377 = arith.constant 11 : i32
                %add3A_378 = arith.addi %add3A_193, %add3A_377 : i32
                %add3A_379 = arith.constant 16 : i32
                %add3A_380 = arith.addi %mul3A_138, %add3A_379 : i32
                %get3A_381 = arith.index_cast %while3A_75 : i32 to index
                %get3A_382 = arith.index_cast %add3A_378 : i32 to index
                %get3A_383 = arith.index_cast %add3A_380 : i32 to index
                %get3A_384 = tpu.vector_load %arg6[%get3A_381, %get3A_382, %get3A_383] {strides = array<i32>} : memref<2x32x1024xf32, #tpu.memory_space<vmem>>, vector<16xf32>,
                %add3A_385 = arith.addf %add3A_369, %get3A_384 : vector<16xf32>
                %add3A_386 = arith.constant 12 : i32
                %add3A_387 = arith.addi %add3A_193, %add3A_386 : i32
                %get3A_388 = arith.index_cast %while3A_75 : i32 to index
                %get3A_389 = arith.index_cast %add3A_387 : i32 to index
                %get3A_390 = arith.index_cast %mul3A_138 : i32 to index
                %get3A_391 = tpu.vector_load %arg6[%get3A_388, %get3A_389, %get3A_390] {strides = array<i32>} : memref<2x32x1024xf32, #tpu.memory_space<vmem>>, vector<16xf32>,
                %add3A_392 = arith.addf %add3A_376, %get3A_391 : vector<16xf32>
                %add3A_393 = arith.constant 12 : i32
                %add3A_394 = arith.addi %add3A_193, %add3A_393 : i32
                %add3A_395 = arith.constant 16 : i32
                %add3A_396 = arith.addi %mul3A_138, %add3A_395 : i32
                %get3A_397 = arith.index_cast %while3A_75 : i32 to index
                %get3A_398 = arith.index_cast %add3A_394 : i32 to index
                %get3A_399 = arith.index_cast %add3A_396 : i32 to index
                %get3A_400 = tpu.vector_load %arg6[%get3A_397, %get3A_398, %get3A_399] {strides = array<i32>} : memref<2x32x1024xf32, #tpu.memory_space<vmem>>, vector<16xf32>,
                %add3A_401 = arith.addf %add3A_385, %get3A_400 : vector<16xf32>
                %add3A_402 = arith.constant 13 : i32
                %add3A_403 = arith.addi %add3A_193, %add3A_402 : i32
                %get3A_404 = arith.index_cast %while3A_75 : i32 to index
                %get3A_405 = arith.index_cast %add3A_403 : i32 to index
                %get3A_406 = arith.index_cast %mul3A_138 : i32 to index
                %get3A_407 = tpu.vector_load %arg6[%get3A_404, %get3A_405, %get3A_406] {strides = array<i32>} : memref<2x32x1024xf32, #tpu.memory_space<vmem>>, vector<16xf32>,
                %add3A_408 = arith.addf %add3A_392, %get3A_407 : vector<16xf32>
                %add3A_409 = arith.constant 13 : i32
                %add3A_410 = arith.addi %add3A_193, %add3A_409 : i32
                %add3A_411 = arith.constant 16 : i32
                %add3A_412 = arith.addi %mul3A_138, %add3A_411 : i32
                %get3A_413 = arith.index_cast %while3A_75 : i32 to index
                %get3A_414 = arith.index_cast %add3A_410 : i32 to index
                %get3A_415 = arith.index_cast %add3A_412 : i32 to index
                %get3A_416 = tpu.vector_load %arg6[%get3A_413, %get3A_414, %get3A_415] {strides = array<i32>} : memref<2x32x1024xf32, #tpu.memory_space<vmem>>, vector<16xf32>,
                %add3A_417 = arith.addf %add3A_401, %get3A_416 : vector<16xf32>
                %add3A_418 = arith.constant 14 : i32
                %add3A_419 = arith.addi %add3A_193, %add3A_418 : i32
                %get3A_420 = arith.index_cast %while3A_75 : i32 to index
                %get3A_421 = arith.index_cast %add3A_419 : i32 to index
                %get3A_422 = arith.index_cast %mul3A_138 : i32 to index
                %get3A_423 = tpu.vector_load %arg6[%get3A_420, %get3A_421, %get3A_422] {strides = array<i32>} : memref<2x32x1024xf32, #tpu.memory_space<vmem>>, vector<16xf32>,
                %add3A_424 = arith.addf %add3A_408, %get3A_423 : vector<16xf32>
                %add3A_425 = arith.constant 14 : i32
                %add3A_426 = arith.addi %add3A_193, %add3A_425 : i32
                %add3A_427 = arith.constant 16 : i32
                %add3A_428 = arith.addi %mul3A_138, %add3A_427 : i32
                %get3A_429 = arith.index_cast %while3A_75 : i32 to index
                %get3A_430 = arith.index_cast %add3A_426 : i32 to index
                %get3A_431 = arith.index_cast %add3A_428 : i32 to index
                %get3A_432 = tpu.vector_load %arg6[%get3A_429, %get3A_430, %get3A_431] {strides = array<i32>} : memref<2x32x1024xf32, #tpu.memory_space<vmem>>, vector<16xf32>,
                %add3A_433 = arith.addf %add3A_417, %get3A_432 : vector<16xf32>
                %add3A_434 = arith.constant 15 : i32
                %add3A_435 = arith.addi %add3A_193, %add3A_434 : i32
                %get3A_436 = arith.index_cast %while3A_75 : i32 to index
                %get3A_437 = arith.index_cast %add3A_435 : i32 to index
                %get3A_438 = arith.index_cast %mul3A_138 : i32 to index
                %get3A_439 = tpu.vector_load %arg6[%get3A_436, %get3A_437, %get3A_438] {strides = array<i32>} : memref<2x32x1024xf32, #tpu.memory_space<vmem>>, vector<16xf32>,
                %add3A_440 = arith.addf %add3A_424, %get3A_439 : vector<16xf32>
                %add3A_441 = arith.constant 15 : i32
                %add3A_442 = arith.addi %add3A_193, %add3A_441 : i32
                %add3A_443 = arith.constant 16 : i32
                %add3A_444 = arith.addi %mul3A_138, %add3A_443 : i32
                %get3A_445 = arith.index_cast %while3A_75 : i32 to index
                %get3A_446 = arith.index_cast %add3A_442 : i32 to index
                %get3A_447 = arith.index_cast %add3A_444 : i32 to index
                %get3A_448 = tpu.vector_load %arg6[%get3A_445, %get3A_446, %get3A_447] {strides = array<i32>} : memref<2x32x1024xf32, #tpu.memory_space<vmem>>, vector<16xf32>,
                %add3A_449 = arith.addf %add3A_433, %get3A_448 : vector<16xf32>
                scf.yield %add3A_440, %add3A_449 : vector<16xf32>, vector<16xf32>
              }
              %while3A_170 = arith.subi %sub3A_98, %sub3A_101 : i32
              %while3A_171 = arith.addi %sub3A_101, %while3A_170 : i32
              %while3A_172 = arith.constant 1 : i32
              %while3A_173 = arith.divsi %while3A_170, %while3A_172 : i32
              %while3A_174 = arith.muli %while3A_173, %while3A_172 : i32
              %while3A_175 = arith.addi %sub3A_101, %while3A_174 : i32
              %while3A_176 = arith.constant 1 : i32
              %while3A_177:2 = scf.for %while3A_188 = %sub3A_101 to %while3A_175 step %while3A_176 iter_args(%while3A_189 = %while3A_169#0, %while3A_190 = %while3A_169#1) -> (vector<16xf32>, vector<16xf32>)  : i32 {
                %add3A_191 = arith.addi %sub3A_99, %while3A_188 : i32
                %get3A_192 = arith.index_cast %while3A_75 : i32 to index
                %get3A_193 = arith.index_cast %add3A_191 : i32 to index
                %get3A_194 = arith.index_cast %mul3A_138 : i32 to index
                %get3A_195 = tpu.vector_load %arg6[%get3A_192, %get3A_193, %get3A_194] {strides = array<i32>} : memref<2x32x1024xf32, #tpu.memory_space<vmem>>, vector<16xf32>,
                %add3A_196 = arith.addf %while3A_189, %get3A_195 : vector<16xf32>
                %add3A_197 = arith.addi %sub3A_99, %while3A_188 : i32
                %add3A_198 = arith.constant 16 : i32
                %add3A_199 = arith.addi %mul3A_138, %add3A_198 : i32
                %get3A_200 = arith.index_cast %while3A_75 : i32 to index
                %get3A_201 = arith.index_cast %add3A_197 : i32 to index
                %get3A_202 = arith.index_cast %add3A_199 : i32 to index
                %get3A_203 = tpu.vector_load %arg6[%get3A_200, %get3A_201, %get3A_202] {strides = array<i32>} : memref<2x32x1024xf32, #tpu.memory_space<vmem>>, vector<16xf32>,
                %add3A_204 = arith.addf %while3A_190, %get3A_203 : vector<16xf32>
                scf.yield %add3A_196, %add3A_204 : vector<16xf32>, vector<16xf32>
              }
              %while3A_178 = arith.constant 1 : i32
              %while3A_179:2 = scf.for %while3A_188 = %while3A_175 to %while3A_171 step %while3A_178 iter_args(%while3A_189 = %while3A_177#0, %while3A_190 = %while3A_177#1) -> (vector<16xf32>, vector<16xf32>)  : i32 {
                %add3A_191 = arith.addi %sub3A_99, %while3A_188 : i32
                %get3A_192 = arith.index_cast %while3A_75 : i32 to index
                %get3A_193 = arith.index_cast %add3A_191 : i32 to index
                %get3A_194 = arith.index_cast %mul3A_138 : i32 to index
                %get3A_195 = tpu.vector_load %arg6[%get3A_192, %get3A_193, %get3A_194] {strides = array<i32>} : memref<2x32x1024xf32, #tpu.memory_space<vmem>>, vector<16xf32>,
                %add3A_196 = arith.addf %while3A_189, %get3A_195 : vector<16xf32>
                %add3A_197 = arith.addi %sub3A_99, %while3A_188 : i32
                %add3A_198 = arith.constant 16 : i32
                %add3A_199 = arith.addi %mul3A_138, %add3A_198 : i32
                %get3A_200 = arith.index_cast %while3A_75 : i32 to index
                %get3A_201 = arith.index_cast %add3A_197 : i32 to index
                %get3A_202 = arith.index_cast %add3A_199 : i32 to index
                %get3A_203 = tpu.vector_load %arg6[%get3A_200, %get3A_201, %get3A_202] {strides = array<i32>} : memref<2x32x1024xf32, #tpu.memory_space<vmem>>, vector<16xf32>,
                %add3A_204 = arith.addf %while3A_190, %get3A_203 : vector<16xf32>
                scf.yield %add3A_196, %add3A_204 : vector<16xf32>, vector<16xf32>
              }
              %swap3A = arith.index_cast %scan3A_33 : i32 to index
              %swap3A_180 = arith.index_cast %mul3A_138 : i32 to index
              %swap3A_181 = tpu.vector_load %arg7[%swap3A, %swap3A_180] {strides = array<i32>} : memref<16x1024xf32, #tpu.memory_space<vmem>>, vector<16xf32>,
              tpu.vector_store %arg7[%swap3A, %swap3A_180], %while3A_179#0 {add = true, strides = array<i32>} : memref<16x1024xf32, #tpu.memory_space<vmem>>, vector<16xf32>,
              %add3A_182 = arith.constant 16 : i32
              %add3A_183 = arith.addi %mul3A_138, %add3A_182 : i32
              %swap3A_184 = arith.index_cast %scan3A_33 : i32 to index
              %swap3A_185 = arith.index_cast %add3A_183 : i32 to index
              %swap3A_186 = tpu.vector_load %arg7[%swap3A_184, %swap3A_185] {strides = array<i32>} : memref<16x1024xf32, #tpu.memory_space<vmem>>, vector<16xf32>,
              tpu.vector_store %arg7[%swap3A_184, %swap3A_185], %while3A_179#1 {add = true, strides = array<i32>} : memref<16x1024xf32, #tpu.memory_space<vmem>>, vector<16xf32>,
              %scan3A_187 = arith.constant 0 : i32
              scf.yield %scan3A_187 : i32
            }
            %scan3A_134 = arith.constant 32 : i32
          } else {
          }
          %sub3A_126 = arith.constant 1 : i32
          %sub3A_127 = arith.subi %sub3A_126, %while3A_75 : i32
          scf.yield %sub3A_127 : i32
        }
        %while3A_72 = arith.constant 1 : i32
        %while3A_73 = scf.for %while3A_74 = %while3A_69 to %while3A_65 step %while3A_72 iter_args(%while3A_75 = %while3A_71) -> (i32)  : i32 {
          %mul3A_76 = arith.constant 32 : i32
          %mul3A_77 = arith.muli %while3A_74, %mul3A_76 : i32
          %add3A_78 = arith.addi %mul3A_2, %mul3A_77 : i32
          %dma_wait3A = arith.constant 0 : i32
          %dma_wait3A_79 = arith.constant 0 : i32
          %dma_wait3A_80 = tpu.memref_slice %arg6[%while3A_75, %dma_wait3A, %dma_wait3A_79] : memref<2x32x1024xf32, #tpu.memory_space<vmem>> -> memref<1x32x1024xf32, #tpu.memory_space<vmem>>
          %dma_wait3A_81 = tpu.memref_squeeze %dma_wait3A_80 : memref<1x32x1024xf32, #tpu.memory_space<vmem>> -> memref<32x1024xf32, #tpu.memory_space<vmem>>
          %dma_wait3A_82 = arith.constant 0 : i32
          %dma_wait3A_83 = tpu.memref_slice %arg2[%add3A_78, %dma_wait3A_82] : memref<32768x1024xf32, #tpu.memory_space<hbm>> -> memref<32x1024xf32, #tpu.memory_space<hbm>>
          %dma_wait3A_84 = arith.constant 0 : i32
          %dma_wait3A_85 = arith.constant 0 : i32
          %dma_wait3A_86 = tpu.memref_slice %arg6[%while3A_75, %dma_wait3A_84, %dma_wait3A_85] : memref<2x32x1024xf32, #tpu.memory_space<vmem>> -> memref<1x32x1024xf32, #tpu.memory_space<vmem>>
          %dma_wait3A_87 = tpu.memref_squeeze %dma_wait3A_86 : memref<1x32x1024xf32, #tpu.memory_space<vmem>> -> memref<32x1024xf32, #tpu.memory_space<vmem>>
          %dma_wait3A_88 = arith.constant 0 : i32
          %dma_wait3A_89 = tpu.memref_slice %arg2[%add3A_78, %dma_wait3A_88] : memref<32768x1024xf32, #tpu.memory_space<hbm>> -> memref<32x1024xf32, #tpu.memory_space<hbm>>
          tpu.wait_dma2 semaphore(%arg12 : memref<!tpu.dma_semaphore, #tpu.memory_space<semaphore_mem>>) src(%dma_wait3A_89 : memref<32x1024xf32, #tpu.memory_space<hbm>>) dst(%dma_wait3A_87 : memref<32x1024xf32, #tpu.memory_space<vmem>>)
          %lt3A = arith.cmpi slt, %while3A_74, %div3A_46 : i32
          %convert_element_type3A_90 = arith.extui %lt3A : i1 to i32
          %cond3A_91 = arith.constant 0 : i32
          %cond3A_92 = arith.cmpi ne, %convert_element_type3A_90, %cond3A_91 : i32
          scf.if %cond3A_92 {
            %add3A_128 = arith.constant 1 : i32
            %add3A_129 = arith.addi %while3A_74, %add3A_128 : i32
            %sub3A_130 = arith.constant 1 : i32
            %sub3A_131 = arith.subi %sub3A_130, %while3A_75 : i32
            %mul3A_132 = arith.constant 32 : i32
            %mul3A_133 = arith.muli %add3A_129, %mul3A_132 : i32
            %add3A_134 = arith.addi %mul3A_2, %mul3A_133 : i32
            %dma_start3A_135 = arith.constant 0 : i32
            %dma_start3A_136 = arith.constant 0 : i32
            %dma_start3A_137 = tpu.memref_slice %arg6[%sub3A_131, %dma_start3A_135, %dma_start3A_136] : memref<2x32x1024xf32, #tpu.memory_space<vmem>> -> memref<1x32x1024xf32, #tpu.memory_space<vmem>>
            %dma_start3A_138 = tpu.memref_squeeze %dma_start3A_137 : memref<1x32x1024xf32, #tpu.memory_space<vmem>> -> memref<32x1024xf32, #tpu.memory_space<vmem>>
            %dma_start3A_139 = arith.constant 0 : i32
            %dma_start3A_140 = tpu.memref_slice %arg2[%add3A_134, %dma_start3A_139] : memref<32768x1024xf32, #tpu.memory_space<hbm>> -> memref<32x1024xf32, #tpu.memory_space<hbm>>
            %dma_start3A_141 = arith.constant 0 : i32
            %dma_start3A_142 = arith.constant 0 : i32
            %dma_start3A_143 = tpu.memref_slice %arg6[%sub3A_131, %dma_start3A_141, %dma_start3A_142] : memref<2x32x1024xf32, #tpu.memory_space<vmem>> -> memref<1x32x1024xf32, #tpu.memory_space<vmem>>
            %dma_start3A_144 = tpu.memref_squeeze %dma_start3A_143 : memref<1x32x1024xf32, #tpu.memory_space<vmem>> -> memref<32x1024xf32, #tpu.memory_space<vmem>>
            %dma_start3A_145 = arith.constant 0 : i32
            %dma_start3A_146 = tpu.memref_slice %arg2[%add3A_134, %dma_start3A_145] : memref<32768x1024xf32, #tpu.memory_space<hbm>> -> memref<32x1024xf32, #tpu.memory_space<hbm>>
            tpu.enqueue_dma source(%dma_start3A_146 : memref<32x1024xf32, #tpu.memory_space<hbm>>) target(%dma_start3A_144 : memref<32x1024xf32, #tpu.memory_space<vmem>>) target_semaphore(%arg12 : memref<!tpu.dma_semaphore, #tpu.memory_space<semaphore_mem>>)
          } else {
          }
          %mul3A_93 = arith.constant 32 : i32
          %mul3A_94 = arith.muli %while3A_74, %mul3A_93 : i32
          %max3A = arith.maxsi %get3A_36, %mul3A_94 : i32
          %add3A_95 = arith.addi %get3A_36, %get3A_38 : i32
          %add3A_96 = arith.constant 32 : i32
          %add3A_97 = arith.addi %mul3A_94, %add3A_96 : i32
          %min3A = arith.minsi %add3A_95, %add3A_97 : i32
          %sub3A_98 = arith.subi %min3A, %max3A : i32
          %sub3A_99 = arith.subi %max3A, %mul3A_94 : i32
          %rem3A = arith.constant 16 : i32
          %rem3A_100 = arith.remsi %sub3A_98, %rem3A : i32
          %sub3A_101 = arith.subi %sub3A_98, %rem3A_100 : i32
          %eq3A = arith.constant 32 : i32
          %eq3A_102 = arith.cmpi eq, %sub3A_98, %eq3A : i32
          %eq3A_103 = arith.cmpi eq, %while3A_74, %div3A_42 : i32
          %and3A = arith.andi %eq3A_102, %eq3A_103 : i1
          %convert_element_type3A_104 = arith.extui %and3A : i1 to i32
          %cond3A_105 = arith.constant 0 : i32
          %cond3A_106 = arith.cmpi ne, %convert_element_type3A_104, %cond3A_105 : i32
          scf.if %cond3A_106 {
            %scan3A_128 = arith.constant 0 : i32
            %scan3A_129 = arith.constant 0 : i32
            %scan3A_130 = arith.constant 32 : i32
            %scan3A_131 = arith.addi %scan3A_129, %scan3A_130 : i32
            %scan3A_132 = arith.constant 1 : i32
            %scan3A_133 = scf.for %scan3A_135 = %scan3A_129 to %scan3A_131 step %scan3A_132 iter_args(%scan3A_136 = %scan3A_128) -> (i32)  : i32 {
              %mul3A_137 = arith.constant 32 : i32
              %mul3A_138 = arith.muli %scan3A_135, %mul3A_137 : i32
              %get3A_139 = arith.constant 0 : i32
              %get3A_140 = arith.index_cast %while3A_75 : i32 to index
              %get3A_141 = arith.index_cast %get3A_139 : i32 to index
              %get3A_142 = arith.index_cast %mul3A_138 : i32 to index
              %get3A_143 = tpu.vector_load %arg6[%get3A_140, %get3A_141, %get3A_142] {strides = array<i32>} : memref<2x32x1024xf32, #tpu.memory_space<vmem>>, vector<16xf32>,
              %add3A_144 = arith.constant 16 : i32
              %add3A_145 = arith.addi %mul3A_138, %add3A_144 : i32
              %get3A_146 = arith.constant 0 : i32
              %get3A_147 = arith.index_cast %while3A_75 : i32 to index
              %get3A_148 = arith.index_cast %get3A_146 : i32 to index
              %get3A_149 = arith.index_cast %add3A_145 : i32 to index
              %get3A_150 = tpu.vector_load %arg6[%get3A_147, %get3A_148, %get3A_149] {strides = array<i32>} : memref<2x32x1024xf32, #tpu.memory_space<vmem>>, vector<16xf32>,
              %get3A_151 = arith.constant 1 : i32
              %get3A_152 = arith.index_cast %while3A_75 : i32 to index
              %get3A_153 = arith.index_cast %get3A_151 : i32 to index
              %get3A_154 = arith.index_cast %mul3A_138 : i32 to index
              %get3A_155 = tpu.vector_load %arg6[%get3A_152, %get3A_153, %get3A_154] {strides = array<i32>} : memref<2x32x1024xf32, #tpu.memory_space<vmem>>, vector<16xf32>,
              %add3A_156 = arith.constant 16 : i32
              %add3A_157 = arith.addi %mul3A_138, %add3A_156 : i32
              %get3A_158 = arith.constant 1 : i32
              %get3A_159 = arith.index_cast %while3A_75 : i32 to index
              %get3A_160 = arith.index_cast %get3A_158 : i32 to index
              %get3A_161 = arith.index_cast %add3A_157 : i32 to index
              %get3A_162 = tpu.vector_load %arg6[%get3A_159, %get3A_160, %get3A_161] {strides = array<i32>} : memref<2x32x1024xf32, #tpu.memory_space<vmem>>, vector<16xf32>,
              %get3A_163 = arith.constant 2 : i32
              %get3A_164 = arith.index_cast %while3A_75 : i32 to index
              %get3A_165 = arith.index_cast %get3A_163 : i32 to index
              %get3A_166 = arith.index_cast %mul3A_138 : i32 to index
              %get3A_167 = tpu.vector_load %arg6[%get3A_164, %get3A_165, %get3A_166] {strides = array<i32>} : memref<2x32x1024xf32, #tpu.memory_space<vmem>>, vector<16xf32>,
              %add3A_168 = arith.addf %get3A_143, %get3A_167 : vector<16xf32>
              %add3A_169 = arith.constant 16 : i32
              %add3A_170 = arith.addi %mul3A_138, %add3A_169 : i32
              %get3A_171 = arith.constant 2 : i32
              %get3A_172 = arith.index_cast %while3A_75 : i32 to index
              %get3A_173 = arith.index_cast %get3A_171 : i32 to index
              %get3A_174 = arith.index_cast %add3A_170 : i32 to index
              %get3A_175 = tpu.vector_load %arg6[%get3A_172, %get3A_173, %get3A_174] {strides = array<i32>} : memref<2x32x1024xf32, #tpu.memory_space<vmem>>, vector<16xf32>,
              %add3A_176 = arith.addf %get3A_150, %get3A_175 : vector<16xf32>
              %get3A_177 = arith.constant 3 : i32
              %get3A_178 = arith.index_cast %while3A_75 : i32 to index
              %get3A_179 = arith.index_cast %get3A_177 : i32 to index
              %get3A_180 = arith.index_cast %mul3A_138 : i32 to index
              %get3A_181 = tpu.vector_load %arg6[%get3A_178, %get3A_179, %get3A_180] {strides = array<i32>} : memref<2x32x1024xf32, #tpu.memory_space<vmem>>, vector<16xf32>,
              %add3A_182 = arith.addf %get3A_155, %get3A_181 : vector<16xf32>
              %add3A_183 = arith.constant 16 : i32
              %add3A_184 = arith.addi %mul3A_138, %add3A_183 : i32
              %get3A_185 = arith.constant 3 : i32
              %get3A_186 = arith.index_cast %while3A_75 : i32 to index
              %get3A_187 = arith.index_cast %get3A_185 : i32 to index
              %get3A_188 = arith.index_cast %add3A_184 : i32 to index
              %get3A_189 = tpu.vector_load %arg6[%get3A_186, %get3A_187, %get3A_188] {strides = array<i32>} : memref<2x32x1024xf32, #tpu.memory_space<vmem>>, vector<16xf32>,
              %add3A_190 = arith.addf %get3A_162, %get3A_189 : vector<16xf32>
              %get3A_191 = arith.constant 4 : i32
              %get3A_192 = arith.index_cast %while3A_75 : i32 to index
              %get3A_193 = arith.index_cast %get3A_191 : i32 to index
              %get3A_194 = arith.index_cast %mul3A_138 : i32 to index
              %get3A_195 = tpu.vector_load %arg6[%get3A_192, %get3A_193, %get3A_194] {strides = array<i32>} : memref<2x32x1024xf32, #tpu.memory_space<vmem>>, vector<16xf32>,
              %add3A_196 = arith.addf %add3A_168, %get3A_195 : vector<16xf32>
              %add3A_197 = arith.constant 16 : i32
              %add3A_198 = arith.addi %mul3A_138, %add3A_197 : i32
              %get3A_199 = arith.constant 4 : i32
              %get3A_200 = arith.index_cast %while3A_75 : i32 to index
              %get3A_201 = arith.index_cast %get3A_199 : i32 to index
              %get3A_202 = arith.index_cast %add3A_198 : i32 to index
              %get3A_203 = tpu.vector_load %arg6[%get3A_200, %get3A_201, %get3A_202] {strides = array<i32>} : memref<2x32x1024xf32, #tpu.memory_space<vmem>>, vector<16xf32>,
              %add3A_204 = arith.addf %add3A_176, %get3A_203 : vector<16xf32>
              %get3A_205 = arith.constant 5 : i32
              %get3A_206 = arith.index_cast %while3A_75 : i32 to index
              %get3A_207 = arith.index_cast %get3A_205 : i32 to index
              %get3A_208 = arith.index_cast %mul3A_138 : i32 to index
              %get3A_209 = tpu.vector_load %arg6[%get3A_206, %get3A_207, %get3A_208] {strides = array<i32>} : memref<2x32x1024xf32, #tpu.memory_space<vmem>>, vector<16xf32>,
              %add3A_210 = arith.addf %add3A_182, %get3A_209 : vector<16xf32>
              %add3A_211 = arith.constant 16 : i32
              %add3A_212 = arith.addi %mul3A_138, %add3A_211 : i32
              %get3A_213 = arith.constant 5 : i32
              %get3A_214 = arith.index_cast %while3A_75 : i32 to index
              %get3A_215 = arith.index_cast %get3A_213 : i32 to index
              %get3A_216 = arith.index_cast %add3A_212 : i32 to index
              %get3A_217 = tpu.vector_load %arg6[%get3A_214, %get3A_215, %get3A_216] {strides = array<i32>} : memref<2x32x1024xf32, #tpu.memory_space<vmem>>, vector<16xf32>,
              %add3A_218 = arith.addf %add3A_190, %get3A_217 : vector<16xf32>
              %get3A_219 = arith.constant 6 : i32
              %get3A_220 = arith.index_cast %while3A_75 : i32 to index
              %get3A_221 = arith.index_cast %get3A_219 : i32 to index
              %get3A_222 = arith.index_cast %mul3A_138 : i32 to index
              %get3A_223 = tpu.vector_load %arg6[%get3A_220, %get3A_221, %get3A_222] {strides = array<i32>} : memref<2x32x1024xf32, #tpu.memory_space<vmem>>, vector<16xf32>,
              %add3A_224 = arith.addf %add3A_196, %get3A_223 : vector<16xf32>
              %add3A_225 = arith.constant 16 : i32
              %add3A_226 = arith.addi %mul3A_138, %add3A_225 : i32
              %get3A_227 = arith.constant 6 : i32
              %get3A_228 = arith.index_cast %while3A_75 : i32 to index
              %get3A_229 = arith.index_cast %get3A_227 : i32 to index
              %get3A_230 = arith.index_cast %add3A_226 : i32 to index
              %get3A_231 = tpu.vector_load %arg6[%get3A_228, %get3A_229, %get3A_230] {strides = array<i32>} : memref<2x32x1024xf32, #tpu.memory_space<vmem>>, vector<16xf32>,
              %add3A_232 = arith.addf %add3A_204, %get3A_231 : vector<16xf32>
              %get3A_233 = arith.constant 7 : i32
              %get3A_234 = arith.index_cast %while3A_75 : i32 to index
              %get3A_235 = arith.index_cast %get3A_233 : i32 to index
              %get3A_236 = arith.index_cast %mul3A_138 : i32 to index
              %get3A_237 = tpu.vector_load %arg6[%get3A_234, %get3A_235, %get3A_236] {strides = array<i32>} : memref<2x32x1024xf32, #tpu.memory_space<vmem>>, vector<16xf32>,
              %add3A_238 = arith.addf %add3A_210, %get3A_237 : vector<16xf32>
              %add3A_239 = arith.constant 16 : i32
              %add3A_240 = arith.addi %mul3A_138, %add3A_239 : i32
              %get3A_241 = arith.constant 7 : i32
              %get3A_242 = arith.index_cast %while3A_75 : i32 to index
              %get3A_243 = arith.index_cast %get3A_241 : i32 to index
              %get3A_244 = arith.index_cast %add3A_240 : i32 to index
              %get3A_245 = tpu.vector_load %arg6[%get3A_242, %get3A_243, %get3A_244] {strides = array<i32>} : memref<2x32x1024xf32, #tpu.memory_space<vmem>>, vector<16xf32>,
              %add3A_246 = arith.addf %add3A_218, %get3A_245 : vector<16xf32>
              %get3A_247 = arith.constant 8 : i32
              %get3A_248 = arith.index_cast %while3A_75 : i32 to index
              %get3A_249 = arith.index_cast %get3A_247 : i32 to index
              %get3A_250 = arith.index_cast %mul3A_138 : i32 to index
              %get3A_251 = tpu.vector_load %arg6[%get3A_248, %get3A_249, %get3A_250] {strides = array<i32>} : memref<2x32x1024xf32, #tpu.memory_space<vmem>>, vector<16xf32>,
              %add3A_252 = arith.addf %add3A_224, %get3A_251 : vector<16xf32>
              %add3A_253 = arith.constant 16 : i32
              %add3A_254 = arith.addi %mul3A_138, %add3A_253 : i32
              %get3A_255 = arith.constant 8 : i32
              %get3A_256 = arith.index_cast %while3A_75 : i32 to index
              %get3A_257 = arith.index_cast %get3A_255 : i32 to index
              %get3A_258 = arith.index_cast %add3A_254 : i32 to index
              %get3A_259 = tpu.vector_load %arg6[%get3A_256, %get3A_257, %get3A_258] {strides = array<i32>} : memref<2x32x1024xf32, #tpu.memory_space<vmem>>, vector<16xf32>,
              %add3A_260 = arith.addf %add3A_232, %get3A_259 : vector<16xf32>
              %get3A_261 = arith.constant 9 : i32
              %get3A_262 = arith.index_cast %while3A_75 : i32 to index
              %get3A_263 = arith.index_cast %get3A_261 : i32 to index
              %get3A_264 = arith.index_cast %mul3A_138 : i32 to index
              %get3A_265 = tpu.vector_load %arg6[%get3A_262, %get3A_263, %get3A_264] {strides = array<i32>} : memref<2x32x1024xf32, #tpu.memory_space<vmem>>, vector<16xf32>,
              %add3A_266 = arith.addf %add3A_238, %get3A_265 : vector<16xf32>
              %add3A_267 = arith.constant 16 : i32
              %add3A_268 = arith.addi %mul3A_138, %add3A_267 : i32
              %get3A_269 = arith.constant 9 : i32
              %get3A_270 = arith.index_cast %while3A_75 : i32 to index
              %get3A_271 = arith.index_cast %get3A_269 : i32 to index
              %get3A_272 = arith.index_cast %add3A_268 : i32 to index
              %get3A_273 = tpu.vector_load %arg6[%get3A_270, %get3A_271, %get3A_272] {strides = array<i32>} : memref<2x32x1024xf32, #tpu.memory_space<vmem>>, vector<16xf32>,
              %add3A_274 = arith.addf %add3A_246, %get3A_273 : vector<16xf32>
              %get3A_275 = arith.constant 10 : i32
              %get3A_276 = arith.index_cast %while3A_75 : i32 to index
              %get3A_277 = arith.index_cast %get3A_275 : i32 to index
              %get3A_278 = arith.index_cast %mul3A_138 : i32 to index
              %get3A_279 = tpu.vector_load %arg6[%get3A_276, %get3A_277, %get3A_278] {strides = array<i32>} : memref<2x32x1024xf32, #tpu.memory_space<vmem>>, vector<16xf32>,
              %add3A_280 = arith.addf %add3A_252, %get3A_279 : vector<16xf32>
              %add3A_281 = arith.constant 16 : i32
              %add3A_282 = arith.addi %mul3A_138, %add3A_281 : i32
              %get3A_283 = arith.constant 10 : i32
              %get3A_284 = arith.index_cast %while3A_75 : i32 to index
              %get3A_285 = arith.index_cast %get3A_283 : i32 to index
              %get3A_286 = arith.index_cast %add3A_282 : i32 to index
              %get3A_287 = tpu.vector_load %arg6[%get3A_284, %get3A_285, %get3A_286] {strides = array<i32>} : memref<2x32x1024xf32, #tpu.memory_space<vmem>>, vector<16xf32>,
              %add3A_288 = arith.addf %add3A_260, %get3A_287 : vector<16xf32>
              %get3A_289 = arith.constant 11 : i32
              %get3A_290 = arith.index_cast %while3A_75 : i32 to index
              %get3A_291 = arith.index_cast %get3A_289 : i32 to index
              %get3A_292 = arith.index_cast %mul3A_138 : i32 to index
              %get3A_293 = tpu.vector_load %arg6[%get3A_290, %get3A_291, %get3A_292] {strides = array<i32>} : memref<2x32x1024xf32, #tpu.memory_space<vmem>>, vector<16xf32>,
              %add3A_294 = arith.addf %add3A_266, %get3A_293 : vector<16xf32>
              %add3A_295 = arith.constant 16 : i32
              %add3A_296 = arith.addi %mul3A_138, %add3A_295 : i32
              %get3A_297 = arith.constant 11 : i32
              %get3A_298 = arith.index_cast %while3A_75 : i32 to index
              %get3A_299 = arith.index_cast %get3A_297 : i32 to index
              %get3A_300 = arith.index_cast %add3A_296 : i32 to index
              %get3A_301 = tpu.vector_load %arg6[%get3A_298, %get3A_299, %get3A_300] {strides = array<i32>} : memref<2x32x1024xf32, #tpu.memory_space<vmem>>, vector<16xf32>,
              %add3A_302 = arith.addf %add3A_274, %get3A_301 : vector<16xf32>
              %get3A_303 = arith.constant 12 : i32
              %get3A_304 = arith.index_cast %while3A_75 : i32 to index
              %get3A_305 = arith.index_cast %get3A_303 : i32 to index
              %get3A_306 = arith.index_cast %mul3A_138 : i32 to index
              %get3A_307 = tpu.vector_load %arg6[%get3A_304, %get3A_305, %get3A_306] {strides = array<i32>} : memref<2x32x1024xf32, #tpu.memory_space<vmem>>, vector<16xf32>,
              %add3A_308 = arith.addf %add3A_280, %get3A_307 : vector<16xf32>
              %add3A_309 = arith.constant 16 : i32
              %add3A_310 = arith.addi %mul3A_138, %add3A_309 : i32
              %get3A_311 = arith.constant 12 : i32
              %get3A_312 = arith.index_cast %while3A_75 : i32 to index
              %get3A_313 = arith.index_cast %get3A_311 : i32 to index
              %get3A_314 = arith.index_cast %add3A_310 : i32 to index
              %get3A_315 = tpu.vector_load %arg6[%get3A_312, %get3A_313, %get3A_314] {strides = array<i32>} : memref<2x32x1024xf32, #tpu.memory_space<vmem>>, vector<16xf32>,
              %add3A_316 = arith.addf %add3A_288, %get3A_315 : vector<16xf32>
              %get3A_317 = arith.constant 13 : i32
              %get3A_318 = arith.index_cast %while3A_75 : i32 to index
              %get3A_319 = arith.index_cast %get3A_317 : i32 to index
              %get3A_320 = arith.index_cast %mul3A_138 : i32 to index
              %get3A_321 = tpu.vector_load %arg6[%get3A_318, %get3A_319, %get3A_320] {strides = array<i32>} : memref<2x32x1024xf32, #tpu.memory_space<vmem>>, vector<16xf32>,
              %add3A_322 = arith.addf %add3A_294, %get3A_321 : vector<16xf32>
              %add3A_323 = arith.constant 16 : i32
              %add3A_324 = arith.addi %mul3A_138, %add3A_323 : i32
              %get3A_325 = arith.constant 13 : i32
              %get3A_326 = arith.index_cast %while3A_75 : i32 to index
              %get3A_327 = arith.index_cast %get3A_325 : i32 to index
              %get3A_328 = arith.index_cast %add3A_324 : i32 to index
              %get3A_329 = tpu.vector_load %arg6[%get3A_326, %get3A_327, %get3A_328] {strides = array<i32>} : memref<2x32x1024xf32, #tpu.memory_space<vmem>>, vector<16xf32>,
              %add3A_330 = arith.addf %add3A_302, %get3A_329 : vector<16xf32>
              %get3A_331 = arith.constant 14 : i32
              %get3A_332 = arith.index_cast %while3A_75 : i32 to index
              %get3A_333 = arith.index_cast %get3A_331 : i32 to index
              %get3A_334 = arith.index_cast %mul3A_138 : i32 to index
              %get3A_335 = tpu.vector_load %arg6[%get3A_332, %get3A_333, %get3A_334] {strides = array<i32>} : memref<2x32x1024xf32, #tpu.memory_space<vmem>>, vector<16xf32>,
              %add3A_336 = arith.addf %add3A_308, %get3A_335 : vector<16xf32>
              %add3A_337 = arith.constant 16 : i32
              %add3A_338 = arith.addi %mul3A_138, %add3A_337 : i32
              %get3A_339 = arith.constant 14 : i32
              %get3A_340 = arith.index_cast %while3A_75 : i32 to index
              %get3A_341 = arith.index_cast %get3A_339 : i32 to index
              %get3A_342 = arith.index_cast %add3A_338 : i32 to index
              %get3A_343 = tpu.vector_load %arg6[%get3A_340, %get3A_341, %get3A_342] {strides = array<i32>} : memref<2x32x1024xf32, #tpu.memory_space<vmem>>, vector<16xf32>,
              %add3A_344 = arith.addf %add3A_316, %get3A_343 : vector<16xf32>
              %get3A_345 = arith.constant 15 : i32
              %get3A_346 = arith.index_cast %while3A_75 : i32 to index
              %get3A_347 = arith.index_cast %get3A_345 : i32 to index
              %get3A_348 = arith.index_cast %mul3A_138 : i32 to index
              %get3A_349 = tpu.vector_load %arg6[%get3A_346, %get3A_347, %get3A_348] {strides = array<i32>} : memref<2x32x1024xf32, #tpu.memory_space<vmem>>, vector<16xf32>,
              %add3A_350 = arith.addf %add3A_322, %get3A_349 : vector<16xf32>
              %add3A_351 = arith.constant 16 : i32
              %add3A_352 = arith.addi %mul3A_138, %add3A_351 : i32
              %get3A_353 = arith.constant 15 : i32
              %get3A_354 = arith.index_cast %while3A_75 : i32 to index
              %get3A_355 = arith.index_cast %get3A_353 : i32 to index
              %get3A_356 = arith.index_cast %add3A_352 : i32 to index
              %get3A_357 = tpu.vector_load %arg6[%get3A_354, %get3A_355, %get3A_356] {strides = array<i32>} : memref<2x32x1024xf32, #tpu.memory_space<vmem>>, vector<16xf32>,
              %add3A_358 = arith.addf %add3A_330, %get3A_357 : vector<16xf32>
              %get3A_359 = arith.constant 16 : i32
              %get3A_360 = arith.index_cast %while3A_75 : i32 to index
              %get3A_361 = arith.index_cast %get3A_359 : i32 to index
              %get3A_362 = arith.index_cast %mul3A_138 : i32 to index
              %get3A_363 = tpu.vector_load %arg6[%get3A_360, %get3A_361, %get3A_362] {strides = array<i32>} : memref<2x32x1024xf32, #tpu.memory_space<vmem>>, vector<16xf32>,
              %add3A_364 = arith.addf %add3A_336, %get3A_363 : vector<16xf32>
              %add3A_365 = arith.constant 16 : i32
              %add3A_366 = arith.addi %mul3A_138, %add3A_365 : i32
              %get3A_367 = arith.constant 16 : i32
              %get3A_368 = arith.index_cast %while3A_75 : i32 to index
              %get3A_369 = arith.index_cast %get3A_367 : i32 to index
              %get3A_370 = arith.index_cast %add3A_366 : i32 to index
              %get3A_371 = tpu.vector_load %arg6[%get3A_368, %get3A_369, %get3A_370] {strides = array<i32>} : memref<2x32x1024xf32, #tpu.memory_space<vmem>>, vector<16xf32>,
              %add3A_372 = arith.addf %add3A_344, %get3A_371 : vector<16xf32>
              %get3A_373 = arith.constant 17 : i32
              %get3A_374 = arith.index_cast %while3A_75 : i32 to index
              %get3A_375 = arith.index_cast %get3A_373 : i32 to index
              %get3A_376 = arith.index_cast %mul3A_138 : i32 to index
              %get3A_377 = tpu.vector_load %arg6[%get3A_374, %get3A_375, %get3A_376] {strides = array<i32>} : memref<2x32x1024xf32, #tpu.memory_space<vmem>>, vector<16xf32>,
              %add3A_378 = arith.addf %add3A_350, %get3A_377 : vector<16xf32>
              %add3A_379 = arith.constant 16 : i32
              %add3A_380 = arith.addi %mul3A_138, %add3A_379 : i32
              %get3A_381 = arith.constant 17 : i32
              %get3A_382 = arith.index_cast %while3A_75 : i32 to index
              %get3A_383 = arith.index_cast %get3A_381 : i32 to index
              %get3A_384 = arith.index_cast %add3A_380 : i32 to index
              %get3A_385 = tpu.vector_load %arg6[%get3A_382, %get3A_383, %get3A_384] {strides = array<i32>} : memref<2x32x1024xf32, #tpu.memory_space<vmem>>, vector<16xf32>,
              %add3A_386 = arith.addf %add3A_358, %get3A_385 : vector<16xf32>
              %get3A_387 = arith.constant 18 : i32
              %get3A_388 = arith.index_cast %while3A_75 : i32 to index
              %get3A_389 = arith.index_cast %get3A_387 : i32 to index
              %get3A_390 = arith.index_cast %mul3A_138 : i32 to index
              %get3A_391 = tpu.vector_load %arg6[%get3A_388, %get3A_389, %get3A_390] {strides = array<i32>} : memref<2x32x1024xf32, #tpu.memory_space<vmem>>, vector<16xf32>,
              %add3A_392 = arith.addf %add3A_364, %get3A_391 : vector<16xf32>
              %add3A_393 = arith.constant 16 : i32
              %add3A_394 = arith.addi %mul3A_138, %add3A_393 : i32
              %get3A_395 = arith.constant 18 : i32
              %get3A_396 = arith.index_cast %while3A_75 : i32 to index
              %get3A_397 = arith.index_cast %get3A_395 : i32 to index
              %get3A_398 = arith.index_cast %add3A_394 : i32 to index
              %get3A_399 = tpu.vector_load %arg6[%get3A_396, %get3A_397, %get3A_398] {strides = array<i32>} : memref<2x32x1024xf32, #tpu.memory_space<vmem>>, vector<16xf32>,
              %add3A_400 = arith.addf %add3A_372, %get3A_399 : vector<16xf32>
              %get3A_401 = arith.constant 19 : i32
              %get3A_402 = arith.index_cast %while3A_75 : i32 to index
              %get3A_403 = arith.index_cast %get3A_401 : i32 to index
              %get3A_404 = arith.index_cast %mul3A_138 : i32 to index
              %get3A_405 = tpu.vector_load %arg6[%get3A_402, %get3A_403, %get3A_404] {strides = array<i32>} : memref<2x32x1024xf32, #tpu.memory_space<vmem>>, vector<16xf32>,
              %add3A_406 = arith.addf %add3A_378, %get3A_405 : vector<16xf32>
              %add3A_407 = arith.constant 16 : i32
              %add3A_408 = arith.addi %mul3A_138, %add3A_407 : i32
              %get3A_409 = arith.constant 19 : i32
              %get3A_410 = arith.index_cast %while3A_75 : i32 to index
              %get3A_411 = arith.index_cast %get3A_409 : i32 to index
              %get3A_412 = arith.index_cast %add3A_408 : i32 to index
              %get3A_413 = tpu.vector_load %arg6[%get3A_410, %get3A_411, %get3A_412] {strides = array<i32>} : memref<2x32x1024xf32, #tpu.memory_space<vmem>>, vector<16xf32>,
              %add3A_414 = arith.addf %add3A_386, %get3A_413 : vector<16xf32>
              %get3A_415 = arith.constant 20 : i32
              %get3A_416 = arith.index_cast %while3A_75 : i32 to index
              %get3A_417 = arith.index_cast %get3A_415 : i32 to index
              %get3A_418 = arith.index_cast %mul3A_138 : i32 to index
              %get3A_419 = tpu.vector_load %arg6[%get3A_416, %get3A_417, %get3A_418] {strides = array<i32>} : memref<2x32x1024xf32, #tpu.memory_space<vmem>>, vector<16xf32>,
              %add3A_420 = arith.addf %add3A_392, %get3A_419 : vector<16xf32>
              %add3A_421 = arith.constant 16 : i32
              %add3A_422 = arith.addi %mul3A_138, %add3A_421 : i32
              %get3A_423 = arith.constant 20 : i32
              %get3A_424 = arith.index_cast %while3A_75 : i32 to index
              %get3A_425 = arith.index_cast %get3A_423 : i32 to index
              %get3A_426 = arith.index_cast %add3A_422 : i32 to index
              %get3A_427 = tpu.vector_load %arg6[%get3A_424, %get3A_425, %get3A_426] {strides = array<i32>} : memref<2x32x1024xf32, #tpu.memory_space<vmem>>, vector<16xf32>,
              %add3A_428 = arith.addf %add3A_400, %get3A_427 : vector<16xf32>
              %get3A_429 = arith.constant 21 : i32
              %get3A_430 = arith.index_cast %while3A_75 : i32 to index
              %get3A_431 = arith.index_cast %get3A_429 : i32 to index
              %get3A_432 = arith.index_cast %mul3A_138 : i32 to index
              %get3A_433 = tpu.vector_load %arg6[%get3A_430, %get3A_431, %get3A_432] {strides = array<i32>} : memref<2x32x1024xf32, #tpu.memory_space<vmem>>, vector<16xf32>,
              %add3A_434 = arith.addf %add3A_406, %get3A_433 : vector<16xf32>
              %add3A_435 = arith.constant 16 : i32
              %add3A_436 = arith.addi %mul3A_138, %add3A_435 : i32
              %get3A_437 = arith.constant 21 : i32
              %get3A_438 = arith.index_cast %while3A_75 : i32 to index
              %get3A_439 = arith.index_cast %get3A_437 : i32 to index
              %get3A_440 = arith.index_cast %add3A_436 : i32 to index
              %get3A_441 = tpu.vector_load %arg6[%get3A_438, %get3A_439, %get3A_440] {strides = array<i32>} : memref<2x32x1024xf32, #tpu.memory_space<vmem>>, vector<16xf32>,
              %add3A_442 = arith.addf %add3A_414, %get3A_441 : vector<16xf32>
              %get3A_443 = arith.constant 22 : i32
              %get3A_444 = arith.index_cast %while3A_75 : i32 to index
              %get3A_445 = arith.index_cast %get3A_443 : i32 to index
              %get3A_446 = arith.index_cast %mul3A_138 : i32 to index
              %get3A_447 = tpu.vector_load %arg6[%get3A_444, %get3A_445, %get3A_446] {strides = array<i32>} : memref<2x32x1024xf32, #tpu.memory_space<vmem>>, vector<16xf32>,
              %add3A_448 = arith.addf %add3A_420, %get3A_447 : vector<16xf32>
              %add3A_449 = arith.constant 16 : i32
              %add3A_450 = arith.addi %mul3A_138, %add3A_449 : i32
              %get3A_451 = arith.constant 22 : i32
              %get3A_452 = arith.index_cast %while3A_75 : i32 to index
              %get3A_453 = arith.index_cast %get3A_451 : i32 to index
              %get3A_454 = arith.index_cast %add3A_450 : i32 to index
              %get3A_455 = tpu.vector_load %arg6[%get3A_452, %get3A_453, %get3A_454] {strides = array<i32>} : memref<2x32x1024xf32, #tpu.memory_space<vmem>>, vector<16xf32>,
              %add3A_456 = arith.addf %add3A_428, %get3A_455 : vector<16xf32>
              %get3A_457 = arith.constant 23 : i32
              %get3A_458 = arith.index_cast %while3A_75 : i32 to index
              %get3A_459 = arith.index_cast %get3A_457 : i32 to index
              %get3A_460 = arith.index_cast %mul3A_138 : i32 to index
              %get3A_461 = tpu.vector_load %arg6[%get3A_458, %get3A_459, %get3A_460] {strides = array<i32>} : memref<2x32x1024xf32, #tpu.memory_space<vmem>>, vector<16xf32>,
              %add3A_462 = arith.addf %add3A_434, %get3A_461 : vector<16xf32>
              %add3A_463 = arith.constant 16 : i32
              %add3A_464 = arith.addi %mul3A_138, %add3A_463 : i32
              %get3A_465 = arith.constant 23 : i32
              %get3A_466 = arith.index_cast %while3A_75 : i32 to index
              %get3A_467 = arith.index_cast %get3A_465 : i32 to index
              %get3A_468 = arith.index_cast %add3A_464 : i32 to index
              %get3A_469 = tpu.vector_load %arg6[%get3A_466, %get3A_467, %get3A_468] {strides = array<i32>} : memref<2x32x1024xf32, #tpu.memory_space<vmem>>, vector<16xf32>,
              %add3A_470 = arith.addf %add3A_442, %get3A_469 : vector<16xf32>
              %get3A_471 = arith.constant 24 : i32
              %get3A_472 = arith.index_cast %while3A_75 : i32 to index
              %get3A_473 = arith.index_cast %get3A_471 : i32 to index
              %get3A_474 = arith.index_cast %mul3A_138 : i32 to index
              %get3A_475 = tpu.vector_load %arg6[%get3A_472, %get3A_473, %get3A_474] {strides = array<i32>} : memref<2x32x1024xf32, #tpu.memory_space<vmem>>, vector<16xf32>,
              %add3A_476 = arith.addf %add3A_448, %get3A_475 : vector<16xf32>
              %add3A_477 = arith.constant 16 : i32
              %add3A_478 = arith.addi %mul3A_138, %add3A_477 : i32
              %get3A_479 = arith.constant 24 : i32
              %get3A_480 = arith.index_cast %while3A_75 : i32 to index
              %get3A_481 = arith.index_cast %get3A_479 : i32 to index
              %get3A_482 = arith.index_cast %add3A_478 : i32 to index
              %get3A_483 = tpu.vector_load %arg6[%get3A_480, %get3A_481, %get3A_482] {strides = array<i32>} : memref<2x32x1024xf32, #tpu.memory_space<vmem>>, vector<16xf32>,
              %add3A_484 = arith.addf %add3A_456, %get3A_483 : vector<16xf32>
              %get3A_485 = arith.constant 25 : i32
              %get3A_486 = arith.index_cast %while3A_75 : i32 to index
              %get3A_487 = arith.index_cast %get3A_485 : i32 to index
              %get3A_488 = arith.index_cast %mul3A_138 : i32 to index
              %get3A_489 = tpu.vector_load %arg6[%get3A_486, %get3A_487, %get3A_488] {strides = array<i32>} : memref<2x32x1024xf32, #tpu.memory_space<vmem>>, vector<16xf32>,
              %add3A_490 = arith.addf %add3A_462, %get3A_489 : vector<16xf32>
              %add3A_491 = arith.constant 16 : i32
              %add3A_492 = arith.addi %mul3A_138, %add3A_491 : i32
              %get3A_493 = arith.constant 25 : i32
              %get3A_494 = arith.index_cast %while3A_75 : i32 to index
              %get3A_495 = arith.index_cast %get3A_493 : i32 to index
              %get3A_496 = arith.index_cast %add3A_492 : i32 to index
              %get3A_497 = tpu.vector_load %arg6[%get3A_494, %get3A_495, %get3A_496] {strides = array<i32>} : memref<2x32x1024xf32, #tpu.memory_space<vmem>>, vector<16xf32>,
              %add3A_498 = arith.addf %add3A_470, %get3A_497 : vector<16xf32>
              %get3A_499 = arith.constant 26 : i32
              %get3A_500 = arith.index_cast %while3A_75 : i32 to index
              %get3A_501 = arith.index_cast %get3A_499 : i32 to index
              %get3A_502 = arith.index_cast %mul3A_138 : i32 to index
              %get3A_503 = tpu.vector_load %arg6[%get3A_500, %get3A_501, %get3A_502] {strides = array<i32>} : memref<2x32x1024xf32, #tpu.memory_space<vmem>>, vector<16xf32>,
              %add3A_504 = arith.addf %add3A_476, %get3A_503 : vector<16xf32>
              %add3A_505 = arith.constant 16 : i32
              %add3A_506 = arith.addi %mul3A_138, %add3A_505 : i32
              %get3A_507 = arith.constant 26 : i32
              %get3A_508 = arith.index_cast %while3A_75 : i32 to index
              %get3A_509 = arith.index_cast %get3A_507 : i32 to index
              %get3A_510 = arith.index_cast %add3A_506 : i32 to index
              %get3A_511 = tpu.vector_load %arg6[%get3A_508, %get3A_509, %get3A_510] {strides = array<i32>} : memref<2x32x1024xf32, #tpu.memory_space<vmem>>, vector<16xf32>,
              %add3A_512 = arith.addf %add3A_484, %get3A_511 : vector<16xf32>
              %get3A_513 = arith.constant 27 : i32
              %get3A_514 = arith.index_cast %while3A_75 : i32 to index
              %get3A_515 = arith.index_cast %get3A_513 : i32 to index
              %get3A_516 = arith.index_cast %mul3A_138 : i32 to index
              %get3A_517 = tpu.vector_load %arg6[%get3A_514, %get3A_515, %get3A_516] {strides = array<i32>} : memref<2x32x1024xf32, #tpu.memory_space<vmem>>, vector<16xf32>,
              %add3A_518 = arith.addf %add3A_490, %get3A_517 : vector<16xf32>
              %add3A_519 = arith.constant 16 : i32
              %add3A_520 = arith.addi %mul3A_138, %add3A_519 : i32
              %get3A_521 = arith.constant 27 : i32
              %get3A_522 = arith.index_cast %while3A_75 : i32 to index
              %get3A_523 = arith.index_cast %get3A_521 : i32 to index
              %get3A_524 = arith.index_cast %add3A_520 : i32 to index
              %get3A_525 = tpu.vector_load %arg6[%get3A_522, %get3A_523, %get3A_524] {strides = array<i32>} : memref<2x32x1024xf32, #tpu.memory_space<vmem>>, vector<16xf32>,
              %add3A_526 = arith.addf %add3A_498, %get3A_525 : vector<16xf32>
              %get3A_527 = arith.constant 28 : i32
              %get3A_528 = arith.index_cast %while3A_75 : i32 to index
              %get3A_529 = arith.index_cast %get3A_527 : i32 to index
              %get3A_530 = arith.index_cast %mul3A_138 : i32 to index
              %get3A_531 = tpu.vector_load %arg6[%get3A_528, %get3A_529, %get3A_530] {strides = array<i32>} : memref<2x32x1024xf32, #tpu.memory_space<vmem>>, vector<16xf32>,
              %add3A_532 = arith.addf %add3A_504, %get3A_531 : vector<16xf32>
              %add3A_533 = arith.constant 16 : i32
              %add3A_534 = arith.addi %mul3A_138, %add3A_533 : i32
              %get3A_535 = arith.constant 28 : i32
              %get3A_536 = arith.index_cast %while3A_75 : i32 to index
              %get3A_537 = arith.index_cast %get3A_535 : i32 to index
              %get3A_538 = arith.index_cast %add3A_534 : i32 to index
              %get3A_539 = tpu.vector_load %arg6[%get3A_536, %get3A_537, %get3A_538] {strides = array<i32>} : memref<2x32x1024xf32, #tpu.memory_space<vmem>>, vector<16xf32>,
              %add3A_540 = arith.addf %add3A_512, %get3A_539 : vector<16xf32>
              %get3A_541 = arith.constant 29 : i32
              %get3A_542 = arith.index_cast %while3A_75 : i32 to index
              %get3A_543 = arith.index_cast %get3A_541 : i32 to index
              %get3A_544 = arith.index_cast %mul3A_138 : i32 to index
              %get3A_545 = tpu.vector_load %arg6[%get3A_542, %get3A_543, %get3A_544] {strides = array<i32>} : memref<2x32x1024xf32, #tpu.memory_space<vmem>>, vector<16xf32>,
              %add3A_546 = arith.addf %add3A_518, %get3A_545 : vector<16xf32>
              %add3A_547 = arith.constant 16 : i32
              %add3A_548 = arith.addi %mul3A_138, %add3A_547 : i32
              %get3A_549 = arith.constant 29 : i32
              %get3A_550 = arith.index_cast %while3A_75 : i32 to index
              %get3A_551 = arith.index_cast %get3A_549 : i32 to index
              %get3A_552 = arith.index_cast %add3A_548 : i32 to index
              %get3A_553 = tpu.vector_load %arg6[%get3A_550, %get3A_551, %get3A_552] {strides = array<i32>} : memref<2x32x1024xf32, #tpu.memory_space<vmem>>, vector<16xf32>,
              %add3A_554 = arith.addf %add3A_526, %get3A_553 : vector<16xf32>
              %get3A_555 = arith.constant 30 : i32
              %get3A_556 = arith.index_cast %while3A_75 : i32 to index
              %get3A_557 = arith.index_cast %get3A_555 : i32 to index
              %get3A_558 = arith.index_cast %mul3A_138 : i32 to index
              %get3A_559 = tpu.vector_load %arg6[%get3A_556, %get3A_557, %get3A_558] {strides = array<i32>} : memref<2x32x1024xf32, #tpu.memory_space<vmem>>, vector<16xf32>,
              %add3A_560 = arith.addf %add3A_532, %get3A_559 : vector<16xf32>
              %add3A_561 = arith.constant 16 : i32
              %add3A_562 = arith.addi %mul3A_138, %add3A_561 : i32
              %get3A_563 = arith.constant 30 : i32
              %get3A_564 = arith.index_cast %while3A_75 : i32 to index
              %get3A_565 = arith.index_cast %get3A_563 : i32 to index
              %get3A_566 = arith.index_cast %add3A_562 : i32 to index
              %get3A_567 = tpu.vector_load %arg6[%get3A_564, %get3A_565, %get3A_566] {strides = array<i32>} : memref<2x32x1024xf32, #tpu.memory_space<vmem>>, vector<16xf32>,
              %add3A_568 = arith.addf %add3A_540, %get3A_567 : vector<16xf32>
              %get3A_569 = arith.constant 31 : i32
              %get3A_570 = arith.index_cast %while3A_75 : i32 to index
              %get3A_571 = arith.index_cast %get3A_569 : i32 to index
              %get3A_572 = arith.index_cast %mul3A_138 : i32 to index
              %get3A_573 = tpu.vector_load %arg6[%get3A_570, %get3A_571, %get3A_572] {strides = array<i32>} : memref<2x32x1024xf32, #tpu.memory_space<vmem>>, vector<16xf32>,
              %add3A_574 = arith.addf %add3A_546, %get3A_573 : vector<16xf32>
              %add3A_575 = arith.constant 16 : i32
              %add3A_576 = arith.addi %mul3A_138, %add3A_575 : i32
              %get3A_577 = arith.constant 31 : i32
              %get3A_578 = arith.index_cast %while3A_75 : i32 to index
              %get3A_579 = arith.index_cast %get3A_577 : i32 to index
              %get3A_580 = arith.index_cast %add3A_576 : i32 to index
              %get3A_581 = tpu.vector_load %arg6[%get3A_578, %get3A_579, %get3A_580] {strides = array<i32>} : memref<2x32x1024xf32, #tpu.memory_space<vmem>>, vector<16xf32>,
              %add3A_582 = arith.addf %add3A_554, %get3A_581 : vector<16xf32>
              %add3A_583 = arith.addf %add3A_560, %add3A_574 : vector<16xf32>
              %add3A_584 = arith.addf %add3A_568, %add3A_582 : vector<16xf32>
              %swap3A = arith.index_cast %scan3A_33 : i32 to index
              %swap3A_585 = arith.index_cast %mul3A_138 : i32 to index
              %swap3A_586 = tpu.vector_load %arg7[%swap3A, %swap3A_585] {strides = array<i32>} : memref<16x1024xf32, #tpu.memory_space<vmem>>, vector<16xf32>,
              tpu.vector_store %arg7[%swap3A, %swap3A_585], %add3A_583 {strides = array<i32>} : memref<16x1024xf32, #tpu.memory_space<vmem>>, vector<16xf32>,
              %add3A_587 = arith.constant 16 : i32
              %add3A_588 = arith.addi %mul3A_138, %add3A_587 : i32
              %swap3A_589 = arith.index_cast %scan3A_33 : i32 to index
              %swap3A_590 = arith.index_cast %add3A_588 : i32 to index
              %swap3A_591 = tpu.vector_load %arg7[%swap3A_589, %swap3A_590] {strides = array<i32>} : memref<16x1024xf32, #tpu.memory_space<vmem>>, vector<16xf32>,
              tpu.vector_store %arg7[%swap3A_589, %swap3A_590], %add3A_584 {strides = array<i32>} : memref<16x1024xf32, #tpu.memory_space<vmem>>, vector<16xf32>,
              %scan3A_592 = arith.constant 0 : i32
              scf.yield %scan3A_592 : i32
            }
            %scan3A_134 = arith.constant 32 : i32
          } else {
          }
          %not3A = arith.constant true
          %not3A_107 = arith.xori %eq3A_103, %not3A : i1
          %and3A_108 = arith.andi %eq3A_102, %not3A_107 : i1
          %convert_element_type3A_109 = arith.extui %and3A_108 : i1 to i32
          %cond3A_110 = arith.constant 0 : i32
          %cond3A_111 = arith.cmpi ne, %convert_element_type3A_109, %cond3A_110 : i32
          scf.if %cond3A_111 {
            %scan3A_128 = arith.constant 0 : i32
            %scan3A_129 = arith.constant 0 : i32
            %scan3A_130 = arith.constant 32 : i32
            %scan3A_131 = arith.addi %scan3A_129, %scan3A_130 : i32
            %scan3A_132 = arith.constant 1 : i32
            %scan3A_133 = scf.for %scan3A_135 = %scan3A_129 to %scan3A_131 step %scan3A_132 iter_args(%scan3A_136 = %scan3A_128) -> (i32)  : i32 {
              %mul3A_137 = arith.constant 32 : i32
              %mul3A_138 = arith.muli %scan3A_135, %mul3A_137 : i32
              %get3A_139 = arith.constant 0 : i32
              %get3A_140 = arith.index_cast %while3A_75 : i32 to index
              %get3A_141 = arith.index_cast %get3A_139 : i32 to index
              %get3A_142 = arith.index_cast %mul3A_138 : i32 to index
              %get3A_143 = tpu.vector_load %arg6[%get3A_140, %get3A_141, %get3A_142] {strides = array<i32>} : memref<2x32x1024xf32, #tpu.memory_space<vmem>>, vector<16xf32>,
              %add3A_144 = arith.constant 16 : i32
              %add3A_145 = arith.addi %mul3A_138, %add3A_144 : i32
              %get3A_146 = arith.constant 0 : i32
              %get3A_147 = arith.index_cast %while3A_75 : i32 to index
              %get3A_148 = arith.index_cast %get3A_146 : i32 to index
              %get3A_149 = arith.index_cast %add3A_145 : i32 to index
              %get3A_150 = tpu.vector_load %arg6[%get3A_147, %get3A_148, %get3A_149] {strides = array<i32>} : memref<2x32x1024xf32, #tpu.memory_space<vmem>>, vector<16xf32>,
              %get3A_151 = arith.constant 1 : i32
              %get3A_152 = arith.index_cast %while3A_75 : i32 to index
              %get3A_153 = arith.index_cast %get3A_151 : i32 to index
              %get3A_154 = arith.index_cast %mul3A_138 : i32 to index
              %get3A_155 = tpu.vector_load %arg6[%get3A_152, %get3A_153, %get3A_154] {strides = array<i32>} : memref<2x32x1024xf32, #tpu.memory_space<vmem>>, vector<16xf32>,
              %add3A_156 = arith.constant 16 : i32
              %add3A_157 = arith.addi %mul3A_138, %add3A_156 : i32
              %get3A_158 = arith.constant 1 : i32
              %get3A_159 = arith.index_cast %while3A_75 : i32 to index
              %get3A_160 = arith.index_cast %get3A_158 : i32 to index
              %get3A_161 = arith.index_cast %add3A_157 : i32 to index
              %get3A_162 = tpu.vector_load %arg6[%get3A_159, %get3A_160, %get3A_161] {strides = array<i32>} : memref<2x32x1024xf32, #tpu.memory_space<vmem>>, vector<16xf32>,
              %get3A_163 = arith.constant 2 : i32
              %get3A_164 = arith.index_cast %while3A_75 : i32 to index
              %get3A_165 = arith.index_cast %get3A_163 : i32 to index
              %get3A_166 = arith.index_cast %mul3A_138 : i32 to index
              %get3A_167 = tpu.vector_load %arg6[%get3A_164, %get3A_165, %get3A_166] {strides = array<i32>} : memref<2x32x1024xf32, #tpu.memory_space<vmem>>, vector<16xf32>,
              %add3A_168 = arith.addf %get3A_143, %get3A_167 : vector<16xf32>
              %add3A_169 = arith.constant 16 : i32
              %add3A_170 = arith.addi %mul3A_138, %add3A_169 : i32
              %get3A_171 = arith.constant 2 : i32
              %get3A_172 = arith.index_cast %while3A_75 : i32 to index
              %get3A_173 = arith.index_cast %get3A_171 : i32 to index
              %get3A_174 = arith.index_cast %add3A_170 : i32 to index
              %get3A_175 = tpu.vector_load %arg6[%get3A_172, %get3A_173, %get3A_174] {strides = array<i32>} : memref<2x32x1024xf32, #tpu.memory_space<vmem>>, vector<16xf32>,
              %add3A_176 = arith.addf %get3A_150, %get3A_175 : vector<16xf32>
              %get3A_177 = arith.constant 3 : i32
              %get3A_178 = arith.index_cast %while3A_75 : i32 to index
              %get3A_179 = arith.index_cast %get3A_177 : i32 to index
              %get3A_180 = arith.index_cast %mul3A_138 : i32 to index
              %get3A_181 = tpu.vector_load %arg6[%get3A_178, %get3A_179, %get3A_180] {strides = array<i32>} : memref<2x32x1024xf32, #tpu.memory_space<vmem>>, vector<16xf32>,
              %add3A_182 = arith.addf %get3A_155, %get3A_181 : vector<16xf32>
              %add3A_183 = arith.constant 16 : i32
              %add3A_184 = arith.addi %mul3A_138, %add3A_183 : i32
              %get3A_185 = arith.constant 3 : i32
              %get3A_186 = arith.index_cast %while3A_75 : i32 to index
              %get3A_187 = arith.index_cast %get3A_185 : i32 to index
              %get3A_188 = arith.index_cast %add3A_184 : i32 to index
              %get3A_189 = tpu.vector_load %arg6[%get3A_186, %get3A_187, %get3A_188] {strides = array<i32>} : memref<2x32x1024xf32, #tpu.memory_space<vmem>>, vector<16xf32>,
              %add3A_190 = arith.addf %get3A_162, %get3A_189 : vector<16xf32>
              %get3A_191 = arith.constant 4 : i32
              %get3A_192 = arith.index_cast %while3A_75 : i32 to index
              %get3A_193 = arith.index_cast %get3A_191 : i32 to index
              %get3A_194 = arith.index_cast %mul3A_138 : i32 to index
              %get3A_195 = tpu.vector_load %arg6[%get3A_192, %get3A_193, %get3A_194] {strides = array<i32>} : memref<2x32x1024xf32, #tpu.memory_space<vmem>>, vector<16xf32>,
              %add3A_196 = arith.addf %add3A_168, %get3A_195 : vector<16xf32>
              %add3A_197 = arith.constant 16 : i32
              %add3A_198 = arith.addi %mul3A_138, %add3A_197 : i32
              %get3A_199 = arith.constant 4 : i32
              %get3A_200 = arith.index_cast %while3A_75 : i32 to index
              %get3A_201 = arith.index_cast %get3A_199 : i32 to index
              %get3A_202 = arith.index_cast %add3A_198 : i32 to index
              %get3A_203 = tpu.vector_load %arg6[%get3A_200, %get3A_201, %get3A_202] {strides = array<i32>} : memref<2x32x1024xf32, #tpu.memory_space<vmem>>, vector<16xf32>,
              %add3A_204 = arith.addf %add3A_176, %get3A_203 : vector<16xf32>
              %get3A_205 = arith.constant 5 : i32
              %get3A_206 = arith.index_cast %while3A_75 : i32 to index
              %get3A_207 = arith.index_cast %get3A_205 : i32 to index
              %get3A_208 = arith.index_cast %mul3A_138 : i32 to index
              %get3A_209 = tpu.vector_load %arg6[%get3A_206, %get3A_207, %get3A_208] {strides = array<i32>} : memref<2x32x1024xf32, #tpu.memory_space<vmem>>, vector<16xf32>,
              %add3A_210 = arith.addf %add3A_182, %get3A_209 : vector<16xf32>
              %add3A_211 = arith.constant 16 : i32
              %add3A_212 = arith.addi %mul3A_138, %add3A_211 : i32
              %get3A_213 = arith.constant 5 : i32
              %get3A_214 = arith.index_cast %while3A_75 : i32 to index
              %get3A_215 = arith.index_cast %get3A_213 : i32 to index
              %get3A_216 = arith.index_cast %add3A_212 : i32 to index
              %get3A_217 = tpu.vector_load %arg6[%get3A_214, %get3A_215, %get3A_216] {strides = array<i32>} : memref<2x32x1024xf32, #tpu.memory_space<vmem>>, vector<16xf32>,
              %add3A_218 = arith.addf %add3A_190, %get3A_217 : vector<16xf32>
              %get3A_219 = arith.constant 6 : i32
              %get3A_220 = arith.index_cast %while3A_75 : i32 to index
              %get3A_221 = arith.index_cast %get3A_219 : i32 to index
              %get3A_222 = arith.index_cast %mul3A_138 : i32 to index
              %get3A_223 = tpu.vector_load %arg6[%get3A_220, %get3A_221, %get3A_222] {strides = array<i32>} : memref<2x32x1024xf32, #tpu.memory_space<vmem>>, vector<16xf32>,
              %add3A_224 = arith.addf %add3A_196, %get3A_223 : vector<16xf32>
              %add3A_225 = arith.constant 16 : i32
              %add3A_226 = arith.addi %mul3A_138, %add3A_225 : i32
              %get3A_227 = arith.constant 6 : i32
              %get3A_228 = arith.index_cast %while3A_75 : i32 to index
              %get3A_229 = arith.index_cast %get3A_227 : i32 to index
              %get3A_230 = arith.index_cast %add3A_226 : i32 to index
              %get3A_231 = tpu.vector_load %arg6[%get3A_228, %get3A_229, %get3A_230] {strides = array<i32>} : memref<2x32x1024xf32, #tpu.memory_space<vmem>>, vector<16xf32>,
              %add3A_232 = arith.addf %add3A_204, %get3A_231 : vector<16xf32>
              %get3A_233 = arith.constant 7 : i32
              %get3A_234 = arith.index_cast %while3A_75 : i32 to index
              %get3A_235 = arith.index_cast %get3A_233 : i32 to index
              %get3A_236 = arith.index_cast %mul3A_138 : i32 to index
              %get3A_237 = tpu.vector_load %arg6[%get3A_234, %get3A_235, %get3A_236] {strides = array<i32>} : memref<2x32x1024xf32, #tpu.memory_space<vmem>>, vector<16xf32>,
              %add3A_238 = arith.addf %add3A_210, %get3A_237 : vector<16xf32>
              %add3A_239 = arith.constant 16 : i32
              %add3A_240 = arith.addi %mul3A_138, %add3A_239 : i32
              %get3A_241 = arith.constant 7 : i32
              %get3A_242 = arith.index_cast %while3A_75 : i32 to index
              %get3A_243 = arith.index_cast %get3A_241 : i32 to index
              %get3A_244 = arith.index_cast %add3A_240 : i32 to index
              %get3A_245 = tpu.vector_load %arg6[%get3A_242, %get3A_243, %get3A_244] {strides = array<i32>} : memref<2x32x1024xf32, #tpu.memory_space<vmem>>, vector<16xf32>,
              %add3A_246 = arith.addf %add3A_218, %get3A_245 : vector<16xf32>
              %get3A_247 = arith.constant 8 : i32
              %get3A_248 = arith.index_cast %while3A_75 : i32 to index
              %get3A_249 = arith.index_cast %get3A_247 : i32 to index
              %get3A_250 = arith.index_cast %mul3A_138 : i32 to index
              %get3A_251 = tpu.vector_load %arg6[%get3A_248, %get3A_249, %get3A_250] {strides = array<i32>} : memref<2x32x1024xf32, #tpu.memory_space<vmem>>, vector<16xf32>,
              %add3A_252 = arith.addf %add3A_224, %get3A_251 : vector<16xf32>
              %add3A_253 = arith.constant 16 : i32
              %add3A_254 = arith.addi %mul3A_138, %add3A_253 : i32
              %get3A_255 = arith.constant 8 : i32
              %get3A_256 = arith.index_cast %while3A_75 : i32 to index
              %get3A_257 = arith.index_cast %get3A_255 : i32 to index
              %get3A_258 = arith.index_cast %add3A_254 : i32 to index
              %get3A_259 = tpu.vector_load %arg6[%get3A_256, %get3A_257, %get3A_258] {strides = array<i32>} : memref<2x32x1024xf32, #tpu.memory_space<vmem>>, vector<16xf32>,
              %add3A_260 = arith.addf %add3A_232, %get3A_259 : vector<16xf32>
              %get3A_261 = arith.constant 9 : i32
              %get3A_262 = arith.index_cast %while3A_75 : i32 to index
              %get3A_263 = arith.index_cast %get3A_261 : i32 to index
              %get3A_264 = arith.index_cast %mul3A_138 : i32 to index
              %get3A_265 = tpu.vector_load %arg6[%get3A_262, %get3A_263, %get3A_264] {strides = array<i32>} : memref<2x32x1024xf32, #tpu.memory_space<vmem>>, vector<16xf32>,
              %add3A_266 = arith.addf %add3A_238, %get3A_265 : vector<16xf32>
              %add3A_267 = arith.constant 16 : i32
              %add3A_268 = arith.addi %mul3A_138, %add3A_267 : i32
              %get3A_269 = arith.constant 9 : i32
              %get3A_270 = arith.index_cast %while3A_75 : i32 to index
              %get3A_271 = arith.index_cast %get3A_269 : i32 to index
              %get3A_272 = arith.index_cast %add3A_268 : i32 to index
              %get3A_273 = tpu.vector_load %arg6[%get3A_270, %get3A_271, %get3A_272] {strides = array<i32>} : memref<2x32x1024xf32, #tpu.memory_space<vmem>>, vector<16xf32>,
              %add3A_274 = arith.addf %add3A_246, %get3A_273 : vector<16xf32>
              %get3A_275 = arith.constant 10 : i32
              %get3A_276 = arith.index_cast %while3A_75 : i32 to index
              %get3A_277 = arith.index_cast %get3A_275 : i32 to index
              %get3A_278 = arith.index_cast %mul3A_138 : i32 to index
              %get3A_279 = tpu.vector_load %arg6[%get3A_276, %get3A_277, %get3A_278] {strides = array<i32>} : memref<2x32x1024xf32, #tpu.memory_space<vmem>>, vector<16xf32>,
              %add3A_280 = arith.addf %add3A_252, %get3A_279 : vector<16xf32>
              %add3A_281 = arith.constant 16 : i32
              %add3A_282 = arith.addi %mul3A_138, %add3A_281 : i32
              %get3A_283 = arith.constant 10 : i32
              %get3A_284 = arith.index_cast %while3A_75 : i32 to index
              %get3A_285 = arith.index_cast %get3A_283 : i32 to index
              %get3A_286 = arith.index_cast %add3A_282 : i32 to index
              %get3A_287 = tpu.vector_load %arg6[%get3A_284, %get3A_285, %get3A_286] {strides = array<i32>} : memref<2x32x1024xf32, #tpu.memory_space<vmem>>, vector<16xf32>,
              %add3A_288 = arith.addf %add3A_260, %get3A_287 : vector<16xf32>
              %get3A_289 = arith.constant 11 : i32
              %get3A_290 = arith.index_cast %while3A_75 : i32 to index
              %get3A_291 = arith.index_cast %get3A_289 : i32 to index
              %get3A_292 = arith.index_cast %mul3A_138 : i32 to index
              %get3A_293 = tpu.vector_load %arg6[%get3A_290, %get3A_291, %get3A_292] {strides = array<i32>} : memref<2x32x1024xf32, #tpu.memory_space<vmem>>, vector<16xf32>,
              %add3A_294 = arith.addf %add3A_266, %get3A_293 : vector<16xf32>
              %add3A_295 = arith.constant 16 : i32
              %add3A_296 = arith.addi %mul3A_138, %add3A_295 : i32
              %get3A_297 = arith.constant 11 : i32
              %get3A_298 = arith.index_cast %while3A_75 : i32 to index
              %get3A_299 = arith.index_cast %get3A_297 : i32 to index
              %get3A_300 = arith.index_cast %add3A_296 : i32 to index
              %get3A_301 = tpu.vector_load %arg6[%get3A_298, %get3A_299, %get3A_300] {strides = array<i32>} : memref<2x32x1024xf32, #tpu.memory_space<vmem>>, vector<16xf32>,
              %add3A_302 = arith.addf %add3A_274, %get3A_301 : vector<16xf32>
              %get3A_303 = arith.constant 12 : i32
              %get3A_304 = arith.index_cast %while3A_75 : i32 to index
              %get3A_305 = arith.index_cast %get3A_303 : i32 to index
              %get3A_306 = arith.index_cast %mul3A_138 : i32 to index
              %get3A_307 = tpu.vector_load %arg6[%get3A_304, %get3A_305, %get3A_306] {strides = array<i32>} : memref<2x32x1024xf32, #tpu.memory_space<vmem>>, vector<16xf32>,
              %add3A_308 = arith.addf %add3A_280, %get3A_307 : vector<16xf32>
              %add3A_309 = arith.constant 16 : i32
              %add3A_310 = arith.addi %mul3A_138, %add3A_309 : i32
              %get3A_311 = arith.constant 12 : i32
              %get3A_312 = arith.index_cast %while3A_75 : i32 to index
              %get3A_313 = arith.index_cast %get3A_311 : i32 to index
              %get3A_314 = arith.index_cast %add3A_310 : i32 to index
              %get3A_315 = tpu.vector_load %arg6[%get3A_312, %get3A_313, %get3A_314] {strides = array<i32>} : memref<2x32x1024xf32, #tpu.memory_space<vmem>>, vector<16xf32>,
              %add3A_316 = arith.addf %add3A_288, %get3A_315 : vector<16xf32>
              %get3A_317 = arith.constant 13 : i32
              %get3A_318 = arith.index_cast %while3A_75 : i32 to index
              %get3A_319 = arith.index_cast %get3A_317 : i32 to index
              %get3A_320 = arith.index_cast %mul3A_138 : i32 to index
              %get3A_321 = tpu.vector_load %arg6[%get3A_318, %get3A_319, %get3A_320] {strides = array<i32>} : memref<2x32x1024xf32, #tpu.memory_space<vmem>>, vector<16xf32>,
              %add3A_322 = arith.addf %add3A_294, %get3A_321 : vector<16xf32>
              %add3A_323 = arith.constant 16 : i32
              %add3A_324 = arith.addi %mul3A_138, %add3A_323 : i32
              %get3A_325 = arith.constant 13 : i32
              %get3A_326 = arith.index_cast %while3A_75 : i32 to index
              %get3A_327 = arith.index_cast %get3A_325 : i32 to index
              %get3A_328 = arith.index_cast %add3A_324 : i32 to index
              %get3A_329 = tpu.vector_load %arg6[%get3A_326, %get3A_327, %get3A_328] {strides = array<i32>} : memref<2x32x1024xf32, #tpu.memory_space<vmem>>, vector<16xf32>,
              %add3A_330 = arith.addf %add3A_302, %get3A_329 : vector<16xf32>
              %get3A_331 = arith.constant 14 : i32
              %get3A_332 = arith.index_cast %while3A_75 : i32 to index
              %get3A_333 = arith.index_cast %get3A_331 : i32 to index
              %get3A_334 = arith.index_cast %mul3A_138 : i32 to index
              %get3A_335 = tpu.vector_load %arg6[%get3A_332, %get3A_333, %get3A_334] {strides = array<i32>} : memref<2x32x1024xf32, #tpu.memory_space<vmem>>, vector<16xf32>,
              %add3A_336 = arith.addf %add3A_308, %get3A_335 : vector<16xf32>
              %add3A_337 = arith.constant 16 : i32
              %add3A_338 = arith.addi %mul3A_138, %add3A_337 : i32
              %get3A_339 = arith.constant 14 : i32
              %get3A_340 = arith.index_cast %while3A_75 : i32 to index
              %get3A_341 = arith.index_cast %get3A_339 : i32 to index
              %get3A_342 = arith.index_cast %add3A_338 : i32 to index
              %get3A_343 = tpu.vector_load %arg6[%get3A_340, %get3A_341, %get3A_342] {strides = array<i32>} : memref<2x32x1024xf32, #tpu.memory_space<vmem>>, vector<16xf32>,
              %add3A_344 = arith.addf %add3A_316, %get3A_343 : vector<16xf32>
              %get3A_345 = arith.constant 15 : i32
              %get3A_346 = arith.index_cast %while3A_75 : i32 to index
              %get3A_347 = arith.index_cast %get3A_345 : i32 to index
              %get3A_348 = arith.index_cast %mul3A_138 : i32 to index
              %get3A_349 = tpu.vector_load %arg6[%get3A_346, %get3A_347, %get3A_348] {strides = array<i32>} : memref<2x32x1024xf32, #tpu.memory_space<vmem>>, vector<16xf32>,
              %add3A_350 = arith.addf %add3A_322, %get3A_349 : vector<16xf32>
              %add3A_351 = arith.constant 16 : i32
              %add3A_352 = arith.addi %mul3A_138, %add3A_351 : i32
              %get3A_353 = arith.constant 15 : i32
              %get3A_354 = arith.index_cast %while3A_75 : i32 to index
              %get3A_355 = arith.index_cast %get3A_353 : i32 to index
              %get3A_356 = arith.index_cast %add3A_352 : i32 to index
              %get3A_357 = tpu.vector_load %arg6[%get3A_354, %get3A_355, %get3A_356] {strides = array<i32>} : memref<2x32x1024xf32, #tpu.memory_space<vmem>>, vector<16xf32>,
              %add3A_358 = arith.addf %add3A_330, %get3A_357 : vector<16xf32>
              %get3A_359 = arith.constant 16 : i32
              %get3A_360 = arith.index_cast %while3A_75 : i32 to index
              %get3A_361 = arith.index_cast %get3A_359 : i32 to index
              %get3A_362 = arith.index_cast %mul3A_138 : i32 to index
              %get3A_363 = tpu.vector_load %arg6[%get3A_360, %get3A_361, %get3A_362] {strides = array<i32>} : memref<2x32x1024xf32, #tpu.memory_space<vmem>>, vector<16xf32>,
              %add3A_364 = arith.addf %add3A_336, %get3A_363 : vector<16xf32>
              %add3A_365 = arith.constant 16 : i32
              %add3A_366 = arith.addi %mul3A_138, %add3A_365 : i32
              %get3A_367 = arith.constant 16 : i32
              %get3A_368 = arith.index_cast %while3A_75 : i32 to index
              %get3A_369 = arith.index_cast %get3A_367 : i32 to index
              %get3A_370 = arith.index_cast %add3A_366 : i32 to index
              %get3A_371 = tpu.vector_load %arg6[%get3A_368, %get3A_369, %get3A_370] {strides = array<i32>} : memref<2x32x1024xf32, #tpu.memory_space<vmem>>, vector<16xf32>,
              %add3A_372 = arith.addf %add3A_344, %get3A_371 : vector<16xf32>
              %get3A_373 = arith.constant 17 : i32
              %get3A_374 = arith.index_cast %while3A_75 : i32 to index
              %get3A_375 = arith.index_cast %get3A_373 : i32 to index
              %get3A_376 = arith.index_cast %mul3A_138 : i32 to index
              %get3A_377 = tpu.vector_load %arg6[%get3A_374, %get3A_375, %get3A_376] {strides = array<i32>} : memref<2x32x1024xf32, #tpu.memory_space<vmem>>, vector<16xf32>,
              %add3A_378 = arith.addf %add3A_350, %get3A_377 : vector<16xf32>
              %add3A_379 = arith.constant 16 : i32
              %add3A_380 = arith.addi %mul3A_138, %add3A_379 : i32
              %get3A_381 = arith.constant 17 : i32
              %get3A_382 = arith.index_cast %while3A_75 : i32 to index
              %get3A_383 = arith.index_cast %get3A_381 : i32 to index
              %get3A_384 = arith.index_cast %add3A_380 : i32 to index
              %get3A_385 = tpu.vector_load %arg6[%get3A_382, %get3A_383, %get3A_384] {strides = array<i32>} : memref<2x32x1024xf32, #tpu.memory_space<vmem>>, vector<16xf32>,
              %add3A_386 = arith.addf %add3A_358, %get3A_385 : vector<16xf32>
              %get3A_387 = arith.constant 18 : i32
              %get3A_388 = arith.index_cast %while3A_75 : i32 to index
              %get3A_389 = arith.index_cast %get3A_387 : i32 to index
              %get3A_390 = arith.index_cast %mul3A_138 : i32 to index
              %get3A_391 = tpu.vector_load %arg6[%get3A_388, %get3A_389, %get3A_390] {strides = array<i32>} : memref<2x32x1024xf32, #tpu.memory_space<vmem>>, vector<16xf32>,
              %add3A_392 = arith.addf %add3A_364, %get3A_391 : vector<16xf32>
              %add3A_393 = arith.constant 16 : i32
              %add3A_394 = arith.addi %mul3A_138, %add3A_393 : i32
              %get3A_395 = arith.constant 18 : i32
              %get3A_396 = arith.index_cast %while3A_75 : i32 to index
              %get3A_397 = arith.index_cast %get3A_395 : i32 to index
              %get3A_398 = arith.index_cast %add3A_394 : i32 to index
              %get3A_399 = tpu.vector_load %arg6[%get3A_396, %get3A_397, %get3A_398] {strides = array<i32>} : memref<2x32x1024xf32, #tpu.memory_space<vmem>>, vector<16xf32>,
              %add3A_400 = arith.addf %add3A_372, %get3A_399 : vector<16xf32>
              %get3A_401 = arith.constant 19 : i32
              %get3A_402 = arith.index_cast %while3A_75 : i32 to index
              %get3A_403 = arith.index_cast %get3A_401 : i32 to index
              %get3A_404 = arith.index_cast %mul3A_138 : i32 to index
              %get3A_405 = tpu.vector_load %arg6[%get3A_402, %get3A_403, %get3A_404] {strides = array<i32>} : memref<2x32x1024xf32, #tpu.memory_space<vmem>>, vector<16xf32>,
              %add3A_406 = arith.addf %add3A_378, %get3A_405 : vector<16xf32>
              %add3A_407 = arith.constant 16 : i32
              %add3A_408 = arith.addi %mul3A_138, %add3A_407 : i32
              %get3A_409 = arith.constant 19 : i32
              %get3A_410 = arith.index_cast %while3A_75 : i32 to index
              %get3A_411 = arith.index_cast %get3A_409 : i32 to index
              %get3A_412 = arith.index_cast %add3A_408 : i32 to index
              %get3A_413 = tpu.vector_load %arg6[%get3A_410, %get3A_411, %get3A_412] {strides = array<i32>} : memref<2x32x1024xf32, #tpu.memory_space<vmem>>, vector<16xf32>,
              %add3A_414 = arith.addf %add3A_386, %get3A_413 : vector<16xf32>
              %get3A_415 = arith.constant 20 : i32
              %get3A_416 = arith.index_cast %while3A_75 : i32 to index
              %get3A_417 = arith.index_cast %get3A_415 : i32 to index
              %get3A_418 = arith.index_cast %mul3A_138 : i32 to index
              %get3A_419 = tpu.vector_load %arg6[%get3A_416, %get3A_417, %get3A_418] {strides = array<i32>} : memref<2x32x1024xf32, #tpu.memory_space<vmem>>, vector<16xf32>,
              %add3A_420 = arith.addf %add3A_392, %get3A_419 : vector<16xf32>
              %add3A_421 = arith.constant 16 : i32
              %add3A_422 = arith.addi %mul3A_138, %add3A_421 : i32
              %get3A_423 = arith.constant 20 : i32
              %get3A_424 = arith.index_cast %while3A_75 : i32 to index
              %get3A_425 = arith.index_cast %get3A_423 : i32 to index
              %get3A_426 = arith.index_cast %add3A_422 : i32 to index
              %get3A_427 = tpu.vector_load %arg6[%get3A_424, %get3A_425, %get3A_426] {strides = array<i32>} : memref<2x32x1024xf32, #tpu.memory_space<vmem>>, vector<16xf32>,
              %add3A_428 = arith.addf %add3A_400, %get3A_427 : vector<16xf32>
              %get3A_429 = arith.constant 21 : i32
              %get3A_430 = arith.index_cast %while3A_75 : i32 to index
              %get3A_431 = arith.index_cast %get3A_429 : i32 to index
              %get3A_432 = arith.index_cast %mul3A_138 : i32 to index
              %get3A_433 = tpu.vector_load %arg6[%get3A_430, %get3A_431, %get3A_432] {strides = array<i32>} : memref<2x32x1024xf32, #tpu.memory_space<vmem>>, vector<16xf32>,
              %add3A_434 = arith.addf %add3A_406, %get3A_433 : vector<16xf32>
              %add3A_435 = arith.constant 16 : i32
              %add3A_436 = arith.addi %mul3A_138, %add3A_435 : i32
              %get3A_437 = arith.constant 21 : i32
              %get3A_438 = arith.index_cast %while3A_75 : i32 to index
              %get3A_439 = arith.index_cast %get3A_437 : i32 to index
              %get3A_440 = arith.index_cast %add3A_436 : i32 to index
              %get3A_441 = tpu.vector_load %arg6[%get3A_438, %get3A_439, %get3A_440] {strides = array<i32>} : memref<2x32x1024xf32, #tpu.memory_space<vmem>>, vector<16xf32>,
              %add3A_442 = arith.addf %add3A_414, %get3A_441 : vector<16xf32>
              %get3A_443 = arith.constant 22 : i32
              %get3A_444 = arith.index_cast %while3A_75 : i32 to index
              %get3A_445 = arith.index_cast %get3A_443 : i32 to index
              %get3A_446 = arith.index_cast %mul3A_138 : i32 to index
              %get3A_447 = tpu.vector_load %arg6[%get3A_444, %get3A_445, %get3A_446] {strides = array<i32>} : memref<2x32x1024xf32, #tpu.memory_space<vmem>>, vector<16xf32>,
              %add3A_448 = arith.addf %add3A_420, %get3A_447 : vector<16xf32>
              %add3A_449 = arith.constant 16 : i32
              %add3A_450 = arith.addi %mul3A_138, %add3A_449 : i32
              %get3A_451 = arith.constant 22 : i32
              %get3A_452 = arith.index_cast %while3A_75 : i32 to index
              %get3A_453 = arith.index_cast %get3A_451 : i32 to index
              %get3A_454 = arith.index_cast %add3A_450 : i32 to index
              %get3A_455 = tpu.vector_load %arg6[%get3A_452, %get3A_453, %get3A_454] {strides = array<i32>} : memref<2x32x1024xf32, #tpu.memory_space<vmem>>, vector<16xf32>,
              %add3A_456 = arith.addf %add3A_428, %get3A_455 : vector<16xf32>
              %get3A_457 = arith.constant 23 : i32
              %get3A_458 = arith.index_cast %while3A_75 : i32 to index
              %get3A_459 = arith.index_cast %get3A_457 : i32 to index
              %get3A_460 = arith.index_cast %mul3A_138 : i32 to index
              %get3A_461 = tpu.vector_load %arg6[%get3A_458, %get3A_459, %get3A_460] {strides = array<i32>} : memref<2x32x1024xf32, #tpu.memory_space<vmem>>, vector<16xf32>,
              %add3A_462 = arith.addf %add3A_434, %get3A_461 : vector<16xf32>
              %add3A_463 = arith.constant 16 : i32
              %add3A_464 = arith.addi %mul3A_138, %add3A_463 : i32
              %get3A_465 = arith.constant 23 : i32
              %get3A_466 = arith.index_cast %while3A_75 : i32 to index
              %get3A_467 = arith.index_cast %get3A_465 : i32 to index
              %get3A_468 = arith.index_cast %add3A_464 : i32 to index
              %get3A_469 = tpu.vector_load %arg6[%get3A_466, %get3A_467, %get3A_468] {strides = array<i32>} : memref<2x32x1024xf32, #tpu.memory_space<vmem>>, vector<16xf32>,
              %add3A_470 = arith.addf %add3A_442, %get3A_469 : vector<16xf32>
              %get3A_471 = arith.constant 24 : i32
              %get3A_472 = arith.index_cast %while3A_75 : i32 to index
              %get3A_473 = arith.index_cast %get3A_471 : i32 to index
              %get3A_474 = arith.index_cast %mul3A_138 : i32 to index
              %get3A_475 = tpu.vector_load %arg6[%get3A_472, %get3A_473, %get3A_474] {strides = array<i32>} : memref<2x32x1024xf32, #tpu.memory_space<vmem>>, vector<16xf32>,
              %add3A_476 = arith.addf %add3A_448, %get3A_475 : vector<16xf32>
              %add3A_477 = arith.constant 16 : i32
              %add3A_478 = arith.addi %mul3A_138, %add3A_477 : i32
              %get3A_479 = arith.constant 24 : i32
              %get3A_480 = arith.index_cast %while3A_75 : i32 to index
              %get3A_481 = arith.index_cast %get3A_479 : i32 to index
              %get3A_482 = arith.index_cast %add3A_478 : i32 to index
              %get3A_483 = tpu.vector_load %arg6[%get3A_480, %get3A_481, %get3A_482] {strides = array<i32>} : memref<2x32x1024xf32, #tpu.memory_space<vmem>>, vector<16xf32>,
              %add3A_484 = arith.addf %add3A_456, %get3A_483 : vector<16xf32>
              %get3A_485 = arith.constant 25 : i32
              %get3A_486 = arith.index_cast %while3A_75 : i32 to index
              %get3A_487 = arith.index_cast %get3A_485 : i32 to index
              %get3A_488 = arith.index_cast %mul3A_138 : i32 to index
              %get3A_489 = tpu.vector_load %arg6[%get3A_486, %get3A_487, %get3A_488] {strides = array<i32>} : memref<2x32x1024xf32, #tpu.memory_space<vmem>>, vector<16xf32>,
              %add3A_490 = arith.addf %add3A_462, %get3A_489 : vector<16xf32>
              %add3A_491 = arith.constant 16 : i32
              %add3A_492 = arith.addi %mul3A_138, %add3A_491 : i32
              %get3A_493 = arith.constant 25 : i32
              %get3A_494 = arith.index_cast %while3A_75 : i32 to index
              %get3A_495 = arith.index_cast %get3A_493 : i32 to index
              %get3A_496 = arith.index_cast %add3A_492 : i32 to index
              %get3A_497 = tpu.vector_load %arg6[%get3A_494, %get3A_495, %get3A_496] {strides = array<i32>} : memref<2x32x1024xf32, #tpu.memory_space<vmem>>, vector<16xf32>,
              %add3A_498 = arith.addf %add3A_470, %get3A_497 : vector<16xf32>
              %get3A_499 = arith.constant 26 : i32
              %get3A_500 = arith.index_cast %while3A_75 : i32 to index
              %get3A_501 = arith.index_cast %get3A_499 : i32 to index
              %get3A_502 = arith.index_cast %mul3A_138 : i32 to index
              %get3A_503 = tpu.vector_load %arg6[%get3A_500, %get3A_501, %get3A_502] {strides = array<i32>} : memref<2x32x1024xf32, #tpu.memory_space<vmem>>, vector<16xf32>,
              %add3A_504 = arith.addf %add3A_476, %get3A_503 : vector<16xf32>
              %add3A_505 = arith.constant 16 : i32
              %add3A_506 = arith.addi %mul3A_138, %add3A_505 : i32
              %get3A_507 = arith.constant 26 : i32
              %get3A_508 = arith.index_cast %while3A_75 : i32 to index
              %get3A_509 = arith.index_cast %get3A_507 : i32 to index
              %get3A_510 = arith.index_cast %add3A_506 : i32 to index
              %get3A_511 = tpu.vector_load %arg6[%get3A_508, %get3A_509, %get3A_510] {strides = array<i32>} : memref<2x32x1024xf32, #tpu.memory_space<vmem>>, vector<16xf32>,
              %add3A_512 = arith.addf %add3A_484, %get3A_511 : vector<16xf32>
              %get3A_513 = arith.constant 27 : i32
              %get3A_514 = arith.index_cast %while3A_75 : i32 to index
              %get3A_515 = arith.index_cast %get3A_513 : i32 to index
              %get3A_516 = arith.index_cast %mul3A_138 : i32 to index
              %get3A_517 = tpu.vector_load %arg6[%get3A_514, %get3A_515, %get3A_516] {strides = array<i32>} : memref<2x32x1024xf32, #tpu.memory_space<vmem>>, vector<16xf32>,
              %add3A_518 = arith.addf %add3A_490, %get3A_517 : vector<16xf32>
              %add3A_519 = arith.constant 16 : i32
              %add3A_520 = arith.addi %mul3A_138, %add3A_519 : i32
              %get3A_521 = arith.constant 27 : i32
              %get3A_522 = arith.index_cast %while3A_75 : i32 to index
              %get3A_523 = arith.index_cast %get3A_521 : i32 to index
              %get3A_524 = arith.index_cast %add3A_520 : i32 to index
              %get3A_525 = tpu.vector_load %arg6[%get3A_522, %get3A_523, %get3A_524] {strides = array<i32>} : memref<2x32x1024xf32, #tpu.memory_space<vmem>>, vector<16xf32>,
              %add3A_526 = arith.addf %add3A_498, %get3A_525 : vector<16xf32>
              %get3A_527 = arith.constant 28 : i32
              %get3A_528 = arith.index_cast %while3A_75 : i32 to index
              %get3A_529 = arith.index_cast %get3A_527 : i32 to index
              %get3A_530 = arith.index_cast %mul3A_138 : i32 to index
              %get3A_531 = tpu.vector_load %arg6[%get3A_528, %get3A_529, %get3A_530] {strides = array<i32>} : memref<2x32x1024xf32, #tpu.memory_space<vmem>>, vector<16xf32>,
              %add3A_532 = arith.addf %add3A_504, %get3A_531 : vector<16xf32>
              %add3A_533 = arith.constant 16 : i32
              %add3A_534 = arith.addi %mul3A_138, %add3A_533 : i32
              %get3A_535 = arith.constant 28 : i32
              %get3A_536 = arith.index_cast %while3A_75 : i32 to index
              %get3A_537 = arith.index_cast %get3A_535 : i32 to index
              %get3A_538 = arith.index_cast %add3A_534 : i32 to index
              %get3A_539 = tpu.vector_load %arg6[%get3A_536, %get3A_537, %get3A_538] {strides = array<i32>} : memref<2x32x1024xf32, #tpu.memory_space<vmem>>, vector<16xf32>,
              %add3A_540 = arith.addf %add3A_512, %get3A_539 : vector<16xf32>
              %get3A_541 = arith.constant 29 : i32
              %get3A_542 = arith.index_cast %while3A_75 : i32 to index
              %get3A_543 = arith.index_cast %get3A_541 : i32 to index
              %get3A_544 = arith.index_cast %mul3A_138 : i32 to index
              %get3A_545 = tpu.vector_load %arg6[%get3A_542, %get3A_543, %get3A_544] {strides = array<i32>} : memref<2x32x1024xf32, #tpu.memory_space<vmem>>, vector<16xf32>,
              %add3A_546 = arith.addf %add3A_518, %get3A_545 : vector<16xf32>
              %add3A_547 = arith.constant 16 : i32
              %add3A_548 = arith.addi %mul3A_138, %add3A_547 : i32
              %get3A_549 = arith.constant 29 : i32
              %get3A_550 = arith.index_cast %while3A_75 : i32 to index
              %get3A_551 = arith.index_cast %get3A_549 : i32 to index
              %get3A_552 = arith.index_cast %add3A_548 : i32 to index
              %get3A_553 = tpu.vector_load %arg6[%get3A_550, %get3A_551, %get3A_552] {strides = array<i32>} : memref<2x32x1024xf32, #tpu.memory_space<vmem>>, vector<16xf32>,
              %add3A_554 = arith.addf %add3A_526, %get3A_553 : vector<16xf32>
              %get3A_555 = arith.constant 30 : i32
              %get3A_556 = arith.index_cast %while3A_75 : i32 to index
              %get3A_557 = arith.index_cast %get3A_555 : i32 to index
              %get3A_558 = arith.index_cast %mul3A_138 : i32 to index
              %get3A_559 = tpu.vector_load %arg6[%get3A_556, %get3A_557, %get3A_558] {strides = array<i32>} : memref<2x32x1024xf32, #tpu.memory_space<vmem>>, vector<16xf32>,
              %add3A_560 = arith.addf %add3A_532, %get3A_559 : vector<16xf32>
              %add3A_561 = arith.constant 16 : i32
              %add3A_562 = arith.addi %mul3A_138, %add3A_561 : i32
              %get3A_563 = arith.constant 30 : i32
              %get3A_564 = arith.index_cast %while3A_75 : i32 to index
              %get3A_565 = arith.index_cast %get3A_563 : i32 to index
              %get3A_566 = arith.index_cast %add3A_562 : i32 to index
              %get3A_567 = tpu.vector_load %arg6[%get3A_564, %get3A_565, %get3A_566] {strides = array<i32>} : memref<2x32x1024xf32, #tpu.memory_space<vmem>>, vector<16xf32>,
              %add3A_568 = arith.addf %add3A_540, %get3A_567 : vector<16xf32>
              %get3A_569 = arith.constant 31 : i32
              %get3A_570 = arith.index_cast %while3A_75 : i32 to index
              %get3A_571 = arith.index_cast %get3A_569 : i32 to index
              %get3A_572 = arith.index_cast %mul3A_138 : i32 to index
              %get3A_573 = tpu.vector_load %arg6[%get3A_570, %get3A_571, %get3A_572] {strides = array<i32>} : memref<2x32x1024xf32, #tpu.memory_space<vmem>>, vector<16xf32>,
              %add3A_574 = arith.addf %add3A_546, %get3A_573 : vector<16xf32>
              %add3A_575 = arith.constant 16 : i32
              %add3A_576 = arith.addi %mul3A_138, %add3A_575 : i32
              %get3A_577 = arith.constant 31 : i32
              %get3A_578 = arith.index_cast %while3A_75 : i32 to index
              %get3A_579 = arith.index_cast %get3A_577 : i32 to index
              %get3A_580 = arith.index_cast %add3A_576 : i32 to index
              %get3A_581 = tpu.vector_load %arg6[%get3A_578, %get3A_579, %get3A_580] {strides = array<i32>} : memref<2x32x1024xf32, #tpu.memory_space<vmem>>, vector<16xf32>,
              %add3A_582 = arith.addf %add3A_554, %get3A_581 : vector<16xf32>
              %add3A_583 = arith.addf %add3A_560, %add3A_574 : vector<16xf32>
              %add3A_584 = arith.addf %add3A_568, %add3A_582 : vector<16xf32>
              %swap3A = arith.index_cast %scan3A_33 : i32 to index
              %swap3A_585 = arith.index_cast %mul3A_138 : i32 to index
              %swap3A_586 = tpu.vector_load %arg7[%swap3A, %swap3A_585] {strides = array<i32>} : memref<16x1024xf32, #tpu.memory_space<vmem>>, vector<16xf32>,
              tpu.vector_store %arg7[%swap3A, %swap3A_585], %add3A_583 {add = true, strides = array<i32>} : memref<16x1024xf32, #tpu.memory_space<vmem>>, vector<16xf32>,
              %add3A_587 = arith.constant 16 : i32
              %add3A_588 = arith.addi %mul3A_138, %add3A_587 : i32
              %swap3A_589 = arith.index_cast %scan3A_33 : i32 to index
              %swap3A_590 = arith.index_cast %add3A_588 : i32 to index
              %swap3A_591 = tpu.vector_load %arg7[%swap3A_589, %swap3A_590] {strides = array<i32>} : memref<16x1024xf32, #tpu.memory_space<vmem>>, vector<16xf32>,
              tpu.vector_store %arg7[%swap3A_589, %swap3A_590], %add3A_584 {add = true, strides = array<i32>} : memref<16x1024xf32, #tpu.memory_space<vmem>>, vector<16xf32>,
              %scan3A_592 = arith.constant 0 : i32
              scf.yield %scan3A_592 : i32
            }
            %scan3A_134 = arith.constant 32 : i32
          } else {
          }
          %not3A_112 = arith.constant true
          %not3A_113 = arith.xori %eq3A_102, %not3A_112 : i1
          %and3A_114 = arith.andi %not3A_113, %eq3A_103 : i1
          %convert_element_type3A_115 = arith.extui %and3A_114 : i1 to i32
          %cond3A_116 = arith.constant 0 : i32
          %cond3A_117 = arith.cmpi ne, %convert_element_type3A_115, %cond3A_116 : i32
          scf.if %cond3A_117 {
            %scan3A_128 = arith.constant 0 : i32
            %scan3A_129 = arith.constant 0 : i32
            %scan3A_130 = arith.constant 32 : i32
            %scan3A_131 = arith.addi %scan3A_129, %scan3A_130 : i32
            %scan3A_132 = arith.constant 1 : i32
            %scan3A_133 = scf.for %scan3A_135 = %scan3A_129 to %scan3A_131 step %scan3A_132 iter_args(%scan3A_136 = %scan3A_128) -> (i32)  : i32 {
              %mul3A_137 = arith.constant 32 : i32
              %mul3A_138 = arith.muli %scan3A_135, %mul3A_137 : i32
              %jit3A = arith.constant 16 : i32
              %div3A_139 = arith.divsi %sub3A_101, %jit3A : i32
              %sign3A = arith.constant 0 : i32
              %sign3A_140 = arith.cmpi sgt, %sub3A_101, %sign3A : i32
              %sign3A_141 = arith.extui %sign3A_140 : i1 to i32
              %sign3A_142 = arith.constant 0 : i32
              %sign3A_143 = arith.cmpi slt, %sub3A_101, %sign3A_142 : i32
              %sign3A_144 = arith.extui %sign3A_143 : i1 to i32
              %sign3A_145 = arith.subi %sign3A_141, %sign3A_144 : i32
              %sign3A_146 = arith.constant 0 : i32
              %sign3A_147 = arith.cmpi sgt, %jit3A, %sign3A_146 : i32
              %sign3A_148 = arith.extui %sign3A_147 : i1 to i32
              %sign3A_149 = arith.constant 0 : i32
              %sign3A_150 = arith.cmpi slt, %jit3A, %sign3A_149 : i32
              %sign3A_151 = arith.extui %sign3A_150 : i1 to i32
              %sign3A_152 = arith.subi %sign3A_148, %sign3A_151 : i32
              %ne3A = arith.cmpi ne, %sign3A_145, %sign3A_152 : i32
              %rem3A_153 = arith.remsi %sub3A_101, %jit3A : i32
              %ne3A_154 = arith.constant 0 : i32
              %ne3A_155 = arith.cmpi ne, %rem3A_153, %ne3A_154 : i32
              %and3A_156 = arith.andi %ne3A, %ne3A_155 : i1
              %sub3A_157 = arith.constant 1 : i32
              %sub3A_158 = arith.subi %div3A_139, %sub3A_157 : i32
              %select_n3A = arith.select %and3A_156, %sub3A_158, %div3A_139 : i32
              %while3A_159 = arith.constant 0 : i32
              %while3A_160 = arith.subi %select_n3A, %while3A_159 : i32
              %while3A_161 = arith.addi %while3A_159, %while3A_160 : i32
              %while3A_162 = arith.constant 1 : i32
              %while3A_163 = arith.divsi %while3A_160, %while3A_162 : i32
              %while3A_164 = arith.muli %while3A_163, %while3A_162 : i32
              %while3A_165 = arith.addi %while3A_159, %while3A_164 : i32
              %while3A_166 = arith.constant 1 : i32
              %while3A_167:2 = scf.for %while3A_188 = %while3A_159 to %while3A_165 step %while3A_166 iter_args(%while3A_189 = %broadcast_in_dim3A_16, %while3A_190 = %broadcast_in_dim3A_16) -> (vector<16xf32>, vector<16xf32>)  : i32 {
                %mul3A_191 = arith.constant 16 : i32
                %mul3A_192 = arith.muli %while3A_188, %mul3A_191 : i32
                %add3A_193 = arith.addi %sub3A_99, %mul3A_192 : i32
                %add3A_194 = arith.constant 0 : i32
                %add3A_195 = arith.addi %add3A_193, %add3A_194 : i32
                %get3A_196 = arith.index_cast %while3A_75 : i32 to index
                %get3A_197 = arith.index_cast %add3A_195 : i32 to index
                %get3A_198 = arith.index_cast %mul3A_138 : i32 to index
                %get3A_199 = tpu.vector_load %arg6[%get3A_196, %get3A_197, %get3A_198] {strides = array<i32>} : memref<2x32x1024xf32, #tpu.memory_space<vmem>>, vector<16xf32>,
                %add3A_200 = arith.addf %while3A_189, %get3A_199 : vector<16xf32>
                %add3A_201 = arith.constant 0 : i32
                %add3A_202 = arith.addi %add3A_193, %add3A_201 : i32
                %add3A_203 = arith.constant 16 : i32
                %add3A_204 = arith.addi %mul3A_138, %add3A_203 : i32
                %get3A_205 = arith.index_cast %while3A_75 : i32 to index
                %get3A_206 = arith.index_cast %add3A_202 : i32 to index
                %get3A_207 = arith.index_cast %add3A_204 : i32 to index
                %get3A_208 = tpu.vector_load %arg6[%get3A_205, %get3A_206, %get3A_207] {strides = array<i32>} : memref<2x32x1024xf32, #tpu.memory_space<vmem>>, vector<16xf32>,
                %add3A_209 = arith.addf %while3A_190, %get3A_208 : vector<16xf32>
                %add3A_210 = arith.constant 1 : i32
                %add3A_211 = arith.addi %add3A_193, %add3A_210 : i32
                %get3A_212 = arith.index_cast %while3A_75 : i32 to index
                %get3A_213 = arith.index_cast %add3A_211 : i32 to index
                %get3A_214 = arith.index_cast %mul3A_138 : i32 to index
                %get3A_215 = tpu.vector_load %arg6[%get3A_212, %get3A_213, %get3A_214] {strides = array<i32>} : memref<2x32x1024xf32, #tpu.memory_space<vmem>>, vector<16xf32>,
                %add3A_216 = arith.addf %add3A_200, %get3A_215 : vector<16xf32>
                %add3A_217 = arith.constant 1 : i32
                %add3A_218 = arith.addi %add3A_193, %add3A_217 : i32
                %add3A_219 = arith.constant 16 : i32
                %add3A_220 = arith.addi %mul3A_138, %add3A_219 : i32
                %get3A_221 = arith.index_cast %while3A_75 : i32 to index
                %get3A_222 = arith.index_cast %add3A_218 : i32 to index
                %get3A_223 = arith.index_cast %add3A_220 : i32 to index
                %get3A_224 = tpu.vector_load %arg6[%get3A_221, %get3A_222, %get3A_223] {strides = array<i32>} : memref<2x32x1024xf32, #tpu.memory_space<vmem>>, vector<16xf32>,
                %add3A_225 = arith.addf %add3A_209, %get3A_224 : vector<16xf32>
                %add3A_226 = arith.constant 2 : i32
                %add3A_227 = arith.addi %add3A_193, %add3A_226 : i32
                %get3A_228 = arith.index_cast %while3A_75 : i32 to index
                %get3A_229 = arith.index_cast %add3A_227 : i32 to index
                %get3A_230 = arith.index_cast %mul3A_138 : i32 to index
                %get3A_231 = tpu.vector_load %arg6[%get3A_228, %get3A_229, %get3A_230] {strides = array<i32>} : memref<2x32x1024xf32, #tpu.memory_space<vmem>>, vector<16xf32>,
                %add3A_232 = arith.addf %add3A_216, %get3A_231 : vector<16xf32>
                %add3A_233 = arith.constant 2 : i32
                %add3A_234 = arith.addi %add3A_193, %add3A_233 : i32
                %add3A_235 = arith.constant 16 : i32
                %add3A_236 = arith.addi %mul3A_138, %add3A_235 : i32
                %get3A_237 = arith.index_cast %while3A_75 : i32 to index
                %get3A_238 = arith.index_cast %add3A_234 : i32 to index
                %get3A_239 = arith.index_cast %add3A_236 : i32 to index
                %get3A_240 = tpu.vector_load %arg6[%get3A_237, %get3A_238, %get3A_239] {strides = array<i32>} : memref<2x32x1024xf32, #tpu.memory_space<vmem>>, vector<16xf32>,
                %add3A_241 = arith.addf %add3A_225, %get3A_240 : vector<16xf32>
                %add3A_242 = arith.constant 3 : i32
                %add3A_243 = arith.addi %add3A_193, %add3A_242 : i32
                %get3A_244 = arith.index_cast %while3A_75 : i32 to index
                %get3A_245 = arith.index_cast %add3A_243 : i32 to index
                %get3A_246 = arith.index_cast %mul3A_138 : i32 to index
                %get3A_247 = tpu.vector_load %arg6[%get3A_244, %get3A_245, %get3A_246] {strides = array<i32>} : memref<2x32x1024xf32, #tpu.memory_space<vmem>>, vector<16xf32>,
                %add3A_248 = arith.addf %add3A_232, %get3A_247 : vector<16xf32>
                %add3A_249 = arith.constant 3 : i32
                %add3A_250 = arith.addi %add3A_193, %add3A_249 : i32
                %add3A_251 = arith.constant 16 : i32
                %add3A_252 = arith.addi %mul3A_138, %add3A_251 : i32
                %get3A_253 = arith.index_cast %while3A_75 : i32 to index
                %get3A_254 = arith.index_cast %add3A_250 : i32 to index
                %get3A_255 = arith.index_cast %add3A_252 : i32 to index
                %get3A_256 = tpu.vector_load %arg6[%get3A_253, %get3A_254, %get3A_255] {strides = array<i32>} : memref<2x32x1024xf32, #tpu.memory_space<vmem>>, vector<16xf32>,
                %add3A_257 = arith.addf %add3A_241, %get3A_256 : vector<16xf32>
                %add3A_258 = arith.constant 4 : i32
                %add3A_259 = arith.addi %add3A_193, %add3A_258 : i32
                %get3A_260 = arith.index_cast %while3A_75 : i32 to index
                %get3A_261 = arith.index_cast %add3A_259 : i32 to index
                %get3A_262 = arith.index_cast %mul3A_138 : i32 to index
                %get3A_263 = tpu.vector_load %arg6[%get3A_260, %get3A_261, %get3A_262] {strides = array<i32>} : memref<2x32x1024xf32, #tpu.memory_space<vmem>>, vector<16xf32>,
                %add3A_264 = arith.addf %add3A_248, %get3A_263 : vector<16xf32>
                %add3A_265 = arith.constant 4 : i32
                %add3A_266 = arith.addi %add3A_193, %add3A_265 : i32
                %add3A_267 = arith.constant 16 : i32
                %add3A_268 = arith.addi %mul3A_138, %add3A_267 : i32
                %get3A_269 = arith.index_cast %while3A_75 : i32 to index
                %get3A_270 = arith.index_cast %add3A_266 : i32 to index
                %get3A_271 = arith.index_cast %add3A_268 : i32 to index
                %get3A_272 = tpu.vector_load %arg6[%get3A_269, %get3A_270, %get3A_271] {strides = array<i32>} : memref<2x32x1024xf32, #tpu.memory_space<vmem>>, vector<16xf32>,
                %add3A_273 = arith.addf %add3A_257, %get3A_272 : vector<16xf32>
                %add3A_274 = arith.constant 5 : i32
                %add3A_275 = arith.addi %add3A_193, %add3A_274 : i32
                %get3A_276 = arith.index_cast %while3A_75 : i32 to index
                %get3A_277 = arith.index_cast %add3A_275 : i32 to index
                %get3A_278 = arith.index_cast %mul3A_138 : i32 to index
                %get3A_279 = tpu.vector_load %arg6[%get3A_276, %get3A_277, %get3A_278] {strides = array<i32>} : memref<2x32x1024xf32, #tpu.memory_space<vmem>>, vector<16xf32>,
                %add3A_280 = arith.addf %add3A_264, %get3A_279 : vector<16xf32>
                %add3A_281 = arith.constant 5 : i32
                %add3A_282 = arith.addi %add3A_193, %add3A_281 : i32
                %add3A_283 = arith.constant 16 : i32
                %add3A_284 = arith.addi %mul3A_138, %add3A_283 : i32
                %get3A_285 = arith.index_cast %while3A_75 : i32 to index
                %get3A_286 = arith.index_cast %add3A_282 : i32 to index
                %get3A_287 = arith.index_cast %add3A_284 : i32 to index
                %get3A_288 = tpu.vector_load %arg6[%get3A_285, %get3A_286, %get3A_287] {strides = array<i32>} : memref<2x32x1024xf32, #tpu.memory_space<vmem>>, vector<16xf32>,
                %add3A_289 = arith.addf %add3A_273, %get3A_288 : vector<16xf32>
                %add3A_290 = arith.constant 6 : i32
                %add3A_291 = arith.addi %add3A_193, %add3A_290 : i32
                %get3A_292 = arith.index_cast %while3A_75 : i32 to index
                %get3A_293 = arith.index_cast %add3A_291 : i32 to index
                %get3A_294 = arith.index_cast %mul3A_138 : i32 to index
                %get3A_295 = tpu.vector_load %arg6[%get3A_292, %get3A_293, %get3A_294] {strides = array<i32>} : memref<2x32x1024xf32, #tpu.memory_space<vmem>>, vector<16xf32>,
                %add3A_296 = arith.addf %add3A_280, %get3A_295 : vector<16xf32>
                %add3A_297 = arith.constant 6 : i32
                %add3A_298 = arith.addi %add3A_193, %add3A_297 : i32
                %add3A_299 = arith.constant 16 : i32
                %add3A_300 = arith.addi %mul3A_138, %add3A_299 : i32
                %get3A_301 = arith.index_cast %while3A_75 : i32 to index
                %get3A_302 = arith.index_cast %add3A_298 : i32 to index
                %get3A_303 = arith.index_cast %add3A_300 : i32 to index
                %get3A_304 = tpu.vector_load %arg6[%get3A_301, %get3A_302, %get3A_303] {strides = array<i32>} : memref<2x32x1024xf32, #tpu.memory_space<vmem>>, vector<16xf32>,
                %add3A_305 = arith.addf %add3A_289, %get3A_304 : vector<16xf32>
                %add3A_306 = arith.constant 7 : i32
                %add3A_307 = arith.addi %add3A_193, %add3A_306 : i32
                %get3A_308 = arith.index_cast %while3A_75 : i32 to index
                %get3A_309 = arith.index_cast %add3A_307 : i32 to index
                %get3A_310 = arith.index_cast %mul3A_138 : i32 to index
                %get3A_311 = tpu.vector_load %arg6[%get3A_308, %get3A_309, %get3A_310] {strides = array<i32>} : memref<2x32x1024xf32, #tpu.memory_space<vmem>>, vector<16xf32>,
                %add3A_312 = arith.addf %add3A_296, %get3A_311 : vector<16xf32>
                %add3A_313 = arith.constant 7 : i32
                %add3A_314 = arith.addi %add3A_193, %add3A_313 : i32
                %add3A_315 = arith.constant 16 : i32
                %add3A_316 = arith.addi %mul3A_138, %add3A_315 : i32
                %get3A_317 = arith.index_cast %while3A_75 : i32 to index
                %get3A_318 = arith.index_cast %add3A_314 : i32 to index
                %get3A_319 = arith.index_cast %add3A_316 : i32 to index
                %get3A_320 = tpu.vector_load %arg6[%get3A_317, %get3A_318, %get3A_319] {strides = array<i32>} : memref<2x32x1024xf32, #tpu.memory_space<vmem>>, vector<16xf32>,
                %add3A_321 = arith.addf %add3A_305, %get3A_320 : vector<16xf32>
                %add3A_322 = arith.constant 8 : i32
                %add3A_323 = arith.addi %add3A_193, %add3A_322 : i32
                %get3A_324 = arith.index_cast %while3A_75 : i32 to index
                %get3A_325 = arith.index_cast %add3A_323 : i32 to index
                %get3A_326 = arith.index_cast %mul3A_138 : i32 to index
                %get3A_327 = tpu.vector_load %arg6[%get3A_324, %get3A_325, %get3A_326] {strides = array<i32>} : memref<2x32x1024xf32, #tpu.memory_space<vmem>>, vector<16xf32>,
                %add3A_328 = arith.addf %add3A_312, %get3A_327 : vector<16xf32>
                %add3A_329 = arith.constant 8 : i32
                %add3A_330 = arith.addi %add3A_193, %add3A_329 : i32
                %add3A_331 = arith.constant 16 : i32
                %add3A_332 = arith.addi %mul3A_138, %add3A_331 : i32
                %get3A_333 = arith.index_cast %while3A_75 : i32 to index
                %get3A_334 = arith.index_cast %add3A_330 : i32 to index
                %get3A_335 = arith.index_cast %add3A_332 : i32 to index
                %get3A_336 = tpu.vector_load %arg6[%get3A_333, %get3A_334, %get3A_335] {strides = array<i32>} : memref<2x32x1024xf32, #tpu.memory_space<vmem>>, vector<16xf32>,
                %add3A_337 = arith.addf %add3A_321, %get3A_336 : vector<16xf32>
                %add3A_338 = arith.constant 9 : i32
                %add3A_339 = arith.addi %add3A_193, %add3A_338 : i32
                %get3A_340 = arith.index_cast %while3A_75 : i32 to index
                %get3A_341 = arith.index_cast %add3A_339 : i32 to index
                %get3A_342 = arith.index_cast %mul3A_138 : i32 to index
                %get3A_343 = tpu.vector_load %arg6[%get3A_340, %get3A_341, %get3A_342] {strides = array<i32>} : memref<2x32x1024xf32, #tpu.memory_space<vmem>>, vector<16xf32>,
                %add3A_344 = arith.addf %add3A_328, %get3A_343 : vector<16xf32>
                %add3A_345 = arith.constant 9 : i32
                %add3A_346 = arith.addi %add3A_193, %add3A_345 : i32
                %add3A_347 = arith.constant 16 : i32
                %add3A_348 = arith.addi %mul3A_138, %add3A_347 : i32
                %get3A_349 = arith.index_cast %while3A_75 : i32 to index
                %get3A_350 = arith.index_cast %add3A_346 : i32 to index
                %get3A_351 = arith.index_cast %add3A_348 : i32 to index
                %get3A_352 = tpu.vector_load %arg6[%get3A_349, %get3A_350, %get3A_351] {strides = array<i32>} : memref<2x32x1024xf32, #tpu.memory_space<vmem>>, vector<16xf32>,
                %add3A_353 = arith.addf %add3A_337, %get3A_352 : vector<16xf32>
                %add3A_354 = arith.constant 10 : i32
                %add3A_355 = arith.addi %add3A_193, %add3A_354 : i32
                %get3A_356 = arith.index_cast %while3A_75 : i32 to index
                %get3A_357 = arith.index_cast %add3A_355 : i32 to index
                %get3A_358 = arith.index_cast %mul3A_138 : i32 to index
                %get3A_359 = tpu.vector_load %arg6[%get3A_356, %get3A_357, %get3A_358] {strides = array<i32>} : memref<2x32x1024xf32, #tpu.memory_space<vmem>>, vector<16xf32>,
                %add3A_360 = arith.addf %add3A_344, %get3A_359 : vector<16xf32>
                %add3A_361 = arith.constant 10 : i32
                %add3A_362 = arith.addi %add3A_193, %add3A_361 : i32
                %add3A_363 = arith.constant 16 : i32
                %add3A_364 = arith.addi %mul3A_138, %add3A_363 : i32
                %get3A_365 = arith.index_cast %while3A_75 : i32 to index
                %get3A_366 = arith.index_cast %add3A_362 : i32 to index
                %get3A_367 = arith.index_cast %add3A_364 : i32 to index
                %get3A_368 = tpu.vector_load %arg6[%get3A_365, %get3A_366, %get3A_367] {strides = array<i32>} : memref<2x32x1024xf32, #tpu.memory_space<vmem>>, vector<16xf32>,
                %add3A_369 = arith.addf %add3A_353, %get3A_368 : vector<16xf32>
                %add3A_370 = arith.constant 11 : i32
                %add3A_371 = arith.addi %add3A_193, %add3A_370 : i32
                %get3A_372 = arith.index_cast %while3A_75 : i32 to index
                %get3A_373 = arith.index_cast %add3A_371 : i32 to index
                %get3A_374 = arith.index_cast %mul3A_138 : i32 to index
                %get3A_375 = tpu.vector_load %arg6[%get3A_372, %get3A_373, %get3A_374] {strides = array<i32>} : memref<2x32x1024xf32, #tpu.memory_space<vmem>>, vector<16xf32>,
                %add3A_376 = arith.addf %add3A_360, %get3A_375 : vector<16xf32>
                %add3A_377 = arith.constant 11 : i32
                %add3A_378 = arith.addi %add3A_193, %add3A_377 : i32
                %add3A_379 = arith.constant 16 : i32
                %add3A_380 = arith.addi %mul3A_138, %add3A_379 : i32
                %get3A_381 = arith.index_cast %while3A_75 : i32 to index
                %get3A_382 = arith.index_cast %add3A_378 : i32 to index
                %get3A_383 = arith.index_cast %add3A_380 : i32 to index
                %get3A_384 = tpu.vector_load %arg6[%get3A_381, %get3A_382, %get3A_383] {strides = array<i32>} : memref<2x32x1024xf32, #tpu.memory_space<vmem>>, vector<16xf32>,
                %add3A_385 = arith.addf %add3A_369, %get3A_384 : vector<16xf32>
                %add3A_386 = arith.constant 12 : i32
                %add3A_387 = arith.addi %add3A_193, %add3A_386 : i32
                %get3A_388 = arith.index_cast %while3A_75 : i32 to index
                %get3A_389 = arith.index_cast %add3A_387 : i32 to index
                %get3A_390 = arith.index_cast %mul3A_138 : i32 to index
                %get3A_391 = tpu.vector_load %arg6[%get3A_388, %get3A_389, %get3A_390] {strides = array<i32>} : memref<2x32x1024xf32, #tpu.memory_space<vmem>>, vector<16xf32>,
                %add3A_392 = arith.addf %add3A_376, %get3A_391 : vector<16xf32>
                %add3A_393 = arith.constant 12 : i32
                %add3A_394 = arith.addi %add3A_193, %add3A_393 : i32
                %add3A_395 = arith.constant 16 : i32
                %add3A_396 = arith.addi %mul3A_138, %add3A_395 : i32
                %get3A_397 = arith.index_cast %while3A_75 : i32 to index
                %get3A_398 = arith.index_cast %add3A_394 : i32 to index
                %get3A_399 = arith.index_cast %add3A_396 : i32 to index
                %get3A_400 = tpu.vector_load %arg6[%get3A_397, %get3A_398, %get3A_399] {strides = array<i32>} : memref<2x32x1024xf32, #tpu.memory_space<vmem>>, vector<16xf32>,
                %add3A_401 = arith.addf %add3A_385, %get3A_400 : vector<16xf32>
                %add3A_402 = arith.constant 13 : i32
                %add3A_403 = arith.addi %add3A_193, %add3A_402 : i32
                %get3A_404 = arith.index_cast %while3A_75 : i32 to index
                %get3A_405 = arith.index_cast %add3A_403 : i32 to index
                %get3A_406 = arith.index_cast %mul3A_138 : i32 to index
                %get3A_407 = tpu.vector_load %arg6[%get3A_404, %get3A_405, %get3A_406] {strides = array<i32>} : memref<2x32x1024xf32, #tpu.memory_space<vmem>>, vector<16xf32>,
                %add3A_408 = arith.addf %add3A_392, %get3A_407 : vector<16xf32>
                %add3A_409 = arith.constant 13 : i32
                %add3A_410 = arith.addi %add3A_193, %add3A_409 : i32
                %add3A_411 = arith.constant 16 : i32
                %add3A_412 = arith.addi %mul3A_138, %add3A_411 : i32
                %get3A_413 = arith.index_cast %while3A_75 : i32 to index
                %get3A_414 = arith.index_cast %add3A_410 : i32 to index
                %get3A_415 = arith.index_cast %add3A_412 : i32 to index
                %get3A_416 = tpu.vector_load %arg6[%get3A_413, %get3A_414, %get3A_415] {strides = array<i32>} : memref<2x32x1024xf32, #tpu.memory_space<vmem>>, vector<16xf32>,
                %add3A_417 = arith.addf %add3A_401, %get3A_416 : vector<16xf32>
                %add3A_418 = arith.constant 14 : i32
                %add3A_419 = arith.addi %add3A_193, %add3A_418 : i32
                %get3A_420 = arith.index_cast %while3A_75 : i32 to index
                %get3A_421 = arith.index_cast %add3A_419 : i32 to index
                %get3A_422 = arith.index_cast %mul3A_138 : i32 to index
                %get3A_423 = tpu.vector_load %arg6[%get3A_420, %get3A_421, %get3A_422] {strides = array<i32>} : memref<2x32x1024xf32, #tpu.memory_space<vmem>>, vector<16xf32>,
                %add3A_424 = arith.addf %add3A_408, %get3A_423 : vector<16xf32>
                %add3A_425 = arith.constant 14 : i32
                %add3A_426 = arith.addi %add3A_193, %add3A_425 : i32
                %add3A_427 = arith.constant 16 : i32
                %add3A_428 = arith.addi %mul3A_138, %add3A_427 : i32
                %get3A_429 = arith.index_cast %while3A_75 : i32 to index
                %get3A_430 = arith.index_cast %add3A_426 : i32 to index
                %get3A_431 = arith.index_cast %add3A_428 : i32 to index
                %get3A_432 = tpu.vector_load %arg6[%get3A_429, %get3A_430, %get3A_431] {strides = array<i32>} : memref<2x32x1024xf32, #tpu.memory_space<vmem>>, vector<16xf32>,
                %add3A_433 = arith.addf %add3A_417, %get3A_432 : vector<16xf32>
                %add3A_434 = arith.constant 15 : i32
                %add3A_435 = arith.addi %add3A_193, %add3A_434 : i32
                %get3A_436 = arith.index_cast %while3A_75 : i32 to index
                %get3A_437 = arith.index_cast %add3A_435 : i32 to index
                %get3A_438 = arith.index_cast %mul3A_138 : i32 to index
                %get3A_439 = tpu.vector_load %arg6[%get3A_436, %get3A_437, %get3A_438] {strides = array<i32>} : memref<2x32x1024xf32, #tpu.memory_space<vmem>>, vector<16xf32>,
                %add3A_440 = arith.addf %add3A_424, %get3A_439 : vector<16xf32>
                %add3A_441 = arith.constant 15 : i32
                %add3A_442 = arith.addi %add3A_193, %add3A_441 : i32
                %add3A_443 = arith.constant 16 : i32
                %add3A_444 = arith.addi %mul3A_138, %add3A_443 : i32
                %get3A_445 = arith.index_cast %while3A_75 : i32 to index
                %get3A_446 = arith.index_cast %add3A_442 : i32 to index
                %get3A_447 = arith.index_cast %add3A_444 : i32 to index
                %get3A_448 = tpu.vector_load %arg6[%get3A_445, %get3A_446, %get3A_447] {strides = array<i32>} : memref<2x32x1024xf32, #tpu.memory_space<vmem>>, vector<16xf32>,
                %add3A_449 = arith.addf %add3A_433, %get3A_448 : vector<16xf32>
                scf.yield %add3A_440, %add3A_449 : vector<16xf32>, vector<16xf32>
              }
              %while3A_168 = arith.constant 1 : i32
              %while3A_169:2 = scf.for %while3A_188 = %while3A_165 to %while3A_161 step %while3A_168 iter_args(%while3A_189 = %while3A_167#0, %while3A_190 = %while3A_167#1) -> (vector<16xf32>, vector<16xf32>)  : i32 {
                %mul3A_191 = arith.constant 16 : i32
                %mul3A_192 = arith.muli %while3A_188, %mul3A_191 : i32
                %add3A_193 = arith.addi %sub3A_99, %mul3A_192 : i32
                %add3A_194 = arith.constant 0 : i32
                %add3A_195 = arith.addi %add3A_193, %add3A_194 : i32
                %get3A_196 = arith.index_cast %while3A_75 : i32 to index
                %get3A_197 = arith.index_cast %add3A_195 : i32 to index
                %get3A_198 = arith.index_cast %mul3A_138 : i32 to index
                %get3A_199 = tpu.vector_load %arg6[%get3A_196, %get3A_197, %get3A_198] {strides = array<i32>} : memref<2x32x1024xf32, #tpu.memory_space<vmem>>, vector<16xf32>,
                %add3A_200 = arith.addf %while3A_189, %get3A_199 : vector<16xf32>
                %add3A_201 = arith.constant 0 : i32
                %add3A_202 = arith.addi %add3A_193, %add3A_201 : i32
                %add3A_203 = arith.constant 16 : i32
                %add3A_204 = arith.addi %mul3A_138, %add3A_203 : i32
                %get3A_205 = arith.index_cast %while3A_75 : i32 to index
                %get3A_206 = arith.index_cast %add3A_202 : i32 to index
                %get3A_207 = arith.index_cast %add3A_204 : i32 to index
                %get3A_208 = tpu.vector_load %arg6[%get3A_205, %get3A_206, %get3A_207] {strides = array<i32>} : memref<2x32x1024xf32, #tpu.memory_space<vmem>>, vector<16xf32>,
                %add3A_209 = arith.addf %while3A_190, %get3A_208 : vector<16xf32>
                %add3A_210 = arith.constant 1 : i32
                %add3A_211 = arith.addi %add3A_193, %add3A_210 : i32
                %get3A_212 = arith.index_cast %while3A_75 : i32 to index
                %get3A_213 = arith.index_cast %add3A_211 : i32 to index
                %get3A_214 = arith.index_cast %mul3A_138 : i32 to index
                %get3A_215 = tpu.vector_load %arg6[%get3A_212, %get3A_213, %get3A_214] {strides = array<i32>} : memref<2x32x1024xf32, #tpu.memory_space<vmem>>, vector<16xf32>,
                %add3A_216 = arith.addf %add3A_200, %get3A_215 : vector<16xf32>
                %add3A_217 = arith.constant 1 : i32
                %add3A_218 = arith.addi %add3A_193, %add3A_217 : i32
                %add3A_219 = arith.constant 16 : i32
                %add3A_220 = arith.addi %mul3A_138, %add3A_219 : i32
                %get3A_221 = arith.index_cast %while3A_75 : i32 to index
                %get3A_222 = arith.index_cast %add3A_218 : i32 to index
                %get3A_223 = arith.index_cast %add3A_220 : i32 to index
                %get3A_224 = tpu.vector_load %arg6[%get3A_221, %get3A_222, %get3A_223] {strides = array<i32>} : memref<2x32x1024xf32, #tpu.memory_space<vmem>>, vector<16xf32>,
                %add3A_225 = arith.addf %add3A_209, %get3A_224 : vector<16xf32>
                %add3A_226 = arith.constant 2 : i32
                %add3A_227 = arith.addi %add3A_193, %add3A_226 : i32
                %get3A_228 = arith.index_cast %while3A_75 : i32 to index
                %get3A_229 = arith.index_cast %add3A_227 : i32 to index
                %get3A_230 = arith.index_cast %mul3A_138 : i32 to index
                %get3A_231 = tpu.vector_load %arg6[%get3A_228, %get3A_229, %get3A_230] {strides = array<i32>} : memref<2x32x1024xf32, #tpu.memory_space<vmem>>, vector<16xf32>,
                %add3A_232 = arith.addf %add3A_216, %get3A_231 : vector<16xf32>
                %add3A_233 = arith.constant 2 : i32
                %add3A_234 = arith.addi %add3A_193, %add3A_233 : i32
                %add3A_235 = arith.constant 16 : i32
                %add3A_236 = arith.addi %mul3A_138, %add3A_235 : i32
                %get3A_237 = arith.index_cast %while3A_75 : i32 to index
                %get3A_238 = arith.index_cast %add3A_234 : i32 to index
                %get3A_239 = arith.index_cast %add3A_236 : i32 to index
                %get3A_240 = tpu.vector_load %arg6[%get3A_237, %get3A_238, %get3A_239] {strides = array<i32>} : memref<2x32x1024xf32, #tpu.memory_space<vmem>>, vector<16xf32>,
                %add3A_241 = arith.addf %add3A_225, %get3A_240 : vector<16xf32>
                %add3A_242 = arith.constant 3 : i32
                %add3A_243 = arith.addi %add3A_193, %add3A_242 : i32
                %get3A_244 = arith.index_cast %while3A_75 : i32 to index
                %get3A_245 = arith.index_cast %add3A_243 : i32 to index
                %get3A_246 = arith.index_cast %mul3A_138 : i32 to index
                %get3A_247 = tpu.vector_load %arg6[%get3A_244, %get3A_245, %get3A_246] {strides = array<i32>} : memref<2x32x1024xf32, #tpu.memory_space<vmem>>, vector<16xf32>,
                %add3A_248 = arith.addf %add3A_232, %get3A_247 : vector<16xf32>
                %add3A_249 = arith.constant 3 : i32
                %add3A_250 = arith.addi %add3A_193, %add3A_249 : i32
                %add3A_251 = arith.constant 16 : i32
                %add3A_252 = arith.addi %mul3A_138, %add3A_251 : i32
                %get3A_253 = arith.index_cast %while3A_75 : i32 to index
                %get3A_254 = arith.index_cast %add3A_250 : i32 to index
                %get3A_255 = arith.index_cast %add3A_252 : i32 to index
                %get3A_256 = tpu.vector_load %arg6[%get3A_253, %get3A_254, %get3A_255] {strides = array<i32>} : memref<2x32x1024xf32, #tpu.memory_space<vmem>>, vector<16xf32>,
                %add3A_257 = arith.addf %add3A_241, %get3A_256 : vector<16xf32>
                %add3A_258 = arith.constant 4 : i32
                %add3A_259 = arith.addi %add3A_193, %add3A_258 : i32
                %get3A_260 = arith.index_cast %while3A_75 : i32 to index
                %get3A_261 = arith.index_cast %add3A_259 : i32 to index
                %get3A_262 = arith.index_cast %mul3A_138 : i32 to index
                %get3A_263 = tpu.vector_load %arg6[%get3A_260, %get3A_261, %get3A_262] {strides = array<i32>} : memref<2x32x1024xf32, #tpu.memory_space<vmem>>, vector<16xf32>,
                %add3A_264 = arith.addf %add3A_248, %get3A_263 : vector<16xf32>
                %add3A_265 = arith.constant 4 : i32
                %add3A_266 = arith.addi %add3A_193, %add3A_265 : i32
                %add3A_267 = arith.constant 16 : i32
                %add3A_268 = arith.addi %mul3A_138, %add3A_267 : i32
                %get3A_269 = arith.index_cast %while3A_75 : i32 to index
                %get3A_270 = arith.index_cast %add3A_266 : i32 to index
                %get3A_271 = arith.index_cast %add3A_268 : i32 to index
                %get3A_272 = tpu.vector_load %arg6[%get3A_269, %get3A_270, %get3A_271] {strides = array<i32>} : memref<2x32x1024xf32, #tpu.memory_space<vmem>>, vector<16xf32>,
                %add3A_273 = arith.addf %add3A_257, %get3A_272 : vector<16xf32>
                %add3A_274 = arith.constant 5 : i32
                %add3A_275 = arith.addi %add3A_193, %add3A_274 : i32
                %get3A_276 = arith.index_cast %while3A_75 : i32 to index
                %get3A_277 = arith.index_cast %add3A_275 : i32 to index
                %get3A_278 = arith.index_cast %mul3A_138 : i32 to index
                %get3A_279 = tpu.vector_load %arg6[%get3A_276, %get3A_277, %get3A_278] {strides = array<i32>} : memref<2x32x1024xf32, #tpu.memory_space<vmem>>, vector<16xf32>,
                %add3A_280 = arith.addf %add3A_264, %get3A_279 : vector<16xf32>
                %add3A_281 = arith.constant 5 : i32
                %add3A_282 = arith.addi %add3A_193, %add3A_281 : i32
                %add3A_283 = arith.constant 16 : i32
                %add3A_284 = arith.addi %mul3A_138, %add3A_283 : i32
                %get3A_285 = arith.index_cast %while3A_75 : i32 to index
                %get3A_286 = arith.index_cast %add3A_282 : i32 to index
                %get3A_287 = arith.index_cast %add3A_284 : i32 to index
                %get3A_288 = tpu.vector_load %arg6[%get3A_285, %get3A_286, %get3A_287] {strides = array<i32>} : memref<2x32x1024xf32, #tpu.memory_space<vmem>>, vector<16xf32>,
                %add3A_289 = arith.addf %add3A_273, %get3A_288 : vector<16xf32>
                %add3A_290 = arith.constant 6 : i32
                %add3A_291 = arith.addi %add3A_193, %add3A_290 : i32
                %get3A_292 = arith.index_cast %while3A_75 : i32 to index
                %get3A_293 = arith.index_cast %add3A_291 : i32 to index
                %get3A_294 = arith.index_cast %mul3A_138 : i32 to index
                %get3A_295 = tpu.vector_load %arg6[%get3A_292, %get3A_293, %get3A_294] {strides = array<i32>} : memref<2x32x1024xf32, #tpu.memory_space<vmem>>, vector<16xf32>,
                %add3A_296 = arith.addf %add3A_280, %get3A_295 : vector<16xf32>
                %add3A_297 = arith.constant 6 : i32
                %add3A_298 = arith.addi %add3A_193, %add3A_297 : i32
                %add3A_299 = arith.constant 16 : i32
                %add3A_300 = arith.addi %mul3A_138, %add3A_299 : i32
                %get3A_301 = arith.index_cast %while3A_75 : i32 to index
                %get3A_302 = arith.index_cast %add3A_298 : i32 to index
                %get3A_303 = arith.index_cast %add3A_300 : i32 to index
                %get3A_304 = tpu.vector_load %arg6[%get3A_301, %get3A_302, %get3A_303] {strides = array<i32>} : memref<2x32x1024xf32, #tpu.memory_space<vmem>>, vector<16xf32>,
                %add3A_305 = arith.addf %add3A_289, %get3A_304 : vector<16xf32>
                %add3A_306 = arith.constant 7 : i32
                %add3A_307 = arith.addi %add3A_193, %add3A_306 : i32
                %get3A_308 = arith.index_cast %while3A_75 : i32 to index
                %get3A_309 = arith.index_cast %add3A_307 : i32 to index
                %get3A_310 = arith.index_cast %mul3A_138 : i32 to index
                %get3A_311 = tpu.vector_load %arg6[%get3A_308, %get3A_309, %get3A_310] {strides = array<i32>} : memref<2x32x1024xf32, #tpu.memory_space<vmem>>, vector<16xf32>,
                %add3A_312 = arith.addf %add3A_296, %get3A_311 : vector<16xf32>
                %add3A_313 = arith.constant 7 : i32
                %add3A_314 = arith.addi %add3A_193, %add3A_313 : i32
                %add3A_315 = arith.constant 16 : i32
                %add3A_316 = arith.addi %mul3A_138, %add3A_315 : i32
                %get3A_317 = arith.index_cast %while3A_75 : i32 to index
                %get3A_318 = arith.index_cast %add3A_314 : i32 to index
                %get3A_319 = arith.index_cast %add3A_316 : i32 to index
                %get3A_320 = tpu.vector_load %arg6[%get3A_317, %get3A_318, %get3A_319] {strides = array<i32>} : memref<2x32x1024xf32, #tpu.memory_space<vmem>>, vector<16xf32>,
                %add3A_321 = arith.addf %add3A_305, %get3A_320 : vector<16xf32>
                %add3A_322 = arith.constant 8 : i32
                %add3A_323 = arith.addi %add3A_193, %add3A_322 : i32
                %get3A_324 = arith.index_cast %while3A_75 : i32 to index
                %get3A_325 = arith.index_cast %add3A_323 : i32 to index
                %get3A_326 = arith.index_cast %mul3A_138 : i32 to index
                %get3A_327 = tpu.vector_load %arg6[%get3A_324, %get3A_325, %get3A_326] {strides = array<i32>} : memref<2x32x1024xf32, #tpu.memory_space<vmem>>, vector<16xf32>,
                %add3A_328 = arith.addf %add3A_312, %get3A_327 : vector<16xf32>
                %add3A_329 = arith.constant 8 : i32
                %add3A_330 = arith.addi %add3A_193, %add3A_329 : i32
                %add3A_331 = arith.constant 16 : i32
                %add3A_332 = arith.addi %mul3A_138, %add3A_331 : i32
                %get3A_333 = arith.index_cast %while3A_75 : i32 to index
                %get3A_334 = arith.index_cast %add3A_330 : i32 to index
                %get3A_335 = arith.index_cast %add3A_332 : i32 to index
                %get3A_336 = tpu.vector_load %arg6[%get3A_333, %get3A_334, %get3A_335] {strides = array<i32>} : memref<2x32x1024xf32, #tpu.memory_space<vmem>>, vector<16xf32>,
                %add3A_337 = arith.addf %add3A_321, %get3A_336 : vector<16xf32>
                %add3A_338 = arith.constant 9 : i32
                %add3A_339 = arith.addi %add3A_193, %add3A_338 : i32
                %get3A_340 = arith.index_cast %while3A_75 : i32 to index
                %get3A_341 = arith.index_cast %add3A_339 : i32 to index
                %get3A_342 = arith.index_cast %mul3A_138 : i32 to index
                %get3A_343 = tpu.vector_load %arg6[%get3A_340, %get3A_341, %get3A_342] {strides = array<i32>} : memref<2x32x1024xf32, #tpu.memory_space<vmem>>, vector<16xf32>,
                %add3A_344 = arith.addf %add3A_328, %get3A_343 : vector<16xf32>
                %add3A_345 = arith.constant 9 : i32
                %add3A_346 = arith.addi %add3A_193, %add3A_345 : i32
                %add3A_347 = arith.constant 16 : i32
                %add3A_348 = arith.addi %mul3A_138, %add3A_347 : i32
                %get3A_349 = arith.index_cast %while3A_75 : i32 to index
                %get3A_350 = arith.index_cast %add3A_346 : i32 to index
                %get3A_351 = arith.index_cast %add3A_348 : i32 to index
                %get3A_352 = tpu.vector_load %arg6[%get3A_349, %get3A_350, %get3A_351] {strides = array<i32>} : memref<2x32x1024xf32, #tpu.memory_space<vmem>>, vector<16xf32>,
                %add3A_353 = arith.addf %add3A_337, %get3A_352 : vector<16xf32>
                %add3A_354 = arith.constant 10 : i32
                %add3A_355 = arith.addi %add3A_193, %add3A_354 : i32
                %get3A_356 = arith.index_cast %while3A_75 : i32 to index
                %get3A_357 = arith.index_cast %add3A_355 : i32 to index
                %get3A_358 = arith.index_cast %mul3A_138 : i32 to index
                %get3A_359 = tpu.vector_load %arg6[%get3A_356, %get3A_357, %get3A_358] {strides = array<i32>} : memref<2x32x1024xf32, #tpu.memory_space<vmem>>, vector<16xf32>,
                %add3A_360 = arith.addf %add3A_344, %get3A_359 : vector<16xf32>
                %add3A_361 = arith.constant 10 : i32
                %add3A_362 = arith.addi %add3A_193, %add3A_361 : i32
                %add3A_363 = arith.constant 16 : i32
                %add3A_364 = arith.addi %mul3A_138, %add3A_363 : i32
                %get3A_365 = arith.index_cast %while3A_75 : i32 to index
                %get3A_366 = arith.index_cast %add3A_362 : i32 to index
                %get3A_367 = arith.index_cast %add3A_364 : i32 to index
                %get3A_368 = tpu.vector_load %arg6[%get3A_365, %get3A_366, %get3A_367] {strides = array<i32>} : memref<2x32x1024xf32, #tpu.memory_space<vmem>>, vector<16xf32>,
                %add3A_369 = arith.addf %add3A_353, %get3A_368 : vector<16xf32>
                %add3A_370 = arith.constant 11 : i32
                %add3A_371 = arith.addi %add3A_193, %add3A_370 : i32
                %get3A_372 = arith.index_cast %while3A_75 : i32 to index
                %get3A_373 = arith.index_cast %add3A_371 : i32 to index
                %get3A_374 = arith.index_cast %mul3A_138 : i32 to index
                %get3A_375 = tpu.vector_load %arg6[%get3A_372, %get3A_373, %get3A_374] {strides = array<i32>} : memref<2x32x1024xf32, #tpu.memory_space<vmem>>, vector<16xf32>,
                %add3A_376 = arith.addf %add3A_360, %get3A_375 : vector<16xf32>
                %add3A_377 = arith.constant 11 : i32
                %add3A_378 = arith.addi %add3A_193, %add3A_377 : i32
                %add3A_379 = arith.constant 16 : i32
                %add3A_380 = arith.addi %mul3A_138, %add3A_379 : i32
                %get3A_381 = arith.index_cast %while3A_75 : i32 to index
                %get3A_382 = arith.index_cast %add3A_378 : i32 to index
                %get3A_383 = arith.index_cast %add3A_380 : i32 to index
                %get3A_384 = tpu.vector_load %arg6[%get3A_381, %get3A_382, %get3A_383] {strides = array<i32>} : memref<2x32x1024xf32, #tpu.memory_space<vmem>>, vector<16xf32>,
                %add3A_385 = arith.addf %add3A_369, %get3A_384 : vector<16xf32>
                %add3A_386 = arith.constant 12 : i32
                %add3A_387 = arith.addi %add3A_193, %add3A_386 : i32
                %get3A_388 = arith.index_cast %while3A_75 : i32 to index
                %get3A_389 = arith.index_cast %add3A_387 : i32 to index
                %get3A_390 = arith.index_cast %mul3A_138 : i32 to index
                %get3A_391 = tpu.vector_load %arg6[%get3A_388, %get3A_389, %get3A_390] {strides = array<i32>} : memref<2x32x1024xf32, #tpu.memory_space<vmem>>, vector<16xf32>,
                %add3A_392 = arith.addf %add3A_376, %get3A_391 : vector<16xf32>
                %add3A_393 = arith.constant 12 : i32
                %add3A_394 = arith.addi %add3A_193, %add3A_393 : i32
                %add3A_395 = arith.constant 16 : i32
                %add3A_396 = arith.addi %mul3A_138, %add3A_395 : i32
                %get3A_397 = arith.index_cast %while3A_75 : i32 to index
                %get3A_398 = arith.index_cast %add3A_394 : i32 to index
                %get3A_399 = arith.index_cast %add3A_396 : i32 to index
                %get3A_400 = tpu.vector_load %arg6[%get3A_397, %get3A_398, %get3A_399] {strides = array<i32>} : memref<2x32x1024xf32, #tpu.memory_space<vmem>>, vector<16xf32>,
                %add3A_401 = arith.addf %add3A_385, %get3A_400 : vector<16xf32>
                %add3A_402 = arith.constant 13 : i32
                %add3A_403 = arith.addi %add3A_193, %add3A_402 : i32
                %get3A_404 = arith.index_cast %while3A_75 : i32 to index
                %get3A_405 = arith.index_cast %add3A_403 : i32 to index
                %get3A_406 = arith.index_cast %mul3A_138 : i32 to index
                %get3A_407 = tpu.vector_load %arg6[%get3A_404, %get3A_405, %get3A_406] {strides = array<i32>} : memref<2x32x1024xf32, #tpu.memory_space<vmem>>, vector<16xf32>,
                %add3A_408 = arith.addf %add3A_392, %get3A_407 : vector<16xf32>
                %add3A_409 = arith.constant 13 : i32
                %add3A_410 = arith.addi %add3A_193, %add3A_409 : i32
                %add3A_411 = arith.constant 16 : i32
                %add3A_412 = arith.addi %mul3A_138, %add3A_411 : i32
                %get3A_413 = arith.index_cast %while3A_75 : i32 to index
                %get3A_414 = arith.index_cast %add3A_410 : i32 to index
                %get3A_415 = arith.index_cast %add3A_412 : i32 to index
                %get3A_416 = tpu.vector_load %arg6[%get3A_413, %get3A_414, %get3A_415] {strides = array<i32>} : memref<2x32x1024xf32, #tpu.memory_space<vmem>>, vector<16xf32>,
                %add3A_417 = arith.addf %add3A_401, %get3A_416 : vector<16xf32>
                %add3A_418 = arith.constant 14 : i32
                %add3A_419 = arith.addi %add3A_193, %add3A_418 : i32
                %get3A_420 = arith.index_cast %while3A_75 : i32 to index
                %get3A_421 = arith.index_cast %add3A_419 : i32 to index
                %get3A_422 = arith.index_cast %mul3A_138 : i32 to index
                %get3A_423 = tpu.vector_load %arg6[%get3A_420, %get3A_421, %get3A_422] {strides = array<i32>} : memref<2x32x1024xf32, #tpu.memory_space<vmem>>, vector<16xf32>,
                %add3A_424 = arith.addf %add3A_408, %get3A_423 : vector<16xf32>
                %add3A_425 = arith.constant 14 : i32
                %add3A_426 = arith.addi %add3A_193, %add3A_425 : i32
                %add3A_427 = arith.constant 16 : i32
                %add3A_428 = arith.addi %mul3A_138, %add3A_427 : i32
                %get3A_429 = arith.index_cast %while3A_75 : i32 to index
                %get3A_430 = arith.index_cast %add3A_426 : i32 to index
                %get3A_431 = arith.index_cast %add3A_428 : i32 to index
                %get3A_432 = tpu.vector_load %arg6[%get3A_429, %get3A_430, %get3A_431] {strides = array<i32>} : memref<2x32x1024xf32, #tpu.memory_space<vmem>>, vector<16xf32>,
                %add3A_433 = arith.addf %add3A_417, %get3A_432 : vector<16xf32>
                %add3A_434 = arith.constant 15 : i32
                %add3A_435 = arith.addi %add3A_193, %add3A_434 : i32
                %get3A_436 = arith.index_cast %while3A_75 : i32 to index
                %get3A_437 = arith.index_cast %add3A_435 : i32 to index
                %get3A_438 = arith.index_cast %mul3A_138 : i32 to index
                %get3A_439 = tpu.vector_load %arg6[%get3A_436, %get3A_437, %get3A_438] {strides = array<i32>} : memref<2x32x1024xf32, #tpu.memory_space<vmem>>, vector<16xf32>,
                %add3A_440 = arith.addf %add3A_424, %get3A_439 : vector<16xf32>
                %add3A_441 = arith.constant 15 : i32
                %add3A_442 = arith.addi %add3A_193, %add3A_441 : i32
                %add3A_443 = arith.constant 16 : i32
                %add3A_444 = arith.addi %mul3A_138, %add3A_443 : i32
                %get3A_445 = arith.index_cast %while3A_75 : i32 to index
                %get3A_446 = arith.index_cast %add3A_442 : i32 to index
                %get3A_447 = arith.index_cast %add3A_444 : i32 to index
                %get3A_448 = tpu.vector_load %arg6[%get3A_445, %get3A_446, %get3A_447] {strides = array<i32>} : memref<2x32x1024xf32, #tpu.memory_space<vmem>>, vector<16xf32>,
                %add3A_449 = arith.addf %add3A_433, %get3A_448 : vector<16xf32>
                scf.yield %add3A_440, %add3A_449 : vector<16xf32>, vector<16xf32>
              }
              %while3A_170 = arith.subi %sub3A_98, %sub3A_101 : i32
              %while3A_171 = arith.addi %sub3A_101, %while3A_170 : i32
              %while3A_172 = arith.constant 1 : i32
              %while3A_173 = arith.divsi %while3A_170, %while3A_172 : i32
              %while3A_174 = arith.muli %while3A_173, %while3A_172 : i32
              %while3A_175 = arith.addi %sub3A_101, %while3A_174 : i32
              %while3A_176 = arith.constant 1 : i32
              %while3A_177:2 = scf.for %while3A_188 = %sub3A_101 to %while3A_175 step %while3A_176 iter_args(%while3A_189 = %while3A_169#0, %while3A_190 = %while3A_169#1) -> (vector<16xf32>, vector<16xf32>)  : i32 {
                %add3A_191 = arith.addi %sub3A_99, %while3A_188 : i32
                %get3A_192 = arith.index_cast %while3A_75 : i32 to index
                %get3A_193 = arith.index_cast %add3A_191 : i32 to index
                %get3A_194 = arith.index_cast %mul3A_138 : i32 to index
                %get3A_195 = tpu.vector_load %arg6[%get3A_192, %get3A_193, %get3A_194] {strides = array<i32>} : memref<2x32x1024xf32, #tpu.memory_space<vmem>>, vector<16xf32>,
                %add3A_196 = arith.addf %while3A_189, %get3A_195 : vector<16xf32>
                %add3A_197 = arith.addi %sub3A_99, %while3A_188 : i32
                %add3A_198 = arith.constant 16 : i32
                %add3A_199 = arith.addi %mul3A_138, %add3A_198 : i32
                %get3A_200 = arith.index_cast %while3A_75 : i32 to index
                %get3A_201 = arith.index_cast %add3A_197 : i32 to index
                %get3A_202 = arith.index_cast %add3A_199 : i32 to index
                %get3A_203 = tpu.vector_load %arg6[%get3A_200, %get3A_201, %get3A_202] {strides = array<i32>} : memref<2x32x1024xf32, #tpu.memory_space<vmem>>, vector<16xf32>,
                %add3A_204 = arith.addf %while3A_190, %get3A_203 : vector<16xf32>
                scf.yield %add3A_196, %add3A_204 : vector<16xf32>, vector<16xf32>
              }
              %while3A_178 = arith.constant 1 : i32
              %while3A_179:2 = scf.for %while3A_188 = %while3A_175 to %while3A_171 step %while3A_178 iter_args(%while3A_189 = %while3A_177#0, %while3A_190 = %while3A_177#1) -> (vector<16xf32>, vector<16xf32>)  : i32 {
                %add3A_191 = arith.addi %sub3A_99, %while3A_188 : i32
                %get3A_192 = arith.index_cast %while3A_75 : i32 to index
                %get3A_193 = arith.index_cast %add3A_191 : i32 to index
                %get3A_194 = arith.index_cast %mul3A_138 : i32 to index
                %get3A_195 = tpu.vector_load %arg6[%get3A_192, %get3A_193, %get3A_194] {strides = array<i32>} : memref<2x32x1024xf32, #tpu.memory_space<vmem>>, vector<16xf32>,
                %add3A_196 = arith.addf %while3A_189, %get3A_195 : vector<16xf32>
                %add3A_197 = arith.addi %sub3A_99, %while3A_188 : i32
                %add3A_198 = arith.constant 16 : i32
                %add3A_199 = arith.addi %mul3A_138, %add3A_198 : i32
                %get3A_200 = arith.index_cast %while3A_75 : i32 to index
                %get3A_201 = arith.index_cast %add3A_197 : i32 to index
                %get3A_202 = arith.index_cast %add3A_199 : i32 to index
                %get3A_203 = tpu.vector_load %arg6[%get3A_200, %get3A_201, %get3A_202] {strides = array<i32>} : memref<2x32x1024xf32, #tpu.memory_space<vmem>>, vector<16xf32>,
                %add3A_204 = arith.addf %while3A_190, %get3A_203 : vector<16xf32>
                scf.yield %add3A_196, %add3A_204 : vector<16xf32>, vector<16xf32>
              }
              %swap3A = arith.index_cast %scan3A_33 : i32 to index
              %swap3A_180 = arith.index_cast %mul3A_138 : i32 to index
              %swap3A_181 = tpu.vector_load %arg7[%swap3A, %swap3A_180] {strides = array<i32>} : memref<16x1024xf32, #tpu.memory_space<vmem>>, vector<16xf32>,
              tpu.vector_store %arg7[%swap3A, %swap3A_180], %while3A_179#0 {strides = array<i32>} : memref<16x1024xf32, #tpu.memory_space<vmem>>, vector<16xf32>,
              %add3A_182 = arith.constant 16 : i32
              %add3A_183 = arith.addi %mul3A_138, %add3A_182 : i32
              %swap3A_184 = arith.index_cast %scan3A_33 : i32 to index
              %swap3A_185 = arith.index_cast %add3A_183 : i32 to index
              %swap3A_186 = tpu.vector_load %arg7[%swap3A_184, %swap3A_185] {strides = array<i32>} : memref<16x1024xf32, #tpu.memory_space<vmem>>, vector<16xf32>,
              tpu.vector_store %arg7[%swap3A_184, %swap3A_185], %while3A_179#1 {strides = array<i32>} : memref<16x1024xf32, #tpu.memory_space<vmem>>, vector<16xf32>,
              %scan3A_187 = arith.constant 0 : i32
              scf.yield %scan3A_187 : i32
            }
            %scan3A_134 = arith.constant 32 : i32
          } else {
          }
          %not3A_118 = arith.constant true
          %not3A_119 = arith.xori %eq3A_102, %not3A_118 : i1
          %not3A_120 = arith.constant true
          %not3A_121 = arith.xori %eq3A_103, %not3A_120 : i1
          %and3A_122 = arith.andi %not3A_119, %not3A_121 : i1
          %convert_element_type3A_123 = arith.extui %and3A_122 : i1 to i32
          %cond3A_124 = arith.constant 0 : i32
          %cond3A_125 = arith.cmpi ne, %convert_element_type3A_123, %cond3A_124 : i32
          scf.if %cond3A_125 {
            %scan3A_128 = arith.constant 0 : i32
            %scan3A_129 = arith.constant 0 : i32
            %scan3A_130 = arith.constant 32 : i32
            %scan3A_131 = arith.addi %scan3A_129, %scan3A_130 : i32
            %scan3A_132 = arith.constant 1 : i32
            %scan3A_133 = scf.for %scan3A_135 = %scan3A_129 to %scan3A_131 step %scan3A_132 iter_args(%scan3A_136 = %scan3A_128) -> (i32)  : i32 {
              %mul3A_137 = arith.constant 32 : i32
              %mul3A_138 = arith.muli %scan3A_135, %mul3A_137 : i32
              %jit3A = arith.constant 16 : i32
              %div3A_139 = arith.divsi %sub3A_101, %jit3A : i32
              %sign3A = arith.constant 0 : i32
              %sign3A_140 = arith.cmpi sgt, %sub3A_101, %sign3A : i32
              %sign3A_141 = arith.extui %sign3A_140 : i1 to i32
              %sign3A_142 = arith.constant 0 : i32
              %sign3A_143 = arith.cmpi slt, %sub3A_101, %sign3A_142 : i32
              %sign3A_144 = arith.extui %sign3A_143 : i1 to i32
              %sign3A_145 = arith.subi %sign3A_141, %sign3A_144 : i32
              %sign3A_146 = arith.constant 0 : i32
              %sign3A_147 = arith.cmpi sgt, %jit3A, %sign3A_146 : i32
              %sign3A_148 = arith.extui %sign3A_147 : i1 to i32
              %sign3A_149 = arith.constant 0 : i32
              %sign3A_150 = arith.cmpi slt, %jit3A, %sign3A_149 : i32
              %sign3A_151 = arith.extui %sign3A_150 : i1 to i32
              %sign3A_152 = arith.subi %sign3A_148, %sign3A_151 : i32
              %ne3A = arith.cmpi ne, %sign3A_145, %sign3A_152 : i32
              %rem3A_153 = arith.remsi %sub3A_101, %jit3A : i32
              %ne3A_154 = arith.constant 0 : i32
              %ne3A_155 = arith.cmpi ne, %rem3A_153, %ne3A_154 : i32
              %and3A_156 = arith.andi %ne3A, %ne3A_155 : i1
              %sub3A_157 = arith.constant 1 : i32
              %sub3A_158 = arith.subi %div3A_139, %sub3A_157 : i32
              %select_n3A = arith.select %and3A_156, %sub3A_158, %div3A_139 : i32
              %while3A_159 = arith.constant 0 : i32
              %while3A_160 = arith.subi %select_n3A, %while3A_159 : i32
              %while3A_161 = arith.addi %while3A_159, %while3A_160 : i32
              %while3A_162 = arith.constant 1 : i32
              %while3A_163 = arith.divsi %while3A_160, %while3A_162 : i32
              %while3A_164 = arith.muli %while3A_163, %while3A_162 : i32
              %while3A_165 = arith.addi %while3A_159, %while3A_164 : i32
              %while3A_166 = arith.constant 1 : i32
              %while3A_167:2 = scf.for %while3A_188 = %while3A_159 to %while3A_165 step %while3A_166 iter_args(%while3A_189 = %broadcast_in_dim3A_16, %while3A_190 = %broadcast_in_dim3A_16) -> (vector<16xf32>, vector<16xf32>)  : i32 {
                %mul3A_191 = arith.constant 16 : i32
                %mul3A_192 = arith.muli %while3A_188, %mul3A_191 : i32
                %add3A_193 = arith.addi %sub3A_99, %mul3A_192 : i32
                %add3A_194 = arith.constant 0 : i32
                %add3A_195 = arith.addi %add3A_193, %add3A_194 : i32
                %get3A_196 = arith.index_cast %while3A_75 : i32 to index
                %get3A_197 = arith.index_cast %add3A_195 : i32 to index
                %get3A_198 = arith.index_cast %mul3A_138 : i32 to index
                %get3A_199 = tpu.vector_load %arg6[%get3A_196, %get3A_197, %get3A_198] {strides = array<i32>} : memref<2x32x1024xf32, #tpu.memory_space<vmem>>, vector<16xf32>,
                %add3A_200 = arith.addf %while3A_189, %get3A_199 : vector<16xf32>
                %add3A_201 = arith.constant 0 : i32
                %add3A_202 = arith.addi %add3A_193, %add3A_201 : i32
                %add3A_203 = arith.constant 16 : i32
                %add3A_204 = arith.addi %mul3A_138, %add3A_203 : i32
                %get3A_205 = arith.index_cast %while3A_75 : i32 to index
                %get3A_206 = arith.index_cast %add3A_202 : i32 to index
                %get3A_207 = arith.index_cast %add3A_204 : i32 to index
                %get3A_208 = tpu.vector_load %arg6[%get3A_205, %get3A_206, %get3A_207] {strides = array<i32>} : memref<2x32x1024xf32, #tpu.memory_space<vmem>>, vector<16xf32>,
                %add3A_209 = arith.addf %while3A_190, %get3A_208 : vector<16xf32>
                %add3A_210 = arith.constant 1 : i32
                %add3A_211 = arith.addi %add3A_193, %add3A_210 : i32
                %get3A_212 = arith.index_cast %while3A_75 : i32 to index
                %get3A_213 = arith.index_cast %add3A_211 : i32 to index
                %get3A_214 = arith.index_cast %mul3A_138 : i32 to index
                %get3A_215 = tpu.vector_load %arg6[%get3A_212, %get3A_213, %get3A_214] {strides = array<i32>} : memref<2x32x1024xf32, #tpu.memory_space<vmem>>, vector<16xf32>,
                %add3A_216 = arith.addf %add3A_200, %get3A_215 : vector<16xf32>
                %add3A_217 = arith.constant 1 : i32
                %add3A_218 = arith.addi %add3A_193, %add3A_217 : i32
                %add3A_219 = arith.constant 16 : i32
                %add3A_220 = arith.addi %mul3A_138, %add3A_219 : i32
                %get3A_221 = arith.index_cast %while3A_75 : i32 to index
                %get3A_222 = arith.index_cast %add3A_218 : i32 to index
                %get3A_223 = arith.index_cast %add3A_220 : i32 to index
                %get3A_224 = tpu.vector_load %arg6[%get3A_221, %get3A_222, %get3A_223] {strides = array<i32>} : memref<2x32x1024xf32, #tpu.memory_space<vmem>>, vector<16xf32>,
                %add3A_225 = arith.addf %add3A_209, %get3A_224 : vector<16xf32>
                %add3A_226 = arith.constant 2 : i32
                %add3A_227 = arith.addi %add3A_193, %add3A_226 : i32
                %get3A_228 = arith.index_cast %while3A_75 : i32 to index
                %get3A_229 = arith.index_cast %add3A_227 : i32 to index
                %get3A_230 = arith.index_cast %mul3A_138 : i32 to index
                %get3A_231 = tpu.vector_load %arg6[%get3A_228, %get3A_229, %get3A_230] {strides = array<i32>} : memref<2x32x1024xf32, #tpu.memory_space<vmem>>, vector<16xf32>,
                %add3A_232 = arith.addf %add3A_216, %get3A_231 : vector<16xf32>
                %add3A_233 = arith.constant 2 : i32
                %add3A_234 = arith.addi %add3A_193, %add3A_233 : i32
                %add3A_235 = arith.constant 16 : i32
                %add3A_236 = arith.addi %mul3A_138, %add3A_235 : i32
                %get3A_237 = arith.index_cast %while3A_75 : i32 to index
                %get3A_238 = arith.index_cast %add3A_234 : i32 to index
                %get3A_239 = arith.index_cast %add3A_236 : i32 to index
                %get3A_240 = tpu.vector_load %arg6[%get3A_237, %get3A_238, %get3A_239] {strides = array<i32>} : memref<2x32x1024xf32, #tpu.memory_space<vmem>>, vector<16xf32>,
                %add3A_241 = arith.addf %add3A_225, %get3A_240 : vector<16xf32>
                %add3A_242 = arith.constant 3 : i32
                %add3A_243 = arith.addi %add3A_193, %add3A_242 : i32
                %get3A_244 = arith.index_cast %while3A_75 : i32 to index
                %get3A_245 = arith.index_cast %add3A_243 : i32 to index
                %get3A_246 = arith.index_cast %mul3A_138 : i32 to index
                %get3A_247 = tpu.vector_load %arg6[%get3A_244, %get3A_245, %get3A_246] {strides = array<i32>} : memref<2x32x1024xf32, #tpu.memory_space<vmem>>, vector<16xf32>,
                %add3A_248 = arith.addf %add3A_232, %get3A_247 : vector<16xf32>
                %add3A_249 = arith.constant 3 : i32
                %add3A_250 = arith.addi %add3A_193, %add3A_249 : i32
                %add3A_251 = arith.constant 16 : i32
                %add3A_252 = arith.addi %mul3A_138, %add3A_251 : i32
                %get3A_253 = arith.index_cast %while3A_75 : i32 to index
                %get3A_254 = arith.index_cast %add3A_250 : i32 to index
                %get3A_255 = arith.index_cast %add3A_252 : i32 to index
                %get3A_256 = tpu.vector_load %arg6[%get3A_253, %get3A_254, %get3A_255] {strides = array<i32>} : memref<2x32x1024xf32, #tpu.memory_space<vmem>>, vector<16xf32>,
                %add3A_257 = arith.addf %add3A_241, %get3A_256 : vector<16xf32>
                %add3A_258 = arith.constant 4 : i32
                %add3A_259 = arith.addi %add3A_193, %add3A_258 : i32
                %get3A_260 = arith.index_cast %while3A_75 : i32 to index
                %get3A_261 = arith.index_cast %add3A_259 : i32 to index
                %get3A_262 = arith.index_cast %mul3A_138 : i32 to index
                %get3A_263 = tpu.vector_load %arg6[%get3A_260, %get3A_261, %get3A_262] {strides = array<i32>} : memref<2x32x1024xf32, #tpu.memory_space<vmem>>, vector<16xf32>,
                %add3A_264 = arith.addf %add3A_248, %get3A_263 : vector<16xf32>
                %add3A_265 = arith.constant 4 : i32
                %add3A_266 = arith.addi %add3A_193, %add3A_265 : i32
                %add3A_267 = arith.constant 16 : i32
                %add3A_268 = arith.addi %mul3A_138, %add3A_267 : i32
                %get3A_269 = arith.index_cast %while3A_75 : i32 to index
                %get3A_270 = arith.index_cast %add3A_266 : i32 to index
                %get3A_271 = arith.index_cast %add3A_268 : i32 to index
                %get3A_272 = tpu.vector_load %arg6[%get3A_269, %get3A_270, %get3A_271] {strides = array<i32>} : memref<2x32x1024xf32, #tpu.memory_space<vmem>>, vector<16xf32>,
                %add3A_273 = arith.addf %add3A_257, %get3A_272 : vector<16xf32>
                %add3A_274 = arith.constant 5 : i32
                %add3A_275 = arith.addi %add3A_193, %add3A_274 : i32
                %get3A_276 = arith.index_cast %while3A_75 : i32 to index
                %get3A_277 = arith.index_cast %add3A_275 : i32 to index
                %get3A_278 = arith.index_cast %mul3A_138 : i32 to index
                %get3A_279 = tpu.vector_load %arg6[%get3A_276, %get3A_277, %get3A_278] {strides = array<i32>} : memref<2x32x1024xf32, #tpu.memory_space<vmem>>, vector<16xf32>,
                %add3A_280 = arith.addf %add3A_264, %get3A_279 : vector<16xf32>
                %add3A_281 = arith.constant 5 : i32
                %add3A_282 = arith.addi %add3A_193, %add3A_281 : i32
                %add3A_283 = arith.constant 16 : i32
                %add3A_284 = arith.addi %mul3A_138, %add3A_283 : i32
                %get3A_285 = arith.index_cast %while3A_75 : i32 to index
                %get3A_286 = arith.index_cast %add3A_282 : i32 to index
                %get3A_287 = arith.index_cast %add3A_284 : i32 to index
                %get3A_288 = tpu.vector_load %arg6[%get3A_285, %get3A_286, %get3A_287] {strides = array<i32>} : memref<2x32x1024xf32, #tpu.memory_space<vmem>>, vector<16xf32>,
                %add3A_289 = arith.addf %add3A_273, %get3A_288 : vector<16xf32>
                %add3A_290 = arith.constant 6 : i32
                %add3A_291 = arith.addi %add3A_193, %add3A_290 : i32
                %get3A_292 = arith.index_cast %while3A_75 : i32 to index
                %get3A_293 = arith.index_cast %add3A_291 : i32 to index
                %get3A_294 = arith.index_cast %mul3A_138 : i32 to index
                %get3A_295 = tpu.vector_load %arg6[%get3A_292, %get3A_293, %get3A_294] {strides = array<i32>} : memref<2x32x1024xf32, #tpu.memory_space<vmem>>, vector<16xf32>,
                %add3A_296 = arith.addf %add3A_280, %get3A_295 : vector<16xf32>
                %add3A_297 = arith.constant 6 : i32
                %add3A_298 = arith.addi %add3A_193, %add3A_297 : i32
                %add3A_299 = arith.constant 16 : i32
                %add3A_300 = arith.addi %mul3A_138, %add3A_299 : i32
                %get3A_301 = arith.index_cast %while3A_75 : i32 to index
                %get3A_302 = arith.index_cast %add3A_298 : i32 to index
                %get3A_303 = arith.index_cast %add3A_300 : i32 to index
                %get3A_304 = tpu.vector_load %arg6[%get3A_301, %get3A_302, %get3A_303] {strides = array<i32>} : memref<2x32x1024xf32, #tpu.memory_space<vmem>>, vector<16xf32>,
                %add3A_305 = arith.addf %add3A_289, %get3A_304 : vector<16xf32>
                %add3A_306 = arith.constant 7 : i32
                %add3A_307 = arith.addi %add3A_193, %add3A_306 : i32
                %get3A_308 = arith.index_cast %while3A_75 : i32 to index
                %get3A_309 = arith.index_cast %add3A_307 : i32 to index
                %get3A_310 = arith.index_cast %mul3A_138 : i32 to index
                %get3A_311 = tpu.vector_load %arg6[%get3A_308, %get3A_309, %get3A_310] {strides = array<i32>} : memref<2x32x1024xf32, #tpu.memory_space<vmem>>, vector<16xf32>,
                %add3A_312 = arith.addf %add3A_296, %get3A_311 : vector<16xf32>
                %add3A_313 = arith.constant 7 : i32
                %add3A_314 = arith.addi %add3A_193, %add3A_313 : i32
                %add3A_315 = arith.constant 16 : i32
                %add3A_316 = arith.addi %mul3A_138, %add3A_315 : i32
                %get3A_317 = arith.index_cast %while3A_75 : i32 to index
                %get3A_318 = arith.index_cast %add3A_314 : i32 to index
                %get3A_319 = arith.index_cast %add3A_316 : i32 to index
                %get3A_320 = tpu.vector_load %arg6[%get3A_317, %get3A_318, %get3A_319] {strides = array<i32>} : memref<2x32x1024xf32, #tpu.memory_space<vmem>>, vector<16xf32>,
                %add3A_321 = arith.addf %add3A_305, %get3A_320 : vector<16xf32>
                %add3A_322 = arith.constant 8 : i32
                %add3A_323 = arith.addi %add3A_193, %add3A_322 : i32
                %get3A_324 = arith.index_cast %while3A_75 : i32 to index
                %get3A_325 = arith.index_cast %add3A_323 : i32 to index
                %get3A_326 = arith.index_cast %mul3A_138 : i32 to index
                %get3A_327 = tpu.vector_load %arg6[%get3A_324, %get3A_325, %get3A_326] {strides = array<i32>} : memref<2x32x1024xf32, #tpu.memory_space<vmem>>, vector<16xf32>,
                %add3A_328 = arith.addf %add3A_312, %get3A_327 : vector<16xf32>
                %add3A_329 = arith.constant 8 : i32
                %add3A_330 = arith.addi %add3A_193, %add3A_329 : i32
                %add3A_331 = arith.constant 16 : i32
                %add3A_332 = arith.addi %mul3A_138, %add3A_331 : i32
                %get3A_333 = arith.index_cast %while3A_75 : i32 to index
                %get3A_334 = arith.index_cast %add3A_330 : i32 to index
                %get3A_335 = arith.index_cast %add3A_332 : i32 to index
                %get3A_336 = tpu.vector_load %arg6[%get3A_333, %get3A_334, %get3A_335] {strides = array<i32>} : memref<2x32x1024xf32, #tpu.memory_space<vmem>>, vector<16xf32>,
                %add3A_337 = arith.addf %add3A_321, %get3A_336 : vector<16xf32>
                %add3A_338 = arith.constant 9 : i32
                %add3A_339 = arith.addi %add3A_193, %add3A_338 : i32
                %get3A_340 = arith.index_cast %while3A_75 : i32 to index
                %get3A_341 = arith.index_cast %add3A_339 : i32 to index
                %get3A_342 = arith.index_cast %mul3A_138 : i32 to index
                %get3A_343 = tpu.vector_load %arg6[%get3A_340, %get3A_341, %get3A_342] {strides = array<i32>} : memref<2x32x1024xf32, #tpu.memory_space<vmem>>, vector<16xf32>,
                %add3A_344 = arith.addf %add3A_328, %get3A_343 : vector<16xf32>
                %add3A_345 = arith.constant 9 : i32
                %add3A_346 = arith.addi %add3A_193, %add3A_345 : i32
                %add3A_347 = arith.constant 16 : i32
                %add3A_348 = arith.addi %mul3A_138, %add3A_347 : i32
                %get3A_349 = arith.index_cast %while3A_75 : i32 to index
                %get3A_350 = arith.index_cast %add3A_346 : i32 to index
                %get3A_351 = arith.index_cast %add3A_348 : i32 to index
                %get3A_352 = tpu.vector_load %arg6[%get3A_349, %get3A_350, %get3A_351] {strides = array<i32>} : memref<2x32x1024xf32, #tpu.memory_space<vmem>>, vector<16xf32>,
                %add3A_353 = arith.addf %add3A_337, %get3A_352 : vector<16xf32>
                %add3A_354 = arith.constant 10 : i32
                %add3A_355 = arith.addi %add3A_193, %add3A_354 : i32
                %get3A_356 = arith.index_cast %while3A_75 : i32 to index
                %get3A_357 = arith.index_cast %add3A_355 : i32 to index
                %get3A_358 = arith.index_cast %mul3A_138 : i32 to index
                %get3A_359 = tpu.vector_load %arg6[%get3A_356, %get3A_357, %get3A_358] {strides = array<i32>} : memref<2x32x1024xf32, #tpu.memory_space<vmem>>, vector<16xf32>,
                %add3A_360 = arith.addf %add3A_344, %get3A_359 : vector<16xf32>
                %add3A_361 = arith.constant 10 : i32
                %add3A_362 = arith.addi %add3A_193, %add3A_361 : i32
                %add3A_363 = arith.constant 16 : i32
                %add3A_364 = arith.addi %mul3A_138, %add3A_363 : i32
                %get3A_365 = arith.index_cast %while3A_75 : i32 to index
                %get3A_366 = arith.index_cast %add3A_362 : i32 to index
                %get3A_367 = arith.index_cast %add3A_364 : i32 to index
                %get3A_368 = tpu.vector_load %arg6[%get3A_365, %get3A_366, %get3A_367] {strides = array<i32>} : memref<2x32x1024xf32, #tpu.memory_space<vmem>>, vector<16xf32>,
                %add3A_369 = arith.addf %add3A_353, %get3A_368 : vector<16xf32>
                %add3A_370 = arith.constant 11 : i32
                %add3A_371 = arith.addi %add3A_193, %add3A_370 : i32
                %get3A_372 = arith.index_cast %while3A_75 : i32 to index
                %get3A_373 = arith.index_cast %add3A_371 : i32 to index
                %get3A_374 = arith.index_cast %mul3A_138 : i32 to index
                %get3A_375 = tpu.vector_load %arg6[%get3A_372, %get3A_373, %get3A_374] {strides = array<i32>} : memref<2x32x1024xf32, #tpu.memory_space<vmem>>, vector<16xf32>,
                %add3A_376 = arith.addf %add3A_360, %get3A_375 : vector<16xf32>
                %add3A_377 = arith.constant 11 : i32
                %add3A_378 = arith.addi %add3A_193, %add3A_377 : i32
                %add3A_379 = arith.constant 16 : i32
                %add3A_380 = arith.addi %mul3A_138, %add3A_379 : i32
                %get3A_381 = arith.index_cast %while3A_75 : i32 to index
                %get3A_382 = arith.index_cast %add3A_378 : i32 to index
                %get3A_383 = arith.index_cast %add3A_380 : i32 to index
                %get3A_384 = tpu.vector_load %arg6[%get3A_381, %get3A_382, %get3A_383] {strides = array<i32>} : memref<2x32x1024xf32, #tpu.memory_space<vmem>>, vector<16xf32>,
                %add3A_385 = arith.addf %add3A_369, %get3A_384 : vector<16xf32>
                %add3A_386 = arith.constant 12 : i32
                %add3A_387 = arith.addi %add3A_193, %add3A_386 : i32
                %get3A_388 = arith.index_cast %while3A_75 : i32 to index
                %get3A_389 = arith.index_cast %add3A_387 : i32 to index
                %get3A_390 = arith.index_cast %mul3A_138 : i32 to index
                %get3A_391 = tpu.vector_load %arg6[%get3A_388, %get3A_389, %get3A_390] {strides = array<i32>} : memref<2x32x1024xf32, #tpu.memory_space<vmem>>, vector<16xf32>,
                %add3A_392 = arith.addf %add3A_376, %get3A_391 : vector<16xf32>
                %add3A_393 = arith.constant 12 : i32
                %add3A_394 = arith.addi %add3A_193, %add3A_393 : i32
                %add3A_395 = arith.constant 16 : i32
                %add3A_396 = arith.addi %mul3A_138, %add3A_395 : i32
                %get3A_397 = arith.index_cast %while3A_75 : i32 to index
                %get3A_398 = arith.index_cast %add3A_394 : i32 to index
                %get3A_399 = arith.index_cast %add3A_396 : i32 to index
                %get3A_400 = tpu.vector_load %arg6[%get3A_397, %get3A_398, %get3A_399] {strides = array<i32>} : memref<2x32x1024xf32, #tpu.memory_space<vmem>>, vector<16xf32>,
                %add3A_401 = arith.addf %add3A_385, %get3A_400 : vector<16xf32>
                %add3A_402 = arith.constant 13 : i32
                %add3A_403 = arith.addi %add3A_193, %add3A_402 : i32
                %get3A_404 = arith.index_cast %while3A_75 : i32 to index
                %get3A_405 = arith.index_cast %add3A_403 : i32 to index
                %get3A_406 = arith.index_cast %mul3A_138 : i32 to index
                %get3A_407 = tpu.vector_load %arg6[%get3A_404, %get3A_405, %get3A_406] {strides = array<i32>} : memref<2x32x1024xf32, #tpu.memory_space<vmem>>, vector<16xf32>,
                %add3A_408 = arith.addf %add3A_392, %get3A_407 : vector<16xf32>
                %add3A_409 = arith.constant 13 : i32
                %add3A_410 = arith.addi %add3A_193, %add3A_409 : i32
                %add3A_411 = arith.constant 16 : i32
                %add3A_412 = arith.addi %mul3A_138, %add3A_411 : i32
                %get3A_413 = arith.index_cast %while3A_75 : i32 to index
                %get3A_414 = arith.index_cast %add3A_410 : i32 to index
                %get3A_415 = arith.index_cast %add3A_412 : i32 to index
                %get3A_416 = tpu.vector_load %arg6[%get3A_413, %get3A_414, %get3A_415] {strides = array<i32>} : memref<2x32x1024xf32, #tpu.memory_space<vmem>>, vector<16xf32>,
                %add3A_417 = arith.addf %add3A_401, %get3A_416 : vector<16xf32>
                %add3A_418 = arith.constant 14 : i32
                %add3A_419 = arith.addi %add3A_193, %add3A_418 : i32
                %get3A_420 = arith.index_cast %while3A_75 : i32 to index
                %get3A_421 = arith.index_cast %add3A_419 : i32 to index
                %get3A_422 = arith.index_cast %mul3A_138 : i32 to index
                %get3A_423 = tpu.vector_load %arg6[%get3A_420, %get3A_421, %get3A_422] {strides = array<i32>} : memref<2x32x1024xf32, #tpu.memory_space<vmem>>, vector<16xf32>,
                %add3A_424 = arith.addf %add3A_408, %get3A_423 : vector<16xf32>
                %add3A_425 = arith.constant 14 : i32
                %add3A_426 = arith.addi %add3A_193, %add3A_425 : i32
                %add3A_427 = arith.constant 16 : i32
                %add3A_428 = arith.addi %mul3A_138, %add3A_427 : i32
                %get3A_429 = arith.index_cast %while3A_75 : i32 to index
                %get3A_430 = arith.index_cast %add3A_426 : i32 to index
                %get3A_431 = arith.index_cast %add3A_428 : i32 to index
                %get3A_432 = tpu.vector_load %arg6[%get3A_429, %get3A_430, %get3A_431] {strides = array<i32>} : memref<2x32x1024xf32, #tpu.memory_space<vmem>>, vector<16xf32>,
                %add3A_433 = arith.addf %add3A_417, %get3A_432 : vector<16xf32>
                %add3A_434 = arith.constant 15 : i32
                %add3A_435 = arith.addi %add3A_193, %add3A_434 : i32
                %get3A_436 = arith.index_cast %while3A_75 : i32 to index
                %get3A_437 = arith.index_cast %add3A_435 : i32 to index
                %get3A_438 = arith.index_cast %mul3A_138 : i32 to index
                %get3A_439 = tpu.vector_load %arg6[%get3A_436, %get3A_437, %get3A_438] {strides = array<i32>} : memref<2x32x1024xf32, #tpu.memory_space<vmem>>, vector<16xf32>,
                %add3A_440 = arith.addf %add3A_424, %get3A_439 : vector<16xf32>
                %add3A_441 = arith.constant 15 : i32
                %add3A_442 = arith.addi %add3A_193, %add3A_441 : i32
                %add3A_443 = arith.constant 16 : i32
                %add3A_444 = arith.addi %mul3A_138, %add3A_443 : i32
                %get3A_445 = arith.index_cast %while3A_75 : i32 to index
                %get3A_446 = arith.index_cast %add3A_442 : i32 to index
                %get3A_447 = arith.index_cast %add3A_444 : i32 to index
                %get3A_448 = tpu.vector_load %arg6[%get3A_445, %get3A_446, %get3A_447] {strides = array<i32>} : memref<2x32x1024xf32, #tpu.memory_space<vmem>>, vector<16xf32>,
                %add3A_449 = arith.addf %add3A_433, %get3A_448 : vector<16xf32>
                scf.yield %add3A_440, %add3A_449 : vector<16xf32>, vector<16xf32>
              }
              %while3A_168 = arith.constant 1 : i32
              %while3A_169:2 = scf.for %while3A_188 = %while3A_165 to %while3A_161 step %while3A_168 iter_args(%while3A_189 = %while3A_167#0, %while3A_190 = %while3A_167#1) -> (vector<16xf32>, vector<16xf32>)  : i32 {
                %mul3A_191 = arith.constant 16 : i32
                %mul3A_192 = arith.muli %while3A_188, %mul3A_191 : i32
                %add3A_193 = arith.addi %sub3A_99, %mul3A_192 : i32
                %add3A_194 = arith.constant 0 : i32
                %add3A_195 = arith.addi %add3A_193, %add3A_194 : i32
                %get3A_196 = arith.index_cast %while3A_75 : i32 to index
                %get3A_197 = arith.index_cast %add3A_195 : i32 to index
                %get3A_198 = arith.index_cast %mul3A_138 : i32 to index
                %get3A_199 = tpu.vector_load %arg6[%get3A_196, %get3A_197, %get3A_198] {strides = array<i32>} : memref<2x32x1024xf32, #tpu.memory_space<vmem>>, vector<16xf32>,
                %add3A_200 = arith.addf %while3A_189, %get3A_199 : vector<16xf32>
                %add3A_201 = arith.constant 0 : i32
                %add3A_202 = arith.addi %add3A_193, %add3A_201 : i32
                %add3A_203 = arith.constant 16 : i32
                %add3A_204 = arith.addi %mul3A_138, %add3A_203 : i32
                %get3A_205 = arith.index_cast %while3A_75 : i32 to index
                %get3A_206 = arith.index_cast %add3A_202 : i32 to index
                %get3A_207 = arith.index_cast %add3A_204 : i32 to index
                %get3A_208 = tpu.vector_load %arg6[%get3A_205, %get3A_206, %get3A_207] {strides = array<i32>} : memref<2x32x1024xf32, #tpu.memory_space<vmem>>, vector<16xf32>,
                %add3A_209 = arith.addf %while3A_190, %get3A_208 : vector<16xf32>
                %add3A_210 = arith.constant 1 : i32
                %add3A_211 = arith.addi %add3A_193, %add3A_210 : i32
                %get3A_212 = arith.index_cast %while3A_75 : i32 to index
                %get3A_213 = arith.index_cast %add3A_211 : i32 to index
                %get3A_214 = arith.index_cast %mul3A_138 : i32 to index
                %get3A_215 = tpu.vector_load %arg6[%get3A_212, %get3A_213, %get3A_214] {strides = array<i32>} : memref<2x32x1024xf32, #tpu.memory_space<vmem>>, vector<16xf32>,
                %add3A_216 = arith.addf %add3A_200, %get3A_215 : vector<16xf32>
                %add3A_217 = arith.constant 1 : i32
                %add3A_218 = arith.addi %add3A_193, %add3A_217 : i32
                %add3A_219 = arith.constant 16 : i32
                %add3A_220 = arith.addi %mul3A_138, %add3A_219 : i32
                %get3A_221 = arith.index_cast %while3A_75 : i32 to index
                %get3A_222 = arith.index_cast %add3A_218 : i32 to index
                %get3A_223 = arith.index_cast %add3A_220 : i32 to index
                %get3A_224 = tpu.vector_load %arg6[%get3A_221, %get3A_222, %get3A_223] {strides = array<i32>} : memref<2x32x1024xf32, #tpu.memory_space<vmem>>, vector<16xf32>,
                %add3A_225 = arith.addf %add3A_209, %get3A_224 : vector<16xf32>
                %add3A_226 = arith.constant 2 : i32
                %add3A_227 = arith.addi %add3A_193, %add3A_226 : i32
                %get3A_228 = arith.index_cast %while3A_75 : i32 to index
                %get3A_229 = arith.index_cast %add3A_227 : i32 to index
                %get3A_230 = arith.index_cast %mul3A_138 : i32 to index
                %get3A_231 = tpu.vector_load %arg6[%get3A_228, %get3A_229, %get3A_230] {strides = array<i32>} : memref<2x32x1024xf32, #tpu.memory_space<vmem>>, vector<16xf32>,
                %add3A_232 = arith.addf %add3A_216, %get3A_231 : vector<16xf32>
                %add3A_233 = arith.constant 2 : i32
                %add3A_234 = arith.addi %add3A_193, %add3A_233 : i32
                %add3A_235 = arith.constant 16 : i32
                %add3A_236 = arith.addi %mul3A_138, %add3A_235 : i32
                %get3A_237 = arith.index_cast %while3A_75 : i32 to index
                %get3A_238 = arith.index_cast %add3A_234 : i32 to index
                %get3A_239 = arith.index_cast %add3A_236 : i32 to index
                %get3A_240 = tpu.vector_load %arg6[%get3A_237, %get3A_238, %get3A_239] {strides = array<i32>} : memref<2x32x1024xf32, #tpu.memory_space<vmem>>, vector<16xf32>,
                %add3A_241 = arith.addf %add3A_225, %get3A_240 : vector<16xf32>
                %add3A_242 = arith.constant 3 : i32
                %add3A_243 = arith.addi %add3A_193, %add3A_242 : i32
                %get3A_244 = arith.index_cast %while3A_75 : i32 to index
                %get3A_245 = arith.index_cast %add3A_243 : i32 to index
                %get3A_246 = arith.index_cast %mul3A_138 : i32 to index
                %get3A_247 = tpu.vector_load %arg6[%get3A_244, %get3A_245, %get3A_246] {strides = array<i32>} : memref<2x32x1024xf32, #tpu.memory_space<vmem>>, vector<16xf32>,
                %add3A_248 = arith.addf %add3A_232, %get3A_247 : vector<16xf32>
                %add3A_249 = arith.constant 3 : i32
                %add3A_250 = arith.addi %add3A_193, %add3A_249 : i32
                %add3A_251 = arith.constant 16 : i32
                %add3A_252 = arith.addi %mul3A_138, %add3A_251 : i32
                %get3A_253 = arith.index_cast %while3A_75 : i32 to index
                %get3A_254 = arith.index_cast %add3A_250 : i32 to index
                %get3A_255 = arith.index_cast %add3A_252 : i32 to index
                %get3A_256 = tpu.vector_load %arg6[%get3A_253, %get3A_254, %get3A_255] {strides = array<i32>} : memref<2x32x1024xf32, #tpu.memory_space<vmem>>, vector<16xf32>,
                %add3A_257 = arith.addf %add3A_241, %get3A_256 : vector<16xf32>
                %add3A_258 = arith.constant 4 : i32
                %add3A_259 = arith.addi %add3A_193, %add3A_258 : i32
                %get3A_260 = arith.index_cast %while3A_75 : i32 to index
                %get3A_261 = arith.index_cast %add3A_259 : i32 to index
                %get3A_262 = arith.index_cast %mul3A_138 : i32 to index
                %get3A_263 = tpu.vector_load %arg6[%get3A_260, %get3A_261, %get3A_262] {strides = array<i32>} : memref<2x32x1024xf32, #tpu.memory_space<vmem>>, vector<16xf32>,
                %add3A_264 = arith.addf %add3A_248, %get3A_263 : vector<16xf32>
                %add3A_265 = arith.constant 4 : i32
                %add3A_266 = arith.addi %add3A_193, %add3A_265 : i32
                %add3A_267 = arith.constant 16 : i32
                %add3A_268 = arith.addi %mul3A_138, %add3A_267 : i32
                %get3A_269 = arith.index_cast %while3A_75 : i32 to index
                %get3A_270 = arith.index_cast %add3A_266 : i32 to index
                %get3A_271 = arith.index_cast %add3A_268 : i32 to index
                %get3A_272 = tpu.vector_load %arg6[%get3A_269, %get3A_270, %get3A_271] {strides = array<i32>} : memref<2x32x1024xf32, #tpu.memory_space<vmem>>, vector<16xf32>,
                %add3A_273 = arith.addf %add3A_257, %get3A_272 : vector<16xf32>
                %add3A_274 = arith.constant 5 : i32
                %add3A_275 = arith.addi %add3A_193, %add3A_274 : i32
                %get3A_276 = arith.index_cast %while3A_75 : i32 to index
                %get3A_277 = arith.index_cast %add3A_275 : i32 to index
                %get3A_278 = arith.index_cast %mul3A_138 : i32 to index
                %get3A_279 = tpu.vector_load %arg6[%get3A_276, %get3A_277, %get3A_278] {strides = array<i32>} : memref<2x32x1024xf32, #tpu.memory_space<vmem>>, vector<16xf32>,
                %add3A_280 = arith.addf %add3A_264, %get3A_279 : vector<16xf32>
                %add3A_281 = arith.constant 5 : i32
                %add3A_282 = arith.addi %add3A_193, %add3A_281 : i32
                %add3A_283 = arith.constant 16 : i32
                %add3A_284 = arith.addi %mul3A_138, %add3A_283 : i32
                %get3A_285 = arith.index_cast %while3A_75 : i32 to index
                %get3A_286 = arith.index_cast %add3A_282 : i32 to index
                %get3A_287 = arith.index_cast %add3A_284 : i32 to index
                %get3A_288 = tpu.vector_load %arg6[%get3A_285, %get3A_286, %get3A_287] {strides = array<i32>} : memref<2x32x1024xf32, #tpu.memory_space<vmem>>, vector<16xf32>,
                %add3A_289 = arith.addf %add3A_273, %get3A_288 : vector<16xf32>
                %add3A_290 = arith.constant 6 : i32
                %add3A_291 = arith.addi %add3A_193, %add3A_290 : i32
                %get3A_292 = arith.index_cast %while3A_75 : i32 to index
                %get3A_293 = arith.index_cast %add3A_291 : i32 to index
                %get3A_294 = arith.index_cast %mul3A_138 : i32 to index
                %get3A_295 = tpu.vector_load %arg6[%get3A_292, %get3A_293, %get3A_294] {strides = array<i32>} : memref<2x32x1024xf32, #tpu.memory_space<vmem>>, vector<16xf32>,
                %add3A_296 = arith.addf %add3A_280, %get3A_295 : vector<16xf32>
                %add3A_297 = arith.constant 6 : i32
                %add3A_298 = arith.addi %add3A_193, %add3A_297 : i32
                %add3A_299 = arith.constant 16 : i32
                %add3A_300 = arith.addi %mul3A_138, %add3A_299 : i32
                %get3A_301 = arith.index_cast %while3A_75 : i32 to index
                %get3A_302 = arith.index_cast %add3A_298 : i32 to index
                %get3A_303 = arith.index_cast %add3A_300 : i32 to index
                %get3A_304 = tpu.vector_load %arg6[%get3A_301, %get3A_302, %get3A_303] {strides = array<i32>} : memref<2x32x1024xf32, #tpu.memory_space<vmem>>, vector<16xf32>,
                %add3A_305 = arith.addf %add3A_289, %get3A_304 : vector<16xf32>
                %add3A_306 = arith.constant 7 : i32
                %add3A_307 = arith.addi %add3A_193, %add3A_306 : i32
                %get3A_308 = arith.index_cast %while3A_75 : i32 to index
                %get3A_309 = arith.index_cast %add3A_307 : i32 to index
                %get3A_310 = arith.index_cast %mul3A_138 : i32 to index
                %get3A_311 = tpu.vector_load %arg6[%get3A_308, %get3A_309, %get3A_310] {strides = array<i32>} : memref<2x32x1024xf32, #tpu.memory_space<vmem>>, vector<16xf32>,
                %add3A_312 = arith.addf %add3A_296, %get3A_311 : vector<16xf32>
                %add3A_313 = arith.constant 7 : i32
                %add3A_314 = arith.addi %add3A_193, %add3A_313 : i32
                %add3A_315 = arith.constant 16 : i32
                %add3A_316 = arith.addi %mul3A_138, %add3A_315 : i32
                %get3A_317 = arith.index_cast %while3A_75 : i32 to index
                %get3A_318 = arith.index_cast %add3A_314 : i32 to index
                %get3A_319 = arith.index_cast %add3A_316 : i32 to index
                %get3A_320 = tpu.vector_load %arg6[%get3A_317, %get3A_318, %get3A_319] {strides = array<i32>} : memref<2x32x1024xf32, #tpu.memory_space<vmem>>, vector<16xf32>,
                %add3A_321 = arith.addf %add3A_305, %get3A_320 : vector<16xf32>
                %add3A_322 = arith.constant 8 : i32
                %add3A_323 = arith.addi %add3A_193, %add3A_322 : i32
                %get3A_324 = arith.index_cast %while3A_75 : i32 to index
                %get3A_325 = arith.index_cast %add3A_323 : i32 to index
                %get3A_326 = arith.index_cast %mul3A_138 : i32 to index
                %get3A_327 = tpu.vector_load %arg6[%get3A_324, %get3A_325, %get3A_326] {strides = array<i32>} : memref<2x32x1024xf32, #tpu.memory_space<vmem>>, vector<16xf32>,
                %add3A_328 = arith.addf %add3A_312, %get3A_327 : vector<16xf32>
                %add3A_329 = arith.constant 8 : i32
                %add3A_330 = arith.addi %add3A_193, %add3A_329 : i32
                %add3A_331 = arith.constant 16 : i32
                %add3A_332 = arith.addi %mul3A_138, %add3A_331 : i32
                %get3A_333 = arith.index_cast %while3A_75 : i32 to index
                %get3A_334 = arith.index_cast %add3A_330 : i32 to index
                %get3A_335 = arith.index_cast %add3A_332 : i32 to index
                %get3A_336 = tpu.vector_load %arg6[%get3A_333, %get3A_334, %get3A_335] {strides = array<i32>} : memref<2x32x1024xf32, #tpu.memory_space<vmem>>, vector<16xf32>,
                %add3A_337 = arith.addf %add3A_321, %get3A_336 : vector<16xf32>
                %add3A_338 = arith.constant 9 : i32
                %add3A_339 = arith.addi %add3A_193, %add3A_338 : i32
                %get3A_340 = arith.index_cast %while3A_75 : i32 to index
                %get3A_341 = arith.index_cast %add3A_339 : i32 to index
                %get3A_342 = arith.index_cast %mul3A_138 : i32 to index
                %get3A_343 = tpu.vector_load %arg6[%get3A_340, %get3A_341, %get3A_342] {strides = array<i32>} : memref<2x32x1024xf32, #tpu.memory_space<vmem>>, vector<16xf32>,
                %add3A_344 = arith.addf %add3A_328, %get3A_343 : vector<16xf32>
                %add3A_345 = arith.constant 9 : i32
                %add3A_346 = arith.addi %add3A_193, %add3A_345 : i32
                %add3A_347 = arith.constant 16 : i32
                %add3A_348 = arith.addi %mul3A_138, %add3A_347 : i32
                %get3A_349 = arith.index_cast %while3A_75 : i32 to index
                %get3A_350 = arith.index_cast %add3A_346 : i32 to index
                %get3A_351 = arith.index_cast %add3A_348 : i32 to index
                %get3A_352 = tpu.vector_load %arg6[%get3A_349, %get3A_350, %get3A_351] {strides = array<i32>} : memref<2x32x1024xf32, #tpu.memory_space<vmem>>, vector<16xf32>,
                %add3A_353 = arith.addf %add3A_337, %get3A_352 : vector<16xf32>
                %add3A_354 = arith.constant 10 : i32
                %add3A_355 = arith.addi %add3A_193, %add3A_354 : i32
                %get3A_356 = arith.index_cast %while3A_75 : i32 to index
                %get3A_357 = arith.index_cast %add3A_355 : i32 to index
                %get3A_358 = arith.index_cast %mul3A_138 : i32 to index
                %get3A_359 = tpu.vector_load %arg6[%get3A_356, %get3A_357, %get3A_358] {strides = array<i32>} : memref<2x32x1024xf32, #tpu.memory_space<vmem>>, vector<16xf32>,
                %add3A_360 = arith.addf %add3A_344, %get3A_359 : vector<16xf32>
                %add3A_361 = arith.constant 10 : i32
                %add3A_362 = arith.addi %add3A_193, %add3A_361 : i32
                %add3A_363 = arith.constant 16 : i32
                %add3A_364 = arith.addi %mul3A_138, %add3A_363 : i32
                %get3A_365 = arith.index_cast %while3A_75 : i32 to index
                %get3A_366 = arith.index_cast %add3A_362 : i32 to index
                %get3A_367 = arith.index_cast %add3A_364 : i32 to index
                %get3A_368 = tpu.vector_load %arg6[%get3A_365, %get3A_366, %get3A_367] {strides = array<i32>} : memref<2x32x1024xf32, #tpu.memory_space<vmem>>, vector<16xf32>,
                %add3A_369 = arith.addf %add3A_353, %get3A_368 : vector<16xf32>
                %add3A_370 = arith.constant 11 : i32
                %add3A_371 = arith.addi %add3A_193, %add3A_370 : i32
                %get3A_372 = arith.index_cast %while3A_75 : i32 to index
                %get3A_373 = arith.index_cast %add3A_371 : i32 to index
                %get3A_374 = arith.index_cast %mul3A_138 : i32 to index
                %get3A_375 = tpu.vector_load %arg6[%get3A_372, %get3A_373, %get3A_374] {strides = array<i32>} : memref<2x32x1024xf32, #tpu.memory_space<vmem>>, vector<16xf32>,
                %add3A_376 = arith.addf %add3A_360, %get3A_375 : vector<16xf32>
                %add3A_377 = arith.constant 11 : i32
                %add3A_378 = arith.addi %add3A_193, %add3A_377 : i32
                %add3A_379 = arith.constant 16 : i32
                %add3A_380 = arith.addi %mul3A_138, %add3A_379 : i32
                %get3A_381 = arith.index_cast %while3A_75 : i32 to index
                %get3A_382 = arith.index_cast %add3A_378 : i32 to index
                %get3A_383 = arith.index_cast %add3A_380 : i32 to index
                %get3A_384 = tpu.vector_load %arg6[%get3A_381, %get3A_382, %get3A_383] {strides = array<i32>} : memref<2x32x1024xf32, #tpu.memory_space<vmem>>, vector<16xf32>,
                %add3A_385 = arith.addf %add3A_369, %get3A_384 : vector<16xf32>
                %add3A_386 = arith.constant 12 : i32
                %add3A_387 = arith.addi %add3A_193, %add3A_386 : i32
                %get3A_388 = arith.index_cast %while3A_75 : i32 to index
                %get3A_389 = arith.index_cast %add3A_387 : i32 to index
                %get3A_390 = arith.index_cast %mul3A_138 : i32 to index
                %get3A_391 = tpu.vector_load %arg6[%get3A_388, %get3A_389, %get3A_390] {strides = array<i32>} : memref<2x32x1024xf32, #tpu.memory_space<vmem>>, vector<16xf32>,
                %add3A_392 = arith.addf %add3A_376, %get3A_391 : vector<16xf32>
                %add3A_393 = arith.constant 12 : i32
                %add3A_394 = arith.addi %add3A_193, %add3A_393 : i32
                %add3A_395 = arith.constant 16 : i32
                %add3A_396 = arith.addi %mul3A_138, %add3A_395 : i32
                %get3A_397 = arith.index_cast %while3A_75 : i32 to index
                %get3A_398 = arith.index_cast %add3A_394 : i32 to index
                %get3A_399 = arith.index_cast %add3A_396 : i32 to index
                %get3A_400 = tpu.vector_load %arg6[%get3A_397, %get3A_398, %get3A_399] {strides = array<i32>} : memref<2x32x1024xf32, #tpu.memory_space<vmem>>, vector<16xf32>,
                %add3A_401 = arith.addf %add3A_385, %get3A_400 : vector<16xf32>
                %add3A_402 = arith.constant 13 : i32
                %add3A_403 = arith.addi %add3A_193, %add3A_402 : i32
                %get3A_404 = arith.index_cast %while3A_75 : i32 to index
                %get3A_405 = arith.index_cast %add3A_403 : i32 to index
                %get3A_406 = arith.index_cast %mul3A_138 : i32 to index
                %get3A_407 = tpu.vector_load %arg6[%get3A_404, %get3A_405, %get3A_406] {strides = array<i32>} : memref<2x32x1024xf32, #tpu.memory_space<vmem>>, vector<16xf32>,
                %add3A_408 = arith.addf %add3A_392, %get3A_407 : vector<16xf32>
                %add3A_409 = arith.constant 13 : i32
                %add3A_410 = arith.addi %add3A_193, %add3A_409 : i32
                %add3A_411 = arith.constant 16 : i32
                %add3A_412 = arith.addi %mul3A_138, %add3A_411 : i32
                %get3A_413 = arith.index_cast %while3A_75 : i32 to index
                %get3A_414 = arith.index_cast %add3A_410 : i32 to index
                %get3A_415 = arith.index_cast %add3A_412 : i32 to index
                %get3A_416 = tpu.vector_load %arg6[%get3A_413, %get3A_414, %get3A_415] {strides = array<i32>} : memref<2x32x1024xf32, #tpu.memory_space<vmem>>, vector<16xf32>,
                %add3A_417 = arith.addf %add3A_401, %get3A_416 : vector<16xf32>
                %add3A_418 = arith.constant 14 : i32
                %add3A_419 = arith.addi %add3A_193, %add3A_418 : i32
                %get3A_420 = arith.index_cast %while3A_75 : i32 to index
                %get3A_421 = arith.index_cast %add3A_419 : i32 to index
                %get3A_422 = arith.index_cast %mul3A_138 : i32 to index
                %get3A_423 = tpu.vector_load %arg6[%get3A_420, %get3A_421, %get3A_422] {strides = array<i32>} : memref<2x32x1024xf32, #tpu.memory_space<vmem>>, vector<16xf32>,
                %add3A_424 = arith.addf %add3A_408, %get3A_423 : vector<16xf32>
                %add3A_425 = arith.constant 14 : i32
                %add3A_426 = arith.addi %add3A_193, %add3A_425 : i32
                %add3A_427 = arith.constant 16 : i32
                %add3A_428 = arith.addi %mul3A_138, %add3A_427 : i32
                %get3A_429 = arith.index_cast %while3A_75 : i32 to index
                %get3A_430 = arith.index_cast %add3A_426 : i32 to index
                %get3A_431 = arith.index_cast %add3A_428 : i32 to index
                %get3A_432 = tpu.vector_load %arg6[%get3A_429, %get3A_430, %get3A_431] {strides = array<i32>} : memref<2x32x1024xf32, #tpu.memory_space<vmem>>, vector<16xf32>,
                %add3A_433 = arith.addf %add3A_417, %get3A_432 : vector<16xf32>
                %add3A_434 = arith.constant 15 : i32
                %add3A_435 = arith.addi %add3A_193, %add3A_434 : i32
                %get3A_436 = arith.index_cast %while3A_75 : i32 to index
                %get3A_437 = arith.index_cast %add3A_435 : i32 to index
                %get3A_438 = arith.index_cast %mul3A_138 : i32 to index
                %get3A_439 = tpu.vector_load %arg6[%get3A_436, %get3A_437, %get3A_438] {strides = array<i32>} : memref<2x32x1024xf32, #tpu.memory_space<vmem>>, vector<16xf32>,
                %add3A_440 = arith.addf %add3A_424, %get3A_439 : vector<16xf32>
                %add3A_441 = arith.constant 15 : i32
                %add3A_442 = arith.addi %add3A_193, %add3A_441 : i32
                %add3A_443 = arith.constant 16 : i32
                %add3A_444 = arith.addi %mul3A_138, %add3A_443 : i32
                %get3A_445 = arith.index_cast %while3A_75 : i32 to index
                %get3A_446 = arith.index_cast %add3A_442 : i32 to index
                %get3A_447 = arith.index_cast %add3A_444 : i32 to index
                %get3A_448 = tpu.vector_load %arg6[%get3A_445, %get3A_446, %get3A_447] {strides = array<i32>} : memref<2x32x1024xf32, #tpu.memory_space<vmem>>, vector<16xf32>,
                %add3A_449 = arith.addf %add3A_433, %get3A_448 : vector<16xf32>
                scf.yield %add3A_440, %add3A_449 : vector<16xf32>, vector<16xf32>
              }
              %while3A_170 = arith.subi %sub3A_98, %sub3A_101 : i32
              %while3A_171 = arith.addi %sub3A_101, %while3A_170 : i32
              %while3A_172 = arith.constant 1 : i32
              %while3A_173 = arith.divsi %while3A_170, %while3A_172 : i32
              %while3A_174 = arith.muli %while3A_173, %while3A_172 : i32
              %while3A_175 = arith.addi %sub3A_101, %while3A_174 : i32
              %while3A_176 = arith.constant 1 : i32
              %while3A_177:2 = scf.for %while3A_188 = %sub3A_101 to %while3A_175 step %while3A_176 iter_args(%while3A_189 = %while3A_169#0, %while3A_190 = %while3A_169#1) -> (vector<16xf32>, vector<16xf32>)  : i32 {
                %add3A_191 = arith.addi %sub3A_99, %while3A_188 : i32
                %get3A_192 = arith.index_cast %while3A_75 : i32 to index
                %get3A_193 = arith.index_cast %add3A_191 : i32 to index
                %get3A_194 = arith.index_cast %mul3A_138 : i32 to index
                %get3A_195 = tpu.vector_load %arg6[%get3A_192, %get3A_193, %get3A_194] {strides = array<i32>} : memref<2x32x1024xf32, #tpu.memory_space<vmem>>, vector<16xf32>,
                %add3A_196 = arith.addf %while3A_189, %get3A_195 : vector<16xf32>
                %add3A_197 = arith.addi %sub3A_99, %while3A_188 : i32
                %add3A_198 = arith.constant 16 : i32
                %add3A_199 = arith.addi %mul3A_138, %add3A_198 : i32
                %get3A_200 = arith.index_cast %while3A_75 : i32 to index
                %get3A_201 = arith.index_cast %add3A_197 : i32 to index
                %get3A_202 = arith.index_cast %add3A_199 : i32 to index
                %get3A_203 = tpu.vector_load %arg6[%get3A_200, %get3A_201, %get3A_202] {strides = array<i32>} : memref<2x32x1024xf32, #tpu.memory_space<vmem>>, vector<16xf32>,
                %add3A_204 = arith.addf %while3A_190, %get3A_203 : vector<16xf32>
                scf.yield %add3A_196, %add3A_204 : vector<16xf32>, vector<16xf32>
              }
              %while3A_178 = arith.constant 1 : i32
              %while3A_179:2 = scf.for %while3A_188 = %while3A_175 to %while3A_171 step %while3A_178 iter_args(%while3A_189 = %while3A_177#0, %while3A_190 = %while3A_177#1) -> (vector<16xf32>, vector<16xf32>)  : i32 {
                %add3A_191 = arith.addi %sub3A_99, %while3A_188 : i32
                %get3A_192 = arith.index_cast %while3A_75 : i32 to index
                %get3A_193 = arith.index_cast %add3A_191 : i32 to index
                %get3A_194 = arith.index_cast %mul3A_138 : i32 to index
                %get3A_195 = tpu.vector_load %arg6[%get3A_192, %get3A_193, %get3A_194] {strides = array<i32>} : memref<2x32x1024xf32, #tpu.memory_space<vmem>>, vector<16xf32>,
                %add3A_196 = arith.addf %while3A_189, %get3A_195 : vector<16xf32>
                %add3A_197 = arith.addi %sub3A_99, %while3A_188 : i32
                %add3A_198 = arith.constant 16 : i32
                %add3A_199 = arith.addi %mul3A_138, %add3A_198 : i32
                %get3A_200 = arith.index_cast %while3A_75 : i32 to index
                %get3A_201 = arith.index_cast %add3A_197 : i32 to index
                %get3A_202 = arith.index_cast %add3A_199 : i32 to index
                %get3A_203 = tpu.vector_load %arg6[%get3A_200, %get3A_201, %get3A_202] {strides = array<i32>} : memref<2x32x1024xf32, #tpu.memory_space<vmem>>, vector<16xf32>,
                %add3A_204 = arith.addf %while3A_190, %get3A_203 : vector<16xf32>
                scf.yield %add3A_196, %add3A_204 : vector<16xf32>, vector<16xf32>
              }
              %swap3A = arith.index_cast %scan3A_33 : i32 to index
              %swap3A_180 = arith.index_cast %mul3A_138 : i32 to index
              %swap3A_181 = tpu.vector_load %arg7[%swap3A, %swap3A_180] {strides = array<i32>} : memref<16x1024xf32, #tpu.memory_space<vmem>>, vector<16xf32>,
              tpu.vector_store %arg7[%swap3A, %swap3A_180], %while3A_179#0 {add = true, strides = array<i32>} : memref<16x1024xf32, #tpu.memory_space<vmem>>, vector<16xf32>,
              %add3A_182 = arith.constant 16 : i32
              %add3A_183 = arith.addi %mul3A_138, %add3A_182 : i32
              %swap3A_184 = arith.index_cast %scan3A_33 : i32 to index
              %swap3A_185 = arith.index_cast %add3A_183 : i32 to index
              %swap3A_186 = tpu.vector_load %arg7[%swap3A_184, %swap3A_185] {strides = array<i32>} : memref<16x1024xf32, #tpu.memory_space<vmem>>, vector<16xf32>,
              tpu.vector_store %arg7[%swap3A_184, %swap3A_185], %while3A_179#1 {add = true, strides = array<i32>} : memref<16x1024xf32, #tpu.memory_space<vmem>>, vector<16xf32>,
              %scan3A_187 = arith.constant 0 : i32
              scf.yield %scan3A_187 : i32
            }
            %scan3A_134 = arith.constant 32 : i32
          } else {
          }
          %sub3A_126 = arith.constant 1 : i32
          %sub3A_127 = arith.subi %sub3A_126, %while3A_75 : i32
          scf.yield %sub3A_127 : i32
        }
      } else {
      }
      %scan3A_41 = arith.constant 0 : i32
      scf.yield %scan3A_41 : i32
    }
    %scan3A_23 = arith.constant 16 : i32
    %scan3A_24 = arith.constant 0 : i32
    %scan3A_25 = arith.constant 0 : i32
    %scan3A_26 = arith.constant 16 : i32
    %scan3A_27 = arith.addi %scan3A_25, %scan3A_26 : i32
    %scan3A_28 = arith.constant 1 : i32
    %scan3A_29 = scf.for %scan3A_33 = %scan3A_25 to %scan3A_27 step %scan3A_28 iter_args(%scan3A_34 = %scan3A_24) -> (i32)  : i32 {
      %get3A_35 = arith.index_cast %scan3A_33 : i32 to index
      %get3A_36 = memref.load %arg11[%get3A_35] : memref<16xi32, #tpu.memory_space<smem>>
      %eq3A = arith.constant 0 : i32
      %eq3A_37 = arith.cmpi eq, %get3A_36, %eq3A : i32
      %convert_element_type3A = arith.extui %eq3A_37 : i1 to i32
      %cond3A = arith.constant 0 : i32
      %cond3A_38 = arith.cmpi ne, %convert_element_type3A, %cond3A : i32
      scf.if %cond3A_38 {
        %scan3A_40 = arith.constant 0 : i32
        %scan3A_41 = arith.constant 0 : i32
        %scan3A_42 = arith.constant 64 : i32
        %scan3A_43 = arith.addi %scan3A_41, %scan3A_42 : i32
        %scan3A_44 = arith.constant 1 : i32
        %scan3A_45 = scf.for %scan3A_47 = %scan3A_41 to %scan3A_43 step %scan3A_44 iter_args(%scan3A_48 = %scan3A_40) -> (i32)  : i32 {
          %mul3A_49 = arith.constant 16 : i32
          %mul3A_50 = arith.muli %scan3A_47, %mul3A_49 : i32
          %swap3A = arith.index_cast %scan3A_33 : i32 to index
          %swap3A_51 = arith.index_cast %mul3A_50 : i32 to index
          %swap3A_52 = tpu.vector_load %arg7[%swap3A, %swap3A_51] {strides = array<i32>} : memref<16x1024xf32, #tpu.memory_space<vmem>>, vector<16xf32>,
          tpu.vector_store %arg7[%swap3A, %swap3A_51], %broadcast_in_dim3A_16 {strides = array<i32>} : memref<16x1024xf32, #tpu.memory_space<vmem>>, vector<16xf32>,
          %scan3A_53 = arith.constant 0 : i32
          scf.yield %scan3A_53 : i32
        }
        %scan3A_46 = arith.constant 64 : i32
      } else {
      }
      %scan3A_39 = arith.constant 0 : i32
      scf.yield %scan3A_39 : i32
    }
    %scan3A_30 = arith.constant 16 : i32
    %mul3A_31 = arith.constant 16 : i32
    %mul3A_32 = arith.muli %add3A, %mul3A_31 : i32
    "tpu.region"() ({
      %run_scoped3A = tpu.sem_alloc : memref<!tpu.dma_semaphore, #tpu.memory_space<semaphore_mem>>
      %dma_start3A = arith.constant 0 : i32
      %dma_start3A_33 = tpu.memref_slice %arg5[%mul3A_32, %dma_start3A] : memref<512x1024xf32, #tpu.memory_space<hbm>> -> memref<16x1024xf32, #tpu.memory_space<hbm>>
      %dma_start3A_34 = arith.constant 0 : i32
      %dma_start3A_35 = tpu.memref_slice %arg5[%mul3A_32, %dma_start3A_34] : memref<512x1024xf32, #tpu.memory_space<hbm>> -> memref<16x1024xf32, #tpu.memory_space<hbm>>
      tpu.enqueue_dma source(%arg7 : memref<16x1024xf32, #tpu.memory_space<vmem>>) target(%dma_start3A_35 : memref<16x1024xf32, #tpu.memory_space<hbm>>) target_semaphore(%run_scoped3A : memref<!tpu.dma_semaphore, #tpu.memory_space<semaphore_mem>>)
      %dma_wait3A = arith.constant 0 : i32
      %dma_wait3A_36 = tpu.memref_slice %arg5[%mul3A_32, %dma_wait3A] : memref<512x1024xf32, #tpu.memory_space<hbm>> -> memref<16x1024xf32, #tpu.memory_space<hbm>>
      %dma_wait3A_37 = arith.constant 0 : i32
      %dma_wait3A_38 = tpu.memref_slice %arg5[%mul3A_32, %dma_wait3A_37] : memref<512x1024xf32, #tpu.memory_space<hbm>> -> memref<16x1024xf32, #tpu.memory_space<hbm>>
      tpu.wait_dma2 semaphore(%run_scoped3A : memref<!tpu.dma_semaphore, #tpu.memory_space<semaphore_mem>>) src(%arg7 : memref<16x1024xf32, #tpu.memory_space<vmem>>) dst(%dma_wait3A_38 : memref<16x1024xf32, #tpu.memory_space<hbm>>)
      tpu.yield
    }) : () -> ()
    return
  }
}

module attributes {stable_mosaic.version = 14 : i64} {
  func.func @body(%arg0: i32, %arg1: memref<16x1xi32, #tpu.memory_space<vmem>>, %arg2: memref<16x1xi32, #tpu.memory_space<vmem>>, %arg3: memref<2048x1024xf32, #tpu.memory_space<vmem>>, %arg4: memref<16x1024xf32, #tpu.memory_space<vmem>>) attributes {dimension_semantics = [#tpu.dimension_semantics<arbitrary>], iteration_bounds = array<i64: 10>, scalar_prefetch = 0 : i64, scratch_operands = 0 : i64, tpu.core_type = #tpu.core_type<tc>, window_params = [{pipeline_mode = #tpu.pipeline_mode<synchronous>, transform_indices = @transform_0, window_bounds = array<i64: 16, 1>}, {pipeline_mode = #tpu.pipeline_mode<synchronous>, transform_indices = @transform_1, window_bounds = array<i64: 16, 1>}, {transform_indices = @transform_2, window_bounds = array<i64: 2048, 1024>}, {pipeline_mode = #tpu.pipeline_mode<synchronous>, transform_indices = @transform_3, window_bounds = array<i64: 16, 1024>}]} {
    %mul3A = arith.constant 2048 : i32
    %mul3A_0 = arith.muli %arg0, %mul3A : i32
    %add3A = arith.constant 12288 : i32
    %add3A_1 = arith.addi %add3A, %mul3A_0 : i32
    %iota3A = tpu.iota {dimensions = array<i32: 1>} : vector<16x2048xi32>
    %add3A_2 = vector.broadcast %add3A_1 : i32 to vector<16x2048xi32>
    %add3A_3 = arith.addi %add3A_2, %iota3A : vector<16x2048xi32>
    %get3A = arith.constant 0 : index
    %get3A_4 = arith.constant 0 : index
    %get3A_5 = vector.load %arg1[%get3A, %get3A_4] : memref<16x1xi32, #tpu.memory_space<vmem>>, vector<16x1xi32>
    %le3A = vector.broadcast %get3A_5 : vector<16x1xi32> to vector<16x2048xi32>
    %le3A_6 = arith.cmpi sle, %le3A, %add3A_3 : vector<16x2048xi32>
    %get3A_7 = arith.constant 0 : index
    %get3A_8 = arith.constant 0 : index
    %get3A_9 = vector.load %arg2[%get3A_7, %get3A_8] : memref<16x1xi32, #tpu.memory_space<vmem>>, vector<16x1xi32>
    %lt3A = vector.broadcast %get3A_9 : vector<16x1xi32> to vector<16x2048xi32>
    %lt3A_10 = arith.cmpi slt, %add3A_3, %lt3A : vector<16x2048xi32>
    %and3A = arith.andi %le3A_6, %lt3A_10 : vector<16x2048xi1>
    %convert_element_type3A = arith.extui %and3A : vector<16x2048xi1> to vector<16x2048xi32>
    %convert_element_type3A_11 = arith.sitofp %convert_element_type3A : vector<16x2048xi32> to vector<16x2048xf32>
    %get3A_12 = arith.constant 0 : index
    %get3A_13 = arith.constant 0 : index
    %get3A_14 = vector.load %arg3[%get3A_12, %get3A_13] : memref<2048x1024xf32, #tpu.memory_space<vmem>>, vector<2048x1024xf32>
    %dot_general3A = arith.constant dense<0.000000e+00> : vector<16x1024xf32>
    %dot_general3A_15 = tpu.matmul %convert_element_type3A_11, %get3A_14, %dot_general3A {dimension_numbers = #tpu.dot_dimension_numbers<[1], [0], [0], [1], [0, 0, 1, 1], [], []>, transpose_lhs_hint = false} : vector<16x2048xf32>, vector<2048x1024xf32>, vector<16x1024xf32> -> vector<16x1024xf32>
    %eq3A = arith.constant 0 : i32
    %eq3A_16 = arith.cmpi eq, %arg0, %eq3A : i32
    %convert_element_type3A_17 = arith.extui %eq3A_16 : i1 to i32
    %cond3A = arith.constant 0 : i32
    %cond3A_18 = arith.cmpi ne, %convert_element_type3A_17, %cond3A : i32
    scf.if %cond3A_18 {
      %broadcast_in_dim3A = arith.constant 0.000000e+00 : f32
      %broadcast_in_dim3A_25 = vector.broadcast %broadcast_in_dim3A : f32 to vector<16x1024xf32>
      %swap3A_26 = arith.constant 0 : index
      %swap3A_27 = arith.constant 0 : index
      %swap3A_28 = vector.load %arg4[%swap3A_26, %swap3A_27] : memref<16x1024xf32, #tpu.memory_space<vmem>>, vector<16x1024xf32>
      tpu.vector_store %arg4[%swap3A_26, %swap3A_27], %broadcast_in_dim3A_25 {strides = array<i32>} : memref<16x1024xf32, #tpu.memory_space<vmem>>, vector<16x1024xf32>,
    } else {
    }
    %get3A_19 = arith.constant 0 : index
    %get3A_20 = arith.constant 0 : index
    %get3A_21 = vector.load %arg4[%get3A_19, %get3A_20] : memref<16x1024xf32, #tpu.memory_space<vmem>>, vector<16x1024xf32>
    %add3A_22 = arith.addf %get3A_21, %dot_general3A_15 : vector<16x1024xf32>
    %swap3A = arith.constant 0 : index
    %swap3A_23 = arith.constant 0 : index
    %swap3A_24 = vector.load %arg4[%swap3A, %swap3A_23] : memref<16x1024xf32, #tpu.memory_space<vmem>>, vector<16x1024xf32>
    tpu.vector_store %arg4[%swap3A, %swap3A_23], %add3A_22 {strides = array<i32>} : memref<16x1024xf32, #tpu.memory_space<vmem>>, vector<16x1024xf32>,
    return
  }
  func.func @transform_0(%arg0: i32) -> (i32, i32) {
    %c0_i32 = arith.constant 0 : i32
    %c0_i32_0 = arith.constant 0 : i32
    %c0_i32_1 = arith.constant 0 : i32
    return %c0_i32, %c0_i32_0 : i32, i32
  }
  func.func @transform_1(%arg0: i32) -> (i32, i32) {
    %c0_i32 = arith.constant 0 : i32
    %c0_i32_0 = arith.constant 0 : i32
    %c0_i32_1 = arith.constant 0 : i32
    return %c0_i32, %c0_i32_0 : i32, i32
  }
  func.func @transform_2(%arg0: i32) -> (i32, i32) {
    %add3A = arith.constant 6 : i32
    %add3A_0 = arith.addi %add3A, %arg0 : i32
    %c0_i32 = arith.constant 0 : i32
    %c0_i32_1 = arith.constant 0 : i32
    return %add3A_0, %c0_i32 : i32, i32
  }
  func.func @transform_3(%arg0: i32) -> (i32, i32) {
    %c0_i32 = arith.constant 0 : i32
    %c0_i32_0 = arith.constant 0 : i32
    %c0_i32_1 = arith.constant 0 : i32
    return %c0_i32, %c0_i32_0 : i32, i32
  }
}

module attributes {stable_mosaic.version = 14 : i64} {
  func.func @body(%arg0: memref<512x1024xf32, #tpu.memory_space<vmem>>, %arg1: memref<16x1024xf32, #tpu.memory_space<vmem>>, %arg2: memref<16x1xf32, #tpu.memory_space<vmem>>, %arg3: memref<16x1024xf32, #tpu.memory_space<vmem>>) attributes {dimension_semantics = [], scalar_prefetch = 0 : i64, scratch_operands = 0 : i64, tpu.core_type = #tpu.core_type<tc>} {
    %get3A = arith.constant 0 : index
    %get3A_0 = arith.constant 0 : index
    %get3A_1 = vector.load %arg0[%get3A, %get3A_0] : memref<512x1024xf32, #tpu.memory_space<vmem>>, vector<512x1024xf32>
    %reshape3A = vector.shape_cast %get3A_1 : vector<512x1024xf32> to vector<32x16x1024xf32>
    %reduce_sum3A = arith.constant dense<0.000000e+00> : vector<16x1024xf32>
    %reduce_sum3A_2 = vector.multi_reduction <add>, %reshape3A, %reduce_sum3A [0] : vector<32x16x1024xf32> to vector<16x1024xf32>
    %get3A_3 = arith.constant 0 : index
    %get3A_4 = arith.constant 0 : index
    %get3A_5 = vector.load %arg1[%get3A_3, %get3A_4] : memref<16x1024xf32, #tpu.memory_space<vmem>>, vector<16x1024xf32>
    %add3A = arith.addf %reduce_sum3A_2, %get3A_5 : vector<16x1024xf32>
    %get3A_6 = arith.constant 0 : index
    %get3A_7 = arith.constant 0 : index
    %get3A_8 = vector.load %arg2[%get3A_6, %get3A_7] : memref<16x1xf32, #tpu.memory_space<vmem>>, vector<16x1xf32>
    %mul3A = vector.broadcast %get3A_8 : vector<16x1xf32> to vector<16x1024xf32>
    %mul3A_9 = arith.mulf %add3A, %mul3A : vector<16x1024xf32>
    %swap3A = arith.constant 0 : index
    %swap3A_10 = arith.constant 0 : index
    %swap3A_11 = vector.load %arg3[%swap3A, %swap3A_10] : memref<16x1024xf32, #tpu.memory_space<vmem>>, vector<16x1024xf32>
    tpu.vector_store %arg3[%swap3A, %swap3A_10], %mul3A_9 {strides = array<i32>} : memref<16x1024xf32, #tpu.memory_space<vmem>>, vector<16x1024xf32>,
    return
  }
}

</mosaic_0001>

<sc_bundles>
// kernel: kernel.5.cloned.1.call-start
scs
__scs_entry_jumppad:
0x0: {  	(pc) =	sbr.rel $0x88, $3  }
0x1: {  	(tag) =	ssettag $0x0;
	lr =	simm.s32 $0x1  }
0x2: {  	[smem:$0x3F9F] =	sst lr;
	_ =	strace $0xD0000000  }
0x3: {  	_ = 	snop  }
0x4: {  	_ = 	snop  }
0x5: {  	_ = 	snop  }
0x6: {  	_ = 	snop  }
0x7: {  	_ = 	snop  }
__scs_overlays_trampoline_lowered:
0x8: {  	[smem:$0x3FAE] =	sst s0  }
0x9: {  	[smem:$0x3FAF] =	sst s1  }
0xa: {  	[smem:$0x3FB0] =	sst s2  }
0xb: {  	[smem:$0x3FB1] =	sst s3  }
0xc: {  	[smem:$0x3FB2] =	sst s4  }
0xd: {  	[smem:$0x3FB3] =	sst s5  }
0xe: {  	[smem:$0x3FB4] =	sst s6  }
0xf: {  	[smem:$0x3FB5] =	sst s7  }
0x10: {  	[smem:$0x3FB6] =	sst s8  }
0x11: {  	[smem:$0x3FB7] =	sst s9;
	s0 =	simm.s32 @!p0 $0x0  }
0x12: {  	s1 =	sld [smem:$0x3F9D];
	s0 =	simm.s32 @p0 $0x1  }
0x13: {  	[smem:$0x3FB8] =	sst s0;
	s0 =	simm.s32 @!p1 $0x0  }
0x14: {  	s2 =	sld [smem:$0x3F9C];
	s0 =	simm.s32 @p1 $0x1  }
0x15: {  	[smem:$0x3FB9] =	sst s0;
	s0 =	simm.s32 @!p2 $0x0  }
0x16: {  	s3 =	sld [smem:$0x3FDB];
	s0 =	simm.s32 @p2 $0x1  }
0x17: {  	s4 =	simm.s32 $0x1BF5;
	[smem:$0x3FBB] =	sst s0  }
0x18: {  	s0 =	sld [smem:$0x3F9E];
	_ =	swait.ge [sflag:s4], $0x0  }
0x19: {  	s7 =	sld [smem:$0x3F9F]  }
0x1a: {  	s8 =	sadd.s32 $0xFFFFE003, lr  }
0x1b: {  	s9 =	sadd.s32 $0xFFFFFEF7, lr;
	s5 =	simm.s32 $0xFFFFFFFF;
	p2 =	slt.u32 s8, $0xFFFFF086  }
0x1c: {  	p1 =	slt.u32 s9, $0xF7A;
	s5 =	simm.s32 @!p2 $0x0  }
0x1d: {  	s5 =	simm.s32 @p1 $0x1;
	p0 =	seq.s32 s7, s2  }
0x1e: {  	s7 =	smul.u32 @!p0 $0xF7A, s2;
	p2 =	seq.s32 @!p0 s5, $0x0  }
0x1f: {  	s9 =	smul.u32 $0xF7A, s1;
	s8 =	simm.s32 @!p0 $0x1BF5;
	p2 =	por !p2, p0  }
0x20: {  	[sflag:s8] =	ssyncset.s32 @!p0 $0xFFFFF086;
	s6 =	sadd.s32 @!p0 s3, s7;
	s7 =	simm.s32 @!p0 $0x108  }
0x21: {  	s3 =	sadd.s32 s3, s9;
	s6 =	sadd.s32 @!p0 $0x88, s6;
	s7 =	simm.s32 @p2 $0x1082  }
0x22: {  	[simem:s7], [sflag:s8] =	dma.local @!p0 [hbm:s6], $0xF7A  }
0x23: {  	s9 =	sor.u32 $0xD0000000, s2;
	s6 =	simm.s32 $0x108;
	_ =	swait.ge @!p0 [sflag:s8], $0x0  }
0x24: {  	s3 =	sadd.s32 $0x88, s3;
	s6 =	simm.s32 @!p1 $0x1082;
	[sflag:s4] =	ssyncset.s32 $0xFFFFF086  }
0x25: {  	[simem:s6], [sflag:s4] =	dma.local [hbm:s3], $0xF7A  }
0x26: {  	[smem:$0x3F9F] =	sst s1;
	(tag) =	ssettag s2;
	_ =	strace s9  }
0x27: {  	s1 =	sld [smem:$0x3FAF]  }
0x28: {  	s2 =	sld [smem:$0x3FB0]  }
0x29: {  	s4 =	sld [smem:$0x3FB2]  }
0x2a: {  	p0 =	seq.s32 s5, $0x0;
	s5 =	sld [smem:$0x3FB3]  }
0x2b: {  	s6 =	sld [smem:$0x3FB4]  }
0x2c: {  	s7 =	sld [smem:$0x3FB5]  }
0x2d: {  	s3 =	simm.s32 $0x108;
	s8 =	sld [smem:$0x3FB6]  }
0x2e: {  	s3 =	simm.s32 @!p0 $0x1082;
	s9 =	sld [smem:$0x3FB7]  }
0x2f: {  	lr =	sadd.s32 s0, s3;
	s0 =	sld [smem:$0x3FAE]  }
0x30: {  	s3 =	sld [smem:$0x3FB1]  }
0x31: {  	[smem:$0x3FBA] =	sst s10  }
0x32: {  	s10 =	sld [smem:$0x3FB8];
	_ =	sdelay $0x3  }
0x33: {  	p0 =	seq.s32 s10, $0x1;
	s10 =	sld [smem:$0x3FBA];
	_ =	sdelay $0x3  }
0x34: {  	[smem:$0x3FBA] =	sst s10  }
0x35: {  	s10 =	sld [smem:$0x3FB9];
	_ =	sdelay $0x3  }
0x36: {  	p1 =	seq.s32 s10, $0x1;
	s10 =	sld [smem:$0x3FBA];
	_ =	sdelay $0x3  }
0x37: {  	[smem:$0x3FBA] =	sst s10  }
0x38: {  	s10 =	sld [smem:$0x3FBB]  }
0x39: {  	_ = 	snop;
	(pc) =	sbr.ind lr, $3  }
0x3a: {  	_ = 	snop  }
0x3b: {  	_ = 	snop  }
0x3c: {  	p2 =	seq.s32 s10, $0x1;
	s10 =	sld [smem:$0x3FBA]  }
0x3d: {  	_ =	shalt  }
0x3e: {  	_ =	shalt  }
0x3f: {  	_ =	shalt  }
0x40: {  	_ =	shalt  }
0x41: {  	_ =	shalt  }
0x42: {  	_ =	shalt  }
0x43: {  	_ =	shalt  }
0x44: {  	_ =	shalt  }
0x45: {  	_ =	shalt  }
0x46: {  	_ =	shalt  }
0x47: {  	_ =	shalt  }
0x48: {  	_ =	shalt  }
0x49: {  	_ =	shalt  }
0x4a: {  	_ =	shalt  }
0x4b: {  	_ =	shalt  }
0x4c: {  	_ =	shalt  }
0x4d: {  	_ =	shalt  }
0x4e: {  	_ =	shalt  }
0x4f: {  	_ =	shalt  }
0x50: {  	_ =	shalt  }
0x51: {  	_ =	shalt  }
0x52: {  	_ =	shalt  }
0x53: {  	_ =	shalt  }
0x54: {  	_ =	shalt  }
0x55: {  	_ =	shalt  }
0x56: {  	_ =	shalt  }
0x57: {  	_ =	shalt  }
0x58: {  	_ =	shalt  }
0x59: {  	_ =	shalt  }
0x5a: {  	_ =	shalt  }
0x5b: {  	_ =	shalt  }
0x5c: {  	_ =	shalt  }
0x5d: {  	_ =	shalt  }
0x5e: {  	_ =	shalt  }
0x5f: {  	_ =	shalt  }
0x60: {  	_ =	shalt  }
0x61: {  	_ =	shalt  }
0x62: {  	_ =	shalt  }
0x63: {  	_ =	shalt  }
0x64: {  	_ =	shalt  }
0x65: {  	_ =	shalt  }
0x66: {  	_ =	shalt  }
0x67: {  	_ =	shalt  }
0x68: {  	_ =	shalt  }
0x69: {  	_ =	shalt  }
0x6a: {  	_ =	shalt  }
0x6b: {  	_ =	shalt  }
0x6c: {  	_ =	shalt  }
0x6d: {  	_ =	shalt  }
0x6e: {  	_ =	shalt  }
0x6f: {  	_ =	shalt  }
0x70: {  	_ =	shalt  }
0x71: {  	_ =	shalt  }
0x72: {  	_ =	shalt  }
0x73: {  	_ =	shalt  }
0x74: {  	_ =	shalt  }
0x75: {  	_ =	shalt  }
0x76: {  	_ =	shalt  }
0x77: {  	_ =	shalt  }
0x78: {  	_ =	shalt  }
0x79: {  	_ =	shalt  }
0x7a: {  	_ =	shalt  }
0x7b: {  	_ =	shalt  }
0x7c: {  	_ =	shalt  }
0x7d: {  	_ =	shalt  }
0x7e: {  	_ =	shalt  }
0x7f: {  	_ =	shalt  }
0x80: {  	_ =	shalt  }
0x81: {  	_ =	shalt  }
0x82: {  	_ =	shalt  }
0x83: {  	_ =	shalt  }
0x84: {  	_ =	shalt  }
0x85: {  	_ =	shalt  }
0x86: {  	_ =	shalt  }
0x87: {  	_ =	shalt  }
.Lfunc_end0:
.L_simem_size_0:
called_computation_lowered:
.L_overlay_start_0:
0x88: {  	s2 =	sld [smem:$0x3FD9]  }
0x89: {  	s3 =	sld [smem:$0x3FFE];
	_ =	sdelay $0x1  }
0x8a: {  	s1 =	srdreg.scid  }
0x8b: {  	s0 =	sand.u32 $0x1, s1  }
0x8c: {  	s17 =	sshll.u32 s0, $0xA;
	s2 =	sadd.s32 s3, s2  }
0x8d: {  	s2 =	sadd.s32 s2, s17  }
0x8e: {  	[smem:$0x3FC6] =	sst s2  }
0x8f: {  	_ = 	snop  }
0x90: {  	s2 =	sld [smem:$0x3FC9]  }
0x91: {  	s18 =	sld [smem:$0x3FD0];
	(tm) =	ssettm $0x1  }
0x92: {  	s4 =	sld [smem:$0x3FFB];
	_ =	sdelay $0x3  }
0x93: {  	_ =	strace s4  }
0x94: {  	s4 =	sld [smem:$0x3FFC];
	_ =	sdelay $0x3  }
0x95: {  	_ =	strace s4  }
0x96: {  	s4 =	sld [smem:$0x3FFD];
	_ =	sdelay $0x3  }
0x97: {  	_ =	strace s4  }
0x98: {  	_ =	strace $0x8FFFFFFF  }
0x99: {  	s19 =	sld [smem:$0x3FDB];
	_ =	sdelay $0x1  }
0x9a: {  	s5 =	simm.s32 $_scs_section_size  }
0x9b: {  	s6 =	simm.s32 $_size__tile_overlayer_lowered;
	s7 =	simm.s32 $_tile_overlayer_lowered  }
0x9c: {  	s22 =	simm.s32 $0x1BFF;
	s21 =	sshll.u32 s7, $0x1;
	s4 =	sadd.s32 s5, s19  }
0x9d: {  	s8 =	simm.s32 $0x0;
	s20 =	sshll.u32 s6, $0x1;
	s6 =	sadd.s32 s21, s4  }
0x9e: {  	[timem:s8], [sflag:s22] =	dma.local [hbm:s6], s20  }
0x9f: {  	_ =	swait.ge [sflag:s22], s20  }
0xa0: {  	s5 =	ssub.s32 $0x0, s20;
	[sflag:s22] =	ssyncset.done $0x0  }
0xa1: {  	[sflag:s22] =	ssyncadd.s32 s5;
	_ =	sdelay $0x1  }
0xa2: {  	s23 =	simm.s32 $0x1B8B  }
0xa3: {  	_ =	swait.ge [sflag:s23], $0x1  }
0xa4: {  	[sflag:s23] =	ssyncset.done $0x0  }
0xa5: {  	s25 =	simm.s32 $0x1B8E;
	s24 =	sld [smem:$0x3FFE];
	[sflag:s23] =	ssyncadd.s32 $0xFFFFFFFF  }
0xa6: {  	s26 =	simm.s32 $execute0_lowered;
	[smem:$0x3FD2] =	sst s25  }
0xa7: {  	s6 =	sshll.u32 s26, $0x1;
	_ =	strace $0x80000046;
	[dreg:$0x1] =	wrdreg $0xFFFFFFFF  }
0xa8: {  	s28 =	simm.s32 $_size_execute0_lowered;
	s4 =	sadd.s32 s4, s6;
	[dreg:$0x0] =	wrdreg $0x0  }
0xa9: {  	s6 =	sshll.u32 s28, $0x1;
	[dreg:$0x2] =	wrdreg s4  }
0xaa: {  	[dreg:$0x3] =	wrdreg s6  }
0xab: {  	[dreg:$0x4] =	wrdreg $0xC0  }
0xac: {  	_ =	task [dreg:s8], $0x5FFFF  }
0xad: {  	[dreg:$0x1] =	wrdreg $0xFFFFFFFF  }
0xae: {  	[dreg:$0x0] =	wrdreg $0x60  }
0xaf: {  	[dreg:$0x2] =	wrdreg s2  }
0xb0: {  	[dreg:$0x3] =	wrdreg s18  }
0xb1: {  	[dreg:$0x4] =	wrdreg s24  }
0xb2: {  	[dreg:$0x5] =	wrdreg $0x9  }
0xb3: {  	_ =	task.clear_ibuf [dreg:s8], $0x6FFFF;
	_ =	strace $0x90000046  }
0xb4: {  	s29 =	simm.s32 $0x9;
	_ =	strace $0x80000048  }
0xb5: {  	_ =	swait.ge [sflag:s29], $0x1  }
0xb6: {  	[sflag:s29] =	ssyncadd.s32 $0xFFFFFFFF  }
0xb7: {  	_ =	strace $0x90000048  }
0xb8: {  	_ =	sfence  }
0xb9: {  	s30 =	sld [smem:$0x0];
	_ =	sdelay $0x2  }
0xba: {  	s31 =	sshll.u32 s1, $0xD;
	s1 =	sshrl.u32 s1, $0x2  }
0xbb: {  	s3 =	sand.u32 $0x4000, s31;
	s1 =	sadd.s32 s1, s30  }
0xbc: {  	s0 =	sor.u32 s3, s0;
	s1 =	sshll.u32 s1, $0x11  }
0xbd: {  	s0 =	sor.u32 s1, s0  }
0xbe: {  	s0 =	sadd.s32 $0x8F2B, s0  }
0xbf: {  	[sflag:s0] =	ssyncadd.remote.s32 $0x1  }
0xc0: {  	_ =	sfence.sel $0xFFFF  }
0xc1: {  	[dreg:$0x0] =	wrdreg $0xFFFFFFFF;
	(pc) =	sbr.abs _section_cstart, $3  }
0xc2: {  	[dreg:$0x1] =	wrdreg $0xFFFFFFFF  }
0xc3: {  	_ =	task.clear_ibuf [dreg:s8], $0x2FFFF;
	_ =	strace $0x9FFFFFFF  }
0xc4: {  	(tm) =	ssettm $0x7FFFFFFF  }
0xc5: {  	_ =	shalt  }
tec
execute0_lowered:
.L_overlay_start_1:
0x0: {  	(tag) =	ssettag $0x1  }
0x1: {  	s1 =	srdreg.scid;
	s3 =	stileid.u32  }
0x2: {  	s0 =	rddreg [dreg:$0x1];
	s1 =	sand.u32 $0x1, s1;
	s3 =	sshll.u32 s3, $0x1  }
0x3: {  	s2 =	rddreg [dreg:$0x2];
	s6 =	simm.s32 $0x0;
	s3 =	sor.u32 s1, s3  }
0x4: {  	[smem:$0x7FF] =	sst s6;
	s25 =	sshll.u32 s3, $0x1  }
0x5: {  	s1 =	ssub.s32 $0x2, s1;
	_ =	strace $0x80000047;
	s0 =	sadd.s32 s0, s25  }
0x6: {  	s28 =	smul.u32 $0x60000, s3;
	s26 =	sadd.s32 s2, s25;
	[dreg:$0x7] =	wrdreg s0  }
0x7: {  	s4 =	sshll.u32 s3, $0xB;
	s7 =	smul.u32 $0x180, s3;
	[dreg:$0x8] =	wrdreg s26  }
.Ltmp0:
0x8: {  	s5 =	sshrl.u32 s1, $0x1;
	[dreg:$0x9] =	wrdreg s28;
	(pc) =	sbr.rel .LBB2_1-.Ltmp0, $4  }
0x9: {  	s4 =	sadd.s32 s4, s2;
	s29 =	sor.u32 $0x20, s7;
	[dreg:$0x6] =	wrdreg s7  }
0xa: {  	s1 =	ssub.s32 s1, s5;
	s30 =	sadd.s32 $0x200, s4;
	[dreg:$0xa] =	wrdreg s29  }
0xb: {  	s31 =	smax.u32 s1, $0x1;
	[dreg:$0xb] =	wrdreg s30  }
0xc: {  	s8 =	simm.s32 $0x2;
	v0 =	vlaneseq.u32;
	v1 =	vimm.f32 $0.0e+00;
	s1 =	simm.s32 $0x0;
	[dreg:$0xc] =	wrdreg s31  }
.LBB2_47:
0xd: {  	s0 =	rddreg [dreg:$0xb];
	s1 =	simm.s32 $0x10000  }
0xe: {  	[hbm4b:s0+s6] =	stream.linear.scatter [tilespmem:s1], [sflag:$0x2], $0x4000, $0x38;
	[tilespmem:$0x14100] =	vst v63  }
0xf: {  	_ =	swait.ge [sflag:s8], $0x4000  }
0x10: {  	s30 =	rddreg [dreg:$0xd]  }
0x11: {  	s31 =	rddreg [dreg:$0xc];
	s1 =	sadd.s32 $0x1, s30  }
0x12: {  	p0 =	sne.s32 s1, s31  }
.Ltmp1:
0x13: {  	_ = 	snop;
	(pc) =	sbr.rel @!p0 .LBB2_48-.Ltmp1, $3  }
0x14: {  	_ =	sdelay $0x1  }
0x15: {  	[sflag:s8] =	ssyncset.done $0x0  }
0x16: {  	[sflag:s8] =	ssyncadd.s32 $0xFFFFC000  }
.LBB2_1:
0x17: {  	[dreg:$0xd] =	wrdreg s1  }
0x18: {  	s0 =	rddreg [dreg:$0x7];
	s21 =	simm.s32 $0x14000  }
0x19: {  	[tilespmem:s21], [sflag:$0x2] =	stream.linear.gather [hbm4b:s0+s6], $0x10, $0x38;
	[tilespmem:$0x14100] =	vst v63  }
0x1a: {  	_ =	swait.ge [sflag:s8], $0x10  }
0x1b: {  	[sflag:s8] =	ssyncset.done $0x0  }
0x1c: {  	s23 =	simm.s32 $0x14080;
	s22 =	rddreg [dreg:$0x8];
	[sflag:s8] =	ssyncadd.s32 $0xFFFFFFF0  }
0x1d: {  	[tilespmem:s23], [sflag:$0x2] =	stream.linear.gather [hbm4b:s22+s6], $0x10, $0x38;
	[tilespmem:$0x14100] =	vst v63  }
0x1e: {  	_ =	swait.ge [sflag:s8], $0x10  }
0x1f: {  	[sflag:s8] =	ssyncset.done $0x0  }
0x20: {  	[sflag:s8] =	ssyncadd.s32 $0xFFFFFFF0  }
0x21: {  	v2 =	vld [tilespmem:$0x14000]  }
0x22: {  	v3 =	vld [tilespmem:$0x14080];
	_ =	sdelay $0x1  }
0x23: {  	v4 =	vmov s6  }
0x24: {  	vm0 =	veq.s32 v4, v0  }
0x25: {  	v4 =	vnsel vm0, $0x0, v2  }
0x26: {  	(xrf0) =	vadd.scan.msk.s32 $0xffff, v4;
	v4 =	vnsel vm0, $0x0, v3  }
0x27: {  	(xrf0) =	vadd.scan.msk.s32 $0xffff, v4;
	_ =	sdelay $0x4  }
0x28: {  	v4, _, _ =	vpop (xrf0)  }
0x29: {  	s24 =	simm.s32 $0x1;
	(v2sf) =	vpush v4, $0xF;
	v4, _, _ =	vpop (xrf0)  }
0x2a: {  	(v2sf) =	vpush v4, $0xF;
	v4 =	vmov s24  }
0x2b: {  	s25 =	simm.s32 $0x2;
	vm12 =	veq.s32 v4, v0  }
0x2c: {  	v5 =	vmov s25;
	v4 =	vnsel vm12, $0x0, v2  }
0x2d: {  	s26 =	simm.s32 $0x3;
	vm13 =	veq.s32 v5, v0;
	(xrf0) =	vadd.scan.msk.s32 $0xffff, v4;
	v4 =	vnsel vm12, $0x0, v3  }
0x2e: {  	v5 =	vmov s26;
	(xrf0) =	vadd.scan.msk.s32 $0xffff, v4;
	v4 =	vnsel vm13, $0x0, v2  }
0x2f: {  	vm14 =	veq.s32 v5, v0;
	(xrf0) =	vadd.scan.msk.s32 $0xffff, v4;
	v4 =	vnsel vm13, $0x0, v3  }
0x30: {  	(xrf0) =	vadd.scan.msk.s32 $0xffff, v4;
	v4 =	vnsel vm14, $0x0, v2  }
0x31: {  	(xrf0) =	vadd.scan.msk.s32 $0xffff, v4;
	v4 =	vnsel vm14, $0x0, v3;
	_ =	sdelay $0x2  }
0x32: {  	s28 =	simm.s32 $0x4;
	(xrf0) =	vadd.scan.msk.s32 $0xffff, v4;
	v4, _, _ =	vpop (xrf0)  }
0x33: {  	(v2sf) =	vpush v4, $0xF;
	v4 =	vmov s28  }
0x34: {  	v5, _, _ =	vpop (xrf0)  }
0x35: {  	v6, _, _ =	vpop (xrf0);
	(v2sf) =	vpush v5, $0xF  }
0x36: {  	vm15 =	veq.s32 v4, v0;
	s29 =	spop (v2sf);
	(v2sf) =	vpush v6, $0xF;
	v4, _, _ =	vpop (xrf0)  }
0x37: {  	(v2sf) =	vpush v4, $0xF;
	v4, _, _ =	vpop (xrf0)  }
0x38: {  	s31 =	spop (v2sf);
	(v2sf) =	vpush v4, $0xF;
	_ =	sdelay $0x5  }
0x39: {  	v5 =	vnsel vm15, $0x0, v2  }
0x3a: {  	(xrf0) =	vadd.scan.msk.s32 $0xffff, v5;
	s30 =	ssub.s32 s29, s7  }
0x3b: {  	s0 =	simm.s32 $0x80;
	v5 =	vnsel vm15, $0x0, v3;
	[smem:s6] =	sst s30  }
0x3c: {  	s2 =	simm.s32 $0x5;
	s1 =	simm.s32 $0x0;
	(xrf0) =	vadd.scan.msk.s32 $0xffff, v5;
	v4, _, _ =	vpop (xrf0);
	[smem:s0] =	sst s31  }
.LBB2_2:
0x3d: {  	v5 =	vmov s2;
	(v2sf) =	vpush v4, $0xF;
	p0 =	sne.s32 s2, $0xF  }
.Ltmp2:
0x3e: {  	s2 =	sadd.s32 $0x1, s2;
	vm0 =	veq.s32 v5, v0;
	s3 =	spop (v2sf);
	(pc) =	sbr.rel @p0 .LBB2_2-.Ltmp2, $4  }
0x3f: {  	s1 =	sadd.s32 $0x1, s1;
	v5 =	vnsel vm0, $0x0, v2;
	s3 =	ssub.s32 s3, s7  }
0x40: {  	s0 =	sadd.s32 $0x1, s0;
	(xrf0) =	vadd.scan.msk.s32 $0xffff, v5;
	v4, _, _ =	vpop (xrf0);
	[smem:s1] =	sst s3;
	s3 =	spop (v2sf)  }
0x41: {  	v5 =	vnsel vm0, $0x0, v3;
	(v2sf) =	vpush v4, $0xF;
	[smem:s0] =	sst s3  }
0x42: {  	(xrf0) =	vadd.scan.msk.s32 $0xffff, v5;
	v4, _, _ =	vpop (xrf0)  }
0x43: {  	_ =	sdelay $0x2  }
0x44: {  	(v2sf) =	vpush v4, $0xF;
	v2, _, _ =	vpop (xrf0)  }
0x45: {  	(v2sf) =	vpush v2, $0xF  }
0x46: {  	v2, _, _ =	vpop (xrf0)  }
0x47: {  	(v2sf) =	vpush v2, $0xF;
	_ =	sdelay $0x5  }
0x48: {  	s2 =	spop (v2sf)  }
0x49: {  	s1 =	sadd.s32 $0x1, s1;
	s3 =	spop (v2sf);
	s2 =	ssub.s32 s2, s7  }
0x4a: {  	s0 =	sadd.s32 $0x1, s0;
	[smem:s1] =	sst s2;
	s25 =	spop (v2sf)  }
0x4b: {  	s1 =	sadd.s32 $0x1, s1;
	[smem:s0] =	sst s3;
	s2 =	ssub.s32 s25, s7  }
0x4c: {  	s0 =	sadd.s32 $0x1, s0;
	[smem:s1] =	sst s2;
	s26 =	spop (v2sf)  }
0x4d: {  	s1 =	sadd.s32 $0x1, s1;
	[smem:s0] =	sst s26;
	s28 =	spop (v2sf)  }
.Ltmp3:
0x4e: {  	s2 =	ssub.s32 s28, s7;
	s29 =	spop (v2sf);
	(pc) =	sbr.rel .LBB2_4-.Ltmp3, $4  }
0x4f: {  	s0 =	sadd.s32 $0x1, s0;
	[smem:s1] =	sst s2;
	s30 =	spop (v2sf)  }
0x50: {  	s1 =	sadd.s32 $0x1, s1;
	[smem:s0] =	sst s29;
	s2 =	ssub.s32 s30, s7  }
0x51: {  	s0 =	sadd.s32 $0x1, s0;
	[smem:s1] =	sst s2;
	s31 =	spop (v2sf)  }
0x52: {  	s1 =	simm.s32 $0x0;
	[smem:s0] =	sst s31  }
.LBB2_40:
0x53: {  	s1 =	rddreg [dreg:$0xe]  }
0x54: {  	s1 =	sadd.s32 $0x1, s1  }
0x55: {  	p0 =	sne.s32 s1, $0x10  }
.Ltmp4:
0x56: {  	_ = 	snop;
	(pc) =	sbr.rel @!p0 .LBB2_41-.Ltmp4, $1  }
0x57: {  	_ =	sdelay $0x3  }
.LBB2_4:
0x58: {  	s0 =	sld [smem:s1+$0x80]  }
0x59: {  	s17 =	sld [smem:s1+$0x0];
	_ =	sdelay $0x1  }
0x5a: {  	p0 =	slt.s32 s0, $0x1  }
0x5b: {  	[dreg:$0xe] =	wrdreg s1;
	s1 =	sshra.s32 @!p0 s17, $0x1F  }
0x5c: {  	s18 =	sadd.s32 @!p0 s17, s0;
	s1 =	sshrl.u32 @!p0 s1, $0x1B  }
0x5d: {  	s0 =	sadd.s32 @!p0 $0xFFFFFFFF, s18;
	s1 =	sadd.s32 @!p0 s1, s17  }
0x5e: {  	s19 =	sshra.s32 @!p0 s1, $0x5;
	s1 =	sshra.s32 @!p0 s0, $0x1F  }
0x5f: {  	s3 =	rddreg [dreg:$0x9];
	s2 =	sshll.u32 @!p0 s19, $0xF;
	s1 =	sshrl.u32 @!p0 s1, $0x1B  }
0x60: {  	s2 =	sadd.s32 @!p0 s3, s2;
	s0 =	sadd.s32 @!p0 s1, s0  }
0x61: {  	s1 =	sshrl.u32 @!p0 s2, $0x3;
	s2 =	sshra.s32 @!p0 s0, $0x5;
	s0 =	rddreg [dreg:$0x0]  }
0x62: {  	s0 =	sadd.s32 @!p0 s0, s1;
	s1 =	simm.s32 @!p0 $0x0;
	p1 =	sgt.s32 @!p0 s19, s2  }
0x63: {  	[tilespmem:s1], [sflag:$0x1] =	stream.linear.gather @!p0 [hbm4b:s0+s1], $0x8000, $0x38;
	[tilespmem:$0x14100] =	vst v63  }
0x64: {  	p0 =	por p0, p1  }
.Ltmp5:
0x65: {  	_ = 	snop;
	(pc) =	sbr.rel @p0 .LBB2_40-.Ltmp5, $1  }
0x66: {  	_ =	sdelay $0x3  }
0x67: {  	s1 =	rddreg [dreg:$0xe]  }
0x68: {  	[dreg:$0xf] =	wrdreg s17  }
0x69: {  	s26 =	sshll.u32 s19, $0xF;
	s29 =	sshll.u32 s19, $0xC;
	[dreg:$0x10] =	wrdreg s18  }
0x6a: {  	s25 =	sshll.u32 s19, $0x5;
	s4 =	simm.s32 $0x0;
	[dreg:$0x11] =	wrdreg s19  }
.Ltmp6:
0x6b: {  	s3 =	smov.u32 s19;
	[dreg:$0x12] =	wrdreg s2;
	(pc) =	sbr.rel .LBB2_6-.Ltmp6, $4  }
0x6c: {  	s0 =	sshll.u32 s1, $0xA;
	s1 =	sshll.u32 s1, $0x7;
	s26 =	ssub.s32 $0x0, s26  }
0x6d: {  	s30 =	sadd.s32 $0x20, s25;
	s31 =	ssub.s32 $0x0, s25;
	s0 =	sand.u32 $0x2000, s0  }
0x6e: {  	s22 =	sand.u32 $0x380, s1;
	[dreg:$0x14] =	wrdreg s30;
	s23 =	sor.u32 $0x10000, s0  }
0x6f: {  	s28 =	ssub.s32 $0x780, s29;
	[dreg:$0x15] =	wrdreg s31;
	v2 =	vmov s22;
	s24 =	sor.u32 s22, s23  }
.LBB2_39:
0x70: {  	s4 =	rddreg [dreg:$0x16]  }
0x71: {  	s1 =	rddreg [dreg:$0x17]  }
0x72: {  	s25 =	rddreg [dreg:$0x13]  }
0x73: {  	s2 =	rddreg [dreg:$0x12]  }
0x74: {  	s30 =	rddreg [dreg:$0x14]  }
0x75: {  	s31 =	rddreg [dreg:$0x15];
	p0 =	sne.s32 s1, s2  }
.Ltmp7:
0x76: {  	s17 =	rddreg [dreg:$0xf];
	(pc) =	sbr.rel @!p0 .LBB2_40-.Ltmp7, $4  }
0x77: {  	s26 =	sadd.s32 $0xFFFF8000, s26;
	s18 =	rddreg [dreg:$0x10]  }
0x78: {  	s19 =	rddreg [dreg:$0x11];
	s3 =	sadd.s32 $0x1, s1;
	s1 =	sadd.s32 $0x20, s30  }
0x79: {  	s28 =	sadd.s32 $0xFFFFF000, s28;
	[dreg:$0x14] =	wrdreg s1;
	s1 =	sadd.s32 $0xFFFFFFE0, s31  }
0x7a: {  	s4 =	sxor.u32 $0x1, s4;
	s25 =	sadd.s32 $0x20, s25;
	[dreg:$0x15] =	wrdreg s1  }
.LBB2_6:
0x7b: {  	s1 =	simm.s32 $0x1  }
0x7c: {  	s13 =	sshll.u32 s3, $0x5;
	_ =	swait.ge [sflag:s1], $0x8000  }
0x7d: {  	p0 =	sge.s32 s3, s2;
	[sflag:s1] =	ssyncset.done $0x0;
	s0 =	rddreg [dreg:$0xa]  }
0x7e: {  	s0 =	sadd.s32 @!p0 s13, s0;
	[sflag:s1] =	ssyncadd.s32 $0xFFFF8000  }
0x7f: {  	s1 =	sshll.u32 @!p0 s4, $0xF;
	s0 =	sshll.u32 @!p0 s0, $0x7;
	s2 =	rddreg [dreg:$0x0]  }
0x80: {  	s1 =	ssub.s32 @!p0 $0x8000, s1;
	s0 =	sadd.s32 @!p0 s2, s0;
	s2 =	simm.s32 @!p0 $0x0  }
0x81: {  	[tilespmem:s1], [sflag:$0x1] =	stream.linear.gather @!p0 [hbm4b:s0+s2], $0x8000, $0x38;
	[tilespmem:$0x14100] =	vst v63  }
0x82: {  	s0 =	sadd.s32 $0x20, s13  }
0x83: {  	p0 =	sgt.s32 s17, s13;
	p1 =	slt.s32 s18, s0  }
0x84: {  	s13 =	smov.u32 @p0 s17;
	s0 =	smov.u32 @p1 s18  }
0x85: {  	p1 =	sne.s32 s3, s19;
	s14 =	ssub.s32 s0, s13  }
0x86: {  	p0 =	sne.s32 @!p1 s14, $0x20  }
0x87: {  	p0 =	por p1, p0  }
.Ltmp8:
0x88: {  	_ = 	snop;
	(pc) =	sbr.rel @p0 .LBB2_10-.Ltmp8, $1  }
0x89: {  	_ =	sdelay $0x3  }
0x8a: {  	s0 =	sshll.u32 s4, $0x11;
	s5 =	simm.s32 $0x0  }
0x8b: {  	s7 =	sshra.s32 s0, $0x2;
	s2 =	sand.u32 $0x1C00, s5;
	s0 =	sand.u32 $0x60, s5  }
0x8c: {  	s6 =	sadd.s32 s2, s7;
	s1 =	sor.u32 $0x10, s0  }
0x8d: {  	s16 =	sadd.s32 s1, s6  }
0x8e: {  	s15 =	sadd.s32 s0, s6;
	v27 =	vld [tilespmem:s16+$0x300]  }
0x8f: {  	v28 =	vld [tilespmem:s15+$0x300]  }
0x90: {  	v29 =	vld [tilespmem:s16+$0x200]  }
0x91: {  	v30 =	vld [tilespmem:s15+$0x200]  }
0x92: {  	v31 =	vld [tilespmem:s16+$0x100]  }
0x93: {  	v32 =	vld [tilespmem:s16+$0x0]  }
0x94: {  	v33 =	vld [tilespmem:s16+$0x180]  }
0x95: {  	s30 =	sadd.s32 $0x6000, s6;
	v34 =	vld [tilespmem:s15+$0x100]  }
0x96: {  	s21 =	smov.u32 s3;
	s3 =	sadd.s32 s1, s30;
	v35 =	vld [tilespmem:s15+$0x0]  }
0x97: {  	s20 =	smov.u32 s4;
	s4 =	sadd.s32 s0, s30;
	v3 =	vld [tilespmem:s3+$0x300]  }
0x98: {  	v4 =	vld [tilespmem:s4+$0x300]  }
0x99: {  	v5 =	vld [tilespmem:s3+$0x200]  }
0x9a: {  	v6 =	vld [tilespmem:s4+$0x200]  }
0x9b: {  	v7 =	vld [tilespmem:s3+$0x100]  }
0x9c: {  	v8 =	vld [tilespmem:s4+$0x100]  }
0x9d: {  	s9 =	sadd.s32 $0x4000, s6;
	v9 =	vld [tilespmem:s3+$0x0]  }
0x9e: {  	s8 =	sadd.s32 s1, s9;
	v10 =	vld [tilespmem:s4+$0x0]  }
0x9f: {  	s10 =	sadd.s32 s0, s9;
	v11 =	vld [tilespmem:s8+$0x300]  }
0xa0: {  	v12 =	vld [tilespmem:s10+$0x300]  }
0xa1: {  	v13 =	vld [tilespmem:s8+$0x200]  }
0xa2: {  	v14 =	vld [tilespmem:s10+$0x200]  }
0xa3: {  	v15 =	vld [tilespmem:s8+$0x100]  }
0xa4: {  	v16 =	vld [tilespmem:s10+$0x100]  }
0xa5: {  	s31 =	sadd.s32 $0x2000, s6;
	v17 =	vld [tilespmem:s8+$0x0]  }
0xa6: {  	s11 =	sadd.s32 s1, s31;
	v18 =	vld [tilespmem:s10+$0x0]  }
0xa7: {  	s12 =	sadd.s32 s0, s31;
	v19 =	vld [tilespmem:s11+$0x300]  }
0xa8: {  	v20 =	vld [tilespmem:s12+$0x300]  }
0xa9: {  	v21 =	vld [tilespmem:s11+$0x200]  }
0xaa: {  	v22 =	vld [tilespmem:s12+$0x200]  }
0xab: {  	v23 =	vld [tilespmem:s11+$0x100]  }
0xac: {  	v24 =	vld [tilespmem:s12+$0x100]  }
0xad: {  	v25 =	vld [tilespmem:s11+$0x0]  }
0xae: {  	s9 =	simm.s32 $0x20;
	v26 =	vld [tilespmem:s12+$0x0]  }
.LBB2_8:
0xaf: {  	p0 =	sne.s32 s9, $0x3E0;
	v36 =	vld [tilespmem:s15+$0x80]  }
0xb0: {  	v37 =	vld [tilespmem:s15+$0x180]  }
0xb1: {  	v38 =	vld [tilespmem:s16+$0x80]  }
0xb2: {  	v39 =	vld [tilespmem:s15+$0x280]  }
0xb3: {  	v40 =	vld [tilespmem:s16+$0x280]  }
0xb4: {  	v41 =	vld [tilespmem:s15+$0x380]  }
0xb5: {  	v34 =	vadd.f32 v34, v35;
	v35 =	vadd.f32 v37, v36;
	v36 =	vld [tilespmem:s16+$0x380]  }
0xb6: {  	v31 =	vadd.f32 v31, v32;
	v32 =	vadd.f32 v33, v38;
	v33 =	vld [tilespmem:s12+$0x80]  }
0xb7: {  	v30 =	vadd.f32 v30, v34;
	v34 =	vadd.f32 v39, v35;
	v35 =	vld [tilespmem:s11+$0x80]  }
0xb8: {  	v29 =	vadd.f32 v29, v31;
	v31 =	vadd.f32 v40, v32;
	v32 =	vld [tilespmem:s12+$0x180]  }
0xb9: {  	v28 =	vadd.f32 v28, v30;
	v30 =	vadd.f32 v41, v34;
	v34 =	vld [tilespmem:s11+$0x180]  }
0xba: {  	v27 =	vadd.f32 v27, v29;
	v29 =	vadd.f32 v36, v31;
	v31 =	vld [tilespmem:s12+$0x280]  }
0xbb: {  	v26 =	vadd.f32 v26, v28;
	v28 =	vadd.f32 v33, v30;
	v30 =	vld [tilespmem:s11+$0x280]  }
0xbc: {  	v25 =	vadd.f32 v25, v27;
	v27 =	vadd.f32 v35, v29;
	v29 =	vld [tilespmem:s12+$0x380]  }
0xbd: {  	v24 =	vadd.f32 v24, v26;
	v26 =	vadd.f32 v32, v28;
	v28 =	vld [tilespmem:s11+$0x380]  }
0xbe: {  	v23 =	vadd.f32 v23, v25;
	v25 =	vadd.f32 v34, v27;
	v27 =	vld [tilespmem:s10+$0x80]  }
0xbf: {  	v22 =	vadd.f32 v22, v24;
	v24 =	vadd.f32 v31, v26;
	v26 =	vld [tilespmem:s8+$0x80]  }
0xc0: {  	v21 =	vadd.f32 v21, v23;
	v23 =	vadd.f32 v30, v25;
	v25 =	vld [tilespmem:s10+$0x180]  }
0xc1: {  	v20 =	vadd.f32 v20, v22;
	v22 =	vadd.f32 v29, v24;
	v24 =	vld [tilespmem:s8+$0x180]  }
0xc2: {  	v19 =	vadd.f32 v19, v21;
	v21 =	vadd.f32 v28, v23;
	v23 =	vld [tilespmem:s10+$0x280]  }
0xc3: {  	v18 =	vadd.f32 v18, v20;
	v20 =	vadd.f32 v27, v22;
	v22 =	vld [tilespmem:s8+$0x280]  }
0xc4: {  	v17 =	vadd.f32 v17, v19;
	v19 =	vadd.f32 v26, v21;
	v21 =	vld [tilespmem:s10+$0x380]  }
0xc5: {  	v16 =	vadd.f32 v16, v18;
	v18 =	vadd.f32 v25, v20;
	v20 =	vld [tilespmem:s8+$0x380]  }
0xc6: {  	v15 =	vadd.f32 v15, v17;
	v17 =	vadd.f32 v24, v19;
	v19 =	vld [tilespmem:s4+$0x80]  }
0xc7: {  	v14 =	vadd.f32 v14, v16;
	v16 =	vadd.f32 v23, v18;
	v18 =	vld [tilespmem:s3+$0x80]  }
0xc8: {  	v13 =	vadd.f32 v13, v15;
	v15 =	vadd.f32 v22, v17;
	v17 =	vld [tilespmem:s4+$0x180]  }
0xc9: {  	v12 =	vadd.f32 v12, v14;
	v14 =	vadd.f32 v21, v16;
	v16 =	vld [tilespmem:s3+$0x180]  }
0xca: {  	v11 =	vadd.f32 v11, v13;
	v13 =	vadd.f32 v20, v15;
	v15 =	vld [tilespmem:s4+$0x280]  }
0xcb: {  	v10 =	vadd.f32 v10, v12;
	v12 =	vadd.f32 v19, v14;
	v14 =	vld [tilespmem:s3+$0x280]  }
0xcc: {  	v9 =	vadd.f32 v9, v11;
	v11 =	vadd.f32 v18, v13;
	v13 =	vld [tilespmem:s4+$0x380]  }
0xcd: {  	v8 =	vadd.f32 v8, v10;
	v10 =	vadd.f32 v17, v12;
	v12 =	vld [tilespmem:s3+$0x380]  }
0xce: {  	v7 =	vadd.f32 v7, v9;
	v9 =	vadd.f32 v16, v11  }
0xcf: {  	v6 =	vadd.f32 v6, v8;
	v8 =	vadd.f32 v15, v10  }
0xd0: {  	v5 =	vadd.f32 v5, v7;
	v7 =	vadd.f32 v14, v9  }
0xd1: {  	v4 =	vadd.f32 v4, v6;
	v6 =	vadd.f32 v13, v8  }
0xd2: {  	s5 =	sadd.s32 $0x100, s5;
	v3 =	vadd.f32 v3, v5;
	v5 =	vadd.f32 v12, v7  }
0xd3: {  	s3 =	sadd.s32 s2, s24;
	s2 =	sand.u32 $0x1C00, s5;
	v4 =	vadd.f32 v6, v4  }
0xd4: {  	s15 =	sadd.s32 s2, s7;
	s4 =	sadd.s32 s0, s3;
	s0 =	sand.u32 $0x60, s9;
	v3 =	vadd.f32 v5, v3  }
0xd5: {  	s6 =	sadd.s32 $0x6000, s15;
	[tilespmem:s4+$0x0] =	vst v4;
	s4 =	sadd.s32 s1, s3;
	s1 =	sor.u32 $0x10, s0  }
0xd6: {  	s3 =	sadd.s32 s1, s6;
	[tilespmem:s4+$0x0] =	vst v3  }
0xd7: {  	s4 =	sadd.s32 s0, s6;
	v3 =	vld [tilespmem:s3+$0x300]  }
0xd8: {  	v4 =	vld [tilespmem:s4+$0x300]  }
0xd9: {  	v5 =	vld [tilespmem:s3+$0x200]  }
0xda: {  	v6 =	vld [tilespmem:s4+$0x200]  }
0xdb: {  	v7 =	vld [tilespmem:s3+$0x100]  }
0xdc: {  	v8 =	vld [tilespmem:s4+$0x100]  }
0xdd: {  	s6 =	sadd.s32 $0x4000, s15;
	v9 =	vld [tilespmem:s3+$0x0]  }
0xde: {  	s8 =	sadd.s32 s1, s6;
	v10 =	vld [tilespmem:s4+$0x0]  }
0xdf: {  	s10 =	sadd.s32 s0, s6;
	v11 =	vld [tilespmem:s8+$0x300]  }
0xe0: {  	v12 =	vld [tilespmem:s10+$0x300]  }
0xe1: {  	v13 =	vld [tilespmem:s8+$0x200]  }
0xe2: {  	v14 =	vld [tilespmem:s10+$0x200]  }
0xe3: {  	v15 =	vld [tilespmem:s8+$0x100]  }
0xe4: {  	v16 =	vld [tilespmem:s10+$0x100]  }
0xe5: {  	s6 =	sadd.s32 $0x2000, s15;
	v17 =	vld [tilespmem:s8+$0x0]  }
0xe6: {  	s11 =	sadd.s32 s1, s6;
	v18 =	vld [tilespmem:s10+$0x0]  }
0xe7: {  	s12 =	sadd.s32 s0, s6;
	v19 =	vld [tilespmem:s11+$0x300]  }
0xe8: {  	v20 =	vld [tilespmem:s12+$0x300]  }
0xe9: {  	v21 =	vld [tilespmem:s11+$0x200]  }
0xea: {  	v22 =	vld [tilespmem:s12+$0x200]  }
0xeb: {  	v23 =	vld [tilespmem:s11+$0x100]  }
0xec: {  	v24 =	vld [tilespmem:s12+$0x100]  }
0xed: {  	v25 =	vld [tilespmem:s11+$0x0]  }
0xee: {  	s16 =	sadd.s32 s1, s15;
	v26 =	vld [tilespmem:s12+$0x0]  }
0xef: {  	s15 =	sadd.s32 s0, s15;
	v27 =	vld [tilespmem:s16+$0x300]  }
0xf0: {  	v28 =	vld [tilespmem:s15+$0x300]  }
0xf1: {  	v29 =	vld [tilespmem:s16+$0x200]  }
0xf2: {  	v30 =	vld [tilespmem:s15+$0x200]  }
.Ltmp9:
0xf3: {  	v31 =	vld [tilespmem:s16+$0x100];
	(pc) =	sbr.rel @p0 .LBB2_8-.Ltmp9, $4  }
0xf4: {  	v32 =	vld [tilespmem:s16+$0x0]  }
0xf5: {  	v33 =	vld [tilespmem:s16+$0x180]  }
0xf6: {  	v34 =	vld [tilespmem:s15+$0x100]  }
0xf7: {  	s9 =	sadd.s32 $0x20, s9;
	v35 =	vld [tilespmem:s15+$0x0]  }
0xf8: {  	v36 =	vld [tilespmem:s15+$0x80]  }
0xf9: {  	v37 =	vld [tilespmem:s15+$0x180]  }
0xfa: {  	v38 =	vld [tilespmem:s16+$0x80]  }
0xfb: {  	v39 =	vld [tilespmem:s15+$0x280]  }
0xfc: {  	v40 =	vld [tilespmem:s16+$0x280]  }
0xfd: {  	v41 =	vld [tilespmem:s15+$0x380]  }
0xfe: {  	v43 =	vld [tilespmem:s16+$0x380];
	v34 =	vadd.f32 v34, v35;
	v42 =	vadd.f32 v37, v36  }
0xff: {  	v45 =	vld [tilespmem:s12+$0x80];
	v31 =	vadd.f32 v31, v32;
	v44 =	vadd.f32 v33, v38  }
0x100: {  	v47 =	vld [tilespmem:s11+$0x80];
	v30 =	vadd.f32 v30, v34;
	v46 =	vadd.f32 v39, v42  }
0x101: {  	v49 =	vld [tilespmem:s12+$0x180];
	v29 =	vadd.f32 v29, v31;
	v48 =	vadd.f32 v40, v44  }
0x102: {  	v51 =	vld [tilespmem:s11+$0x180];
	v28 =	vadd.f32 v28, v30;
	v50 =	vadd.f32 v41, v46  }
0x103: {  	v53 =	vld [tilespmem:s12+$0x280];
	v27 =	vadd.f32 v27, v29;
	v52 =	vadd.f32 v43, v48  }
0x104: {  	v55 =	vld [tilespmem:s11+$0x280];
	v26 =	vadd.f32 v26, v28;
	v54 =	vadd.f32 v45, v50  }
0x105: {  	v57 =	vld [tilespmem:s12+$0x380];
	v25 =	vadd.f32 v25, v27;
	v56 =	vadd.f32 v47, v52  }
0x106: {  	v59 =	vld [tilespmem:s11+$0x380];
	v24 =	vadd.f32 v24, v26;
	v58 =	vadd.f32 v49, v54  }
0x107: {  	v61 =	vld [tilespmem:s10+$0x80];
	v23 =	vadd.f32 v23, v25;
	v60 =	vadd.f32 v51, v56  }
0x108: {  	v63 =	vld [tilespmem:s8+$0x80];
	v22 =	vadd.f32 v22, v24;
	v62 =	vadd.f32 v53, v58  }
0x109: {  	v32 =	vld [tilespmem:s10+$0x180];
	v21 =	vadd.f32 v21, v23;
	v31 =	vadd.f32 v55, v60  }
0x10a: {  	v34 =	vld [tilespmem:s8+$0x180];
	v20 =	vadd.f32 v20, v22;
	v33 =	vadd.f32 v57, v62  }
0x10b: {  	v36 =	vld [tilespmem:s10+$0x280];
	v19 =	vadd.f32 v19, v21;
	v35 =	vadd.f32 v59, v31  }
0x10c: {  	v38 =	vld [tilespmem:s8+$0x280];
	v18 =	vadd.f32 v18, v20;
	v37 =	vadd.f32 v61, v33  }
0x10d: {  	v40 =	vld [tilespmem:s10+$0x380];
	v17 =	vadd.f32 v17, v19;
	v39 =	vadd.f32 v63, v35  }
0x10e: {  	v42 =	vld [tilespmem:s8+$0x380];
	v16 =	vadd.f32 v16, v18;
	v41 =	vadd.f32 v32, v37  }
0x10f: {  	v44 =	vld [tilespmem:s4+$0x80];
	v15 =	vadd.f32 v15, v17;
	v43 =	vadd.f32 v34, v39  }
0x110: {  	v46 =	vld [tilespmem:s3+$0x80];
	v14 =	vadd.f32 v14, v16;
	v45 =	vadd.f32 v36, v41  }
0x111: {  	v48 =	vld [tilespmem:s4+$0x180];
	v13 =	vadd.f32 v13, v15;
	v47 =	vadd.f32 v38, v43  }
0x112: {  	v50 =	vld [tilespmem:s3+$0x180];
	v12 =	vadd.f32 v12, v14;
	v49 =	vadd.f32 v40, v45  }
0x113: {  	v52 =	vld [tilespmem:s4+$0x280];
	v11 =	vadd.f32 v11, v13;
	v51 =	vadd.f32 v42, v47  }
0x114: {  	v54 =	vld [tilespmem:s3+$0x280];
	v10 =	vadd.f32 v10, v12;
	v53 =	vadd.f32 v44, v49  }
0x115: {  	v56 =	vld [tilespmem:s4+$0x380];
	v9 =	vadd.f32 v9, v11;
	v55 =	vadd.f32 v46, v51  }
0x116: {  	v58 =	vld [tilespmem:s3+$0x380];
	v8 =	vadd.f32 v8, v10;
	v57 =	vadd.f32 v48, v53  }
0x117: {  	v7 =	vadd.f32 v7, v9;
	v59 =	vadd.f32 v50, v55  }
0x118: {  	v6 =	vadd.f32 v6, v8;
	v60 =	vadd.f32 v52, v57  }
0x119: {  	v5 =	vadd.f32 v5, v7;
	v61 =	vadd.f32 v54, v59  }
0x11a: {  	v4 =	vadd.f32 v4, v6;
	v62 =	vadd.f32 v56, v60  }
0x11b: {  	v3 =	vadd.f32 v3, v5;
	v63 =	vadd.f32 v58, v61  }
0x11c: {  	s2 =	sadd.s32 s2, s24;
	v4 =	vadd.f32 v62, v4  }
0x11d: {  	s0 =	sadd.s32 s0, s2;
	v3 =	vadd.f32 v63, v3  }
0x11e: {  	s31 =	sadd.s32 s1, s2;
	[tilespmem:s0+$0x0] =	vst v4  }
0x11f: {  	s4 =	smov.u32 s20;
	s3 =	smov.u32 s21;
	[tilespmem:s31+$0x0] =	vst v3  }
.LBB2_10:
0x120: {  	s0 =	rddreg [dreg:$0x14]  }
0x121: {  	s20 =	smov.u32 s18;
	p0 =	slt.s32 s0, s18  }
0x122: {  	s20 =	smov.u32 @p0 s0;
	p0 =	seq.s32 s3, s19  }
0x123: {  	p2 =	sgt.s32 s17, s25;
	p3 =	sne.s32 @!p0 s14, $0x20  }
0x124: {  	[dreg:$0x13] =	wrdreg s25;
	s25 =	smov.u32 @p2 s17;
	p2 =	por p0, p3  }
.Ltmp10:
0x125: {  	_ = 	snop;
	(pc) =	sbr.rel @p2 .LBB2_14-.Ltmp10, $4  }
0x126: {  	s31 =	sshra.s32 s14, $0x1F  }
0x127: {  	[dreg:$0x16] =	wrdreg s4;
	s0 =	sshrl.u32 s31, $0x1C  }
0x128: {  	[dreg:$0x17] =	wrdreg s3;
	s21 =	sadd.s32 s0, s14  }
0x129: {  	s11 =	sshll.u32 s25, $0x7;
	s0 =	sshll.u32 s25, $0xA;
	s19 =	sand.u32 $0xFFFFFFF0, s21  }
0x12a: {  	s1 =	sshll.u32 s4, $0x11;
	s7 =	simm.s32 $0x0  }
0x12b: {  	s8 =	sshra.s32 s1, $0x2;
	s3 =	sand.u32 $0x1C00, s7;
	s1 =	sand.u32 $0x60, s7  }
0x12c: {  	s6 =	sadd.s32 s3, s8;
	s2 =	sor.u32 $0x10, s1  }
0x12d: {  	s18 =	sadd.s32 s2, s6  }
0x12e: {  	s17 =	sadd.s32 s1, s6;
	v27 =	vld [tilespmem:s18+$0x300]  }
0x12f: {  	v28 =	vld [tilespmem:s17+$0x300]  }
0x130: {  	v29 =	vld [tilespmem:s18+$0x200]  }
0x131: {  	v30 =	vld [tilespmem:s17+$0x200]  }
0x132: {  	v31 =	vld [tilespmem:s18+$0x100]  }
0x133: {  	v32 =	vld [tilespmem:s18+$0x0]  }
0x134: {  	v33 =	vld [tilespmem:s18+$0x180]  }
0x135: {  	s5 =	sadd.s32 $0x6000, s6;
	v34 =	vld [tilespmem:s17+$0x100]  }
0x136: {  	s4 =	sadd.s32 s2, s5;
	v35 =	vld [tilespmem:s17+$0x0]  }
0x137: {  	s5 =	sadd.s32 s1, s5;
	v3 =	vld [tilespmem:s4+$0x300]  }
0x138: {  	v4 =	vld [tilespmem:s5+$0x300]  }
0x139: {  	v5 =	vld [tilespmem:s4+$0x200]  }
0x13a: {  	v6 =	vld [tilespmem:s5+$0x200]  }
0x13b: {  	v7 =	vld [tilespmem:s4+$0x100]  }
0x13c: {  	v8 =	vld [tilespmem:s5+$0x100]  }
0x13d: {  	s9 =	sadd.s32 $0x4000, s6;
	v9 =	vld [tilespmem:s4+$0x0]  }
0x13e: {  	s12 =	sadd.s32 s2, s9;
	v10 =	vld [tilespmem:s5+$0x0]  }
0x13f: {  	s16 =	sadd.s32 s1, s9;
	v11 =	vld [tilespmem:s12+$0x300]  }
0x140: {  	v12 =	vld [tilespmem:s16+$0x300]  }
0x141: {  	v13 =	vld [tilespmem:s12+$0x200]  }
0x142: {  	v14 =	vld [tilespmem:s16+$0x200]  }
0x143: {  	v15 =	vld [tilespmem:s12+$0x100]  }
0x144: {  	v16 =	vld [tilespmem:s16+$0x100]  }
0x145: {  	s10 =	sadd.s32 $0x2000, s6;
	v17 =	vld [tilespmem:s12+$0x0]  }
0x146: {  	s9 =	sadd.s32 s2, s10;
	v18 =	vld [tilespmem:s16+$0x0]  }
0x147: {  	s10 =	sadd.s32 s1, s10;
	v19 =	vld [tilespmem:s9+$0x300]  }
0x148: {  	v20 =	vld [tilespmem:s10+$0x300]  }
0x149: {  	p1 =	por $0x0, $0x0;
	v21 =	vld [tilespmem:s9+$0x200]  }
.Ltmp11:
0x14a: {  	v22 =	vld [tilespmem:s10+$0x200];
	(pc) =	sbr.rel @p1 .LBB2_13-.Ltmp11, $4  }
0x14b: {  	v23 =	vld [tilespmem:s9+$0x100]  }
0x14c: {  	v24 =	vld [tilespmem:s10+$0x100]  }
0x14d: {  	v25 =	vld [tilespmem:s9+$0x0]  }
0x14e: {  	s15 =	simm.s32 $0x20;
	v26 =	vld [tilespmem:s10+$0x0]  }
.LBB2_12:
0x14f: {  	p1 =	seq.s32 s15, $0x3E0;
	v36 =	vld [tilespmem:s17+$0x80]  }
0x150: {  	v37 =	vld [tilespmem:s17+$0x180]  }
0x151: {  	v38 =	vld [tilespmem:s18+$0x80]  }
0x152: {  	v39 =	vld [tilespmem:s17+$0x280]  }
0x153: {  	v40 =	vld [tilespmem:s18+$0x280]  }
0x154: {  	v41 =	vld [tilespmem:s17+$0x380]  }
0x155: {  	v34 =	vadd.f32 v34, v35;
	v35 =	vadd.f32 v37, v36;
	v36 =	vld [tilespmem:s18+$0x380]  }
0x156: {  	v31 =	vadd.f32 v31, v32;
	v32 =	vadd.f32 v33, v38;
	v33 =	vld [tilespmem:s10+$0x80]  }
0x157: {  	v30 =	vadd.f32 v30, v34;
	v34 =	vadd.f32 v39, v35;
	v35 =	vld [tilespmem:s9+$0x80]  }
0x158: {  	v29 =	vadd.f32 v29, v31;
	v31 =	vadd.f32 v40, v32;
	v32 =	vld [tilespmem:s10+$0x180]  }
0x159: {  	v28 =	vadd.f32 v28, v30;
	v30 =	vadd.f32 v41, v34;
	v34 =	vld [tilespmem:s9+$0x180]  }
0x15a: {  	v27 =	vadd.f32 v27, v29;
	v29 =	vadd.f32 v36, v31;
	v31 =	vld [tilespmem:s10+$0x280]  }
0x15b: {  	v26 =	vadd.f32 v26, v28;
	v28 =	vadd.f32 v33, v30;
	v30 =	vld [tilespmem:s9+$0x280]  }
0x15c: {  	v25 =	vadd.f32 v25, v27;
	v27 =	vadd.f32 v35, v29;
	v29 =	vld [tilespmem:s10+$0x380]  }
0x15d: {  	v24 =	vadd.f32 v24, v26;
	v26 =	vadd.f32 v32, v28;
	v28 =	vld [tilespmem:s9+$0x380]  }
0x15e: {  	v23 =	vadd.f32 v23, v25;
	v25 =	vadd.f32 v34, v27;
	v27 =	vld [tilespmem:s16+$0x80]  }
0x15f: {  	v22 =	vadd.f32 v22, v24;
	v24 =	vadd.f32 v31, v26;
	v26 =	vld [tilespmem:s12+$0x80]  }
0x160: {  	v21 =	vadd.f32 v21, v23;
	v23 =	vadd.f32 v30, v25;
	v25 =	vld [tilespmem:s16+$0x180]  }
0x161: {  	v20 =	vadd.f32 v20, v22;
	v22 =	vadd.f32 v29, v24;
	v24 =	vld [tilespmem:s12+$0x180]  }
0x162: {  	v19 =	vadd.f32 v19, v21;
	v21 =	vadd.f32 v28, v23;
	v23 =	vld [tilespmem:s16+$0x280]  }
0x163: {  	v18 =	vadd.f32 v18, v20;
	v20 =	vadd.f32 v27, v22;
	v22 =	vld [tilespmem:s12+$0x280]  }
0x164: {  	v17 =	vadd.f32 v17, v19;
	v19 =	vadd.f32 v26, v21;
	v21 =	vld [tilespmem:s16+$0x380]  }
0x165: {  	v16 =	vadd.f32 v16, v18;
	v18 =	vadd.f32 v25, v20;
	v20 =	vld [tilespmem:s12+$0x380]  }
0x166: {  	v15 =	vadd.f32 v15, v17;
	v17 =	vadd.f32 v24, v19;
	v19 =	vld [tilespmem:s5+$0x80]  }
0x167: {  	v14 =	vadd.f32 v14, v16;
	v16 =	vadd.f32 v23, v18;
	v18 =	vld [tilespmem:s4+$0x80]  }
0x168: {  	v13 =	vadd.f32 v13, v15;
	v15 =	vadd.f32 v22, v17;
	v17 =	vld [tilespmem:s5+$0x180]  }
0x169: {  	v12 =	vadd.f32 v12, v14;
	v14 =	vadd.f32 v21, v16;
	v16 =	vld [tilespmem:s4+$0x180]  }
0x16a: {  	v11 =	vadd.f32 v11, v13;
	v13 =	vadd.f32 v20, v15;
	v15 =	vld [tilespmem:s5+$0x280]  }
0x16b: {  	v10 =	vadd.f32 v10, v12;
	v12 =	vadd.f32 v19, v14;
	v14 =	vld [tilespmem:s4+$0x280]  }
0x16c: {  	v9 =	vadd.f32 v9, v11;
	v11 =	vadd.f32 v18, v13;
	v13 =	vld [tilespmem:s5+$0x380]  }
0x16d: {  	v8 =	vadd.f32 v8, v10;
	v10 =	vadd.f32 v17, v12;
	v12 =	vld [tilespmem:s4+$0x380]  }
0x16e: {  	v7 =	vadd.f32 v7, v9;
	v9 =	vadd.f32 v16, v11  }
0x16f: {  	v6 =	vadd.f32 v6, v8;
	v8 =	vadd.f32 v15, v10  }
0x170: {  	v5 =	vadd.f32 v5, v7;
	v7 =	vadd.f32 v14, v9  }
0x171: {  	v4 =	vadd.f32 v4, v6;
	v6 =	vadd.f32 v13, v8  }
0x172: {  	s7 =	sadd.s32 $0x100, s7;
	v3 =	vadd.f32 v3, v5;
	v5 =	vadd.f32 v12, v7  }
0x173: {  	s4 =	sadd.s32 s3, s24;
	s3 =	sand.u32 $0x1C00, s7;
	v4 =	vadd.f32 v6, v4  }
0x174: {  	s17 =	sadd.s32 s3, s8;
	s5 =	sadd.s32 s1, s4;
	s1 =	sand.u32 $0x60, s15;
	v3 =	vadd.f32 v5, v3  }
0x175: {  	s6 =	sadd.s32 $0x6000, s17;
	[tilespmem:s5+$0x0] =	vst.add.f32.msk $0xffff, v4;
	s5 =	sadd.s32 s2, s4;
	s2 =	sor.u32 $0x10, s1  }
0x176: {  	s4 =	sadd.s32 s2, s6;
	[tilespmem:s5+$0x0] =	vst.add.f32.msk $0xffff, v3  }
0x177: {  	s5 =	sadd.s32 s1, s6;
	v3 =	vld [tilespmem:s4+$0x300]  }
0x178: {  	v4 =	vld [tilespmem:s5+$0x300]  }
0x179: {  	v5 =	vld [tilespmem:s4+$0x200]  }
0x17a: {  	v6 =	vld [tilespmem:s5+$0x200]  }
0x17b: {  	v7 =	vld [tilespmem:s4+$0x100]  }
0x17c: {  	v8 =	vld [tilespmem:s5+$0x100]  }
0x17d: {  	s6 =	sadd.s32 $0x4000, s17;
	v9 =	vld [tilespmem:s4+$0x0]  }
0x17e: {  	s12 =	sadd.s32 s2, s6;
	v10 =	vld [tilespmem:s5+$0x0]  }
0x17f: {  	s16 =	sadd.s32 s1, s6;
	v11 =	vld [tilespmem:s12+$0x300]  }
0x180: {  	v12 =	vld [tilespmem:s16+$0x300]  }
0x181: {  	v13 =	vld [tilespmem:s12+$0x200]  }
0x182: {  	v14 =	vld [tilespmem:s16+$0x200]  }
0x183: {  	v15 =	vld [tilespmem:s12+$0x100]  }
0x184: {  	v16 =	vld [tilespmem:s16+$0x100]  }
0x185: {  	s6 =	sadd.s32 $0x2000, s17;
	v17 =	vld [tilespmem:s12+$0x0]  }
0x186: {  	s9 =	sadd.s32 s2, s6;
	v18 =	vld [tilespmem:s16+$0x0]  }
0x187: {  	s10 =	sadd.s32 s1, s6;
	v19 =	vld [tilespmem:s9+$0x300]  }
0x188: {  	v20 =	vld [tilespmem:s10+$0x300]  }
0x189: {  	v21 =	vld [tilespmem:s9+$0x200]  }
0x18a: {  	v22 =	vld [tilespmem:s10+$0x200]  }
0x18b: {  	v23 =	vld [tilespmem:s9+$0x100]  }
0x18c: {  	v24 =	vld [tilespmem:s10+$0x100]  }
0x18d: {  	v25 =	vld [tilespmem:s9+$0x0]  }
0x18e: {  	s18 =	sadd.s32 s2, s17;
	v26 =	vld [tilespmem:s10+$0x0]  }
0x18f: {  	s17 =	sadd.s32 s1, s17;
	v27 =	vld [tilespmem:s18+$0x300]  }
0x190: {  	v28 =	vld [tilespmem:s17+$0x300]  }
0x191: {  	v29 =	vld [tilespmem:s18+$0x200]  }
0x192: {  	v30 =	vld [tilespmem:s17+$0x200]  }
.Ltmp12:
0x193: {  	v31 =	vld [tilespmem:s18+$0x100];
	(pc) =	sbr.rel @!p1 .LBB2_12-.Ltmp12, $4  }
0x194: {  	v32 =	vld [tilespmem:s18+$0x0]  }
0x195: {  	v33 =	vld [tilespmem:s18+$0x180]  }
0x196: {  	v34 =	vld [tilespmem:s17+$0x100]  }
0x197: {  	s15 =	sadd.s32 $0x20, s15;
	v35 =	vld [tilespmem:s17+$0x0]  }
.LBB2_13:
0x198: {  	v36 =	vld [tilespmem:s17+$0x80]  }
0x199: {  	v37 =	vld [tilespmem:s17+$0x180]  }
0x19a: {  	v38 =	vld [tilespmem:s18+$0x80]  }
0x19b: {  	v39 =	vld [tilespmem:s17+$0x280]  }
0x19c: {  	v40 =	vld [tilespmem:s18+$0x280]  }
0x19d: {  	v41 =	vld [tilespmem:s17+$0x380]  }
0x19e: {  	v43 =	vld [tilespmem:s18+$0x380];
	v34 =	vadd.f32 v34, v35;
	v42 =	vadd.f32 v37, v36  }
0x19f: {  	v45 =	vld [tilespmem:s10+$0x80];
	v31 =	vadd.f32 v31, v32;
	v44 =	vadd.f32 v33, v38  }
0x1a0: {  	v47 =	vld [tilespmem:s9+$0x80];
	v30 =	vadd.f32 v30, v34;
	v46 =	vadd.f32 v39, v42  }
0x1a1: {  	v49 =	vld [tilespmem:s10+$0x180];
	v29 =	vadd.f32 v29, v31;
	v48 =	vadd.f32 v40, v44  }
0x1a2: {  	v51 =	vld [tilespmem:s9+$0x180];
	v28 =	vadd.f32 v28, v30;
	v50 =	vadd.f32 v41, v46  }
0x1a3: {  	v53 =	vld [tilespmem:s10+$0x280];
	v27 =	vadd.f32 v27, v29;
	v52 =	vadd.f32 v43, v48  }
0x1a4: {  	v55 =	vld [tilespmem:s9+$0x280];
	v26 =	vadd.f32 v26, v28;
	v54 =	vadd.f32 v45, v50  }
0x1a5: {  	v57 =	vld [tilespmem:s10+$0x380];
	v25 =	vadd.f32 v25, v27;
	v56 =	vadd.f32 v47, v52  }
0x1a6: {  	v59 =	vld [tilespmem:s9+$0x380];
	v24 =	vadd.f32 v24, v26;
	v58 =	vadd.f32 v49, v54  }
0x1a7: {  	v61 =	vld [tilespmem:s16+$0x80];
	v23 =	vadd.f32 v23, v25;
	v60 =	vadd.f32 v51, v56  }
0x1a8: {  	v63 =	vld [tilespmem:s12+$0x80];
	v22 =	vadd.f32 v22, v24;
	v62 =	vadd.f32 v53, v58  }
0x1a9: {  	v32 =	vld [tilespmem:s16+$0x180];
	v21 =	vadd.f32 v21, v23;
	v31 =	vadd.f32 v55, v60  }
0x1aa: {  	v34 =	vld [tilespmem:s12+$0x180];
	v20 =	vadd.f32 v20, v22;
	v33 =	vadd.f32 v57, v62  }
0x1ab: {  	v36 =	vld [tilespmem:s16+$0x280];
	v19 =	vadd.f32 v19, v21;
	v35 =	vadd.f32 v59, v31  }
0x1ac: {  	v38 =	vld [tilespmem:s12+$0x280];
	v18 =	vadd.f32 v18, v20;
	v37 =	vadd.f32 v61, v33  }
0x1ad: {  	v40 =	vld [tilespmem:s16+$0x380];
	v17 =	vadd.f32 v17, v19;
	v39 =	vadd.f32 v63, v35  }
0x1ae: {  	v42 =	vld [tilespmem:s12+$0x380];
	v16 =	vadd.f32 v16, v18;
	v41 =	vadd.f32 v32, v37  }
0x1af: {  	v44 =	vld [tilespmem:s5+$0x80];
	v15 =	vadd.f32 v15, v17;
	v43 =	vadd.f32 v34, v39  }
0x1b0: {  	v46 =	vld [tilespmem:s4+$0x80];
	v14 =	vadd.f32 v14, v16;
	v45 =	vadd.f32 v36, v41  }
0x1b1: {  	v48 =	vld [tilespmem:s5+$0x180];
	v13 =	vadd.f32 v13, v15;
	v47 =	vadd.f32 v38, v43  }
0x1b2: {  	v50 =	vld [tilespmem:s4+$0x180];
	v12 =	vadd.f32 v12, v14;
	v49 =	vadd.f32 v40, v45  }
0x1b3: {  	v52 =	vld [tilespmem:s5+$0x280];
	v11 =	vadd.f32 v11, v13;
	v51 =	vadd.f32 v42, v47  }
0x1b4: {  	v54 =	vld [tilespmem:s4+$0x280];
	v10 =	vadd.f32 v10, v12;
	v53 =	vadd.f32 v44, v49  }
0x1b5: {  	v56 =	vld [tilespmem:s5+$0x380];
	v9 =	vadd.f32 v9, v11;
	v55 =	vadd.f32 v46, v51  }
0x1b6: {  	v58 =	vld [tilespmem:s4+$0x380];
	v8 =	vadd.f32 v8, v10;
	v57 =	vadd.f32 v48, v53  }
0x1b7: {  	v7 =	vadd.f32 v7, v9;
	v59 =	vadd.f32 v50, v55  }
0x1b8: {  	v6 =	vadd.f32 v6, v8;
	v60 =	vadd.f32 v52, v57  }
0x1b9: {  	v5 =	vadd.f32 v5, v7;
	v61 =	vadd.f32 v54, v59  }
0x1ba: {  	v4 =	vadd.f32 v4, v6;
	v62 =	vadd.f32 v56, v60  }
.Ltmp13:
0x1bb: {  	v3 =	vadd.f32 v3, v5;
	v63 =	vadd.f32 v58, v61;
	(pc) =	sbr.rel .LBB2_16-.Ltmp13, $4  }
0x1bc: {  	s3 =	sadd.s32 s3, s24;
	v4 =	vadd.f32 v62, v4  }
0x1bd: {  	s1 =	sadd.s32 s1, s3;
	v3 =	vadd.f32 v63, v3  }
0x1be: {  	s31 =	sadd.s32 s2, s3;
	[tilespmem:s1+$0x0] =	vst.add.f32.msk $0xffff, v4  }
0x1bf: {  	p2 =	por $0x0, $0x0;
	[tilespmem:s31+$0x0] =	vst.add.f32.msk $0xffff, v3  }
.LBB2_14:
0x1c0: {  	p2 =	seq.s32 @!p1 s14, $0x20  }
0x1c1: {  	p2 =	por p1, p2  }
.Ltmp14:
0x1c2: {  	_ = 	snop;
	(pc) =	sbr.rel @p2 .LBB2_15-.Ltmp14, $1  }
0x1c3: {  	_ =	sdelay $0x3  }
0x1c4: {  	[dreg:$0x1a] =	wrdreg s21;
	s3 =	sshra.s32 s21, $0x4  }
0x1c5: {  	s1 =	sshll.u32 s13, $0x7;
	s2 =	sshll.u32 s4, $0x11;
	s29 =	rddreg [dreg:$0x15]  }
.Ltmp15:
0x1c6: {  	[dreg:$0x18] =	wrdreg s20;
	s30 =	ssub.s32 s20, s25;
	(pc) =	sbr.rel .LBB2_22-.Ltmp15, $4  }
0x1c7: {  	s15 =	simm.s32 $0x0;
	p1 =	slt.s32 s14, $0x10;
	[dreg:$0x19] =	wrdreg s19  }
0x1c8: {  	s12 =	sand.u32 $0x380, s1;
	s16 =	sshra.s32 s2, $0x2;
	s1 =	sadd.s32 s29, s25  }
0x1c9: {  	p2 =	sge.s32 s19, s14;
	s7 =	sor.u32 s12, s16;
	s31 =	sadd.s32 s19, s1  }
0x1ca: {  	s1 =	ssub.s32 s30, s19;
	s17 =	sshll.u32 s31, $0x7;
	s8 =	sshll.u32 s31, $0xA  }
.LBB2_28:
0x1cb: {  	v4 =	vadd.f32 v5, v4;
	v3 =	vadd.f32 v6, v3  }
.LBB2_29:
0x1cc: {  	s15 =	sadd.s32 $0x1, s15  }
0x1cd: {  	p3 =	sne.s32 s15, $0x20  }
.Ltmp16:
0x1ce: {  	_ = 	snop;
	(pc) =	sbr.rel @!p3 .LBB2_30-.Ltmp16, $4  }
0x1cf: {  	s2 =	sadd.s32 s21, s23  }
0x1d0: {  	s2 =	sadd.s32 s4, s2  }
0x1d1: {  	[tilespmem:v2+s2+$0x0 ss:$0x1] =	vst.idx.msk $0xffff, v3  }
0x1d2: {  	[tilespmem:v2+s2+$0x10 ss:$0x1] =	vst.idx.msk $0xffff, v4  }
.LBB2_22:
.Ltmp17:
0x1d3: {  	(pc) =	sbr.rel @p1 .LBB2_25-.Ltmp17, $3  }
0x1d4: {  	_ =	sdelay $0x1  }
0x1d5: {  	s2 =	sshll.u32 s15, $0x5;
	s5 =	sshll.u32 s15, $0x8  }
0x1d6: {  	v3 =	vimm.f32 $0.0e+00;
	v4 =	vimm.f32 $0.0e+00;
	s4 =	sand.u32 $0x60, s2;
	s21 =	sand.u32 $0x1C00, s5  }
0x1d7: {  	p4 =	seq.s32 s3, $0x1  }
.Ltmp18:
0x1d8: {  	s5 =	sor.u32 $0x10, s4;
	(pc) =	sbr.rel @p4 .LBB2_24-.Ltmp18, $4  }
0x1d9: {  	v3 =	vmov s5  }
0x1da: {  	s2 =	sadd.s32 s21, s7;
	v4 =	vmov s4;
	s18 =	sadd.s32 s0, s26  }
0x1db: {  	s9 =	sadd.s32 $0xFFFFFFFF, s3;
	p3 =	por $0x0, $0x0;
	[dreg:$0x4] =	wrdreg s2  }
0x1dc: {  	v5 =	vimm.f32 $0.0e+00;
	s2 =	sadd.s32 s21, s16;
	s5 =	sadd.s32 s11, s28;
	s29 =	rddreg [dreg:$0x4]  }
0x1dd: {  	_ =	sdelay $0x1  }
0x1de: {  	s6 =	sand.u32 $0xFFFFE000, s18;
	s10 =	sadd.s32 $0x400, s18  }
0x1df: {  	s19 =	sadd.s32 s6, s29;
	s10 =	sand.u32 $0xFFFFE000, s10;
	s29 =	sadd.s32 $0xFFFFF900, s5  }
0x1e0: {  	s30 =	sadd.s32 $0x800, s18;
	v6 =	vld.idx.msk [tilespmem:v4+s19+$0x0 ss:$0x1], $0xffff;
	s29 =	sand.u32 $0x380, s29;
	s10 =	sadd.s32 s10, s2  }
0x1e1: {  	s31 =	sand.u32 $0xFFFFE000, s30;
	v7 =	vld.idx.msk [tilespmem:v3+s19+$0x0 ss:$0x1], $0xffff;
	s10 =	sadd.s32 s29, s10;
	s29 =	sadd.s32 $0xFFFFF980, s5  }
0x1e2: {  	s30 =	sadd.s32 $0xC00, s18;
	s19 =	sadd.s32 s31, s2;
	v8 =	vld.idx.msk [tilespmem:v4+s10+$0x0 ss:$0x1], $0xffff;
	s29 =	sand.u32 $0x380, s29  }
0x1e3: {  	s31 =	sand.u32 $0xFFFFE000, s30;
	v9 =	vld.idx.msk [tilespmem:v3+s10+$0x0 ss:$0x1], $0xffff;
	s20 =	sadd.s32 s29, s19;
	s29 =	sadd.s32 $0xFFFFFA00, s5  }
0x1e4: {  	s30 =	sadd.s32 $0x1000, s18;
	s19 =	sadd.s32 s31, s2;
	v10 =	vld.idx.msk [tilespmem:v4+s20+$0x0 ss:$0x1], $0xffff;
	s29 =	sand.u32 $0x380, s29  }
0x1e5: {  	s31 =	sand.u32 $0xFFFFE000, s30;
	v11 =	vld.idx.msk [tilespmem:v3+s20+$0x0 ss:$0x1], $0xffff;
	s20 =	sadd.s32 s29, s19;
	s29 =	sadd.s32 $0xFFFFFA80, s5  }
0x1e6: {  	s30 =	sadd.s32 $0x1400, s18;
	s19 =	sadd.s32 s31, s2;
	v6 =	vadd.f32 v6, v5;
	v12 =	vld.idx.msk [tilespmem:v4+s20+$0x0 ss:$0x1], $0xffff;
	s29 =	sand.u32 $0x380, s29  }
0x1e7: {  	s31 =	sand.u32 $0xFFFFE000, s30;
	v13 =	vld.idx.msk [tilespmem:v3+s20+$0x0 ss:$0x1], $0xffff;
	s20 =	sadd.s32 s29, s19;
	s29 =	sadd.s32 $0xFFFFFB00, s5  }
0x1e8: {  	v7 =	vadd.f32 v7, v5;
	s30 =	sadd.s32 $0x1800, s18;
	s19 =	sadd.s32 s31, s2;
	v6 =	vadd.f32 v8, v6;
	v14 =	vld.idx.msk [tilespmem:v4+s20+$0x0 ss:$0x1], $0xffff;
	s29 =	sand.u32 $0x380, s29  }
0x1e9: {  	s31 =	sand.u32 $0xFFFFE000, s30;
	v15 =	vld.idx.msk [tilespmem:v3+s20+$0x0 ss:$0x1], $0xffff;
	s20 =	sadd.s32 s29, s19;
	s29 =	sadd.s32 $0xFFFFFB80, s5  }
0x1ea: {  	s6 =	sadd.s32 s6, s16;
	v7 =	vadd.f32 v9, v7;
	s19 =	sadd.s32 s31, s2;
	v6 =	vadd.f32 v10, v6;
	v8 =	vld.idx.msk [tilespmem:v4+s20+$0x0 ss:$0x1], $0xffff;
	s29 =	sand.u32 $0x380, s29  }
0x1eb: {  	s6 =	sadd.s32 s21, s6;
	s30 =	sadd.s32 $0x1C00, s18;
	v9 =	vld.idx.msk [tilespmem:v3+s20+$0x0 ss:$0x1], $0xffff;
	s20 =	sadd.s32 s29, s19  }
0x1ec: {  	s6 =	sadd.s32 s12, s6;
	s31 =	sand.u32 $0xFFFFE000, s30;
	v7 =	vadd.f32 v11, v7;
	s29 =	sadd.s32 $0xFFFFFC00, s5;
	v6 =	vadd.f32 v12, v6;
	v10 =	vld.idx.msk [tilespmem:v4+s20+$0x0 ss:$0x1], $0xffff  }
0x1ed: {  	s6 =	sadd.s32 $0x2000, s6;
	s19 =	sadd.s32 s31, s2;
	s29 =	sand.u32 $0x380, s29;
	v11 =	vld.idx.msk [tilespmem:v3+s20+$0x0 ss:$0x1], $0xffff  }
0x1ee: {  	p4 =	seq.s32 s9, $0x1;
	v7 =	vadd.f32 v13, v7;
	s20 =	sadd.s32 $0x2400, s18;
	s19 =	sadd.s32 s29, s19;
	v6 =	vadd.f32 v14, v6;
	v14 =	vld.idx.msk [tilespmem:v4+s6+$0x0 ss:$0x1], $0xffff  }
0x1ef: {  	s31 =	sand.u32 $0xFFFFE000, s20;
	s20 =	sadd.s32 $0xFFFFFD00, s5;
	s29 =	sadd.s32 $0x2800, s18;
	v12 =	vld.idx.msk [tilespmem:v4+s19+$0x0 ss:$0x1], $0xffff  }
0x1f0: {  	v7 =	vadd.f32 v15, v7;
	v13 =	vld.idx.msk [tilespmem:v3+s19+$0x0 ss:$0x1], $0xffff;
	s19 =	sand.u32 $0x380, s20;
	s10 =	sadd.s32 s31, s2;
	s31 =	sand.u32 $0xFFFFE000, s29  }
0x1f1: {  	v15 =	vld.idx.msk [tilespmem:v3+s6+$0x0 ss:$0x1], $0xffff;
	s20 =	sadd.s32 $0xFFFFFD80, s5;
	s29 =	sadd.s32 $0x2C00, s18;
	s6 =	sadd.s32 s19, s10  }
0x1f2: {  	v6 =	vadd.f32 v8, v6;
	v7 =	vadd.f32 v9, v7;
	s19 =	sand.u32 $0x380, s20;
	s10 =	sadd.s32 s31, s2;
	s31 =	sand.u32 $0xFFFFE000, s29;
	v8 =	vld.idx.msk [tilespmem:v4+s6+$0x0 ss:$0x1], $0xffff  }
0x1f3: {  	s20 =	sadd.s32 $0xFFFFFE00, s5;
	s29 =	sadd.s32 $0x3000, s18;
	v16 =	vld.idx.msk [tilespmem:v3+s6+$0x0 ss:$0x1], $0xffff;
	s6 =	sadd.s32 s19, s10  }
0x1f4: {  	s19 =	sand.u32 $0x380, s20;
	s10 =	sadd.s32 s31, s2;
	s31 =	sand.u32 $0xFFFFE000, s29;
	v6 =	vadd.f32 v10, v6;
	v7 =	vadd.f32 v11, v7;
	v10 =	vld.idx.msk [tilespmem:v4+s6+$0x0 ss:$0x1], $0xffff  }
0x1f5: {  	s20 =	sadd.s32 $0xFFFFFE80, s5;
	s29 =	sadd.s32 $0x3400, s18;
	v17 =	vld.idx.msk [tilespmem:v3+s6+$0x0 ss:$0x1], $0xffff;
	s6 =	sadd.s32 s19, s10  }
0x1f6: {  	s19 =	sand.u32 $0x380, s20;
	s10 =	sadd.s32 s31, s2;
	s31 =	sand.u32 $0xFFFFE000, s29;
	v18 =	vld.idx.msk [tilespmem:v3+s6+$0x0 ss:$0x1], $0xffff;
	v6 =	vadd.f32 v12, v6;
	v7 =	vadd.f32 v13, v7  }
0x1f7: {  	s20 =	sadd.s32 $0xFFFFFF00, s5;
	s29 =	sadd.s32 $0x3800, s18;
	v13 =	vld.idx.msk [tilespmem:v4+s6+$0x0 ss:$0x1], $0xffff;
	s6 =	sadd.s32 s19, s10  }
0x1f8: {  	s19 =	sand.u32 $0x380, s20;
	s10 =	sadd.s32 s31, s2;
	s20 =	sadd.s32 $0xFFFFFF80, s5;
	v9 =	vld.idx.msk [tilespmem:v3+s6+$0x0 ss:$0x1], $0xffff;
	v11 =	vadd.f32 v14, v6;
	v7 =	vadd.f32 v15, v7  }
0x1f9: {  	s31 =	sand.u32 $0xFFFFE000, s29;
	v6 =	vld.idx.msk [tilespmem:v4+s6+$0x0 ss:$0x1], $0xffff;
	s6 =	sadd.s32 s19, s10;
	s19 =	sand.u32 $0x380, s20  }
.Ltmp19:
0x1fa: {  	s10 =	sadd.s32 s31, s2;
	s31 =	sadd.s32 $0x3C00, s18;
	v8 =	vadd.f32 v8, v11;
	v12 =	vadd.f32 v16, v7;
	v7 =	vld.idx.msk [tilespmem:v4+s6+$0x0 ss:$0x1], $0xffff;
	(pc) =	sbr.rel @p4 .LBB2_33-.Ltmp19, $4  }
0x1fb: {  	s9 =	sadd.s32 $0xFFFFFFFF, s9;
	s19 =	sadd.s32 s19, s10;
	s20 =	sand.u32 $0xFFFFE000, s31;
	v11 =	vld.idx.msk [tilespmem:v3+s6+$0x0 ss:$0x1], $0xffff  }
0x1fc: {  	p3 =	por $0x1, $0x1;
	s31 =	sand.u32 $0x380, s5;
	s18 =	sadd.s32 s20, s2;
	v10 =	vadd.f32 v10, v8;
	v14 =	vadd.f32 v17, v12;
	v8 =	vld.idx.msk [tilespmem:v4+s19+$0x0 ss:$0x1], $0xffff  }
0x1fd: {  	s30 =	sadd.s32 $0x800, s11;
	s10 =	sadd.s32 $0x4000, s0;
	s6 =	sadd.s32 s31, s18;
	v12 =	vld.idx.msk [tilespmem:v3+s19+$0x0 ss:$0x1], $0xffff  }
0x1fe: {  	s29 =	rddreg [dreg:$0x4];
	s5 =	sadd.s32 s30, s28;
	s18 =	sadd.s32 s10, s26;
	v13 =	vadd.f32 v13, v10;
	v14 =	vadd.f32 v18, v14;
	v10 =	vld.idx.msk [tilespmem:v4+s6+$0x0 ss:$0x1], $0xffff  }
.LBB2_32:
0x1ff: {  	s19 =	sand.u32 $0xFFFFE000, s18;
	s20 =	sadd.s32 $0x400, s18;
	s31 =	sadd.s32 $0x800, s18  }
0x200: {  	v6 =	vadd.f32 v6, v13;
	v9 =	vadd.f32 v9, v14;
	v13 =	vld.idx.msk [tilespmem:v3+s6+$0x0 ss:$0x1], $0xffff;
	s6 =	sadd.s32 s19, s29;
	s20 =	sand.u32 $0xFFFFE000, s20;
	s29 =	sadd.s32 $0xFFFFF900, s5  }
0x201: {  	s31 =	sand.u32 $0xFFFFE000, s31;
	v14 =	vld.idx.msk [tilespmem:v4+s6+$0x0 ss:$0x1], $0xffff;
	s29 =	sand.u32 $0x380, s29;
	s20 =	sadd.s32 s20, s2  }
0x202: {  	s19 =	sadd.s32 s19, s16;
	v6 =	vadd.f32 v7, v6;
	v7 =	vadd.f32 v11, v9;
	v9 =	vld.idx.msk [tilespmem:v3+s6+$0x0 ss:$0x1], $0xffff;
	s6 =	sadd.s32 s29, s20;
	s29 =	sadd.s32 $0xFFFFF980, s5  }
0x203: {  	s20 =	sadd.s32 s31, s2;
	s31 =	sadd.s32 $0xC00, s18;
	v11 =	vld.idx.msk [tilespmem:v4+s6+$0x0 ss:$0x1], $0xffff;
	s29 =	sand.u32 $0x380, s29  }
0x204: {  	s31 =	sand.u32 $0xFFFFE000, s31;
	v6 =	vadd.f32 v8, v6;
	v7 =	vadd.f32 v12, v7;
	v8 =	vld.idx.msk [tilespmem:v3+s6+$0x0 ss:$0x1], $0xffff;
	s6 =	sadd.s32 s29, s20;
	s29 =	sadd.s32 $0xFFFFFA00, s5  }
0x205: {  	s20 =	sadd.s32 s31, s2;
	s31 =	sadd.s32 $0x1000, s18;
	v12 =	vld.idx.msk [tilespmem:v4+s6+$0x0 ss:$0x1], $0xffff;
	s29 =	sand.u32 $0x380, s29  }
0x206: {  	s31 =	sand.u32 $0xFFFFE000, s31;
	v6 =	vadd.f32 v10, v6;
	v7 =	vadd.f32 v13, v7;
	v10 =	vld.idx.msk [tilespmem:v3+s6+$0x0 ss:$0x1], $0xffff;
	s6 =	sadd.s32 s29, s20;
	s29 =	sadd.s32 $0xFFFFFA80, s5  }
0x207: {  	s20 =	sadd.s32 s31, s2;
	s31 =	sadd.s32 $0x1400, s18;
	v13 =	vld.idx.msk [tilespmem:v4+s6+$0x0 ss:$0x1], $0xffff;
	s29 =	sand.u32 $0x380, s29  }
0x208: {  	s31 =	sand.u32 $0xFFFFE000, s31;
	v6 =	vadd.f32 v14, v6;
	v7 =	vadd.f32 v9, v7;
	v9 =	vld.idx.msk [tilespmem:v3+s6+$0x0 ss:$0x1], $0xffff;
	s6 =	sadd.s32 s29, s20;
	s29 =	sadd.s32 $0xFFFFFB00, s5  }
0x209: {  	s20 =	sadd.s32 s31, s2;
	s31 =	sadd.s32 $0x1800, s18;
	v14 =	vld.idx.msk [tilespmem:v4+s6+$0x0 ss:$0x1], $0xffff;
	s29 =	sand.u32 $0x380, s29  }
0x20a: {  	s31 =	sand.u32 $0xFFFFE000, s31;
	v6 =	vadd.f32 v11, v6;
	v7 =	vadd.f32 v8, v7;
	v8 =	vld.idx.msk [tilespmem:v3+s6+$0x0 ss:$0x1], $0xffff;
	s6 =	sadd.s32 s29, s20;
	s29 =	sadd.s32 $0xFFFFFB80, s5  }
0x20b: {  	s20 =	sadd.s32 s31, s2;
	s31 =	sadd.s32 $0x1C00, s18;
	v11 =	vld.idx.msk [tilespmem:v4+s6+$0x0 ss:$0x1], $0xffff;
	s29 =	sand.u32 $0x380, s29  }
0x20c: {  	s31 =	sand.u32 $0xFFFFE000, s31;
	v6 =	vadd.f32 v12, v6;
	v7 =	vadd.f32 v10, v7;
	v10 =	vld.idx.msk [tilespmem:v3+s6+$0x0 ss:$0x1], $0xffff;
	s6 =	sadd.s32 s29, s20;
	s29 =	sadd.s32 $0xFFFFFC00, s5  }
0x20d: {  	s19 =	sadd.s32 s21, s19;
	s20 =	sadd.s32 s31, s2;
	v12 =	vld.idx.msk [tilespmem:v4+s6+$0x0 ss:$0x1], $0xffff;
	s29 =	sand.u32 $0x380, s29  }
0x20e: {  	s19 =	sadd.s32 s12, s19;
	v6 =	vadd.f32 v13, v6;
	v7 =	vadd.f32 v9, v7;
	v9 =	vld.idx.msk [tilespmem:v3+s6+$0x0 ss:$0x1], $0xffff;
	s20 =	sadd.s32 s29, s20  }
0x20f: {  	p4 =	seq.s32 s9, $0x1;
	s31 =	sadd.s32 $0x2400, s18;
	s6 =	sadd.s32 $0x2000, s19;
	v13 =	vld.idx.msk [tilespmem:v4+s20+$0x0 ss:$0x1], $0xffff  }
0x210: {  	s19 =	sand.u32 $0xFFFFE000, s31;
	s31 =	sadd.s32 $0xFFFFFD00, s5;
	s29 =	sadd.s32 $0x2800, s18;
	v6 =	vadd.f32 v14, v6;
	v7 =	vadd.f32 v8, v7;
	v8 =	vld.idx.msk [tilespmem:v3+s20+$0x0 ss:$0x1], $0xffff  }
0x211: {  	s19 =	sadd.s32 s19, s2;
	v14 =	vld.idx.msk [tilespmem:v4+s6+$0x0 ss:$0x1], $0xffff;
	s20 =	sand.u32 $0x380, s31;
	s31 =	sadd.s32 $0xFFFFFD80, s5  }
0x212: {  	v6 =	vadd.f32 v11, v6;
	v7 =	vadd.f32 v10, v7;
	v10 =	vld.idx.msk [tilespmem:v3+s6+$0x0 ss:$0x1], $0xffff;
	s6 =	sadd.s32 s20, s19;
	s19 =	sand.u32 $0xFFFFE000, s29;
	s20 =	sand.u32 $0x380, s31  }
0x213: {  	s29 =	sadd.s32 $0x2C00, s18;
	s31 =	sadd.s32 $0xFFFFFE00, s5;
	v11 =	vld.idx.msk [tilespmem:v4+s6+$0x0 ss:$0x1], $0xffff;
	s19 =	sadd.s32 s19, s2  }
0x214: {  	v6 =	vadd.f32 v12, v6;
	v7 =	vadd.f32 v9, v7;
	v9 =	vld.idx.msk [tilespmem:v3+s6+$0x0 ss:$0x1], $0xffff;
	s6 =	sadd.s32 s20, s19;
	s19 =	sand.u32 $0xFFFFE000, s29;
	s20 =	sand.u32 $0x380, s31  }
0x215: {  	s29 =	sadd.s32 $0x3000, s18;
	s31 =	sadd.s32 $0xFFFFFE80, s5;
	v12 =	vld.idx.msk [tilespmem:v4+s6+$0x0 ss:$0x1], $0xffff;
	s19 =	sadd.s32 s19, s2  }
0x216: {  	v6 =	vadd.f32 v13, v6;
	v7 =	vadd.f32 v8, v7;
	v8 =	vld.idx.msk [tilespmem:v3+s6+$0x0 ss:$0x1], $0xffff;
	s6 =	sadd.s32 s20, s19;
	s19 =	sand.u32 $0xFFFFE000, s29;
	s20 =	sand.u32 $0x380, s31  }
0x217: {  	s29 =	sadd.s32 $0x3400, s18;
	s31 =	sadd.s32 $0xFFFFFF00, s5;
	v13 =	vld.idx.msk [tilespmem:v4+s6+$0x0 ss:$0x1], $0xffff;
	s19 =	sadd.s32 s19, s2  }
0x218: {  	v14 =	vadd.f32 v14, v6;
	v7 =	vadd.f32 v10, v7;
	v10 =	vld.idx.msk [tilespmem:v3+s6+$0x0 ss:$0x1], $0xffff;
	s6 =	sadd.s32 s20, s19;
	s19 =	sand.u32 $0xFFFFE000, s29;
	s20 =	sand.u32 $0x380, s31  }
0x219: {  	s29 =	sadd.s32 $0x3800, s18;
	s31 =	sadd.s32 $0xFFFFFF80, s5;
	v6 =	vld.idx.msk [tilespmem:v4+s6+$0x0 ss:$0x1], $0xffff;
	s19 =	sadd.s32 s19, s2  }
0x21a: {  	v11 =	vadd.f32 v11, v14;
	v14 =	vadd.f32 v9, v7;
	v9 =	vld.idx.msk [tilespmem:v3+s6+$0x0 ss:$0x1], $0xffff;
	s6 =	sadd.s32 s20, s19;
	s19 =	sand.u32 $0xFFFFE000, s29;
	s20 =	sand.u32 $0x380, s31  }
.Ltmp20:
0x21b: {  	s31 =	sadd.s32 $0x3C00, s18;
	v7 =	vld.idx.msk [tilespmem:v4+s6+$0x0 ss:$0x1], $0xffff;
	s19 =	sadd.s32 s19, s2;
	(pc) =	sbr.rel @!p4 .LBB2_32-.Ltmp20, $4  }
0x21c: {  	s18 =	sand.u32 $0xFFFFE000, s31;
	v12 =	vadd.f32 v12, v11;
	v11 =	vld.idx.msk [tilespmem:v3+s6+$0x0 ss:$0x1], $0xffff;
	s20 =	sadd.s32 s20, s19  }
0x21d: {  	s10 =	sadd.s32 $0x4000, s10;
	s31 =	sand.u32 $0x380, s5;
	v14 =	vadd.f32 v8, v14;
	s18 =	sadd.s32 s18, s2;
	v8 =	vld.idx.msk [tilespmem:v4+s20+$0x0 ss:$0x1], $0xffff  }
0x21e: {  	s30 =	sadd.s32 $0x800, s30;
	s9 =	sadd.s32 $0xFFFFFFFF, s9;
	s6 =	sadd.s32 s31, s18;
	v13 =	vadd.f32 v13, v12;
	v12 =	vld.idx.msk [tilespmem:v3+s20+$0x0 ss:$0x1], $0xffff  }
0x21f: {  	s29 =	rddreg [dreg:$0x4];
	s5 =	sadd.s32 s30, s28;
	s18 =	sadd.s32 s10, s26;
	v14 =	vadd.f32 v10, v14;
	v10 =	vld.idx.msk [tilespmem:v4+s6+$0x0 ss:$0x1], $0xffff  }
.LBB2_33:
0x220: {  	_ =	sdelay $0x2  }
0x221: {  	v6 =	vadd.f32 @p3 v6, v13;
	v9 =	vadd.f32 @p3 v9, v14  }
0x222: {  	s9 =	sand.u32 $0xFFFFE000, s18;
	s10 =	sadd.s32 $0x400, s18;
	v13 =	vld.idx.msk @p3 [tilespmem:v3+s6+$0x0 ss:$0x1], $0xffff  }
0x223: {  	s19 =	sadd.s32 $0xFFFFF900, s5;
	s30 =	sadd.s32 s9, s29;
	s10 =	sand.u32 $0xFFFFE000, s10;
	v6 =	vadd.f32 @p3 v7, v6;
	v7 =	vadd.f32 @p3 v11, v9  }
0x224: {  	s20 =	sadd.s32 $0x800, s18;
	s19 =	sand.u32 $0x380, s19;
	v38 =	vld.idx.msk [tilespmem:v4+s30+$0x0 ss:$0x1], $0xffff;
	s10 =	sadd.s32 s10, s2  }
0x225: {  	s20 =	sand.u32 $0xFFFFE000, s20;
	s29 =	sadd.s32 $0xFFFFF980, s5;
	v39 =	vld.idx.msk [tilespmem:v3+s30+$0x0 ss:$0x1], $0xffff;
	s31 =	sadd.s32 s19, s10;
	v6 =	vadd.f32 @p3 v8, v6;
	v7 =	vadd.f32 @p3 v12, v7  }
0x226: {  	s30 =	sadd.s32 $0xC00, s18;
	s19 =	sand.u32 $0x380, s29;
	s10 =	sadd.s32 s20, s2;
	v40 =	vld.idx.msk [tilespmem:v4+s31+$0x0 ss:$0x1], $0xffff  }
0x227: {  	s20 =	sand.u32 $0xFFFFE000, s30;
	s29 =	sadd.s32 $0xFFFFFA00, s5;
	v41 =	vld.idx.msk [tilespmem:v3+s31+$0x0 ss:$0x1], $0xffff;
	s31 =	sadd.s32 s19, s10;
	v6 =	vadd.f32 @p3 v10, v6;
	v7 =	vadd.f32 @p3 v13, v7  }
0x228: {  	s30 =	sadd.s32 $0x1000, s18;
	s19 =	sand.u32 $0x380, s29;
	s10 =	sadd.s32 s20, s2;
	v42 =	vld.idx.msk [tilespmem:v4+s31+$0x0 ss:$0x1], $0xffff  }
0x229: {  	s20 =	sand.u32 $0xFFFFE000, s30;
	s29 =	sadd.s32 $0xFFFFFA80, s5;
	v43 =	vld.idx.msk [tilespmem:v3+s31+$0x0 ss:$0x1], $0xffff;
	s31 =	sadd.s32 s19, s10;
	v6 =	vpsel p3, v6, v5;
	v5 =	vpsel p3, v7, v5  }
0x22a: {  	s30 =	sadd.s32 $0x1400, s18;
	s19 =	sand.u32 $0x380, s29;
	s10 =	sadd.s32 s20, s2;
	v44 =	vld.idx.msk [tilespmem:v3+s31+$0x0 ss:$0x1], $0xffff;
	v6 =	vadd.f32 v38, v6;
	v5 =	vadd.f32 v39, v5  }
0x22b: {  	s20 =	sand.u32 $0xFFFFE000, s30;
	s29 =	sadd.s32 $0xFFFFFB00, s5;
	v7 =	vld.idx.msk [tilespmem:v4+s31+$0x0 ss:$0x1], $0xffff;
	s31 =	sadd.s32 s19, s10  }
0x22c: {  	s30 =	sadd.s32 $0x1800, s18;
	s19 =	sand.u32 $0x380, s29;
	s10 =	sadd.s32 s20, s2;
	v45 =	vld.idx.msk [tilespmem:v4+s31+$0x0 ss:$0x1], $0xffff;
	v6 =	vadd.f32 v40, v6;
	v5 =	vadd.f32 v41, v5  }
0x22d: {  	s20 =	sand.u32 $0xFFFFE000, s30;
	s29 =	sadd.s32 $0xFFFFFB80, s5;
	v46 =	vld.idx.msk [tilespmem:v3+s31+$0x0 ss:$0x1], $0xffff;
	s31 =	sadd.s32 s19, s10  }
0x22e: {  	s30 =	sadd.s32 $0x1C00, s18;
	s19 =	sand.u32 $0x380, s29;
	s10 =	sadd.s32 s20, s2;
	v47 =	vld.idx.msk [tilespmem:v4+s31+$0x0 ss:$0x1], $0xffff;
	v6 =	vadd.f32 v42, v6;
	v5 =	vadd.f32 v43, v5  }
0x22f: {  	s20 =	sand.u32 $0xFFFFE000, s30;
	s29 =	sadd.s32 $0xFFFFFC00, s5;
	v48 =	vld.idx.msk [tilespmem:v3+s31+$0x0 ss:$0x1], $0xffff;
	s31 =	sadd.s32 s19, s10  }
0x230: {  	s9 =	sadd.s32 s9, s16;
	s19 =	sand.u32 $0x380, s29;
	s10 =	sadd.s32 s20, s2;
	v49 =	vld.idx.msk [tilespmem:v4+s31+$0x0 ss:$0x1], $0xffff;
	v6 =	vadd.f32 v7, v6;
	v5 =	vadd.f32 v44, v5  }
0x231: {  	s9 =	sadd.s32 s21, s9;
	s30 =	sadd.s32 s19, s10;
	v7 =	vld.idx.msk [tilespmem:v3+s31+$0x0 ss:$0x1], $0xffff  }
0x232: {  	s9 =	sadd.s32 s12, s9;
	v50 =	vld.idx.msk [tilespmem:v4+s30+$0x0 ss:$0x1], $0xffff;
	s31 =	sadd.s32 $0x2400, s18;
	v6 =	vadd.f32 v45, v6;
	v5 =	vadd.f32 v46, v5  }
0x233: {  	s29 =	sadd.s32 $0xFFFFFD00, s5;
	s19 =	sadd.s32 $0x2000, s9;
	v51 =	vld.idx.msk [tilespmem:v3+s30+$0x0 ss:$0x1], $0xffff;
	s20 =	sand.u32 $0xFFFFE000, s31  }
0x234: {  	s10 =	sand.u32 $0x380, s29;
	v52 =	vld.idx.msk [tilespmem:v4+s19+$0x0 ss:$0x1], $0xffff;
	s30 =	sadd.s32 $0x2800, s18;
	s9 =	sadd.s32 s20, s2;
	v6 =	vadd.f32 v47, v6;
	v5 =	vadd.f32 v48, v5  }
0x235: {  	s29 =	sadd.s32 $0xFFFFFD80, s5;
	v53 =	vld.idx.msk [tilespmem:v3+s19+$0x0 ss:$0x1], $0xffff;
	s20 =	sand.u32 $0xFFFFE000, s30;
	s31 =	sadd.s32 s10, s9  }
0x236: {  	s30 =	sadd.s32 $0x2C00, s18;
	s10 =	sand.u32 $0x380, s29;
	s9 =	sadd.s32 s20, s2;
	v54 =	vld.idx.msk [tilespmem:v4+s31+$0x0 ss:$0x1], $0xffff;
	v6 =	vadd.f32 v49, v6;
	v5 =	vadd.f32 v7, v5  }
0x237: {  	s20 =	sand.u32 $0xFFFFE000, s30;
	s29 =	sadd.s32 $0xFFFFFE00, s5;
	v7 =	vld.idx.msk [tilespmem:v3+s31+$0x0 ss:$0x1], $0xffff;
	s31 =	sadd.s32 s10, s9  }
0x238: {  	s30 =	sadd.s32 $0x3000, s18;
	s10 =	sand.u32 $0x380, s29;
	s9 =	sadd.s32 s20, s2;
	v55 =	vld.idx.msk [tilespmem:v4+s31+$0x0 ss:$0x1], $0xffff;
	v6 =	vadd.f32 v50, v6;
	v5 =	vadd.f32 v51, v5  }
0x239: {  	s19 =	sand.u32 $0xFFFFE000, s30;
	s20 =	sadd.s32 $0xFFFFFE80, s5;
	v56 =	vld.idx.msk [tilespmem:v3+s31+$0x0 ss:$0x1], $0xffff;
	s31 =	sadd.s32 s10, s9  }
0x23a: {  	s29 =	sadd.s32 $0x3400, s18;
	s10 =	sand.u32 $0x380, s20;
	s9 =	sadd.s32 s19, s2;
	v57 =	vld.idx.msk [tilespmem:v4+s31+$0x0 ss:$0x1], $0xffff;
	v6 =	vadd.f32 v52, v6;
	v5 =	vadd.f32 v53, v5  }
0x23b: {  	s19 =	sadd.s32 $0xFFFFFF00, s5;
	v58 =	vld.idx.msk [tilespmem:v3+s31+$0x0 ss:$0x1], $0xffff;
	s30 =	sadd.s32 s10, s9;
	s31 =	sand.u32 $0xFFFFE000, s29  }
0x23c: {  	s20 =	sadd.s32 $0x3800, s18;
	s10 =	sand.u32 $0x380, s19;
	v59 =	vld.idx.msk [tilespmem:v4+s30+$0x0 ss:$0x1], $0xffff;
	s9 =	sadd.s32 s31, s2;
	v6 =	vadd.f32 v54, v6;
	v5 =	vadd.f32 v7, v5  }
0x23d: {  	s31 =	sadd.s32 $0xFFFFFF80, s5;
	s29 =	sadd.s32 s10, s9;
	v7 =	vld.idx.msk [tilespmem:v3+s30+$0x0 ss:$0x1], $0xffff;
	s30 =	sand.u32 $0xFFFFE000, s20  }
0x23e: {  	s19 =	sadd.s32 $0x3C00, s18;
	s10 =	sand.u32 $0x380, s31;
	v60 =	vld.idx.msk [tilespmem:v4+s29+$0x0 ss:$0x1], $0xffff;
	s9 =	sadd.s32 s30, s2;
	v6 =	vadd.f32 v55, v6;
	v5 =	vadd.f32 v56, v5  }
0x23f: {  	v61 =	vld.idx.msk [tilespmem:v3+s29+$0x0 ss:$0x1], $0xffff;
	s29 =	sand.u32 $0xFFFFE000, s19;
	s20 =	sadd.s32 s10, s9  }
0x240: {  	s31 =	sadd.s32 s29, s2;
	s30 =	sand.u32 $0x380, s5;
	v62 =	vld.idx.msk [tilespmem:v4+s20+$0x0 ss:$0x1], $0xffff;
	v6 =	vadd.f32 v57, v6;
	v5 =	vadd.f32 v58, v5  }
0x241: {  	s2 =	sadd.s32 s30, s31;
	v63 =	vld.idx.msk [tilespmem:v3+s20+$0x0 ss:$0x1], $0xffff  }
0x242: {  	v4 =	vld.idx.msk [tilespmem:v4+s2+$0x0 ss:$0x1], $0xffff;
	v6 =	vadd.f32 v59, v6;
	v5 =	vadd.f32 v7, v5  }
0x243: {  	v7 =	vld.idx.msk [tilespmem:v3+s2+$0x0 ss:$0x1], $0xffff  }
0x244: {  	v3 =	vadd.f32 v60, v6;
	v5 =	vadd.f32 v61, v5;
	_ =	sdelay $0x1  }
0x245: {  	v3 =	vadd.f32 v62, v3;
	v5 =	vadd.f32 v63, v5;
	_ =	sdelay $0x1  }
0x246: {  	v3 =	vadd.f32 v4, v3;
	v4 =	vadd.f32 v7, v5  }
.LBB2_25:
.Ltmp21:
0x247: {  	(pc) =	sbr.rel @p2 .LBB2_29-.Ltmp21, $1  }
0x248: {  	_ =	sdelay $0x3  }
0x249: {  	s2 =	sadd.s32 s21, s16  }
0x24a: {  	s5 =	sand.u32 $0xFFFFE000, s8;
	s2 =	sadd.s32 s4, s2  }
0x24b: {  	s6 =	sand.u32 $0x380, s17;
	s5 =	sadd.s32 s5, s2  }
0x24c: {  	s6 =	sadd.s32 s6, s5  }
0x24d: {  	p3 =	sne.s32 s1, $0x1;
	v5 =	vld [tilespmem:s6+$0x10]  }
.Ltmp22:
0x24e: {  	v6 =	vld [tilespmem:s6+$0x0];
	(pc) =	sbr.rel @!p3 .LBB2_28-.Ltmp22, $2  }
0x24f: {  	_ =	sdelay $0x2  }
0x250: {  	s9 =	sadd.s32 $0x400, s8;
	s5 =	sadd.s32 $0xFFFFFFFF, s1;
	s6 =	sadd.s32 $0x80, s17  }
.LBB2_27:
0x251: {  	s10 =	sand.u32 $0xFFFFE000, s9;
	p3 =	sne.s32 s5, $0x1;
	s5 =	sadd.s32 $0xFFFFFFFF, s5  }
.Ltmp23:
0x252: {  	s18 =	sand.u32 $0x380, s6;
	s10 =	sadd.s32 s10, s2;
	(pc) =	sbr.rel @p3 .LBB2_27-.Ltmp23, $4  }
0x253: {  	v4 =	vadd.f32 v5, v4;
	s10 =	sadd.s32 s18, s10  }
0x254: {  	v3 =	vadd.f32 v6, v3;
	v5 =	vld [tilespmem:s10+$0x10]  }
0x255: {  	v6 =	vld [tilespmem:s10+$0x0]  }
0x256: {  	s6 =	sadd.s32 $0x80, s6;
	s9 =	sadd.s32 $0x400, s9  }
.Ltmp24:
0x257: {  	_ = 	snop;
	(pc) =	sbr.rel .LBB2_28-.Ltmp24, $1  }
0x258: {  	_ =	sdelay $0x3  }
.LBB2_24:
.Ltmp25:
0x259: {  	(pc) =	sbr.rel .LBB2_33-.Ltmp25, $2  }
0x25a: {  	_ =	sdelay $0x2  }
0x25b: {  	_ = 	snop  }
.LBB2_30:
.Ltmp26:
0x25c: {  	(pc) =	sbr.rel .LBB2_16-.Ltmp26, $4  }
0x25d: {  	_ = 	snop  }
0x25e: {  	s20 =	rddreg [dreg:$0x18]  }
0x25f: {  	s19 =	rddreg [dreg:$0x19]  }
0x260: {  	p2 =	por $0x1, $0x1;
	s21 =	rddreg [dreg:$0x1a]  }
.LBB2_15:
0x261: {  	p2 =	sne.s32 s14, $0x20  }
0x262: {  	p2 =	por @!p1 p2, p2  }
.LBB2_16:
0x263: {  	p0 =	por p0, !p2  }
.Ltmp27:
0x264: {  	_ = 	snop;
	(pc) =	sbr.rel @p0 .LBB2_39-.Ltmp27, $1  }
0x265: {  	_ =	sdelay $0x3  }
0x266: {  	s10 =	sshra.s32 s21, $0x4;
	s1 =	sshll.u32 s13, $0x7;
	s2 =	rddreg [dreg:$0x16]  }
.Ltmp28:
0x267: {  	s30 =	rddreg [dreg:$0x15];
	s31 =	ssub.s32 s20, s25;
	(pc) =	sbr.rel .LBB2_18-.Ltmp28, $4  }
0x268: {  	s17 =	simm.s32 $0x0;
	p0 =	slt.s32 s14, $0x10;
	p1 =	sge.s32 s19, s14  }
0x269: {  	s2 =	sshll.u32 s2, $0x11;
	s3 =	sand.u32 $0x380, s1;
	s1 =	sadd.s32 s30, s25  }
0x26a: {  	s7 =	ssub.s32 s31, s19;
	s13 =	sshra.s32 s2, $0x2;
	s1 =	sadd.s32 s19, s1  }
0x26b: {  	s12 =	sor.u32 s3, s13;
	s16 =	sshll.u32 s1, $0x7;
	s1 =	sshll.u32 s1, $0xA  }
.LBB2_37:
0x26c: {  	v4 =	vadd.f32 v5, v4;
	v3 =	vadd.f32 v6, v3  }
.LBB2_38:
0x26d: {  	s17 =	sadd.s32 $0x1, s17  }
0x26e: {  	p2 =	sne.s32 s17, $0x20  }
.Ltmp29:
0x26f: {  	s2 =	sadd.s32 s8, s23;
	(pc) =	sbr.rel @!p2 .LBB2_39-.Ltmp29, $4  }
0x270: {  	s2 =	sadd.s32 s4, s2  }
0x271: {  	s2 =	sadd.s32 s22, s2  }
0x272: {  	[tilespmem:s2+$0x0] =	vst.add.f32.msk $0xffff, v3  }
0x273: {  	[tilespmem:s2+$0x10] =	vst.add.f32.msk $0xffff, v4  }
.LBB2_18:
.Ltmp30:
0x274: {  	(pc) =	sbr.rel @p0 .LBB2_34-.Ltmp30, $3  }
0x275: {  	_ =	sdelay $0x1  }
0x276: {  	s2 =	sshll.u32 s17, $0x5;
	s5 =	sshll.u32 s17, $0x8  }
0x277: {  	v3 =	vimm.f32 $0.0e+00;
	v4 =	vimm.f32 $0.0e+00;
	s4 =	sand.u32 $0x60, s2;
	s8 =	sand.u32 $0x1C00, s5  }
0x278: {  	p3 =	seq.s32 s10, $0x1  }
.Ltmp31:
0x279: {  	s5 =	sor.u32 $0x10, s4;
	(pc) =	sbr.rel @p3 .LBB2_20-.Ltmp31, $4  }
0x27a: {  	v3 =	vmov s5  }
0x27b: {  	s2 =	sadd.s32 s8, s12;
	v4 =	vmov s4;
	s9 =	sadd.s32 s0, s26  }
0x27c: {  	s18 =	sadd.s32 $0xFFFFFFFF, s10;
	p2 =	por $0x0, $0x0;
	[dreg:$0x5] =	wrdreg s2  }
0x27d: {  	v5 =	vimm.f32 $0.0e+00;
	s2 =	sadd.s32 s8, s13;
	s5 =	sadd.s32 s11, s28;
	s21 =	rddreg [dreg:$0x5]  }
0x27e: {  	_ =	sdelay $0x1  }
0x27f: {  	s6 =	sand.u32 $0xFFFFE000, s9;
	s14 =	sadd.s32 $0x400, s9;
	s19 =	sadd.s32 $0xFFFFF900, s5  }
0x280: {  	s20 =	sadd.s32 $0x800, s9;
	s15 =	sadd.s32 s6, s21;
	s14 =	sand.u32 $0xFFFFE000, s14  }
0x281: {  	s25 =	sadd.s32 $0xFFFFF980, s5;
	s19 =	sand.u32 $0x380, s19;
	v6 =	vld.idx.msk [tilespmem:v4+s15+$0x0 ss:$0x1], $0xffff;
	s14 =	sadd.s32 s14, s2  }
0x282: {  	s29 =	sadd.s32 $0xC00, s9;
	s21 =	sand.u32 $0xFFFFE000, s20;
	v7 =	vld.idx.msk [tilespmem:v3+s15+$0x0 ss:$0x1], $0xffff;
	s14 =	sadd.s32 s19, s14  }
0x283: {  	s31 =	sand.u32 $0xFFFFE000, s29;
	s15 =	sadd.s32 s21, s2;
	s19 =	sand.u32 $0x380, s25;
	v8 =	vld.idx.msk [tilespmem:v4+s14+$0x0 ss:$0x1], $0xffff  }
0x284: {  	s20 =	sadd.s32 $0xFFFFFA00, s5;
	s6 =	sadd.s32 s6, s13;
	v9 =	vld.idx.msk [tilespmem:v3+s14+$0x0 ss:$0x1], $0xffff;
	s30 =	sadd.s32 s19, s15  }
0x285: {  	s21 =	sadd.s32 $0x1000, s9;
	s19 =	sand.u32 $0x380, s20;
	s15 =	sadd.s32 s31, s2;
	v10 =	vld.idx.msk [tilespmem:v4+s30+$0x0 ss:$0x1], $0xffff  }
0x286: {  	s29 =	sand.u32 $0xFFFFE000, s21;
	v11 =	vld.idx.msk [tilespmem:v3+s30+$0x0 ss:$0x1], $0xffff;
	s25 =	sadd.s32 s19, s15;
	s30 =	sadd.s32 $0xFFFFFA80, s5  }
0x287: {  	s31 =	sadd.s32 $0x1400, s9;
	s15 =	sadd.s32 s29, s2;
	v12 =	vld.idx.msk [tilespmem:v4+s25+$0x0 ss:$0x1], $0xffff;
	s19 =	sand.u32 $0x380, s30  }
0x288: {  	s29 =	sadd.s32 $0xFFFFFB00, s5;
	v13 =	vld.idx.msk [tilespmem:v3+s25+$0x0 ss:$0x1], $0xffff;
	s25 =	sand.u32 $0xFFFFE000, s31;
	s21 =	sadd.s32 s19, s15  }
0x289: {  	s30 =	sadd.s32 $0x1800, s9;
	v6 =	vadd.f32 v6, v5;
	v7 =	vadd.f32 v7, v5;
	s19 =	sand.u32 $0x380, s29;
	s15 =	sadd.s32 s25, s2;
	v14 =	vld.idx.msk [tilespmem:v4+s21+$0x0 ss:$0x1], $0xffff  }
0x28a: {  	s20 =	sand.u32 $0xFFFFE000, s30;
	v15 =	vld.idx.msk [tilespmem:v3+s21+$0x0 ss:$0x1], $0xffff;
	s31 =	sadd.s32 s19, s15;
	s21 =	sadd.s32 $0xFFFFFB80, s5  }
0x28b: {  	s25 =	sadd.s32 $0x1C00, s9;
	s15 =	sadd.s32 s20, s2;
	v6 =	vadd.f32 v8, v6;
	v7 =	vadd.f32 v9, v7;
	v8 =	vld.idx.msk [tilespmem:v4+s31+$0x0 ss:$0x1], $0xffff;
	s19 =	sand.u32 $0x380, s21  }
0x28c: {  	s30 =	sand.u32 $0xFFFFE000, s25;
	v9 =	vld.idx.msk [tilespmem:v3+s31+$0x0 ss:$0x1], $0xffff;
	s31 =	sadd.s32 $0xFFFFFC00, s5;
	s29 =	sadd.s32 s19, s15  }
0x28d: {  	s20 =	sadd.s32 $0x2400, s9;
	s19 =	sand.u32 $0x380, s31;
	s15 =	sadd.s32 s30, s2;
	v6 =	vadd.f32 v10, v6;
	v7 =	vadd.f32 v11, v7;
	v10 =	vld.idx.msk [tilespmem:v4+s29+$0x0 ss:$0x1], $0xffff  }
0x28e: {  	s25 =	sadd.s32 $0xFFFFFD00, s5;
	s21 =	sand.u32 $0xFFFFE000, s20;
	v11 =	vld.idx.msk [tilespmem:v3+s29+$0x0 ss:$0x1], $0xffff;
	s19 =	sadd.s32 s19, s15  }
0x28f: {  	s6 =	sadd.s32 s8, s6;
	s14 =	sadd.s32 s21, s2;
	s15 =	sand.u32 $0x380, s25;
	v6 =	vadd.f32 v12, v6;
	v7 =	vadd.f32 v13, v7;
	v12 =	vld.idx.msk [tilespmem:v4+s19+$0x0 ss:$0x1], $0xffff  }
0x290: {  	s6 =	sadd.s32 s3, s6;
	s29 =	sadd.s32 $0x2800, s9;
	s30 =	sadd.s32 s15, s14;
	v13 =	vld.idx.msk [tilespmem:v3+s19+$0x0 ss:$0x1], $0xffff  }
0x291: {  	s6 =	sadd.s32 $0x2000, s6;
	s31 =	sand.u32 $0xFFFFE000, s29;
	s19 =	sadd.s32 $0xFFFFFD80, s5;
	v16 =	vld.idx.msk [tilespmem:v3+s30+$0x0 ss:$0x1], $0xffff;
	v6 =	vadd.f32 v14, v6;
	v7 =	vadd.f32 v15, v7  }
0x292: {  	s20 =	sadd.s32 $0x2C00, s9;
	s14 =	sadd.s32 s31, s2;
	s15 =	sand.u32 $0x380, s19;
	v14 =	vld.idx.msk [tilespmem:v4+s6+$0x0 ss:$0x1], $0xffff  }
0x293: {  	s25 =	sand.u32 $0xFFFFE000, s20;
	s29 =	sadd.s32 $0xFFFFFE00, s5;
	v15 =	vld.idx.msk [tilespmem:v3+s6+$0x0 ss:$0x1], $0xffff;
	s21 =	sadd.s32 s15, s14;
	v6 =	vadd.f32 v8, v6;
	v7 =	vadd.f32 v9, v7  }
0x294: {  	s15 =	sand.u32 $0x380, s29;
	s14 =	sadd.s32 s25, s2;
	v17 =	vld.idx.msk [tilespmem:v3+s21+$0x0 ss:$0x1], $0xffff  }
0x295: {  	s20 =	sadd.s32 $0xFFFFFE80, s5;
	s31 =	sadd.s32 s15, s14;
	v8 =	vld.idx.msk [tilespmem:v4+s30+$0x0 ss:$0x1], $0xffff;
	s30 =	sadd.s32 $0x3000, s9;
	v6 =	vadd.f32 v10, v6;
	v7 =	vadd.f32 v11, v7  }
0x296: {  	p3 =	seq.s32 s18, $0x1;
	s15 =	sand.u32 $0x380, s20;
	v18 =	vld.idx.msk [tilespmem:v3+s31+$0x0 ss:$0x1], $0xffff;
	s19 =	sand.u32 $0xFFFFE000, s30  }
0x297: {  	s30 =	sadd.s32 $0xFFFFFF00, s5;
	v10 =	vld.idx.msk [tilespmem:v4+s21+$0x0 ss:$0x1], $0xffff;
	s14 =	sadd.s32 s19, s2;
	s21 =	sadd.s32 $0x3400, s9;
	v6 =	vadd.f32 v12, v6;
	v7 =	vadd.f32 v13, v7  }
0x298: {  	s25 =	sadd.s32 s15, s14;
	s29 =	sand.u32 $0xFFFFE000, s21;
	s15 =	sand.u32 $0x380, s30;
	v13 =	vld.idx.msk [tilespmem:v4+s31+$0x0 ss:$0x1], $0xffff  }
0x299: {  	s14 =	sadd.s32 s29, s2;
	s31 =	sadd.s32 $0x3800, s9;
	v9 =	vld.idx.msk [tilespmem:v3+s25+$0x0 ss:$0x1], $0xffff;
	s29 =	sadd.s32 $0x3C00, s9;
	v11 =	vadd.f32 v14, v6;
	v7 =	vadd.f32 v15, v7  }
0x29a: {  	s20 =	sadd.s32 s15, s14;
	s21 =	sand.u32 $0xFFFFE000, s31;
	v6 =	vld.idx.msk [tilespmem:v4+s25+$0x0 ss:$0x1], $0xffff;
	s25 =	sadd.s32 $0xFFFFFF80, s5  }
.Ltmp32:
0x29b: {  	s14 =	sadd.s32 s21, s2;
	s15 =	sand.u32 $0x380, s25;
	v8 =	vadd.f32 v8, v11;
	v12 =	vadd.f32 v16, v7;
	v7 =	vld.idx.msk [tilespmem:v4+s20+$0x0 ss:$0x1], $0xffff;
	(pc) =	sbr.rel @p3 .LBB2_51-.Ltmp32, $4  }
0x29c: {  	s18 =	sadd.s32 $0xFFFFFFFF, s18;
	s9 =	sand.u32 $0xFFFFE000, s29;
	v11 =	vld.idx.msk [tilespmem:v3+s20+$0x0 ss:$0x1], $0xffff;
	s30 =	sadd.s32 s15, s14  }
0x29d: {  	p2 =	por $0x1, $0x1;
	s31 =	sand.u32 $0x380, s5;
	s9 =	sadd.s32 s9, s2;
	v10 =	vadd.f32 v10, v8;
	v14 =	vadd.f32 v17, v12;
	v8 =	vld.idx.msk [tilespmem:v4+s30+$0x0 ss:$0x1], $0xffff  }
0x29e: {  	s6 =	sadd.s32 s31, s9;
	s14 =	sadd.s32 $0x4000, s0;
	s15 =	sadd.s32 $0x800, s11;
	v12 =	vld.idx.msk [tilespmem:v3+s30+$0x0 ss:$0x1], $0xffff  }
0x29f: {  	s21 =	rddreg [dreg:$0x5];
	s9 =	sadd.s32 s14, s26;
	s5 =	sadd.s32 s15, s28;
	v13 =	vadd.f32 v13, v10;
	v14 =	vadd.f32 v18, v14;
	v10 =	vld.idx.msk [tilespmem:v4+s6+$0x0 ss:$0x1], $0xffff  }
.LBB2_50:
0x2a0: {  	s19 =	sand.u32 $0xFFFFE000, s9;
	s20 =	sadd.s32 $0x400, s9  }
0x2a1: {  	s30 =	sadd.s32 $0xFFFFF900, s5;
	v6 =	vadd.f32 v6, v13;
	v9 =	vadd.f32 v9, v14;
	v13 =	vld.idx.msk [tilespmem:v3+s6+$0x0 ss:$0x1], $0xffff;
	s29 =	sadd.s32 s19, s21;
	s20 =	sand.u32 $0xFFFFE000, s20  }
0x2a2: {  	s25 =	sadd.s32 $0x800, s9;
	s21 =	sand.u32 $0x380, s30;
	v14 =	vld.idx.msk [tilespmem:v4+s29+$0x0 ss:$0x1], $0xffff;
	s20 =	sadd.s32 s20, s2  }
0x2a3: {  	s25 =	sand.u32 $0xFFFFE000, s25;
	v6 =	vadd.f32 v7, v6;
	v7 =	vadd.f32 v11, v9;
	v9 =	vld.idx.msk [tilespmem:v3+s29+$0x0 ss:$0x1], $0xffff;
	s31 =	sadd.s32 s21, s20;
	s29 =	sadd.s32 $0xFFFFF980, s5  }
0x2a4: {  	s30 =	sadd.s32 $0xC00, s9;
	s20 =	sadd.s32 s25, s2;
	v11 =	vld.idx.msk [tilespmem:v4+s31+$0x0 ss:$0x1], $0xffff;
	s21 =	sand.u32 $0x380, s29  }
0x2a5: {  	s25 =	sand.u32 $0xFFFFE000, s30;
	s29 =	sadd.s32 $0xFFFFFA00, s5;
	v6 =	vadd.f32 v8, v6;
	v7 =	vadd.f32 v12, v7;
	v8 =	vld.idx.msk [tilespmem:v3+s31+$0x0 ss:$0x1], $0xffff;
	s31 =	sadd.s32 s21, s20  }
0x2a6: {  	s30 =	sadd.s32 $0x1000, s9;
	s21 =	sand.u32 $0x380, s29;
	s20 =	sadd.s32 s25, s2;
	v12 =	vld.idx.msk [tilespmem:v4+s31+$0x0 ss:$0x1], $0xffff  }
0x2a7: {  	s25 =	sand.u32 $0xFFFFE000, s30;
	s29 =	sadd.s32 $0xFFFFFA80, s5;
	v6 =	vadd.f32 v10, v6;
	v7 =	vadd.f32 v13, v7;
	v10 =	vld.idx.msk [tilespmem:v3+s31+$0x0 ss:$0x1], $0xffff;
	s31 =	sadd.s32 s21, s20  }
0x2a8: {  	s30 =	sadd.s32 $0x1400, s9;
	s21 =	sand.u32 $0x380, s29;
	s20 =	sadd.s32 s25, s2;
	v13 =	vld.idx.msk [tilespmem:v4+s31+$0x0 ss:$0x1], $0xffff  }
0x2a9: {  	s25 =	sand.u32 $0xFFFFE000, s30;
	s29 =	sadd.s32 $0xFFFFFB00, s5;
	v6 =	vadd.f32 v14, v6;
	v7 =	vadd.f32 v9, v7;
	v9 =	vld.idx.msk [tilespmem:v3+s31+$0x0 ss:$0x1], $0xffff;
	s31 =	sadd.s32 s21, s20  }
0x2aa: {  	s30 =	sadd.s32 $0x1800, s9;
	s21 =	sand.u32 $0x380, s29;
	s20 =	sadd.s32 s25, s2;
	v14 =	vld.idx.msk [tilespmem:v4+s31+$0x0 ss:$0x1], $0xffff  }
0x2ab: {  	s25 =	sand.u32 $0xFFFFE000, s30;
	s29 =	sadd.s32 $0xFFFFFB80, s5;
	v6 =	vadd.f32 v11, v6;
	v7 =	vadd.f32 v8, v7;
	v8 =	vld.idx.msk [tilespmem:v3+s31+$0x0 ss:$0x1], $0xffff;
	s31 =	sadd.s32 s21, s20  }
0x2ac: {  	s30 =	sadd.s32 $0x1C00, s9;
	s21 =	sand.u32 $0x380, s29;
	s20 =	sadd.s32 s25, s2;
	v11 =	vld.idx.msk [tilespmem:v4+s31+$0x0 ss:$0x1], $0xffff  }
0x2ad: {  	s25 =	sand.u32 $0xFFFFE000, s30;
	s29 =	sadd.s32 $0xFFFFFC00, s5;
	v6 =	vadd.f32 v12, v6;
	v7 =	vadd.f32 v10, v7;
	v10 =	vld.idx.msk [tilespmem:v3+s31+$0x0 ss:$0x1], $0xffff;
	s31 =	sadd.s32 s21, s20  }
0x2ae: {  	s19 =	sadd.s32 s19, s13;
	s21 =	sand.u32 $0x380, s29;
	s20 =	sadd.s32 s25, s2;
	v12 =	vld.idx.msk [tilespmem:v4+s31+$0x0 ss:$0x1], $0xffff  }
0x2af: {  	p3 =	seq.s32 s18, $0x1;
	s19 =	sadd.s32 s8, s19;
	s30 =	sadd.s32 s21, s20;
	v6 =	vadd.f32 v13, v6;
	v7 =	vadd.f32 v9, v7;
	v9 =	vld.idx.msk [tilespmem:v3+s31+$0x0 ss:$0x1], $0xffff  }
0x2b0: {  	s19 =	sadd.s32 s3, s19;
	s29 =	sadd.s32 $0xFFFFFD00, s5;
	v13 =	vld.idx.msk [tilespmem:v4+s30+$0x0 ss:$0x1], $0xffff;
	s31 =	sadd.s32 $0x2400, s9  }
0x2b1: {  	s21 =	sadd.s32 $0x2000, s19;
	s20 =	sand.u32 $0x380, s29;
	s25 =	sand.u32 $0xFFFFE000, s31;
	v6 =	vadd.f32 v14, v6;
	v7 =	vadd.f32 v8, v7;
	v8 =	vld.idx.msk [tilespmem:v3+s30+$0x0 ss:$0x1], $0xffff  }
0x2b2: {  	s29 =	sadd.s32 $0xFFFFFD80, s5;
	v14 =	vld.idx.msk [tilespmem:v4+s21+$0x0 ss:$0x1], $0xffff;
	s19 =	sadd.s32 s25, s2;
	s30 =	sadd.s32 $0x2800, s9  }
0x2b3: {  	s31 =	sadd.s32 s20, s19;
	s25 =	sand.u32 $0xFFFFE000, s30;
	s20 =	sand.u32 $0x380, s29;
	v6 =	vadd.f32 v11, v6;
	v7 =	vadd.f32 v10, v7;
	v10 =	vld.idx.msk [tilespmem:v3+s21+$0x0 ss:$0x1], $0xffff  }
0x2b4: {  	s30 =	sadd.s32 $0x2C00, s9;
	s29 =	sadd.s32 $0xFFFFFE00, s5;
	v11 =	vld.idx.msk [tilespmem:v4+s31+$0x0 ss:$0x1], $0xffff;
	s19 =	sadd.s32 s25, s2  }
0x2b5: {  	s25 =	sand.u32 $0xFFFFE000, s30;
	s30 =	sadd.s32 $0x3000, s9;
	v6 =	vadd.f32 v12, v6;
	v7 =	vadd.f32 v9, v7;
	v9 =	vld.idx.msk [tilespmem:v3+s31+$0x0 ss:$0x1], $0xffff;
	s31 =	sadd.s32 s20, s19  }
0x2b6: {  	s20 =	sand.u32 $0x380, s29;
	s19 =	sadd.s32 s25, s2;
	s25 =	sand.u32 $0xFFFFE000, s30;
	v12 =	vld.idx.msk [tilespmem:v4+s31+$0x0 ss:$0x1], $0xffff  }
0x2b7: {  	s29 =	sadd.s32 $0xFFFFFE80, s5;
	s30 =	sadd.s32 $0x3400, s9;
	v6 =	vadd.f32 v13, v6;
	v7 =	vadd.f32 v8, v7;
	v8 =	vld.idx.msk [tilespmem:v3+s31+$0x0 ss:$0x1], $0xffff;
	s31 =	sadd.s32 s20, s19  }
0x2b8: {  	s20 =	sand.u32 $0x380, s29;
	s19 =	sadd.s32 s25, s2;
	s25 =	sand.u32 $0xFFFFE000, s30;
	v13 =	vld.idx.msk [tilespmem:v4+s31+$0x0 ss:$0x1], $0xffff  }
0x2b9: {  	s29 =	sadd.s32 $0xFFFFFF00, s5;
	s30 =	sadd.s32 $0x3800, s9;
	v14 =	vadd.f32 v14, v6;
	v7 =	vadd.f32 v10, v7;
	v10 =	vld.idx.msk [tilespmem:v3+s31+$0x0 ss:$0x1], $0xffff;
	s31 =	sadd.s32 s20, s19  }
0x2ba: {  	s21 =	sand.u32 $0xFFFFE000, s30;
	s20 =	sand.u32 $0x380, s29;
	s19 =	sadd.s32 s25, s2;
	v6 =	vld.idx.msk [tilespmem:v4+s31+$0x0 ss:$0x1], $0xffff  }
0x2bb: {  	s25 =	sadd.s32 $0xFFFFFF80, s5;
	s29 =	sadd.s32 $0x3C00, s9;
	v11 =	vadd.f32 v11, v14;
	v14 =	vadd.f32 v9, v7;
	v9 =	vld.idx.msk [tilespmem:v3+s31+$0x0 ss:$0x1], $0xffff;
	s31 =	sadd.s32 s20, s19  }
.Ltmp33:
0x2bc: {  	s20 =	sand.u32 $0x380, s25;
	s19 =	sadd.s32 s21, s2;
	v7 =	vld.idx.msk [tilespmem:v4+s31+$0x0 ss:$0x1], $0xffff;
	(pc) =	sbr.rel @!p3 .LBB2_50-.Ltmp33, $4  }
0x2bd: {  	s9 =	sand.u32 $0xFFFFE000, s29;
	s30 =	sadd.s32 s20, s19;
	v12 =	vadd.f32 v12, v11;
	v11 =	vld.idx.msk [tilespmem:v3+s31+$0x0 ss:$0x1], $0xffff  }
0x2be: {  	s14 =	sadd.s32 $0x4000, s14;
	s9 =	sadd.s32 s9, s2;
	v14 =	vadd.f32 v8, v14;
	v8 =	vld.idx.msk [tilespmem:v4+s30+$0x0 ss:$0x1], $0xffff;
	s31 =	sand.u32 $0x380, s5  }
0x2bf: {  	s15 =	sadd.s32 $0x800, s15;
	s18 =	sadd.s32 $0xFFFFFFFF, s18;
	s6 =	sadd.s32 s31, s9;
	v13 =	vadd.f32 v13, v12;
	v12 =	vld.idx.msk [tilespmem:v3+s30+$0x0 ss:$0x1], $0xffff  }
0x2c0: {  	s21 =	rddreg [dreg:$0x5];
	s5 =	sadd.s32 s15, s28;
	s9 =	sadd.s32 s14, s26;
	v14 =	vadd.f32 v10, v14;
	v10 =	vld.idx.msk [tilespmem:v4+s6+$0x0 ss:$0x1], $0xffff  }
.LBB2_51:
0x2c1: {  	_ =	sdelay $0x2  }
0x2c2: {  	v6 =	vadd.f32 @p2 v6, v13;
	v9 =	vadd.f32 @p2 v9, v14  }
0x2c3: {  	s14 =	sand.u32 $0xFFFFE000, s9;
	s15 =	sadd.s32 $0x400, s9;
	v13 =	vld.idx.msk @p2 [tilespmem:v3+s6+$0x0 ss:$0x1], $0xffff  }
0x2c4: {  	s18 =	sadd.s32 $0xFFFFF900, s5;
	s21 =	sadd.s32 s14, s21;
	s15 =	sand.u32 $0xFFFFE000, s15;
	v6 =	vadd.f32 @p2 v7, v6;
	v7 =	vadd.f32 @p2 v11, v9  }
0x2c5: {  	s19 =	sadd.s32 $0x800, s9;
	s18 =	sand.u32 $0x380, s18;
	v38 =	vld.idx.msk [tilespmem:v4+s21+$0x0 ss:$0x1], $0xffff;
	s15 =	sadd.s32 s15, s2  }
0x2c6: {  	s30 =	sadd.s32 $0xFFFFF980, s5;
	s29 =	sand.u32 $0xFFFFE000, s19;
	v39 =	vld.idx.msk [tilespmem:v3+s21+$0x0 ss:$0x1], $0xffff;
	s25 =	sadd.s32 s18, s15;
	v6 =	vadd.f32 @p2 v8, v6;
	v7 =	vadd.f32 @p2 v12, v7  }
0x2c7: {  	s31 =	sadd.s32 $0xC00, s9;
	s18 =	sand.u32 $0x380, s30;
	s15 =	sadd.s32 s29, s2;
	v40 =	vld.idx.msk [tilespmem:v4+s25+$0x0 ss:$0x1], $0xffff  }
0x2c8: {  	s21 =	sand.u32 $0xFFFFE000, s31;
	v41 =	vld.idx.msk [tilespmem:v3+s25+$0x0 ss:$0x1], $0xffff;
	s20 =	sadd.s32 s18, s15;
	s25 =	sadd.s32 $0xFFFFFA00, s5;
	v6 =	vadd.f32 @p2 v10, v6;
	v7 =	vadd.f32 @p2 v13, v7  }
0x2c9: {  	s29 =	sadd.s32 $0x1000, s9;
	s15 =	sadd.s32 s21, s2;
	v42 =	vld.idx.msk [tilespmem:v4+s20+$0x0 ss:$0x1], $0xffff;
	s18 =	sand.u32 $0x380, s25  }
0x2ca: {  	s19 =	sadd.s32 $0xFFFFFA80, s5;
	s31 =	sand.u32 $0xFFFFE000, s29;
	v43 =	vld.idx.msk [tilespmem:v3+s20+$0x0 ss:$0x1], $0xffff;
	s30 =	sadd.s32 s18, s15;
	v6 =	vpsel p2, v6, v5;
	v5 =	vpsel p2, v7, v5  }
0x2cb: {  	s20 =	sadd.s32 $0x1400, s9;
	s18 =	sand.u32 $0x380, s19;
	s15 =	sadd.s32 s31, s2;
	v44 =	vld.idx.msk [tilespmem:v3+s30+$0x0 ss:$0x1], $0xffff;
	v6 =	vadd.f32 v38, v6;
	v5 =	vadd.f32 v39, v5  }
0x2cc: {  	s29 =	sadd.s32 $0xFFFFFB00, s5;
	s25 =	sand.u32 $0xFFFFE000, s20;
	s21 =	sadd.s32 s18, s15;
	v7 =	vld.idx.msk [tilespmem:v4+s30+$0x0 ss:$0x1], $0xffff  }
0x2cd: {  	s18 =	sand.u32 $0x380, s29;
	s15 =	sadd.s32 s25, s2;
	v45 =	vld.idx.msk [tilespmem:v4+s21+$0x0 ss:$0x1], $0xffff;
	s30 =	sadd.s32 $0x1800, s9;
	v6 =	vadd.f32 v40, v6;
	v5 =	vadd.f32 v41, v5  }
0x2ce: {  	v46 =	vld.idx.msk [tilespmem:v3+s21+$0x0 ss:$0x1], $0xffff;
	s31 =	sadd.s32 s18, s15;
	s21 =	sadd.s32 $0xFFFFFB80, s5;
	s20 =	sand.u32 $0xFFFFE000, s30  }
0x2cf: {  	s25 =	sadd.s32 $0x1C00, s9;
	v47 =	vld.idx.msk [tilespmem:v4+s31+$0x0 ss:$0x1], $0xffff;
	s18 =	sand.u32 $0x380, s21;
	s15 =	sadd.s32 s20, s2;
	v6 =	vadd.f32 v42, v6;
	v5 =	vadd.f32 v43, v5  }
0x2d0: {  	v48 =	vld.idx.msk [tilespmem:v3+s31+$0x0 ss:$0x1], $0xffff;
	s31 =	sadd.s32 $0xFFFFFC00, s5;
	s30 =	sand.u32 $0xFFFFE000, s25;
	s29 =	sadd.s32 s18, s15  }
0x2d1: {  	s14 =	sadd.s32 s14, s13;
	s18 =	sand.u32 $0x380, s31;
	s15 =	sadd.s32 s30, s2;
	v49 =	vld.idx.msk [tilespmem:v4+s29+$0x0 ss:$0x1], $0xffff;
	v6 =	vadd.f32 v7, v6;
	v5 =	vadd.f32 v44, v5  }
0x2d2: {  	s14 =	sadd.s32 s8, s14;
	s19 =	sadd.s32 s18, s15;
	v7 =	vld.idx.msk [tilespmem:v3+s29+$0x0 ss:$0x1], $0xffff  }
0x2d3: {  	s14 =	sadd.s32 s3, s14;
	s20 =	sadd.s32 $0x2400, s9;
	v50 =	vld.idx.msk [tilespmem:v4+s19+$0x0 ss:$0x1], $0xffff;
	v6 =	vadd.f32 v45, v6;
	v5 =	vadd.f32 v46, v5  }
0x2d4: {  	s21 =	sadd.s32 $0x2000, s14;
	s25 =	sand.u32 $0xFFFFE000, s20;
	v51 =	vld.idx.msk [tilespmem:v3+s19+$0x0 ss:$0x1], $0xffff;
	s29 =	sadd.s32 $0xFFFFFD00, s5  }
0x2d5: {  	v52 =	vld.idx.msk [tilespmem:v4+s21+$0x0 ss:$0x1], $0xffff;
	s30 =	sadd.s32 $0x2800, s9;
	s14 =	sadd.s32 s25, s2;
	s15 =	sand.u32 $0x380, s29;
	v6 =	vadd.f32 v47, v6;
	v5 =	vadd.f32 v48, v5  }
0x2d6: {  	v53 =	vld.idx.msk [tilespmem:v3+s21+$0x0 ss:$0x1], $0xffff;
	s18 =	sand.u32 $0xFFFFE000, s30;
	s19 =	sadd.s32 $0xFFFFFD80, s5;
	s31 =	sadd.s32 s15, s14  }
0x2d7: {  	s20 =	sadd.s32 $0x2C00, s9;
	s15 =	sand.u32 $0x380, s19;
	s14 =	sadd.s32 s18, s2;
	v54 =	vld.idx.msk [tilespmem:v4+s31+$0x0 ss:$0x1], $0xffff;
	v6 =	vadd.f32 v49, v6;
	v5 =	vadd.f32 v7, v5  }
0x2d8: {  	s25 =	sand.u32 $0xFFFFE000, s20;
	s29 =	sadd.s32 $0xFFFFFE00, s5;
	s21 =	sadd.s32 s15, s14;
	v7 =	vld.idx.msk [tilespmem:v3+s31+$0x0 ss:$0x1], $0xffff  }
0x2d9: {  	s30 =	sadd.s32 $0x3000, s9;
	s15 =	sand.u32 $0x380, s29;
	s14 =	sadd.s32 s25, s2;
	v55 =	vld.idx.msk [tilespmem:v4+s21+$0x0 ss:$0x1], $0xffff;
	v6 =	vadd.f32 v50, v6;
	v5 =	vadd.f32 v51, v5  }
0x2da: {  	s20 =	sadd.s32 $0xFFFFFE80, s5;
	s19 =	sand.u32 $0xFFFFE000, s30;
	v56 =	vld.idx.msk [tilespmem:v3+s21+$0x0 ss:$0x1], $0xffff;
	s31 =	sadd.s32 s15, s14  }
0x2db: {  	s21 =	sadd.s32 $0x3400, s9;
	s15 =	sand.u32 $0x380, s20;
	s14 =	sadd.s32 s19, s2;
	v57 =	vld.idx.msk [tilespmem:v4+s31+$0x0 ss:$0x1], $0xffff;
	v6 =	vadd.f32 v52, v6;
	v5 =	vadd.f32 v53, v5  }
0x2dc: {  	s30 =	sadd.s32 $0xFFFFFF00, s5;
	s29 =	sand.u32 $0xFFFFE000, s21;
	v58 =	vld.idx.msk [tilespmem:v3+s31+$0x0 ss:$0x1], $0xffff;
	s25 =	sadd.s32 s15, s14  }
0x2dd: {  	s15 =	sand.u32 $0x380, s30;
	s14 =	sadd.s32 s29, s2;
	s31 =	sadd.s32 $0x3800, s9;
	v59 =	vld.idx.msk [tilespmem:v4+s25+$0x0 ss:$0x1], $0xffff;
	v6 =	vadd.f32 v54, v6;
	v5 =	vadd.f32 v7, v5  }
0x2de: {  	s21 =	sadd.s32 $0xFFFFFF80, s5;
	s19 =	sadd.s32 s15, s14;
	s20 =	sand.u32 $0xFFFFE000, s31;
	v7 =	vld.idx.msk [tilespmem:v3+s25+$0x0 ss:$0x1], $0xffff  }
0x2df: {  	s15 =	sand.u32 $0x380, s21;
	v60 =	vld.idx.msk [tilespmem:v4+s19+$0x0 ss:$0x1], $0xffff;
	s14 =	sadd.s32 s20, s2;
	s25 =	sadd.s32 $0x3C00, s9;
	v6 =	vadd.f32 v55, v6;
	v5 =	vadd.f32 v56, v5  }
0x2e0: {  	v61 =	vld.idx.msk [tilespmem:v3+s19+$0x0 ss:$0x1], $0xffff;
	s29 =	sadd.s32 s15, s14;
	s9 =	sand.u32 $0xFFFFE000, s25  }
0x2e1: {  	s30 =	sand.u32 $0x380, s5;
	v62 =	vld.idx.msk [tilespmem:v4+s29+$0x0 ss:$0x1], $0xffff;
	s31 =	sadd.s32 s9, s2;
	v6 =	vadd.f32 v57, v6;
	v5 =	vadd.f32 v58, v5  }
0x2e2: {  	v63 =	vld.idx.msk [tilespmem:v3+s29+$0x0 ss:$0x1], $0xffff;
	s2 =	sadd.s32 s30, s31  }
0x2e3: {  	v4 =	vld.idx.msk [tilespmem:v4+s2+$0x0 ss:$0x1], $0xffff;
	v6 =	vadd.f32 v59, v6;
	v5 =	vadd.f32 v7, v5  }
0x2e4: {  	v7 =	vld.idx.msk [tilespmem:v3+s2+$0x0 ss:$0x1], $0xffff  }
0x2e5: {  	v3 =	vadd.f32 v60, v6;
	v5 =	vadd.f32 v61, v5;
	_ =	sdelay $0x1  }
0x2e6: {  	v3 =	vadd.f32 v62, v3;
	v5 =	vadd.f32 v63, v5;
	_ =	sdelay $0x1  }
0x2e7: {  	v3 =	vadd.f32 v4, v3;
	v4 =	vadd.f32 v7, v5  }
.LBB2_34:
.Ltmp34:
0x2e8: {  	(pc) =	sbr.rel @p1 .LBB2_38-.Ltmp34, $1  }
0x2e9: {  	_ =	sdelay $0x3  }
0x2ea: {  	s2 =	sadd.s32 s8, s13  }
0x2eb: {  	s5 =	sand.u32 $0xFFFFE000, s1;
	s2 =	sadd.s32 s4, s2  }
0x2ec: {  	s6 =	sand.u32 $0x380, s16;
	s5 =	sadd.s32 s5, s2  }
0x2ed: {  	s6 =	sadd.s32 s6, s5  }
0x2ee: {  	p2 =	sne.s32 s7, $0x1;
	v5 =	vld [tilespmem:s6+$0x10]  }
.Ltmp35:
0x2ef: {  	v6 =	vld [tilespmem:s6+$0x0];
	(pc) =	sbr.rel @!p2 .LBB2_37-.Ltmp35, $2  }
0x2f0: {  	_ =	sdelay $0x2  }
0x2f1: {  	s9 =	sadd.s32 $0x400, s1;
	s5 =	sadd.s32 $0xFFFFFFFF, s7;
	s6 =	sadd.s32 $0x80, s16  }
.LBB2_36:
0x2f2: {  	s14 =	sand.u32 $0xFFFFE000, s9;
	p2 =	sne.s32 s5, $0x1;
	s5 =	sadd.s32 $0xFFFFFFFF, s5  }
.Ltmp36:
0x2f3: {  	s15 =	sand.u32 $0x380, s6;
	s14 =	sadd.s32 s14, s2;
	(pc) =	sbr.rel @p2 .LBB2_36-.Ltmp36, $4  }
0x2f4: {  	v4 =	vadd.f32 v5, v4;
	s14 =	sadd.s32 s15, s14  }
0x2f5: {  	v3 =	vadd.f32 v6, v3;
	v5 =	vld [tilespmem:s14+$0x10]  }
0x2f6: {  	v6 =	vld [tilespmem:s14+$0x0]  }
0x2f7: {  	s6 =	sadd.s32 $0x80, s6;
	s9 =	sadd.s32 $0x400, s9  }
.Ltmp37:
0x2f8: {  	_ = 	snop;
	(pc) =	sbr.rel .LBB2_37-.Ltmp37, $1  }
0x2f9: {  	_ =	sdelay $0x3  }
.LBB2_20:
.Ltmp38:
0x2fa: {  	(pc) =	sbr.rel .LBB2_51-.Ltmp38, $2  }
0x2fb: {  	_ =	sdelay $0x2  }
0x2fc: {  	_ = 	snop  }
.LBB2_41:
.Ltmp39:
0x2fd: {  	(pc) =	sbr.rel .LBB2_42-.Ltmp39, $3  }
0x2fe: {  	_ =	sdelay $0x1  }
0x2ff: {  	s0 =	simm.s32 $0x0  }
0x300: {  	s6 =	simm.s32 $0x0;
	s7 =	rddreg [dreg:$0x6];
	s8 =	simm.s32 $0x2  }
.LBB2_46:
0x301: {  	s0 =	sadd.s32 $0x1, s0  }
0x302: {  	p0 =	sne.s32 s0, $0x10  }
.Ltmp40:
0x303: {  	_ = 	snop;
	(pc) =	sbr.rel @!p0 .LBB2_47-.Ltmp40, $1  }
0x304: {  	_ =	sdelay $0x3  }
.LBB2_42:
0x305: {  	s1 =	sld [smem:s0+$0x80];
	_ =	sdelay $0x2  }
0x306: {  	p0 =	sne.s32 s1, $0x0  }
.Ltmp41:
0x307: {  	_ = 	snop;
	(pc) =	sbr.rel @p0 .LBB2_46-.Ltmp41, $1  }
0x308: {  	_ =	sdelay $0x3  }
0x309: {  	s1 =	sshll.u32 s0, $0xA;
	s2 =	sshll.u32 s0, $0x7  }
0x30a: {  	s1 =	sand.u32 $0x2000, s1;
	s2 =	sand.u32 $0x380, s2  }
0x30b: {  	s2 =	sor.u32 s2, s1;
	s1 =	simm.s32 $0x0  }
0x30c: {  	s2 =	sor.u32 $0x10000, s2;
	s3 =	sand.u32 $0x1C00, s1  }
0x30d: {  	s4 =	sand.u32 $0x70, s1;
	s5 =	sadd.s32 s3, s2  }
0x30e: {  	s3 =	simm.s32 $0x10;
	s4 =	sadd.s32 s4, s5  }
.LBB2_44:
0x30f: {  	p0 =	sne.s32 s3, $0x3F0  }
0x310: {  	[tilespmem:s4+$0x0] =	vst v1;
	s1 =	sadd.s32 $0x80, s1;
	s4 =	smov.u32 s3;
	s3 =	sadd.s32 $0x10, s3  }
.Ltmp42:
0x311: {  	(pc) =	sbr.rel @p0 .LBB2_44-.Ltmp42, $4  }
0x312: {  	_ = 	snop  }
0x313: {  	s5 =	sand.u32 $0x1C00, s1  }
0x314: {  	s4 =	sand.u32 $0x70, s4;
	s5 =	sadd.s32 s5, s2  }
0x315: {  	s4 =	sadd.s32 s4, s5  }
.Ltmp43:
0x316: {  	(pc) =	sbr.rel .LBB2_46-.Ltmp43, $2  }
0x317: {  	_ =	sdelay $0x2  }
0x318: {  	[tilespmem:s4+$0x0] =	vst v1  }
.LBB2_48:
0x319: {  	_ =	sfence.sel $0x180000  }
0x31a: {  	[bflag:$0x0] =	sbarrier.arrive $0xFFFF  }
0x31b: {  	_ =	strace $0x90000047  }
0x31c: {  	s0 =	stileid.u32;
	[bflag:$0x2] =	sbarrier.arrive $0xFFFF  }
0x31d: {  	p0 =	sne.s32 s0, $0x0;
	s0 =	rddreg [dreg:$0x3]  }
0x31e: {  	s0 =	sadd.s32 @!p0 $0x100000, s0  }
0x31f: {  	[sflag:s0] =	ssyncadd.tile.s32 @!p0 $0x1;
	_ =	shalt  }
.Lfunc_end2:
_tile_overlayer_lowered:
.L_overlay_start_2:
0x320: {  	(tag) =	ssettag $0x2  }
0x321: {  	s0 =	rddreg [dreg:$0x0];
	s2 =	stileid.u32  }
0x322: {  	s1 =	rddreg [dreg:$0x1];
	p0 =	sne.s32 s2, $0x0  }
0x323: {  	s3 =	rddreg [dreg:$0x2];
	[bflag:$0x3] =	sbarrier.arrive $0xFFFF;
	s2 =	simm.s32 @!p0 $0x1C02  }
0x324: {  	[timem:s3], [sflag:s2] =	dma.local @!p0 [hbm:s0], s1  }
0x325: {  	s0 =	simm.s32 @!p0 $0x2  }
0x326: {  	_ =	swait.ge @!p0 [sflag:s0], s1  }
0x327: {  	s1 =	ssub.s32 @!p0 $0x0, s1;
	[sflag:s0] =	ssyncset.done @!p0 $0x0  }
0x328: {  	[sflag:s0] =	ssyncadd.s32 @!p0 s1  }
0x329: {  	[bflag:$0x3] =	sbarrier.arrive $0xFFFF  }
0x32a: {  	_ =	shalt  }

</sc_bundles>
